<compile_context>
chip_gen: v7x
topology: tpu7x:2x2x1
jax: 0.10.2.dev20260603
libtpu: 0.0.44.dev20260713+nightly
codegen_flags: <defaults>
</compile_context>

<pallas_src>
import functools

import jax
import jax.numpy as jnp
from jax import lax
from jax.experimental import pallas as pl
from jax.experimental.pallas import tpu as pltpu
from jax.experimental.pallas import tpu_sc as plsc

N_ATOMS = 10000
D = 128
N_RBF = 20
N_PAIRS = 320000

NC, NS = 2, 16
NW = NC * NS
K = 40
N_ROWS_PAD = 10240
ROWS_PER_TILE = N_ROWS_PAD // NS

P_BLK = 4096
SPLIT0 = 122880
SPLIT1 = N_PAIRS - SPLIT0

_LOG2 = 0.6931471805599453



def _ssp(t):
    return jnp.maximum(t, 0.0) + jnp.log1p(jnp.exp(-jnp.abs(t))) - _LOG2


def _tc_a_make(with_h, nblk, blk_off):
    def body_h(x_ref, W_in_ref, b_in_ref, f_ref, rc_ref, Wf1_ref, bf1_ref,
               Wf2_ref, bf2_ref, h_ref, wij_ref):
        @pl.when(pl.program_id(0) == 0)
        def _():
            h_ref[...] = lax.dot_general(
                x_ref[...], W_in_ref[...], (((1,), (1,)), ((), ())),
                preferred_element_type=jnp.float32) + b_in_ref[...]
        _filter(f_ref, rc_ref, Wf1_ref, bf1_ref, Wf2_ref, bf2_ref, wij_ref)

    def body(f_ref, rc_ref, Wf1_ref, bf1_ref, Wf2_ref, bf2_ref, wij_ref):
        _filter(f_ref, rc_ref, Wf1_ref, bf1_ref, Wf2_ref, bf2_ref, wij_ref)

    def _filter(f_ref, rc_ref, Wf1_ref, bf1_ref, Wf2_ref, bf2_ref, wij_ref):
        t = lax.dot_general(f_ref[...], Wf1_ref[...], (((0,), (1,)), ((), ())),
                            preferred_element_type=jnp.float32) + bf1_ref[...]
        w = lax.dot_general(_ssp(t), Wf2_ref[...], (((1,), (1,)), ((), ())),
                            preferred_element_type=jnp.float32) + bf2_ref[...]
        w = w * rc_ref[...][:, None]
        lo = lax.bitcast_convert_type(w[:, :64].astype(jnp.bfloat16), jnp.uint16)
        hi = lax.bitcast_convert_type(w[:, 64:].astype(jnp.bfloat16), jnp.uint16)
        wij_ref[...] = lax.bitwise_or(
            lo.astype(jnp.int32), lax.shift_left(hi.astype(jnp.int32), 16))

    f_spec = pl.BlockSpec((N_RBF, P_BLK), lambda i: (0, i + blk_off))
    rc_spec = pl.BlockSpec((P_BLK,), lambda i: (i + blk_off,))
    w_specs = [
        pl.BlockSpec((D, N_RBF), lambda i: (0, 0)),
        pl.BlockSpec((1, D), lambda i: (0, 0)),
        pl.BlockSpec((D, D), lambda i: (0, 0)),
        pl.BlockSpec((1, D), lambda i: (0, 0)),
    ]
    wij_spec = pl.BlockSpec((P_BLK, D // 2), lambda i: (i, 0))
    wij_shape = jax.ShapeDtypeStruct((nblk * P_BLK, D // 2), jnp.int32)
    if with_h:
        return pl.pallas_call(
            body_h,
            grid=(nblk,),
            in_specs=[
                pl.BlockSpec((N_ATOMS, D), lambda i: (0, 0)),
                pl.BlockSpec((D, D), lambda i: (0, 0)),
                pl.BlockSpec((1, D), lambda i: (0, 0)),
                f_spec, rc_spec, *w_specs,
            ],
            out_specs=[pl.BlockSpec((N_ATOMS, D), lambda i: (0, 0)), wij_spec],
            out_shape=[jax.ShapeDtypeStruct((N_ATOMS, D), jnp.float32), wij_shape],
        )
    return pl.pallas_call(
        body,
        grid=(nblk,),
        in_specs=[f_spec, rc_spec, *w_specs],
        out_specs=wij_spec,
        out_shape=wij_shape,
    )


_tc_a0 = _tc_a_make(True, SPLIT0 // P_BLK, 0)
_tc_a1 = _tc_a_make(False, -(-SPLIT1 // P_BLK), SPLIT0 // P_BLK)


def _sc_make(cpw, idx_base):

    RI = 4
    RD = 4

    def body(h_hbm, wij_hbm, idxj_hbm, idxi_hbm, init_hbm, out_hbm,
             idxj_vs, idxi_vs, rows_vs, wij_vs, agg_sh, semis, semds):
        c = lax.axis_index("c")
        s = lax.axis_index("s")
        wid = s * NC + c

        rsl = pl.ds(s * ROWS_PER_TILE, ROWS_PER_TILE)
        pltpu.sync_copy(init_hbm.at[c, rsl], agg_sh.at[rsl])
        plsc.subcore_barrier()

        wij_base = wid * (cpw * K)
        ib = idx_base + wij_base

        def start_idx(g, bi):
            pltpu.async_copy(idxj_hbm.at[pl.ds(ib + g * K, K)], idxj_vs[bi], semis[bi])
            pltpu.async_copy(idxi_hbm.at[pl.ds(ib + g * K, K)], idxi_vs[bi], semis[bi])

        def start_dat(g, bi, bd):
            pltpu.make_async_copy(idxj_hbm.at[pl.ds(ib + g * K, K)], idxj_vs[bi], semis[bi]).wait()
            pltpu.make_async_copy(idxi_hbm.at[pl.ds(ib + g * K, K)], idxi_vs[bi], semis[bi]).wait()
            pltpu.async_copy(h_hbm.at[idxj_vs[bi]], rows_vs[bd], semds[bd])
            pltpu.async_copy(wij_hbm.at[pl.ds(wij_base + g * K, K)], wij_vs[bd], semds[bd])

        def finish(g, bi, bd):
            pltpu.make_async_copy(h_hbm.at[idxj_vs[bi]], rows_vs[bd], semds[bd]).wait()
            pltpu.make_async_copy(wij_hbm.at[pl.ds(wij_base + g * K, K)], wij_vs[bd], semds[bd]).wait()

            def mul_row(r, carry2):
                for q in range(D // 32):
                    wv = wij_vs[bd][r, pl.ds(16 * q, 16)]
                    lo = lax.bitcast_convert_type(
                        lax.shift_left(wv, jnp.full((16,), 16, jnp.int32)), jnp.float32)
                    hi = lax.bitcast_convert_type(
                        lax.bitwise_and(wv, jnp.full((16,), -65536, jnp.int32)), jnp.float32)
                    sl0 = pl.ds(16 * q, 16)
                    sl1 = pl.ds(64 + 16 * q, 16)
                    rows_vs[bd][r, sl0] = rows_vs[bd][r, sl0] * lo
                    rows_vs[bd][r, sl1] = rows_vs[bd][r, sl1] * hi
                return carry2

            lax.fori_loop(0, K, mul_row, 0, unroll=False)
            pltpu.sync_copy(rows_vs[bd], agg_sh.at[idxi_vs[bi]], add=True)

        def dispatch(val, n, fn):
            for v in range(n):
                @pl.when(val == v)
                def _():
                    fn(v)

        for cc in range(min(4, cpw)):
            start_idx(cc, cc % RI)
        for cc in range(min(2, cpw)):
            start_dat(cc, cc % RI, cc % RD)

        def step(g, carry):
            @pl.when(g + 2 < cpw)
            def _():
                dispatch(lax.rem(g + 2, 4), 4,
                         lambda v: start_dat(g + 2, v % RI, v % RD))

            dispatch(lax.rem(g, 4), 4, lambda v: finish(g, v % RI, v % RD))

            @pl.when(g + 4 < cpw)
            def _():
                dispatch(lax.rem(g + 4, RI), RI, lambda bi: start_idx(g + 4, bi))

            return carry

        lax.fori_loop(0, cpw, step, 0, unroll=False)
        plsc.subcore_barrier()

        pltpu.sync_copy(agg_sh.at[rsl], out_hbm.at[c, rsl])

    def wrapped(h_hbm, wij_hbm, idxj_hbm, idxi_hbm, init_hbm, out_hbm,
                ij0, ij1, ij2, ij3, ii0, ii1, ii2, ii3,
                rv0, rv1, rv2, rv3, wv0, wv1, wv2, wv3, agg_sh,
                si0, si1, si2, si3, sd0, sd1, sd2, sd3):
        body(h_hbm, wij_hbm, idxj_hbm, idxi_hbm, init_hbm, out_hbm,
             (ij0, ij1, ij2, ij3), (ii0, ii1, ii2, ii3),
             (rv0, rv1, rv2, rv3), (wv0, wv1, wv2, wv3), agg_sh,
             (si0, si1, si2, si3), (sd0, sd1, sd2, sd3))

    scratch = (
        [pltpu.VMEM((K,), jnp.int32)] * (2 * RI)
        + [pltpu.VMEM((K, D), jnp.float32)] * RD
        + [pltpu.VMEM((K, D // 2), jnp.int32)] * RD
        + [pltpu.VMEM_SHARED((N_ROWS_PAD, D), jnp.float32)]
        + [pltpu.SemaphoreType.DMA] * (RI + RD)
    )
    return functools.partial(
        pl.kernel,
        mesh=plsc.VectorSubcoreMesh(core_axis_name="c", subcore_axis_name="s"),
        out_type=jax.ShapeDtypeStruct((NC, N_ROWS_PAD, D), jnp.float32),
        scratch_types=scratch,
    )(wrapped)


_sc0 = _sc_make(SPLIT0 // (K * NW), 0)
_sc1 = _sc_make(SPLIT1 // (K * NW), SPLIT0)


def _tc_b_body(p_ref, Wo1_ref, bo1_ref, Wo2_ref, bo2_ref, out_ref):
    agg = p_ref[0] + p_ref[1]
    t = lax.dot_general(agg, Wo1_ref[...], (((1,), (1,)), ((), ())),
                        preferred_element_type=jnp.float32) + bo1_ref[...]
    out_ref[...] = lax.dot_general(_ssp(t), Wo2_ref[...], (((1,), (1,)), ((), ())),
                                   preferred_element_type=jnp.float32) + bo2_ref[...]


def _tc_b(partials, Wo1, bo1, Wo2, bo2):
    return pl.pallas_call(
        _tc_b_body,
        grid=(1,),
        in_specs=[
            pl.BlockSpec((NC, N_ATOMS, D), lambda i: (0, 0, 0)),
            pl.BlockSpec((D, D), lambda i: (0, 0)),
            pl.BlockSpec((1, D), lambda i: (0, 0)),
            pl.BlockSpec((D, D), lambda i: (0, 0)),
            pl.BlockSpec((1, D), lambda i: (0, 0)),
        ],
        out_specs=pl.BlockSpec((N_ATOMS, D), lambda i: (0, 0)),
        out_shape=jax.ShapeDtypeStruct((N_ATOMS, D), jnp.float32),
    )(partials, Wo1, bo1, Wo2, bo2)


def kernel(x, f_ij, idx_i, idx_j, rcut_ij, W_in, b_in, Wf1, bf1, Wf2, bf2,
           Wo1, bo1, Wo2, bo2):
    x2 = x.reshape(N_ATOMS, D)
    fT = f_ij.T
    idxj32 = idx_j.astype(jnp.int32)
    idxi32 = idx_i.astype(jnp.int32)
    zeros = jnp.zeros((NC, N_ROWS_PAD, D), jnp.float32)

    h, wij0 = _tc_a0(x2, W_in, b_in.reshape(1, D), fT, rcut_ij,
                     Wf1, bf1.reshape(1, D), Wf2, bf2.reshape(1, D))
    wij1 = _tc_a1(fT, rcut_ij, Wf1, bf1.reshape(1, D), Wf2, bf2.reshape(1, D))
    p0 = _sc0(h, wij0, idxj32, idxi32, zeros)
    p1 = _sc1(h, wij1, idxj32, idxi32, p0)
    out = _tc_b(p1, Wo1, bo1.reshape(1, D), Wo2, bo2.reshape(1, D))
    return out.reshape(1, N_ATOMS, D)

# --- scband reference (transcript-rebuilt; emitter-appended) ---
"""Pipeline reference for scband-sch-net-interaction-block-15333033246866 (READ-ONLY COPY).

The authoritative reference and input builder live on the scoring server;
editing this copy changes nothing except your own understanding.
"""

import jax, jax.numpy as jnp
import numpy as np


def _ssp(t):
    # ShiftedSoftplus: softplus(x) - log(2)
    return jax.nn.softplus(t) - jnp.log(2.0)


def setup_inputs(seed: int = 0) -> dict:
    key = jax.random.key(seed)
    ks = jax.random.split(key, 12)
    batch, n_atoms, n_pairs, n_rbf, d = 1, 10000, 320000, 20, 128
    x = jax.random.normal(ks[0], (batch, n_atoms, d), dtype=jnp.float32)
    f_ij = jax.random.normal(ks[1], (n_pairs, n_rbf), dtype=jnp.float32)
    idx_i = jnp.sort(jax.random.randint(ks[2], (n_pairs,), 0, n_atoms)).astype(jnp.int64)
    idx_j = jax.random.randint(ks[3], (n_pairs,), 0, n_atoms).astype(jnp.int64)
    rcut_ij = jax.random.uniform(ks[4], (n_pairs,), dtype=jnp.float32)
    s = 0.08
    W_in = jax.random.normal(ks[5], (d, d), dtype=jnp.float32) * s
    b_in = jnp.zeros((d,), dtype=jnp.float32)
    Wf1 = jax.random.normal(ks[6], (d, n_rbf), dtype=jnp.float32) * 0.2
    bf1 = jnp.zeros((d,), dtype=jnp.float32)
    Wf2 = jax.random.normal(ks[7], (d, d), dtype=jnp.float32) * s
    bf2 = jnp.zeros((d,), dtype=jnp.float32)
    Wo1 = jax.random.normal(ks[8], (d, d), dtype=jnp.float32) * s
    bo1 = jnp.zeros((d,), dtype=jnp.float32)
    Wo2 = jax.random.normal(ks[9], (d, d), dtype=jnp.float32) * s
    bo2 = jnp.zeros((d,), dtype=jnp.float32)
    return {"x": x, "f_ij": f_ij, "idx_i": idx_i, "idx_j": idx_j, "rcut_ij": rcut_ij,
            "W_in": W_in, "b_in": b_in, "Wf1": Wf1, "bf1": bf1, "Wf2": Wf2, "bf2": bf2,
            "Wo1": Wo1, "bo1": bo1, "Wo2": Wo2, "bo2": bo2}


def reference(x, f_ij, idx_i, idx_j, rcut_ij, W_in, b_in, Wf1, bf1, Wf2, bf2, Wo1, bo1, Wo2, bo2):
    batch, n_atoms = x.shape[0], x.shape[1]
    # input_to_feature: Linear(n_atom_basis, n_filters)
    h = x @ W_in.T + b_in
    h = h.reshape(batch * n_atoms, -1)
    # filter_network: Linear(n_rbf, n_filters) -> ShiftedSoftplus -> Linear(n_filters, n_filters)
    Wij = _ssp(f_ij @ Wf1.T + bf1) @ Wf2.T + bf2
    Wij = Wij * rcut_ij[:, None]
    Wij = Wij.astype(h.dtype)
    # gather neighbor features, modulate, scatter-add back
    x_j = h[idx_j]
    x_ij = x_j * Wij
    agg = jnp.zeros_like(h).at[idx_i].add(x_ij)
    # feature_to_output: Linear -> ShiftedSoftplus -> Linear
    out = _ssp(agg @ Wo1.T + bo1) @ Wo2.T + bo2
    return out.reshape(batch, n_atoms, 128)

if __name__ == "__main__":
    import jax
    _d = setup_inputs()
    print(jax.jit(kernel)(*tuple(_d.values())))

</pallas_src>

<mosaic_0001>
#map = affine_map<(d0, d1) -> (0, 0)>
#map1 = affine_map<(d0, d1) -> (0)>
#map2 = affine_map<(d0, d1) -> (0, 0, 0)>
module attributes {stable_mosaic.version = 14 : i64} {
  func.func @wrapped(%arg0: i32, %arg1: i32, %arg2: memref<10000x128xf32, #tpu.memory_space<hbm>>, %arg3: memref<122880x64xi32, #tpu.memory_space<hbm>>, %arg4: memref<320000xi32, #tpu.memory_space<hbm>>, %arg5: memref<320000xi32, #tpu.memory_space<hbm>>, %arg6: memref<2x10240x128xf32, #tpu.memory_space<hbm>>, %arg7: memref<2x10240x128xf32, #tpu.memory_space<hbm>>, %arg8: memref<40xi32, #tpu.memory_space<vmem>>, %arg9: memref<40xi32, #tpu.memory_space<vmem>>, %arg10: memref<40xi32, #tpu.memory_space<vmem>>, %arg11: memref<40xi32, #tpu.memory_space<vmem>>, %arg12: memref<40xi32, #tpu.memory_space<vmem>>, %arg13: memref<40xi32, #tpu.memory_space<vmem>>, %arg14: memref<40xi32, #tpu.memory_space<vmem>>, %arg15: memref<40xi32, #tpu.memory_space<vmem>>, %arg16: memref<40x128xf32, #tpu.memory_space<vmem>>, %arg17: memref<40x128xf32, #tpu.memory_space<vmem>>, %arg18: memref<40x128xf32, #tpu.memory_space<vmem>>, %arg19: memref<40x128xf32, #tpu.memory_space<vmem>>, %arg20: memref<40x64xi32, #tpu.memory_space<vmem>>, %arg21: memref<40x64xi32, #tpu.memory_space<vmem>>, %arg22: memref<40x64xi32, #tpu.memory_space<vmem>>, %arg23: memref<40x64xi32, #tpu.memory_space<vmem>>, %arg24: memref<10240x128xf32, #tpu.memory_space<vmem_shared>>, %arg25: memref<!tpu.dma_semaphore, #tpu.memory_space<semaphore_mem>>, %arg26: memref<!tpu.dma_semaphore, #tpu.memory_space<semaphore_mem>>, %arg27: memref<!tpu.dma_semaphore, #tpu.memory_space<semaphore_mem>>, %arg28: memref<!tpu.dma_semaphore, #tpu.memory_space<semaphore_mem>>, %arg29: memref<!tpu.dma_semaphore, #tpu.memory_space<semaphore_mem>>, %arg30: memref<!tpu.dma_semaphore, #tpu.memory_space<semaphore_mem>>, %arg31: memref<!tpu.dma_semaphore, #tpu.memory_space<semaphore_mem>>, %arg32: memref<!tpu.dma_semaphore, #tpu.memory_space<semaphore_mem>>) attributes {dimension_semantics = [#tpu.dimension_semantics<core_parallel>, #tpu.dimension_semantics<subcore_parallel>], iteration_bounds = array<i64: 2, 16>, scalar_prefetch = 0 : i64, scratch_operands = 25 : i64, tpu.core_type = #tpu.core_type<sc_vector_subcore>, window_params = [{transform_indices = #map}, {transform_indices = #map}, {transform_indices = #map1}, {transform_indices = #map1}, {transform_indices = #map2}, {transform_indices = #map2}]} {
    %mul3A = arith.constant 2 : i32
    %mul3A_0 = arith.muli %arg1, %mul3A : i32
    %add3A = arith.addi %mul3A_0, %arg0 : i32
    %mul3A_1 = arith.constant 640 : i32
    %mul3A_2 = arith.muli %arg1, %mul3A_1 : i32
    "tpu.region"() ({
      %run_scoped3A = tpu.sem_alloc : memref<!tpu.dma_semaphore, #tpu.memory_space<semaphore_mem>>
      %dma_start3A_77 = arith.constant 0 : i32
      %dma_start3A_78 = tpu.memref_slice %arg24[%mul3A_2, %dma_start3A_77] : memref<10240x128xf32, #tpu.memory_space<vmem_shared>> -> memref<640x128xf32, #tpu.memory_space<vmem_shared>>
      %dma_start3A_79 = arith.constant 0 : i32
      %dma_start3A_80 = tpu.memref_slice %arg6[%arg0, %mul3A_2, %dma_start3A_79] : memref<2x10240x128xf32, #tpu.memory_space<hbm>> -> memref<1x640x128xf32, #tpu.memory_space<hbm>>
      %dma_start3A_81 = tpu.memref_squeeze %dma_start3A_80 : memref<1x640x128xf32, #tpu.memory_space<hbm>> -> memref<640x128xf32, #tpu.memory_space<hbm>>
      tpu.enqueue_dma source(%dma_start3A_81 : memref<640x128xf32, #tpu.memory_space<hbm>>) target(%dma_start3A_78 : memref<640x128xf32, #tpu.memory_space<vmem_shared>>) target_semaphore(%run_scoped3A : memref<!tpu.dma_semaphore, #tpu.memory_space<semaphore_mem>>)
      %dma_wait3A_82 = arith.constant 0 : i32
      %dma_wait3A_83 = tpu.memref_slice %arg24[%mul3A_2, %dma_wait3A_82] : memref<10240x128xf32, #tpu.memory_space<vmem_shared>> -> memref<640x128xf32, #tpu.memory_space<vmem_shared>>
      %dma_wait3A_84 = arith.constant 0 : i32
      %dma_wait3A_85 = tpu.memref_slice %arg6[%arg0, %mul3A_2, %dma_wait3A_84] : memref<2x10240x128xf32, #tpu.memory_space<hbm>> -> memref<1x640x128xf32, #tpu.memory_space<hbm>>
      %dma_wait3A_86 = tpu.memref_squeeze %dma_wait3A_85 : memref<1x640x128xf32, #tpu.memory_space<hbm>> -> memref<640x128xf32, #tpu.memory_space<hbm>>
      tpu.wait_dma2 semaphore(%run_scoped3A : memref<!tpu.dma_semaphore, #tpu.memory_space<semaphore_mem>>) src(%dma_wait3A_86 : memref<640x128xf32, #tpu.memory_space<hbm>>) dst(%dma_wait3A_83 : memref<640x128xf32, #tpu.memory_space<vmem_shared>>)
      tpu.yield
    }) : () -> ()
    %barrier3A = arith.constant 0 : index
    tpu.barrier barrier_id(%barrier3A)
    %mul3A_3 = arith.constant 3840 : i32
    %mul3A_4 = arith.muli %add3A, %mul3A_3 : i32
    %add3A_5 = arith.constant 0 : i32
    %add3A_6 = arith.addi %add3A_5, %mul3A_4 : i32
    %add3A_7 = arith.constant 0 : i32
    %add3A_8 = arith.addi %add3A_6, %add3A_7 : i32
    %dma_start3A = tpu.memref_slice %arg4[%add3A_8] : memref<320000xi32, #tpu.memory_space<hbm>> -> memref<40xi32, #tpu.memory_space<hbm>>
    %dma_start3A_9 = tpu.memref_slice %arg4[%add3A_8] : memref<320000xi32, #tpu.memory_space<hbm>> -> memref<40xi32, #tpu.memory_space<hbm>>
    tpu.enqueue_dma source(%dma_start3A_9 : memref<40xi32, #tpu.memory_space<hbm>>) target(%arg8 : memref<40xi32, #tpu.memory_space<vmem>>) target_semaphore(%arg25 : memref<!tpu.dma_semaphore, #tpu.memory_space<semaphore_mem>>)
    %add3A_10 = arith.constant 0 : i32
    %add3A_11 = arith.addi %add3A_6, %add3A_10 : i32
    %dma_start3A_12 = tpu.memref_slice %arg5[%add3A_11] : memref<320000xi32, #tpu.memory_space<hbm>> -> memref<40xi32, #tpu.memory_space<hbm>>
    %dma_start3A_13 = tpu.memref_slice %arg5[%add3A_11] : memref<320000xi32, #tpu.memory_space<hbm>> -> memref<40xi32, #tpu.memory_space<hbm>>
    tpu.enqueue_dma source(%dma_start3A_13 : memref<40xi32, #tpu.memory_space<hbm>>) target(%arg12 : memref<40xi32, #tpu.memory_space<vmem>>) target_semaphore(%arg25 : memref<!tpu.dma_semaphore, #tpu.memory_space<semaphore_mem>>)
    %add3A_14 = arith.constant 40 : i32
    %add3A_15 = arith.addi %add3A_6, %add3A_14 : i32
    %dma_start3A_16 = tpu.memref_slice %arg4[%add3A_15] : memref<320000xi32, #tpu.memory_space<hbm>> -> memref<40xi32, #tpu.memory_space<hbm>>
    %dma_start3A_17 = tpu.memref_slice %arg4[%add3A_15] : memref<320000xi32, #tpu.memory_space<hbm>> -> memref<40xi32, #tpu.memory_space<hbm>>
    tpu.enqueue_dma source(%dma_start3A_17 : memref<40xi32, #tpu.memory_space<hbm>>) target(%arg9 : memref<40xi32, #tpu.memory_space<vmem>>) target_semaphore(%arg26 : memref<!tpu.dma_semaphore, #tpu.memory_space<semaphore_mem>>)
    %add3A_18 = arith.constant 40 : i32
    %add3A_19 = arith.addi %add3A_6, %add3A_18 : i32
    %dma_start3A_20 = tpu.memref_slice %arg5[%add3A_19] : memref<320000xi32, #tpu.memory_space<hbm>> -> memref<40xi32, #tpu.memory_space<hbm>>
    %dma_start3A_21 = tpu.memref_slice %arg5[%add3A_19] : memref<320000xi32, #tpu.memory_space<hbm>> -> memref<40xi32, #tpu.memory_space<hbm>>
    tpu.enqueue_dma source(%dma_start3A_21 : memref<40xi32, #tpu.memory_space<hbm>>) target(%arg13 : memref<40xi32, #tpu.memory_space<vmem>>) target_semaphore(%arg26 : memref<!tpu.dma_semaphore, #tpu.memory_space<semaphore_mem>>)
    %add3A_22 = arith.constant 80 : i32
    %add3A_23 = arith.addi %add3A_6, %add3A_22 : i32
    %dma_start3A_24 = tpu.memref_slice %arg4[%add3A_23] : memref<320000xi32, #tpu.memory_space<hbm>> -> memref<40xi32, #tpu.memory_space<hbm>>
    %dma_start3A_25 = tpu.memref_slice %arg4[%add3A_23] : memref<320000xi32, #tpu.memory_space<hbm>> -> memref<40xi32, #tpu.memory_space<hbm>>
    tpu.enqueue_dma source(%dma_start3A_25 : memref<40xi32, #tpu.memory_space<hbm>>) target(%arg10 : memref<40xi32, #tpu.memory_space<vmem>>) target_semaphore(%arg27 : memref<!tpu.dma_semaphore, #tpu.memory_space<semaphore_mem>>)
    %add3A_26 = arith.constant 80 : i32
    %add3A_27 = arith.addi %add3A_6, %add3A_26 : i32
    %dma_start3A_28 = tpu.memref_slice %arg5[%add3A_27] : memref<320000xi32, #tpu.memory_space<hbm>> -> memref<40xi32, #tpu.memory_space<hbm>>
    %dma_start3A_29 = tpu.memref_slice %arg5[%add3A_27] : memref<320000xi32, #tpu.memory_space<hbm>> -> memref<40xi32, #tpu.memory_space<hbm>>
    tpu.enqueue_dma source(%dma_start3A_29 : memref<40xi32, #tpu.memory_space<hbm>>) target(%arg14 : memref<40xi32, #tpu.memory_space<vmem>>) target_semaphore(%arg27 : memref<!tpu.dma_semaphore, #tpu.memory_space<semaphore_mem>>)
    %add3A_30 = arith.constant 120 : i32
    %add3A_31 = arith.addi %add3A_6, %add3A_30 : i32
    %dma_start3A_32 = tpu.memref_slice %arg4[%add3A_31] : memref<320000xi32, #tpu.memory_space<hbm>> -> memref<40xi32, #tpu.memory_space<hbm>>
    %dma_start3A_33 = tpu.memref_slice %arg4[%add3A_31] : memref<320000xi32, #tpu.memory_space<hbm>> -> memref<40xi32, #tpu.memory_space<hbm>>
    tpu.enqueue_dma source(%dma_start3A_33 : memref<40xi32, #tpu.memory_space<hbm>>) target(%arg11 : memref<40xi32, #tpu.memory_space<vmem>>) target_semaphore(%arg28 : memref<!tpu.dma_semaphore, #tpu.memory_space<semaphore_mem>>)
    %add3A_34 = arith.constant 120 : i32
    %add3A_35 = arith.addi %add3A_6, %add3A_34 : i32
    %dma_start3A_36 = tpu.memref_slice %arg5[%add3A_35] : memref<320000xi32, #tpu.memory_space<hbm>> -> memref<40xi32, #tpu.memory_space<hbm>>
    %dma_start3A_37 = tpu.memref_slice %arg5[%add3A_35] : memref<320000xi32, #tpu.memory_space<hbm>> -> memref<40xi32, #tpu.memory_space<hbm>>
    tpu.enqueue_dma source(%dma_start3A_37 : memref<40xi32, #tpu.memory_space<hbm>>) target(%arg15 : memref<40xi32, #tpu.memory_space<vmem>>) target_semaphore(%arg28 : memref<!tpu.dma_semaphore, #tpu.memory_space<semaphore_mem>>)
    %add3A_38 = arith.constant 0 : i32
    %add3A_39 = arith.addi %add3A_6, %add3A_38 : i32
    %dma_wait3A = tpu.memref_slice %arg4[%add3A_39] : memref<320000xi32, #tpu.memory_space<hbm>> -> memref<40xi32, #tpu.memory_space<hbm>>
    %dma_wait3A_40 = tpu.memref_slice %arg4[%add3A_39] : memref<320000xi32, #tpu.memory_space<hbm>> -> memref<40xi32, #tpu.memory_space<hbm>>
    tpu.wait_dma2 semaphore(%arg25 : memref<!tpu.dma_semaphore, #tpu.memory_space<semaphore_mem>>) src(%dma_wait3A_40 : memref<40xi32, #tpu.memory_space<hbm>>) dst(%arg8 : memref<40xi32, #tpu.memory_space<vmem>>)
    %add3A_41 = arith.constant 0 : i32
    %add3A_42 = arith.addi %add3A_6, %add3A_41 : i32
    %dma_wait3A_43 = tpu.memref_slice %arg5[%add3A_42] : memref<320000xi32, #tpu.memory_space<hbm>> -> memref<40xi32, #tpu.memory_space<hbm>>
    %dma_wait3A_44 = tpu.memref_slice %arg5[%add3A_42] : memref<320000xi32, #tpu.memory_space<hbm>> -> memref<40xi32, #tpu.memory_space<hbm>>
    tpu.wait_dma2 semaphore(%arg25 : memref<!tpu.dma_semaphore, #tpu.memory_space<semaphore_mem>>) src(%dma_wait3A_44 : memref<40xi32, #tpu.memory_space<hbm>>) dst(%arg12 : memref<40xi32, #tpu.memory_space<vmem>>)
    %dma_start3A_45 = arith.constant 0 : i32
    %dma_start3A_46 = arith.constant 0 : i32
    %dma_start3A_47 = tpu.memref_slice %arg2[%dma_start3A_45, %dma_start3A_46] : memref<10000x128xf32, #tpu.memory_space<hbm>> -> memref<10000x128xf32, #tpu.memory_space<hbm>>
    tpu.enqueue_indirect_dma source(%dma_start3A_47 : memref<10000x128xf32, #tpu.memory_space<hbm>>) target(%arg16 : memref<40x128xf32, #tpu.memory_space<vmem>>) offsets(%arg8 : memref<40xi32, #tpu.memory_space<vmem>>) semaphore(%arg29 : memref<!tpu.dma_semaphore, #tpu.memory_space<semaphore_mem>>)
    %add3A_48 = arith.constant 0 : i32
    %add3A_49 = arith.addi %mul3A_4, %add3A_48 : i32
    %dma_start3A_50 = arith.constant 0 : i32
    %dma_start3A_51 = tpu.memref_slice %arg3[%add3A_49, %dma_start3A_50] : memref<122880x64xi32, #tpu.memory_space<hbm>> -> memref<40x64xi32, #tpu.memory_space<hbm>>
    %dma_start3A_52 = arith.constant 0 : i32
    %dma_start3A_53 = tpu.memref_slice %arg3[%add3A_49, %dma_start3A_52] : memref<122880x64xi32, #tpu.memory_space<hbm>> -> memref<40x64xi32, #tpu.memory_space<hbm>>
    tpu.enqueue_dma source(%dma_start3A_53 : memref<40x64xi32, #tpu.memory_space<hbm>>) target(%arg20 : memref<40x64xi32, #tpu.memory_space<vmem>>) target_semaphore(%arg29 : memref<!tpu.dma_semaphore, #tpu.memory_space<semaphore_mem>>)
    %add3A_54 = arith.constant 40 : i32
    %add3A_55 = arith.addi %add3A_6, %add3A_54 : i32
    %dma_wait3A_56 = tpu.memref_slice %arg4[%add3A_55] : memref<320000xi32, #tpu.memory_space<hbm>> -> memref<40xi32, #tpu.memory_space<hbm>>
    %dma_wait3A_57 = tpu.memref_slice %arg4[%add3A_55] : memref<320000xi32, #tpu.memory_space<hbm>> -> memref<40xi32, #tpu.memory_space<hbm>>
    tpu.wait_dma2 semaphore(%arg26 : memref<!tpu.dma_semaphore, #tpu.memory_space<semaphore_mem>>) src(%dma_wait3A_57 : memref<40xi32, #tpu.memory_space<hbm>>) dst(%arg9 : memref<40xi32, #tpu.memory_space<vmem>>)
    %add3A_58 = arith.constant 40 : i32
    %add3A_59 = arith.addi %add3A_6, %add3A_58 : i32
    %dma_wait3A_60 = tpu.memref_slice %arg5[%add3A_59] : memref<320000xi32, #tpu.memory_space<hbm>> -> memref<40xi32, #tpu.memory_space<hbm>>
    %dma_wait3A_61 = tpu.memref_slice %arg5[%add3A_59] : memref<320000xi32, #tpu.memory_space<hbm>> -> memref<40xi32, #tpu.memory_space<hbm>>
    tpu.wait_dma2 semaphore(%arg26 : memref<!tpu.dma_semaphore, #tpu.memory_space<semaphore_mem>>) src(%dma_wait3A_61 : memref<40xi32, #tpu.memory_space<hbm>>) dst(%arg13 : memref<40xi32, #tpu.memory_space<vmem>>)
    %dma_start3A_62 = arith.constant 0 : i32
    %dma_start3A_63 = arith.constant 0 : i32
    %dma_start3A_64 = tpu.memref_slice %arg2[%dma_start3A_62, %dma_start3A_63] : memref<10000x128xf32, #tpu.memory_space<hbm>> -> memref<10000x128xf32, #tpu.memory_space<hbm>>
    tpu.enqueue_indirect_dma source(%dma_start3A_64 : memref<10000x128xf32, #tpu.memory_space<hbm>>) target(%arg17 : memref<40x128xf32, #tpu.memory_space<vmem>>) offsets(%arg9 : memref<40xi32, #tpu.memory_space<vmem>>) semaphore(%arg30 : memref<!tpu.dma_semaphore, #tpu.memory_space<semaphore_mem>>)
    %add3A_65 = arith.constant 40 : i32
    %add3A_66 = arith.addi %mul3A_4, %add3A_65 : i32
    %dma_start3A_67 = arith.constant 0 : i32
    %dma_start3A_68 = tpu.memref_slice %arg3[%add3A_66, %dma_start3A_67] : memref<122880x64xi32, #tpu.memory_space<hbm>> -> memref<40x64xi32, #tpu.memory_space<hbm>>
    %dma_start3A_69 = arith.constant 0 : i32
    %dma_start3A_70 = tpu.memref_slice %arg3[%add3A_66, %dma_start3A_69] : memref<122880x64xi32, #tpu.memory_space<hbm>> -> memref<40x64xi32, #tpu.memory_space<hbm>>
    tpu.enqueue_dma source(%dma_start3A_70 : memref<40x64xi32, #tpu.memory_space<hbm>>) target(%arg21 : memref<40x64xi32, #tpu.memory_space<vmem>>) target_semaphore(%arg30 : memref<!tpu.dma_semaphore, #tpu.memory_space<semaphore_mem>>)
    %scan3A = arith.constant 0 : i32
    %scan3A_71 = arith.constant 0 : i32
    %scan3A_72 = arith.constant 96 : i32
    %scan3A_73 = arith.addi %scan3A_71, %scan3A_72 : i32
    %scan3A_74 = arith.constant 1 : i32
    scf.for %scan3A_77 = %scan3A_71 to %scan3A_73 step %scan3A_74  : i32 {
      %add3A_78 = arith.constant 2 : i32
      %add3A_79 = arith.addi %scan3A_77, %add3A_78 : i32
      %lt3A = arith.constant 96 : i32
      %lt3A_80 = arith.cmpi slt, %add3A_79, %lt3A : i32
      %convert_element_type3A = arith.extui %lt3A_80 : i1 to i32
      %cond3A = arith.constant 0 : i32
      %cond3A_81 = arith.cmpi ne, %convert_element_type3A, %cond3A : i32
      scf.if %cond3A_81 {
        %add3A_109 = arith.constant 2 : i32
        %add3A_110 = arith.addi %scan3A_77, %add3A_109 : i32
        %rem3A_111 = arith.constant 4 : i32
        %rem3A_112 = arith.remsi %add3A_110, %rem3A_111 : i32
        %eq3A_113 = arith.constant 0 : i32
        %eq3A_114 = arith.cmpi eq, %rem3A_112, %eq3A_113 : i32
        %convert_element_type3A_115 = arith.extui %eq3A_114 : i1 to i32
        %cond3A_116 = arith.constant 0 : i32
        %cond3A_117 = arith.cmpi ne, %convert_element_type3A_115, %cond3A_116 : i32
        scf.if %cond3A_117 {
          %add3A_133 = arith.constant 2 : i32
          %add3A_134 = arith.addi %scan3A_77, %add3A_133 : i32
          %mul3A_135 = arith.constant 40 : i32
          %mul3A_136 = arith.muli %add3A_134, %mul3A_135 : i32
          %add3A_137 = arith.addi %add3A_6, %mul3A_136 : i32
          %dma_wait3A_138 = tpu.memref_slice %arg4[%add3A_137] : memref<320000xi32, #tpu.memory_space<hbm>> -> memref<40xi32, #tpu.memory_space<hbm>>
          %dma_wait3A_139 = tpu.memref_slice %arg4[%add3A_137] : memref<320000xi32, #tpu.memory_space<hbm>> -> memref<40xi32, #tpu.memory_space<hbm>>
          tpu.wait_dma2 semaphore(%arg25 : memref<!tpu.dma_semaphore, #tpu.memory_space<semaphore_mem>>) src(%dma_wait3A_139 : memref<40xi32, #tpu.memory_space<hbm>>) dst(%arg8 : memref<40xi32, #tpu.memory_space<vmem>>)
          %mul3A_140 = arith.constant 40 : i32
          %mul3A_141 = arith.muli %add3A_134, %mul3A_140 : i32
          %add3A_142 = arith.addi %add3A_6, %mul3A_141 : i32
          %dma_wait3A_143 = tpu.memref_slice %arg5[%add3A_142] : memref<320000xi32, #tpu.memory_space<hbm>> -> memref<40xi32, #tpu.memory_space<hbm>>
          %dma_wait3A_144 = tpu.memref_slice %arg5[%add3A_142] : memref<320000xi32, #tpu.memory_space<hbm>> -> memref<40xi32, #tpu.memory_space<hbm>>
          tpu.wait_dma2 semaphore(%arg25 : memref<!tpu.dma_semaphore, #tpu.memory_space<semaphore_mem>>) src(%dma_wait3A_144 : memref<40xi32, #tpu.memory_space<hbm>>) dst(%arg12 : memref<40xi32, #tpu.memory_space<vmem>>)
          %dma_start3A_145 = arith.constant 0 : i32
          %dma_start3A_146 = arith.constant 0 : i32
          %dma_start3A_147 = tpu.memref_slice %arg2[%dma_start3A_145, %dma_start3A_146] : memref<10000x128xf32, #tpu.memory_space<hbm>> -> memref<10000x128xf32, #tpu.memory_space<hbm>>
          tpu.enqueue_indirect_dma source(%dma_start3A_147 : memref<10000x128xf32, #tpu.memory_space<hbm>>) target(%arg16 : memref<40x128xf32, #tpu.memory_space<vmem>>) offsets(%arg8 : memref<40xi32, #tpu.memory_space<vmem>>) semaphore(%arg29 : memref<!tpu.dma_semaphore, #tpu.memory_space<semaphore_mem>>)
          %mul3A_148 = arith.constant 40 : i32
          %mul3A_149 = arith.muli %add3A_134, %mul3A_148 : i32
          %add3A_150 = arith.addi %mul3A_4, %mul3A_149 : i32
          %dma_start3A_151 = arith.constant 0 : i32
          %dma_start3A_152 = tpu.memref_slice %arg3[%add3A_150, %dma_start3A_151] : memref<122880x64xi32, #tpu.memory_space<hbm>> -> memref<40x64xi32, #tpu.memory_space<hbm>>
          %dma_start3A_153 = arith.constant 0 : i32
          %dma_start3A_154 = tpu.memref_slice %arg3[%add3A_150, %dma_start3A_153] : memref<122880x64xi32, #tpu.memory_space<hbm>> -> memref<40x64xi32, #tpu.memory_space<hbm>>
          tpu.enqueue_dma source(%dma_start3A_154 : memref<40x64xi32, #tpu.memory_space<hbm>>) target(%arg20 : memref<40x64xi32, #tpu.memory_space<vmem>>) target_semaphore(%arg29 : memref<!tpu.dma_semaphore, #tpu.memory_space<semaphore_mem>>)
        } else {
        }
        %eq3A_118 = arith.constant 1 : i32
        %eq3A_119 = arith.cmpi eq, %rem3A_112, %eq3A_118 : i32
        %convert_element_type3A_120 = arith.extui %eq3A_119 : i1 to i32
        %cond3A_121 = arith.constant 0 : i32
        %cond3A_122 = arith.cmpi ne, %convert_element_type3A_120, %cond3A_121 : i32
        scf.if %cond3A_122 {
          %add3A_133 = arith.constant 2 : i32
          %add3A_134 = arith.addi %scan3A_77, %add3A_133 : i32
          %mul3A_135 = arith.constant 40 : i32
          %mul3A_136 = arith.muli %add3A_134, %mul3A_135 : i32
          %add3A_137 = arith.addi %add3A_6, %mul3A_136 : i32
          %dma_wait3A_138 = tpu.memref_slice %arg4[%add3A_137] : memref<320000xi32, #tpu.memory_space<hbm>> -> memref<40xi32, #tpu.memory_space<hbm>>
          %dma_wait3A_139 = tpu.memref_slice %arg4[%add3A_137] : memref<320000xi32, #tpu.memory_space<hbm>> -> memref<40xi32, #tpu.memory_space<hbm>>
          tpu.wait_dma2 semaphore(%arg26 : memref<!tpu.dma_semaphore, #tpu.memory_space<semaphore_mem>>) src(%dma_wait3A_139 : memref<40xi32, #tpu.memory_space<hbm>>) dst(%arg9 : memref<40xi32, #tpu.memory_space<vmem>>)
          %mul3A_140 = arith.constant 40 : i32
          %mul3A_141 = arith.muli %add3A_134, %mul3A_140 : i32
          %add3A_142 = arith.addi %add3A_6, %mul3A_141 : i32
          %dma_wait3A_143 = tpu.memref_slice %arg5[%add3A_142] : memref<320000xi32, #tpu.memory_space<hbm>> -> memref<40xi32, #tpu.memory_space<hbm>>
          %dma_wait3A_144 = tpu.memref_slice %arg5[%add3A_142] : memref<320000xi32, #tpu.memory_space<hbm>> -> memref<40xi32, #tpu.memory_space<hbm>>
          tpu.wait_dma2 semaphore(%arg26 : memref<!tpu.dma_semaphore, #tpu.memory_space<semaphore_mem>>) src(%dma_wait3A_144 : memref<40xi32, #tpu.memory_space<hbm>>) dst(%arg13 : memref<40xi32, #tpu.memory_space<vmem>>)
          %dma_start3A_145 = arith.constant 0 : i32
          %dma_start3A_146 = arith.constant 0 : i32
          %dma_start3A_147 = tpu.memref_slice %arg2[%dma_start3A_145, %dma_start3A_146] : memref<10000x128xf32, #tpu.memory_space<hbm>> -> memref<10000x128xf32, #tpu.memory_space<hbm>>
          tpu.enqueue_indirect_dma source(%dma_start3A_147 : memref<10000x128xf32, #tpu.memory_space<hbm>>) target(%arg17 : memref<40x128xf32, #tpu.memory_space<vmem>>) offsets(%arg9 : memref<40xi32, #tpu.memory_space<vmem>>) semaphore(%arg30 : memref<!tpu.dma_semaphore, #tpu.memory_space<semaphore_mem>>)
          %mul3A_148 = arith.constant 40 : i32
          %mul3A_149 = arith.muli %add3A_134, %mul3A_148 : i32
          %add3A_150 = arith.addi %mul3A_4, %mul3A_149 : i32
          %dma_start3A_151 = arith.constant 0 : i32
          %dma_start3A_152 = tpu.memref_slice %arg3[%add3A_150, %dma_start3A_151] : memref<122880x64xi32, #tpu.memory_space<hbm>> -> memref<40x64xi32, #tpu.memory_space<hbm>>
          %dma_start3A_153 = arith.constant 0 : i32
          %dma_start3A_154 = tpu.memref_slice %arg3[%add3A_150, %dma_start3A_153] : memref<122880x64xi32, #tpu.memory_space<hbm>> -> memref<40x64xi32, #tpu.memory_space<hbm>>
          tpu.enqueue_dma source(%dma_start3A_154 : memref<40x64xi32, #tpu.memory_space<hbm>>) target(%arg21 : memref<40x64xi32, #tpu.memory_space<vmem>>) target_semaphore(%arg30 : memref<!tpu.dma_semaphore, #tpu.memory_space<semaphore_mem>>)
        } else {
        }
        %eq3A_123 = arith.constant 2 : i32
        %eq3A_124 = arith.cmpi eq, %rem3A_112, %eq3A_123 : i32
        %convert_element_type3A_125 = arith.extui %eq3A_124 : i1 to i32
        %cond3A_126 = arith.constant 0 : i32
        %cond3A_127 = arith.cmpi ne, %convert_element_type3A_125, %cond3A_126 : i32
        scf.if %cond3A_127 {
          %add3A_133 = arith.constant 2 : i32
          %add3A_134 = arith.addi %scan3A_77, %add3A_133 : i32
          %mul3A_135 = arith.constant 40 : i32
          %mul3A_136 = arith.muli %add3A_134, %mul3A_135 : i32
          %add3A_137 = arith.addi %add3A_6, %mul3A_136 : i32
          %dma_wait3A_138 = tpu.memref_slice %arg4[%add3A_137] : memref<320000xi32, #tpu.memory_space<hbm>> -> memref<40xi32, #tpu.memory_space<hbm>>
          %dma_wait3A_139 = tpu.memref_slice %arg4[%add3A_137] : memref<320000xi32, #tpu.memory_space<hbm>> -> memref<40xi32, #tpu.memory_space<hbm>>
          tpu.wait_dma2 semaphore(%arg27 : memref<!tpu.dma_semaphore, #tpu.memory_space<semaphore_mem>>) src(%dma_wait3A_139 : memref<40xi32, #tpu.memory_space<hbm>>) dst(%arg10 : memref<40xi32, #tpu.memory_space<vmem>>)
          %mul3A_140 = arith.constant 40 : i32
          %mul3A_141 = arith.muli %add3A_134, %mul3A_140 : i32
          %add3A_142 = arith.addi %add3A_6, %mul3A_141 : i32
          %dma_wait3A_143 = tpu.memref_slice %arg5[%add3A_142] : memref<320000xi32, #tpu.memory_space<hbm>> -> memref<40xi32, #tpu.memory_space<hbm>>
          %dma_wait3A_144 = tpu.memref_slice %arg5[%add3A_142] : memref<320000xi32, #tpu.memory_space<hbm>> -> memref<40xi32, #tpu.memory_space<hbm>>
          tpu.wait_dma2 semaphore(%arg27 : memref<!tpu.dma_semaphore, #tpu.memory_space<semaphore_mem>>) src(%dma_wait3A_144 : memref<40xi32, #tpu.memory_space<hbm>>) dst(%arg14 : memref<40xi32, #tpu.memory_space<vmem>>)
          %dma_start3A_145 = arith.constant 0 : i32
          %dma_start3A_146 = arith.constant 0 : i32
          %dma_start3A_147 = tpu.memref_slice %arg2[%dma_start3A_145, %dma_start3A_146] : memref<10000x128xf32, #tpu.memory_space<hbm>> -> memref<10000x128xf32, #tpu.memory_space<hbm>>
          tpu.enqueue_indirect_dma source(%dma_start3A_147 : memref<10000x128xf32, #tpu.memory_space<hbm>>) target(%arg18 : memref<40x128xf32, #tpu.memory_space<vmem>>) offsets(%arg10 : memref<40xi32, #tpu.memory_space<vmem>>) semaphore(%arg31 : memref<!tpu.dma_semaphore, #tpu.memory_space<semaphore_mem>>)
          %mul3A_148 = arith.constant 40 : i32
          %mul3A_149 = arith.muli %add3A_134, %mul3A_148 : i32
          %add3A_150 = arith.addi %mul3A_4, %mul3A_149 : i32
          %dma_start3A_151 = arith.constant 0 : i32
          %dma_start3A_152 = tpu.memref_slice %arg3[%add3A_150, %dma_start3A_151] : memref<122880x64xi32, #tpu.memory_space<hbm>> -> memref<40x64xi32, #tpu.memory_space<hbm>>
          %dma_start3A_153 = arith.constant 0 : i32
          %dma_start3A_154 = tpu.memref_slice %arg3[%add3A_150, %dma_start3A_153] : memref<122880x64xi32, #tpu.memory_space<hbm>> -> memref<40x64xi32, #tpu.memory_space<hbm>>
          tpu.enqueue_dma source(%dma_start3A_154 : memref<40x64xi32, #tpu.memory_space<hbm>>) target(%arg22 : memref<40x64xi32, #tpu.memory_space<vmem>>) target_semaphore(%arg31 : memref<!tpu.dma_semaphore, #tpu.memory_space<semaphore_mem>>)
        } else {
        }
        %eq3A_128 = arith.constant 3 : i32
        %eq3A_129 = arith.cmpi eq, %rem3A_112, %eq3A_128 : i32
        %convert_element_type3A_130 = arith.extui %eq3A_129 : i1 to i32
        %cond3A_131 = arith.constant 0 : i32
        %cond3A_132 = arith.cmpi ne, %convert_element_type3A_130, %cond3A_131 : i32
        scf.if %cond3A_132 {
          %add3A_133 = arith.constant 2 : i32
          %add3A_134 = arith.addi %scan3A_77, %add3A_133 : i32
          %mul3A_135 = arith.constant 40 : i32
          %mul3A_136 = arith.muli %add3A_134, %mul3A_135 : i32
          %add3A_137 = arith.addi %add3A_6, %mul3A_136 : i32
          %dma_wait3A_138 = tpu.memref_slice %arg4[%add3A_137] : memref<320000xi32, #tpu.memory_space<hbm>> -> memref<40xi32, #tpu.memory_space<hbm>>
          %dma_wait3A_139 = tpu.memref_slice %arg4[%add3A_137] : memref<320000xi32, #tpu.memory_space<hbm>> -> memref<40xi32, #tpu.memory_space<hbm>>
          tpu.wait_dma2 semaphore(%arg28 : memref<!tpu.dma_semaphore, #tpu.memory_space<semaphore_mem>>) src(%dma_wait3A_139 : memref<40xi32, #tpu.memory_space<hbm>>) dst(%arg11 : memref<40xi32, #tpu.memory_space<vmem>>)
          %mul3A_140 = arith.constant 40 : i32
          %mul3A_141 = arith.muli %add3A_134, %mul3A_140 : i32
          %add3A_142 = arith.addi %add3A_6, %mul3A_141 : i32
          %dma_wait3A_143 = tpu.memref_slice %arg5[%add3A_142] : memref<320000xi32, #tpu.memory_space<hbm>> -> memref<40xi32, #tpu.memory_space<hbm>>
          %dma_wait3A_144 = tpu.memref_slice %arg5[%add3A_142] : memref<320000xi32, #tpu.memory_space<hbm>> -> memref<40xi32, #tpu.memory_space<hbm>>
          tpu.wait_dma2 semaphore(%arg28 : memref<!tpu.dma_semaphore, #tpu.memory_space<semaphore_mem>>) src(%dma_wait3A_144 : memref<40xi32, #tpu.memory_space<hbm>>) dst(%arg15 : memref<40xi32, #tpu.memory_space<vmem>>)
          %dma_start3A_145 = arith.constant 0 : i32
          %dma_start3A_146 = arith.constant 0 : i32
          %dma_start3A_147 = tpu.memref_slice %arg2[%dma_start3A_145, %dma_start3A_146] : memref<10000x128xf32, #tpu.memory_space<hbm>> -> memref<10000x128xf32, #tpu.memory_space<hbm>>
          tpu.enqueue_indirect_dma source(%dma_start3A_147 : memref<10000x128xf32, #tpu.memory_space<hbm>>) target(%arg19 : memref<40x128xf32, #tpu.memory_space<vmem>>) offsets(%arg11 : memref<40xi32, #tpu.memory_space<vmem>>) semaphore(%arg32 : memref<!tpu.dma_semaphore, #tpu.memory_space<semaphore_mem>>)
          %mul3A_148 = arith.constant 40 : i32
          %mul3A_149 = arith.muli %add3A_134, %mul3A_148 : i32
          %add3A_150 = arith.addi %mul3A_4, %mul3A_149 : i32
          %dma_start3A_151 = arith.constant 0 : i32
          %dma_start3A_152 = tpu.memref_slice %arg3[%add3A_150, %dma_start3A_151] : memref<122880x64xi32, #tpu.memory_space<hbm>> -> memref<40x64xi32, #tpu.memory_space<hbm>>
          %dma_start3A_153 = arith.constant 0 : i32
          %dma_start3A_154 = tpu.memref_slice %arg3[%add3A_150, %dma_start3A_153] : memref<122880x64xi32, #tpu.memory_space<hbm>> -> memref<40x64xi32, #tpu.memory_space<hbm>>
          tpu.enqueue_dma source(%dma_start3A_154 : memref<40x64xi32, #tpu.memory_space<hbm>>) target(%arg23 : memref<40x64xi32, #tpu.memory_space<vmem>>) target_semaphore(%arg32 : memref<!tpu.dma_semaphore, #tpu.memory_space<semaphore_mem>>)
        } else {
        }
      } else {
      }
      %rem3A = arith.constant 4 : i32
      %rem3A_82 = arith.remsi %scan3A_77, %rem3A : i32
      %eq3A = arith.constant 0 : i32
      %eq3A_83 = arith.cmpi eq, %rem3A_82, %eq3A : i32
      %convert_element_type3A_84 = arith.extui %eq3A_83 : i1 to i32
      %cond3A_85 = arith.constant 0 : i32
      %cond3A_86 = arith.cmpi ne, %convert_element_type3A_84, %cond3A_85 : i32
      scf.if %cond3A_86 {
        %dma_wait3A_109 = arith.constant 0 : i32
        %dma_wait3A_110 = arith.constant 0 : i32
        %dma_wait3A_111 = tpu.memref_slice %arg2[%dma_wait3A_109, %dma_wait3A_110] : memref<10000x128xf32, #tpu.memory_space<hbm>> -> memref<10000x128xf32, #tpu.memory_space<hbm>>
        tpu.wait_indirect_dma semaphore(%arg29 : memref<!tpu.dma_semaphore, #tpu.memory_space<semaphore_mem>>) src(%dma_wait3A_111 : memref<10000x128xf32, #tpu.memory_space<hbm>>) dst(%arg16 : memref<40x128xf32, #tpu.memory_space<vmem>>)
        %mul3A_112 = arith.constant 40 : i32
        %mul3A_113 = arith.muli %scan3A_77, %mul3A_112 : i32
        %add3A_114 = arith.addi %mul3A_4, %mul3A_113 : i32
        %dma_wait3A_115 = arith.constant 0 : i32
        %dma_wait3A_116 = tpu.memref_slice %arg3[%add3A_114, %dma_wait3A_115] : memref<122880x64xi32, #tpu.memory_space<hbm>> -> memref<40x64xi32, #tpu.memory_space<hbm>>
        %dma_wait3A_117 = arith.constant 0 : i32
        %dma_wait3A_118 = tpu.memref_slice %arg3[%add3A_114, %dma_wait3A_117] : memref<122880x64xi32, #tpu.memory_space<hbm>> -> memref<40x64xi32, #tpu.memory_space<hbm>>
        tpu.wait_dma2 semaphore(%arg29 : memref<!tpu.dma_semaphore, #tpu.memory_space<semaphore_mem>>) src(%dma_wait3A_118 : memref<40x64xi32, #tpu.memory_space<hbm>>) dst(%arg20 : memref<40x64xi32, #tpu.memory_space<vmem>>)
        %scan3A_119 = arith.constant 0 : i32
        %scan3A_120 = arith.constant 0 : i32
        %scan3A_121 = arith.constant 40 : i32
        %scan3A_122 = arith.addi %scan3A_120, %scan3A_121 : i32
        %scan3A_123 = arith.constant 1 : i32
        scf.for %scan3A_125 = %scan3A_120 to %scan3A_122 step %scan3A_123  : i32 {
          %get3A = arith.index_cast %scan3A_125 : i32 to index
          %get3A_126 = arith.constant 0 : index
          %get3A_127 = tpu.vector_load %arg20[%get3A, %get3A_126] {strides = array<i32>} : memref<40x64xi32, #tpu.memory_space<vmem>>, vector<1x16xi32>,
          %get3A_128 = vector.shape_cast %get3A_127 : vector<1x16xi32> to vector<16xi32>
          %broadcast_in_dim3A = arith.constant 16 : i32
          %broadcast_in_dim3A_129 = vector.broadcast %broadcast_in_dim3A : i32 to vector<16xi32>
          %shift_left3A = arith.shli %get3A_128, %broadcast_in_dim3A_129 : vector<16xi32>
          %bitcast_convert_type3A = tpu.bitcast %shift_left3A : vector<16xi32> -> vector<16xf32>
          %broadcast_in_dim3A_130 = arith.constant -65536 : i32
          %broadcast_in_dim3A_131 = vector.broadcast %broadcast_in_dim3A_130 : i32 to vector<16xi32>
          %and3A = arith.andi %get3A_128, %broadcast_in_dim3A_131 : vector<16xi32>
          %bitcast_convert_type3A_132 = tpu.bitcast %and3A : vector<16xi32> -> vector<16xf32>
          %get3A_133 = arith.index_cast %scan3A_125 : i32 to index
          %get3A_134 = arith.constant 0 : index
          %get3A_135 = tpu.vector_load %arg16[%get3A_133, %get3A_134] {strides = array<i32>} : memref<40x128xf32, #tpu.memory_space<vmem>>, vector<1x16xf32>,
          %get3A_136 = vector.shape_cast %get3A_135 : vector<1x16xf32> to vector<16xf32>
          %mul3A_137 = arith.mulf %get3A_136, %bitcast_convert_type3A : vector<16xf32>
          %swap3A = arith.index_cast %scan3A_125 : i32 to index
          %swap3A_138 = arith.constant 0 : index
          %swap3A_139 = tpu.vector_load %arg16[%swap3A, %swap3A_138] {strides = array<i32>} : memref<40x128xf32, #tpu.memory_space<vmem>>, vector<1x16xf32>,
          %swap3A_140 = vector.shape_cast %swap3A_139 : vector<1x16xf32> to vector<16xf32>
          %swap3A_141 = vector.shape_cast %mul3A_137 : vector<16xf32> to vector<1x16xf32>
          tpu.vector_store %arg16[%swap3A, %swap3A_138], %swap3A_141 {strides = array<i32>} : memref<40x128xf32, #tpu.memory_space<vmem>>, vector<1x16xf32>,
          %get3A_142 = arith.index_cast %scan3A_125 : i32 to index
          %get3A_143 = arith.constant 64 : index
          %get3A_144 = tpu.vector_load %arg16[%get3A_142, %get3A_143] {strides = array<i32>} : memref<40x128xf32, #tpu.memory_space<vmem>>, vector<1x16xf32>,
          %get3A_145 = vector.shape_cast %get3A_144 : vector<1x16xf32> to vector<16xf32>
          %mul3A_146 = arith.mulf %get3A_145, %bitcast_convert_type3A_132 : vector<16xf32>
          %swap3A_147 = arith.index_cast %scan3A_125 : i32 to index
          %swap3A_148 = arith.constant 64 : index
          %swap3A_149 = tpu.vector_load %arg16[%swap3A_147, %swap3A_148] {strides = array<i32>} : memref<40x128xf32, #tpu.memory_space<vmem>>, vector<1x16xf32>,
          %swap3A_150 = vector.shape_cast %swap3A_149 : vector<1x16xf32> to vector<16xf32>
          %swap3A_151 = vector.shape_cast %mul3A_146 : vector<16xf32> to vector<1x16xf32>
          tpu.vector_store %arg16[%swap3A_147, %swap3A_148], %swap3A_151 {strides = array<i32>} : memref<40x128xf32, #tpu.memory_space<vmem>>, vector<1x16xf32>,
          %get3A_152 = arith.index_cast %scan3A_125 : i32 to index
          %get3A_153 = arith.constant 16 : index
          %get3A_154 = tpu.vector_load %arg20[%get3A_152, %get3A_153] {strides = array<i32>} : memref<40x64xi32, #tpu.memory_space<vmem>>, vector<1x16xi32>,
          %get3A_155 = vector.shape_cast %get3A_154 : vector<1x16xi32> to vector<16xi32>
          %broadcast_in_dim3A_156 = arith.constant 16 : i32
          %broadcast_in_dim3A_157 = vector.broadcast %broadcast_in_dim3A_156 : i32 to vector<16xi32>
          %shift_left3A_158 = arith.shli %get3A_155, %broadcast_in_dim3A_157 : vector<16xi32>
          %bitcast_convert_type3A_159 = tpu.bitcast %shift_left3A_158 : vector<16xi32> -> vector<16xf32>
          %broadcast_in_dim3A_160 = arith.constant -65536 : i32
          %broadcast_in_dim3A_161 = vector.broadcast %broadcast_in_dim3A_160 : i32 to vector<16xi32>
          %and3A_162 = arith.andi %get3A_155, %broadcast_in_dim3A_161 : vector<16xi32>
          %bitcast_convert_type3A_163 = tpu.bitcast %and3A_162 : vector<16xi32> -> vector<16xf32>
          %get3A_164 = arith.index_cast %scan3A_125 : i32 to index
          %get3A_165 = arith.constant 16 : index
          %get3A_166 = tpu.vector_load %arg16[%get3A_164, %get3A_165] {strides = array<i32>} : memref<40x128xf32, #tpu.memory_space<vmem>>, vector<1x16xf32>,
          %get3A_167 = vector.shape_cast %get3A_166 : vector<1x16xf32> to vector<16xf32>
          %mul3A_168 = arith.mulf %get3A_167, %bitcast_convert_type3A_159 : vector<16xf32>
          %swap3A_169 = arith.index_cast %scan3A_125 : i32 to index
          %swap3A_170 = arith.constant 16 : index
          %swap3A_171 = tpu.vector_load %arg16[%swap3A_169, %swap3A_170] {strides = array<i32>} : memref<40x128xf32, #tpu.memory_space<vmem>>, vector<1x16xf32>,
          %swap3A_172 = vector.shape_cast %swap3A_171 : vector<1x16xf32> to vector<16xf32>
          %swap3A_173 = vector.shape_cast %mul3A_168 : vector<16xf32> to vector<1x16xf32>
          tpu.vector_store %arg16[%swap3A_169, %swap3A_170], %swap3A_173 {strides = array<i32>} : memref<40x128xf32, #tpu.memory_space<vmem>>, vector<1x16xf32>,
          %get3A_174 = arith.index_cast %scan3A_125 : i32 to index
          %get3A_175 = arith.constant 80 : index
          %get3A_176 = tpu.vector_load %arg16[%get3A_174, %get3A_175] {strides = array<i32>} : memref<40x128xf32, #tpu.memory_space<vmem>>, vector<1x16xf32>,
          %get3A_177 = vector.shape_cast %get3A_176 : vector<1x16xf32> to vector<16xf32>
          %mul3A_178 = arith.mulf %get3A_177, %bitcast_convert_type3A_163 : vector<16xf32>
          %swap3A_179 = arith.index_cast %scan3A_125 : i32 to index
          %swap3A_180 = arith.constant 80 : index
          %swap3A_181 = tpu.vector_load %arg16[%swap3A_179, %swap3A_180] {strides = array<i32>} : memref<40x128xf32, #tpu.memory_space<vmem>>, vector<1x16xf32>,
          %swap3A_182 = vector.shape_cast %swap3A_181 : vector<1x16xf32> to vector<16xf32>
          %swap3A_183 = vector.shape_cast %mul3A_178 : vector<16xf32> to vector<1x16xf32>
          tpu.vector_store %arg16[%swap3A_179, %swap3A_180], %swap3A_183 {strides = array<i32>} : memref<40x128xf32, #tpu.memory_space<vmem>>, vector<1x16xf32>,
          %get3A_184 = arith.index_cast %scan3A_125 : i32 to index
          %get3A_185 = arith.constant 32 : index
          %get3A_186 = tpu.vector_load %arg20[%get3A_184, %get3A_185] {strides = array<i32>} : memref<40x64xi32, #tpu.memory_space<vmem>>, vector<1x16xi32>,
          %get3A_187 = vector.shape_cast %get3A_186 : vector<1x16xi32> to vector<16xi32>
          %broadcast_in_dim3A_188 = arith.constant 16 : i32
          %broadcast_in_dim3A_189 = vector.broadcast %broadcast_in_dim3A_188 : i32 to vector<16xi32>
          %shift_left3A_190 = arith.shli %get3A_187, %broadcast_in_dim3A_189 : vector<16xi32>
          %bitcast_convert_type3A_191 = tpu.bitcast %shift_left3A_190 : vector<16xi32> -> vector<16xf32>
          %broadcast_in_dim3A_192 = arith.constant -65536 : i32
          %broadcast_in_dim3A_193 = vector.broadcast %broadcast_in_dim3A_192 : i32 to vector<16xi32>
          %and3A_194 = arith.andi %get3A_187, %broadcast_in_dim3A_193 : vector<16xi32>
          %bitcast_convert_type3A_195 = tpu.bitcast %and3A_194 : vector<16xi32> -> vector<16xf32>
          %get3A_196 = arith.index_cast %scan3A_125 : i32 to index
          %get3A_197 = arith.constant 32 : index
          %get3A_198 = tpu.vector_load %arg16[%get3A_196, %get3A_197] {strides = array<i32>} : memref<40x128xf32, #tpu.memory_space<vmem>>, vector<1x16xf32>,
          %get3A_199 = vector.shape_cast %get3A_198 : vector<1x16xf32> to vector<16xf32>
          %mul3A_200 = arith.mulf %get3A_199, %bitcast_convert_type3A_191 : vector<16xf32>
          %swap3A_201 = arith.index_cast %scan3A_125 : i32 to index
          %swap3A_202 = arith.constant 32 : index
          %swap3A_203 = tpu.vector_load %arg16[%swap3A_201, %swap3A_202] {strides = array<i32>} : memref<40x128xf32, #tpu.memory_space<vmem>>, vector<1x16xf32>,
          %swap3A_204 = vector.shape_cast %swap3A_203 : vector<1x16xf32> to vector<16xf32>
          %swap3A_205 = vector.shape_cast %mul3A_200 : vector<16xf32> to vector<1x16xf32>
          tpu.vector_store %arg16[%swap3A_201, %swap3A_202], %swap3A_205 {strides = array<i32>} : memref<40x128xf32, #tpu.memory_space<vmem>>, vector<1x16xf32>,
          %get3A_206 = arith.index_cast %scan3A_125 : i32 to index
          %get3A_207 = arith.constant 96 : index
          %get3A_208 = tpu.vector_load %arg16[%get3A_206, %get3A_207] {strides = array<i32>} : memref<40x128xf32, #tpu.memory_space<vmem>>, vector<1x16xf32>,
          %get3A_209 = vector.shape_cast %get3A_208 : vector<1x16xf32> to vector<16xf32>
          %mul3A_210 = arith.mulf %get3A_209, %bitcast_convert_type3A_195 : vector<16xf32>
          %swap3A_211 = arith.index_cast %scan3A_125 : i32 to index
          %swap3A_212 = arith.constant 96 : index
          %swap3A_213 = tpu.vector_load %arg16[%swap3A_211, %swap3A_212] {strides = array<i32>} : memref<40x128xf32, #tpu.memory_space<vmem>>, vector<1x16xf32>,
          %swap3A_214 = vector.shape_cast %swap3A_213 : vector<1x16xf32> to vector<16xf32>
          %swap3A_215 = vector.shape_cast %mul3A_210 : vector<16xf32> to vector<1x16xf32>
          tpu.vector_store %arg16[%swap3A_211, %swap3A_212], %swap3A_215 {strides = array<i32>} : memref<40x128xf32, #tpu.memory_space<vmem>>, vector<1x16xf32>,
          %get3A_216 = arith.index_cast %scan3A_125 : i32 to index
          %get3A_217 = arith.constant 48 : index
          %get3A_218 = tpu.vector_load %arg20[%get3A_216, %get3A_217] {strides = array<i32>} : memref<40x64xi32, #tpu.memory_space<vmem>>, vector<1x16xi32>,
          %get3A_219 = vector.shape_cast %get3A_218 : vector<1x16xi32> to vector<16xi32>
          %broadcast_in_dim3A_220 = arith.constant 16 : i32
          %broadcast_in_dim3A_221 = vector.broadcast %broadcast_in_dim3A_220 : i32 to vector<16xi32>
          %shift_left3A_222 = arith.shli %get3A_219, %broadcast_in_dim3A_221 : vector<16xi32>
          %bitcast_convert_type3A_223 = tpu.bitcast %shift_left3A_222 : vector<16xi32> -> vector<16xf32>
          %broadcast_in_dim3A_224 = arith.constant -65536 : i32
          %broadcast_in_dim3A_225 = vector.broadcast %broadcast_in_dim3A_224 : i32 to vector<16xi32>
          %and3A_226 = arith.andi %get3A_219, %broadcast_in_dim3A_225 : vector<16xi32>
          %bitcast_convert_type3A_227 = tpu.bitcast %and3A_226 : vector<16xi32> -> vector<16xf32>
          %get3A_228 = arith.index_cast %scan3A_125 : i32 to index
          %get3A_229 = arith.constant 48 : index
          %get3A_230 = tpu.vector_load %arg16[%get3A_228, %get3A_229] {strides = array<i32>} : memref<40x128xf32, #tpu.memory_space<vmem>>, vector<1x16xf32>,
          %get3A_231 = vector.shape_cast %get3A_230 : vector<1x16xf32> to vector<16xf32>
          %mul3A_232 = arith.mulf %get3A_231, %bitcast_convert_type3A_223 : vector<16xf32>
          %swap3A_233 = arith.index_cast %scan3A_125 : i32 to index
          %swap3A_234 = arith.constant 48 : index
          %swap3A_235 = tpu.vector_load %arg16[%swap3A_233, %swap3A_234] {strides = array<i32>} : memref<40x128xf32, #tpu.memory_space<vmem>>, vector<1x16xf32>,
          %swap3A_236 = vector.shape_cast %swap3A_235 : vector<1x16xf32> to vector<16xf32>
          %swap3A_237 = vector.shape_cast %mul3A_232 : vector<16xf32> to vector<1x16xf32>
          tpu.vector_store %arg16[%swap3A_233, %swap3A_234], %swap3A_237 {strides = array<i32>} : memref<40x128xf32, #tpu.memory_space<vmem>>, vector<1x16xf32>,
          %get3A_238 = arith.index_cast %scan3A_125 : i32 to index
          %get3A_239 = arith.constant 112 : index
          %get3A_240 = tpu.vector_load %arg16[%get3A_238, %get3A_239] {strides = array<i32>} : memref<40x128xf32, #tpu.memory_space<vmem>>, vector<1x16xf32>,
          %get3A_241 = vector.shape_cast %get3A_240 : vector<1x16xf32> to vector<16xf32>
          %mul3A_242 = arith.mulf %get3A_241, %bitcast_convert_type3A_227 : vector<16xf32>
          %swap3A_243 = arith.index_cast %scan3A_125 : i32 to index
          %swap3A_244 = arith.constant 112 : index
          %swap3A_245 = tpu.vector_load %arg16[%swap3A_243, %swap3A_244] {strides = array<i32>} : memref<40x128xf32, #tpu.memory_space<vmem>>, vector<1x16xf32>,
          %swap3A_246 = vector.shape_cast %swap3A_245 : vector<1x16xf32> to vector<16xf32>
          %swap3A_247 = vector.shape_cast %mul3A_242 : vector<16xf32> to vector<1x16xf32>
          tpu.vector_store %arg16[%swap3A_243, %swap3A_244], %swap3A_247 {strides = array<i32>} : memref<40x128xf32, #tpu.memory_space<vmem>>, vector<1x16xf32>,
        }
        %scan3A_124 = arith.constant 40 : i32
        "tpu.region"() ({
          %run_scoped3A = tpu.sem_alloc : memref<!tpu.dma_semaphore, #tpu.memory_space<semaphore_mem>>
          %dma_start3A_125 = arith.constant 0 : i32
          %dma_start3A_126 = arith.constant 0 : i32
          %dma_start3A_127 = tpu.memref_slice %arg24[%dma_start3A_125, %dma_start3A_126] : memref<10240x128xf32, #tpu.memory_space<vmem_shared>> -> memref<10240x128xf32, #tpu.memory_space<vmem_shared>>
          tpu.enqueue_indirect_dma source(%arg16 : memref<40x128xf32, #tpu.memory_space<vmem>>) target(%dma_start3A_127 : memref<10240x128xf32, #tpu.memory_space<vmem_shared>>) offsets(%arg12 : memref<40xi32, #tpu.memory_space<vmem>>) semaphore(%run_scoped3A : memref<!tpu.dma_semaphore, #tpu.memory_space<semaphore_mem>>) {add = true}
          %dma_wait3A_128 = arith.constant 0 : i32
          %dma_wait3A_129 = arith.constant 0 : i32
          %dma_wait3A_130 = tpu.memref_slice %arg24[%dma_wait3A_128, %dma_wait3A_129] : memref<10240x128xf32, #tpu.memory_space<vmem_shared>> -> memref<10240x128xf32, #tpu.memory_space<vmem_shared>>
          tpu.wait_indirect_dma semaphore(%run_scoped3A : memref<!tpu.dma_semaphore, #tpu.memory_space<semaphore_mem>>) src(%arg16 : memref<40x128xf32, #tpu.memory_space<vmem>>) dst(%dma_wait3A_130 : memref<10240x128xf32, #tpu.memory_space<vmem_shared>>)
          tpu.yield
        }) : () -> ()
      } else {
      }
      %eq3A_87 = arith.constant 1 : i32
      %eq3A_88 = arith.cmpi eq, %rem3A_82, %eq3A_87 : i32
      %convert_element_type3A_89 = arith.extui %eq3A_88 : i1 to i32
      %cond3A_90 = arith.constant 0 : i32
      %cond3A_91 = arith.cmpi ne, %convert_element_type3A_89, %cond3A_90 : i32
      scf.if %cond3A_91 {
        %dma_wait3A_109 = arith.constant 0 : i32
        %dma_wait3A_110 = arith.constant 0 : i32
        %dma_wait3A_111 = tpu.memref_slice %arg2[%dma_wait3A_109, %dma_wait3A_110] : memref<10000x128xf32, #tpu.memory_space<hbm>> -> memref<10000x128xf32, #tpu.memory_space<hbm>>
        tpu.wait_indirect_dma semaphore(%arg30 : memref<!tpu.dma_semaphore, #tpu.memory_space<semaphore_mem>>) src(%dma_wait3A_111 : memref<10000x128xf32, #tpu.memory_space<hbm>>) dst(%arg17 : memref<40x128xf32, #tpu.memory_space<vmem>>)
        %mul3A_112 = arith.constant 40 : i32
        %mul3A_113 = arith.muli %scan3A_77, %mul3A_112 : i32
        %add3A_114 = arith.addi %mul3A_4, %mul3A_113 : i32
        %dma_wait3A_115 = arith.constant 0 : i32
        %dma_wait3A_116 = tpu.memref_slice %arg3[%add3A_114, %dma_wait3A_115] : memref<122880x64xi32, #tpu.memory_space<hbm>> -> memref<40x64xi32, #tpu.memory_space<hbm>>
        %dma_wait3A_117 = arith.constant 0 : i32
        %dma_wait3A_118 = tpu.memref_slice %arg3[%add3A_114, %dma_wait3A_117] : memref<122880x64xi32, #tpu.memory_space<hbm>> -> memref<40x64xi32, #tpu.memory_space<hbm>>
        tpu.wait_dma2 semaphore(%arg30 : memref<!tpu.dma_semaphore, #tpu.memory_space<semaphore_mem>>) src(%dma_wait3A_118 : memref<40x64xi32, #tpu.memory_space<hbm>>) dst(%arg21 : memref<40x64xi32, #tpu.memory_space<vmem>>)
        %scan3A_119 = arith.constant 0 : i32
        %scan3A_120 = arith.constant 0 : i32
        %scan3A_121 = arith.constant 40 : i32
        %scan3A_122 = arith.addi %scan3A_120, %scan3A_121 : i32
        %scan3A_123 = arith.constant 1 : i32
        scf.for %scan3A_125 = %scan3A_120 to %scan3A_122 step %scan3A_123  : i32 {
          %get3A = arith.index_cast %scan3A_125 : i32 to index
          %get3A_126 = arith.constant 0 : index
          %get3A_127 = tpu.vector_load %arg21[%get3A, %get3A_126] {strides = array<i32>} : memref<40x64xi32, #tpu.memory_space<vmem>>, vector<1x16xi32>,
          %get3A_128 = vector.shape_cast %get3A_127 : vector<1x16xi32> to vector<16xi32>
          %broadcast_in_dim3A = arith.constant 16 : i32
          %broadcast_in_dim3A_129 = vector.broadcast %broadcast_in_dim3A : i32 to vector<16xi32>
          %shift_left3A = arith.shli %get3A_128, %broadcast_in_dim3A_129 : vector<16xi32>
          %bitcast_convert_type3A = tpu.bitcast %shift_left3A : vector<16xi32> -> vector<16xf32>
          %broadcast_in_dim3A_130 = arith.constant -65536 : i32
          %broadcast_in_dim3A_131 = vector.broadcast %broadcast_in_dim3A_130 : i32 to vector<16xi32>
          %and3A = arith.andi %get3A_128, %broadcast_in_dim3A_131 : vector<16xi32>
          %bitcast_convert_type3A_132 = tpu.bitcast %and3A : vector<16xi32> -> vector<16xf32>
          %get3A_133 = arith.index_cast %scan3A_125 : i32 to index
          %get3A_134 = arith.constant 0 : index
          %get3A_135 = tpu.vector_load %arg17[%get3A_133, %get3A_134] {strides = array<i32>} : memref<40x128xf32, #tpu.memory_space<vmem>>, vector<1x16xf32>,
          %get3A_136 = vector.shape_cast %get3A_135 : vector<1x16xf32> to vector<16xf32>
          %mul3A_137 = arith.mulf %get3A_136, %bitcast_convert_type3A : vector<16xf32>
          %swap3A = arith.index_cast %scan3A_125 : i32 to index
          %swap3A_138 = arith.constant 0 : index
          %swap3A_139 = tpu.vector_load %arg17[%swap3A, %swap3A_138] {strides = array<i32>} : memref<40x128xf32, #tpu.memory_space<vmem>>, vector<1x16xf32>,
          %swap3A_140 = vector.shape_cast %swap3A_139 : vector<1x16xf32> to vector<16xf32>
          %swap3A_141 = vector.shape_cast %mul3A_137 : vector<16xf32> to vector<1x16xf32>
          tpu.vector_store %arg17[%swap3A, %swap3A_138], %swap3A_141 {strides = array<i32>} : memref<40x128xf32, #tpu.memory_space<vmem>>, vector<1x16xf32>,
          %get3A_142 = arith.index_cast %scan3A_125 : i32 to index
          %get3A_143 = arith.constant 64 : index
          %get3A_144 = tpu.vector_load %arg17[%get3A_142, %get3A_143] {strides = array<i32>} : memref<40x128xf32, #tpu.memory_space<vmem>>, vector<1x16xf32>,
          %get3A_145 = vector.shape_cast %get3A_144 : vector<1x16xf32> to vector<16xf32>
          %mul3A_146 = arith.mulf %get3A_145, %bitcast_convert_type3A_132 : vector<16xf32>
          %swap3A_147 = arith.index_cast %scan3A_125 : i32 to index
          %swap3A_148 = arith.constant 64 : index
          %swap3A_149 = tpu.vector_load %arg17[%swap3A_147, %swap3A_148] {strides = array<i32>} : memref<40x128xf32, #tpu.memory_space<vmem>>, vector<1x16xf32>,
          %swap3A_150 = vector.shape_cast %swap3A_149 : vector<1x16xf32> to vector<16xf32>
          %swap3A_151 = vector.shape_cast %mul3A_146 : vector<16xf32> to vector<1x16xf32>
          tpu.vector_store %arg17[%swap3A_147, %swap3A_148], %swap3A_151 {strides = array<i32>} : memref<40x128xf32, #tpu.memory_space<vmem>>, vector<1x16xf32>,
          %get3A_152 = arith.index_cast %scan3A_125 : i32 to index
          %get3A_153 = arith.constant 16 : index
          %get3A_154 = tpu.vector_load %arg21[%get3A_152, %get3A_153] {strides = array<i32>} : memref<40x64xi32, #tpu.memory_space<vmem>>, vector<1x16xi32>,
          %get3A_155 = vector.shape_cast %get3A_154 : vector<1x16xi32> to vector<16xi32>
          %broadcast_in_dim3A_156 = arith.constant 16 : i32
          %broadcast_in_dim3A_157 = vector.broadcast %broadcast_in_dim3A_156 : i32 to vector<16xi32>
          %shift_left3A_158 = arith.shli %get3A_155, %broadcast_in_dim3A_157 : vector<16xi32>
          %bitcast_convert_type3A_159 = tpu.bitcast %shift_left3A_158 : vector<16xi32> -> vector<16xf32>
          %broadcast_in_dim3A_160 = arith.constant -65536 : i32
          %broadcast_in_dim3A_161 = vector.broadcast %broadcast_in_dim3A_160 : i32 to vector<16xi32>
          %and3A_162 = arith.andi %get3A_155, %broadcast_in_dim3A_161 : vector<16xi32>
          %bitcast_convert_type3A_163 = tpu.bitcast %and3A_162 : vector<16xi32> -> vector<16xf32>
          %get3A_164 = arith.index_cast %scan3A_125 : i32 to index
          %get3A_165 = arith.constant 16 : index
          %get3A_166 = tpu.vector_load %arg17[%get3A_164, %get3A_165] {strides = array<i32>} : memref<40x128xf32, #tpu.memory_space<vmem>>, vector<1x16xf32>,
          %get3A_167 = vector.shape_cast %get3A_166 : vector<1x16xf32> to vector<16xf32>
          %mul3A_168 = arith.mulf %get3A_167, %bitcast_convert_type3A_159 : vector<16xf32>
          %swap3A_169 = arith.index_cast %scan3A_125 : i32 to index
          %swap3A_170 = arith.constant 16 : index
          %swap3A_171 = tpu.vector_load %arg17[%swap3A_169, %swap3A_170] {strides = array<i32>} : memref<40x128xf32, #tpu.memory_space<vmem>>, vector<1x16xf32>,
          %swap3A_172 = vector.shape_cast %swap3A_171 : vector<1x16xf32> to vector<16xf32>
          %swap3A_173 = vector.shape_cast %mul3A_168 : vector<16xf32> to vector<1x16xf32>
          tpu.vector_store %arg17[%swap3A_169, %swap3A_170], %swap3A_173 {strides = array<i32>} : memref<40x128xf32, #tpu.memory_space<vmem>>, vector<1x16xf32>,
          %get3A_174 = arith.index_cast %scan3A_125 : i32 to index
          %get3A_175 = arith.constant 80 : index
          %get3A_176 = tpu.vector_load %arg17[%get3A_174, %get3A_175] {strides = array<i32>} : memref<40x128xf32, #tpu.memory_space<vmem>>, vector<1x16xf32>,
          %get3A_177 = vector.shape_cast %get3A_176 : vector<1x16xf32> to vector<16xf32>
          %mul3A_178 = arith.mulf %get3A_177, %bitcast_convert_type3A_163 : vector<16xf32>
          %swap3A_179 = arith.index_cast %scan3A_125 : i32 to index
          %swap3A_180 = arith.constant 80 : index
          %swap3A_181 = tpu.vector_load %arg17[%swap3A_179, %swap3A_180] {strides = array<i32>} : memref<40x128xf32, #tpu.memory_space<vmem>>, vector<1x16xf32>,
          %swap3A_182 = vector.shape_cast %swap3A_181 : vector<1x16xf32> to vector<16xf32>
          %swap3A_183 = vector.shape_cast %mul3A_178 : vector<16xf32> to vector<1x16xf32>
          tpu.vector_store %arg17[%swap3A_179, %swap3A_180], %swap3A_183 {strides = array<i32>} : memref<40x128xf32, #tpu.memory_space<vmem>>, vector<1x16xf32>,
          %get3A_184 = arith.index_cast %scan3A_125 : i32 to index
          %get3A_185 = arith.constant 32 : index
          %get3A_186 = tpu.vector_load %arg21[%get3A_184, %get3A_185] {strides = array<i32>} : memref<40x64xi32, #tpu.memory_space<vmem>>, vector<1x16xi32>,
          %get3A_187 = vector.shape_cast %get3A_186 : vector<1x16xi32> to vector<16xi32>
          %broadcast_in_dim3A_188 = arith.constant 16 : i32
          %broadcast_in_dim3A_189 = vector.broadcast %broadcast_in_dim3A_188 : i32 to vector<16xi32>
          %shift_left3A_190 = arith.shli %get3A_187, %broadcast_in_dim3A_189 : vector<16xi32>
          %bitcast_convert_type3A_191 = tpu.bitcast %shift_left3A_190 : vector<16xi32> -> vector<16xf32>
          %broadcast_in_dim3A_192 = arith.constant -65536 : i32
          %broadcast_in_dim3A_193 = vector.broadcast %broadcast_in_dim3A_192 : i32 to vector<16xi32>
          %and3A_194 = arith.andi %get3A_187, %broadcast_in_dim3A_193 : vector<16xi32>
          %bitcast_convert_type3A_195 = tpu.bitcast %and3A_194 : vector<16xi32> -> vector<16xf32>
          %get3A_196 = arith.index_cast %scan3A_125 : i32 to index
          %get3A_197 = arith.constant 32 : index
          %get3A_198 = tpu.vector_load %arg17[%get3A_196, %get3A_197] {strides = array<i32>} : memref<40x128xf32, #tpu.memory_space<vmem>>, vector<1x16xf32>,
          %get3A_199 = vector.shape_cast %get3A_198 : vector<1x16xf32> to vector<16xf32>
          %mul3A_200 = arith.mulf %get3A_199, %bitcast_convert_type3A_191 : vector<16xf32>
          %swap3A_201 = arith.index_cast %scan3A_125 : i32 to index
          %swap3A_202 = arith.constant 32 : index
          %swap3A_203 = tpu.vector_load %arg17[%swap3A_201, %swap3A_202] {strides = array<i32>} : memref<40x128xf32, #tpu.memory_space<vmem>>, vector<1x16xf32>,
          %swap3A_204 = vector.shape_cast %swap3A_203 : vector<1x16xf32> to vector<16xf32>
          %swap3A_205 = vector.shape_cast %mul3A_200 : vector<16xf32> to vector<1x16xf32>
          tpu.vector_store %arg17[%swap3A_201, %swap3A_202], %swap3A_205 {strides = array<i32>} : memref<40x128xf32, #tpu.memory_space<vmem>>, vector<1x16xf32>,
          %get3A_206 = arith.index_cast %scan3A_125 : i32 to index
          %get3A_207 = arith.constant 96 : index
          %get3A_208 = tpu.vector_load %arg17[%get3A_206, %get3A_207] {strides = array<i32>} : memref<40x128xf32, #tpu.memory_space<vmem>>, vector<1x16xf32>,
          %get3A_209 = vector.shape_cast %get3A_208 : vector<1x16xf32> to vector<16xf32>
          %mul3A_210 = arith.mulf %get3A_209, %bitcast_convert_type3A_195 : vector<16xf32>
          %swap3A_211 = arith.index_cast %scan3A_125 : i32 to index
          %swap3A_212 = arith.constant 96 : index
          %swap3A_213 = tpu.vector_load %arg17[%swap3A_211, %swap3A_212] {strides = array<i32>} : memref<40x128xf32, #tpu.memory_space<vmem>>, vector<1x16xf32>,
          %swap3A_214 = vector.shape_cast %swap3A_213 : vector<1x16xf32> to vector<16xf32>
          %swap3A_215 = vector.shape_cast %mul3A_210 : vector<16xf32> to vector<1x16xf32>
          tpu.vector_store %arg17[%swap3A_211, %swap3A_212], %swap3A_215 {strides = array<i32>} : memref<40x128xf32, #tpu.memory_space<vmem>>, vector<1x16xf32>,
          %get3A_216 = arith.index_cast %scan3A_125 : i32 to index
          %get3A_217 = arith.constant 48 : index
          %get3A_218 = tpu.vector_load %arg21[%get3A_216, %get3A_217] {strides = array<i32>} : memref<40x64xi32, #tpu.memory_space<vmem>>, vector<1x16xi32>,
          %get3A_219 = vector.shape_cast %get3A_218 : vector<1x16xi32> to vector<16xi32>
          %broadcast_in_dim3A_220 = arith.constant 16 : i32
          %broadcast_in_dim3A_221 = vector.broadcast %broadcast_in_dim3A_220 : i32 to vector<16xi32>
          %shift_left3A_222 = arith.shli %get3A_219, %broadcast_in_dim3A_221 : vector<16xi32>
          %bitcast_convert_type3A_223 = tpu.bitcast %shift_left3A_222 : vector<16xi32> -> vector<16xf32>
          %broadcast_in_dim3A_224 = arith.constant -65536 : i32
          %broadcast_in_dim3A_225 = vector.broadcast %broadcast_in_dim3A_224 : i32 to vector<16xi32>
          %and3A_226 = arith.andi %get3A_219, %broadcast_in_dim3A_225 : vector<16xi32>
          %bitcast_convert_type3A_227 = tpu.bitcast %and3A_226 : vector<16xi32> -> vector<16xf32>
          %get3A_228 = arith.index_cast %scan3A_125 : i32 to index
          %get3A_229 = arith.constant 48 : index
          %get3A_230 = tpu.vector_load %arg17[%get3A_228, %get3A_229] {strides = array<i32>} : memref<40x128xf32, #tpu.memory_space<vmem>>, vector<1x16xf32>,
          %get3A_231 = vector.shape_cast %get3A_230 : vector<1x16xf32> to vector<16xf32>
          %mul3A_232 = arith.mulf %get3A_231, %bitcast_convert_type3A_223 : vector<16xf32>
          %swap3A_233 = arith.index_cast %scan3A_125 : i32 to index
          %swap3A_234 = arith.constant 48 : index
          %swap3A_235 = tpu.vector_load %arg17[%swap3A_233, %swap3A_234] {strides = array<i32>} : memref<40x128xf32, #tpu.memory_space<vmem>>, vector<1x16xf32>,
          %swap3A_236 = vector.shape_cast %swap3A_235 : vector<1x16xf32> to vector<16xf32>
          %swap3A_237 = vector.shape_cast %mul3A_232 : vector<16xf32> to vector<1x16xf32>
          tpu.vector_store %arg17[%swap3A_233, %swap3A_234], %swap3A_237 {strides = array<i32>} : memref<40x128xf32, #tpu.memory_space<vmem>>, vector<1x16xf32>,
          %get3A_238 = arith.index_cast %scan3A_125 : i32 to index
          %get3A_239 = arith.constant 112 : index
          %get3A_240 = tpu.vector_load %arg17[%get3A_238, %get3A_239] {strides = array<i32>} : memref<40x128xf32, #tpu.memory_space<vmem>>, vector<1x16xf32>,
          %get3A_241 = vector.shape_cast %get3A_240 : vector<1x16xf32> to vector<16xf32>
          %mul3A_242 = arith.mulf %get3A_241, %bitcast_convert_type3A_227 : vector<16xf32>
          %swap3A_243 = arith.index_cast %scan3A_125 : i32 to index
          %swap3A_244 = arith.constant 112 : index
          %swap3A_245 = tpu.vector_load %arg17[%swap3A_243, %swap3A_244] {strides = array<i32>} : memref<40x128xf32, #tpu.memory_space<vmem>>, vector<1x16xf32>,
          %swap3A_246 = vector.shape_cast %swap3A_245 : vector<1x16xf32> to vector<16xf32>
          %swap3A_247 = vector.shape_cast %mul3A_242 : vector<16xf32> to vector<1x16xf32>
          tpu.vector_store %arg17[%swap3A_243, %swap3A_244], %swap3A_247 {strides = array<i32>} : memref<40x128xf32, #tpu.memory_space<vmem>>, vector<1x16xf32>,
        }
        %scan3A_124 = arith.constant 40 : i32
        "tpu.region"() ({
          %run_scoped3A = tpu.sem_alloc : memref<!tpu.dma_semaphore, #tpu.memory_space<semaphore_mem>>
          %dma_start3A_125 = arith.constant 0 : i32
          %dma_start3A_126 = arith.constant 0 : i32
          %dma_start3A_127 = tpu.memref_slice %arg24[%dma_start3A_125, %dma_start3A_126] : memref<10240x128xf32, #tpu.memory_space<vmem_shared>> -> memref<10240x128xf32, #tpu.memory_space<vmem_shared>>
          tpu.enqueue_indirect_dma source(%arg17 : memref<40x128xf32, #tpu.memory_space<vmem>>) target(%dma_start3A_127 : memref<10240x128xf32, #tpu.memory_space<vmem_shared>>) offsets(%arg13 : memref<40xi32, #tpu.memory_space<vmem>>) semaphore(%run_scoped3A : memref<!tpu.dma_semaphore, #tpu.memory_space<semaphore_mem>>) {add = true}
          %dma_wait3A_128 = arith.constant 0 : i32
          %dma_wait3A_129 = arith.constant 0 : i32
          %dma_wait3A_130 = tpu.memref_slice %arg24[%dma_wait3A_128, %dma_wait3A_129] : memref<10240x128xf32, #tpu.memory_space<vmem_shared>> -> memref<10240x128xf32, #tpu.memory_space<vmem_shared>>
          tpu.wait_indirect_dma semaphore(%run_scoped3A : memref<!tpu.dma_semaphore, #tpu.memory_space<semaphore_mem>>) src(%arg17 : memref<40x128xf32, #tpu.memory_space<vmem>>) dst(%dma_wait3A_130 : memref<10240x128xf32, #tpu.memory_space<vmem_shared>>)
          tpu.yield
        }) : () -> ()
      } else {
      }
      %eq3A_92 = arith.constant 2 : i32
      %eq3A_93 = arith.cmpi eq, %rem3A_82, %eq3A_92 : i32
      %convert_element_type3A_94 = arith.extui %eq3A_93 : i1 to i32
      %cond3A_95 = arith.constant 0 : i32
      %cond3A_96 = arith.cmpi ne, %convert_element_type3A_94, %cond3A_95 : i32
      scf.if %cond3A_96 {
        %dma_wait3A_109 = arith.constant 0 : i32
        %dma_wait3A_110 = arith.constant 0 : i32
        %dma_wait3A_111 = tpu.memref_slice %arg2[%dma_wait3A_109, %dma_wait3A_110] : memref<10000x128xf32, #tpu.memory_space<hbm>> -> memref<10000x128xf32, #tpu.memory_space<hbm>>
        tpu.wait_indirect_dma semaphore(%arg31 : memref<!tpu.dma_semaphore, #tpu.memory_space<semaphore_mem>>) src(%dma_wait3A_111 : memref<10000x128xf32, #tpu.memory_space<hbm>>) dst(%arg18 : memref<40x128xf32, #tpu.memory_space<vmem>>)
        %mul3A_112 = arith.constant 40 : i32
        %mul3A_113 = arith.muli %scan3A_77, %mul3A_112 : i32
        %add3A_114 = arith.addi %mul3A_4, %mul3A_113 : i32
        %dma_wait3A_115 = arith.constant 0 : i32
        %dma_wait3A_116 = tpu.memref_slice %arg3[%add3A_114, %dma_wait3A_115] : memref<122880x64xi32, #tpu.memory_space<hbm>> -> memref<40x64xi32, #tpu.memory_space<hbm>>
        %dma_wait3A_117 = arith.constant 0 : i32
        %dma_wait3A_118 = tpu.memref_slice %arg3[%add3A_114, %dma_wait3A_117] : memref<122880x64xi32, #tpu.memory_space<hbm>> -> memref<40x64xi32, #tpu.memory_space<hbm>>
        tpu.wait_dma2 semaphore(%arg31 : memref<!tpu.dma_semaphore, #tpu.memory_space<semaphore_mem>>) src(%dma_wait3A_118 : memref<40x64xi32, #tpu.memory_space<hbm>>) dst(%arg22 : memref<40x64xi32, #tpu.memory_space<vmem>>)
        %scan3A_119 = arith.constant 0 : i32
        %scan3A_120 = arith.constant 0 : i32
        %scan3A_121 = arith.constant 40 : i32
        %scan3A_122 = arith.addi %scan3A_120, %scan3A_121 : i32
        %scan3A_123 = arith.constant 1 : i32
        scf.for %scan3A_125 = %scan3A_120 to %scan3A_122 step %scan3A_123  : i32 {
          %get3A = arith.index_cast %scan3A_125 : i32 to index
          %get3A_126 = arith.constant 0 : index
          %get3A_127 = tpu.vector_load %arg22[%get3A, %get3A_126] {strides = array<i32>} : memref<40x64xi32, #tpu.memory_space<vmem>>, vector<1x16xi32>,
          %get3A_128 = vector.shape_cast %get3A_127 : vector<1x16xi32> to vector<16xi32>
          %broadcast_in_dim3A = arith.constant 16 : i32
          %broadcast_in_dim3A_129 = vector.broadcast %broadcast_in_dim3A : i32 to vector<16xi32>
          %shift_left3A = arith.shli %get3A_128, %broadcast_in_dim3A_129 : vector<16xi32>
          %bitcast_convert_type3A = tpu.bitcast %shift_left3A : vector<16xi32> -> vector<16xf32>
          %broadcast_in_dim3A_130 = arith.constant -65536 : i32
          %broadcast_in_dim3A_131 = vector.broadcast %broadcast_in_dim3A_130 : i32 to vector<16xi32>
          %and3A = arith.andi %get3A_128, %broadcast_in_dim3A_131 : vector<16xi32>
          %bitcast_convert_type3A_132 = tpu.bitcast %and3A : vector<16xi32> -> vector<16xf32>
          %get3A_133 = arith.index_cast %scan3A_125 : i32 to index
          %get3A_134 = arith.constant 0 : index
          %get3A_135 = tpu.vector_load %arg18[%get3A_133, %get3A_134] {strides = array<i32>} : memref<40x128xf32, #tpu.memory_space<vmem>>, vector<1x16xf32>,
          %get3A_136 = vector.shape_cast %get3A_135 : vector<1x16xf32> to vector<16xf32>
          %mul3A_137 = arith.mulf %get3A_136, %bitcast_convert_type3A : vector<16xf32>
          %swap3A = arith.index_cast %scan3A_125 : i32 to index
          %swap3A_138 = arith.constant 0 : index
          %swap3A_139 = tpu.vector_load %arg18[%swap3A, %swap3A_138] {strides = array<i32>} : memref<40x128xf32, #tpu.memory_space<vmem>>, vector<1x16xf32>,
          %swap3A_140 = vector.shape_cast %swap3A_139 : vector<1x16xf32> to vector<16xf32>
          %swap3A_141 = vector.shape_cast %mul3A_137 : vector<16xf32> to vector<1x16xf32>
          tpu.vector_store %arg18[%swap3A, %swap3A_138], %swap3A_141 {strides = array<i32>} : memref<40x128xf32, #tpu.memory_space<vmem>>, vector<1x16xf32>,
          %get3A_142 = arith.index_cast %scan3A_125 : i32 to index
          %get3A_143 = arith.constant 64 : index
          %get3A_144 = tpu.vector_load %arg18[%get3A_142, %get3A_143] {strides = array<i32>} : memref<40x128xf32, #tpu.memory_space<vmem>>, vector<1x16xf32>,
          %get3A_145 = vector.shape_cast %get3A_144 : vector<1x16xf32> to vector<16xf32>
          %mul3A_146 = arith.mulf %get3A_145, %bitcast_convert_type3A_132 : vector<16xf32>
          %swap3A_147 = arith.index_cast %scan3A_125 : i32 to index
          %swap3A_148 = arith.constant 64 : index
          %swap3A_149 = tpu.vector_load %arg18[%swap3A_147, %swap3A_148] {strides = array<i32>} : memref<40x128xf32, #tpu.memory_space<vmem>>, vector<1x16xf32>,
          %swap3A_150 = vector.shape_cast %swap3A_149 : vector<1x16xf32> to vector<16xf32>
          %swap3A_151 = vector.shape_cast %mul3A_146 : vector<16xf32> to vector<1x16xf32>
          tpu.vector_store %arg18[%swap3A_147, %swap3A_148], %swap3A_151 {strides = array<i32>} : memref<40x128xf32, #tpu.memory_space<vmem>>, vector<1x16xf32>,
          %get3A_152 = arith.index_cast %scan3A_125 : i32 to index
          %get3A_153 = arith.constant 16 : index
          %get3A_154 = tpu.vector_load %arg22[%get3A_152, %get3A_153] {strides = array<i32>} : memref<40x64xi32, #tpu.memory_space<vmem>>, vector<1x16xi32>,
          %get3A_155 = vector.shape_cast %get3A_154 : vector<1x16xi32> to vector<16xi32>
          %broadcast_in_dim3A_156 = arith.constant 16 : i32
          %broadcast_in_dim3A_157 = vector.broadcast %broadcast_in_dim3A_156 : i32 to vector<16xi32>
          %shift_left3A_158 = arith.shli %get3A_155, %broadcast_in_dim3A_157 : vector<16xi32>
          %bitcast_convert_type3A_159 = tpu.bitcast %shift_left3A_158 : vector<16xi32> -> vector<16xf32>
          %broadcast_in_dim3A_160 = arith.constant -65536 : i32
          %broadcast_in_dim3A_161 = vector.broadcast %broadcast_in_dim3A_160 : i32 to vector<16xi32>
          %and3A_162 = arith.andi %get3A_155, %broadcast_in_dim3A_161 : vector<16xi32>
          %bitcast_convert_type3A_163 = tpu.bitcast %and3A_162 : vector<16xi32> -> vector<16xf32>
          %get3A_164 = arith.index_cast %scan3A_125 : i32 to index
          %get3A_165 = arith.constant 16 : index
          %get3A_166 = tpu.vector_load %arg18[%get3A_164, %get3A_165] {strides = array<i32>} : memref<40x128xf32, #tpu.memory_space<vmem>>, vector<1x16xf32>,
          %get3A_167 = vector.shape_cast %get3A_166 : vector<1x16xf32> to vector<16xf32>
          %mul3A_168 = arith.mulf %get3A_167, %bitcast_convert_type3A_159 : vector<16xf32>
          %swap3A_169 = arith.index_cast %scan3A_125 : i32 to index
          %swap3A_170 = arith.constant 16 : index
          %swap3A_171 = tpu.vector_load %arg18[%swap3A_169, %swap3A_170] {strides = array<i32>} : memref<40x128xf32, #tpu.memory_space<vmem>>, vector<1x16xf32>,
          %swap3A_172 = vector.shape_cast %swap3A_171 : vector<1x16xf32> to vector<16xf32>
          %swap3A_173 = vector.shape_cast %mul3A_168 : vector<16xf32> to vector<1x16xf32>
          tpu.vector_store %arg18[%swap3A_169, %swap3A_170], %swap3A_173 {strides = array<i32>} : memref<40x128xf32, #tpu.memory_space<vmem>>, vector<1x16xf32>,
          %get3A_174 = arith.index_cast %scan3A_125 : i32 to index
          %get3A_175 = arith.constant 80 : index
          %get3A_176 = tpu.vector_load %arg18[%get3A_174, %get3A_175] {strides = array<i32>} : memref<40x128xf32, #tpu.memory_space<vmem>>, vector<1x16xf32>,
          %get3A_177 = vector.shape_cast %get3A_176 : vector<1x16xf32> to vector<16xf32>
          %mul3A_178 = arith.mulf %get3A_177, %bitcast_convert_type3A_163 : vector<16xf32>
          %swap3A_179 = arith.index_cast %scan3A_125 : i32 to index
          %swap3A_180 = arith.constant 80 : index
          %swap3A_181 = tpu.vector_load %arg18[%swap3A_179, %swap3A_180] {strides = array<i32>} : memref<40x128xf32, #tpu.memory_space<vmem>>, vector<1x16xf32>,
          %swap3A_182 = vector.shape_cast %swap3A_181 : vector<1x16xf32> to vector<16xf32>
          %swap3A_183 = vector.shape_cast %mul3A_178 : vector<16xf32> to vector<1x16xf32>
          tpu.vector_store %arg18[%swap3A_179, %swap3A_180], %swap3A_183 {strides = array<i32>} : memref<40x128xf32, #tpu.memory_space<vmem>>, vector<1x16xf32>,
          %get3A_184 = arith.index_cast %scan3A_125 : i32 to index
          %get3A_185 = arith.constant 32 : index
          %get3A_186 = tpu.vector_load %arg22[%get3A_184, %get3A_185] {strides = array<i32>} : memref<40x64xi32, #tpu.memory_space<vmem>>, vector<1x16xi32>,
          %get3A_187 = vector.shape_cast %get3A_186 : vector<1x16xi32> to vector<16xi32>
          %broadcast_in_dim3A_188 = arith.constant 16 : i32
          %broadcast_in_dim3A_189 = vector.broadcast %broadcast_in_dim3A_188 : i32 to vector<16xi32>
          %shift_left3A_190 = arith.shli %get3A_187, %broadcast_in_dim3A_189 : vector<16xi32>
          %bitcast_convert_type3A_191 = tpu.bitcast %shift_left3A_190 : vector<16xi32> -> vector<16xf32>
          %broadcast_in_dim3A_192 = arith.constant -65536 : i32
          %broadcast_in_dim3A_193 = vector.broadcast %broadcast_in_dim3A_192 : i32 to vector<16xi32>
          %and3A_194 = arith.andi %get3A_187, %broadcast_in_dim3A_193 : vector<16xi32>
          %bitcast_convert_type3A_195 = tpu.bitcast %and3A_194 : vector<16xi32> -> vector<16xf32>
          %get3A_196 = arith.index_cast %scan3A_125 : i32 to index
          %get3A_197 = arith.constant 32 : index
          %get3A_198 = tpu.vector_load %arg18[%get3A_196, %get3A_197] {strides = array<i32>} : memref<40x128xf32, #tpu.memory_space<vmem>>, vector<1x16xf32>,
          %get3A_199 = vector.shape_cast %get3A_198 : vector<1x16xf32> to vector<16xf32>
          %mul3A_200 = arith.mulf %get3A_199, %bitcast_convert_type3A_191 : vector<16xf32>
          %swap3A_201 = arith.index_cast %scan3A_125 : i32 to index
          %swap3A_202 = arith.constant 32 : index
          %swap3A_203 = tpu.vector_load %arg18[%swap3A_201, %swap3A_202] {strides = array<i32>} : memref<40x128xf32, #tpu.memory_space<vmem>>, vector<1x16xf32>,
          %swap3A_204 = vector.shape_cast %swap3A_203 : vector<1x16xf32> to vector<16xf32>
          %swap3A_205 = vector.shape_cast %mul3A_200 : vector<16xf32> to vector<1x16xf32>
          tpu.vector_store %arg18[%swap3A_201, %swap3A_202], %swap3A_205 {strides = array<i32>} : memref<40x128xf32, #tpu.memory_space<vmem>>, vector<1x16xf32>,
          %get3A_206 = arith.index_cast %scan3A_125 : i32 to index
          %get3A_207 = arith.constant 96 : index
          %get3A_208 = tpu.vector_load %arg18[%get3A_206, %get3A_207] {strides = array<i32>} : memref<40x128xf32, #tpu.memory_space<vmem>>, vector<1x16xf32>,
          %get3A_209 = vector.shape_cast %get3A_208 : vector<1x16xf32> to vector<16xf32>
          %mul3A_210 = arith.mulf %get3A_209, %bitcast_convert_type3A_195 : vector<16xf32>
          %swap3A_211 = arith.index_cast %scan3A_125 : i32 to index
          %swap3A_212 = arith.constant 96 : index
          %swap3A_213 = tpu.vector_load %arg18[%swap3A_211, %swap3A_212] {strides = array<i32>} : memref<40x128xf32, #tpu.memory_space<vmem>>, vector<1x16xf32>,
          %swap3A_214 = vector.shape_cast %swap3A_213 : vector<1x16xf32> to vector<16xf32>
          %swap3A_215 = vector.shape_cast %mul3A_210 : vector<16xf32> to vector<1x16xf32>
          tpu.vector_store %arg18[%swap3A_211, %swap3A_212], %swap3A_215 {strides = array<i32>} : memref<40x128xf32, #tpu.memory_space<vmem>>, vector<1x16xf32>,
          %get3A_216 = arith.index_cast %scan3A_125 : i32 to index
          %get3A_217 = arith.constant 48 : index
          %get3A_218 = tpu.vector_load %arg22[%get3A_216, %get3A_217] {strides = array<i32>} : memref<40x64xi32, #tpu.memory_space<vmem>>, vector<1x16xi32>,
          %get3A_219 = vector.shape_cast %get3A_218 : vector<1x16xi32> to vector<16xi32>
          %broadcast_in_dim3A_220 = arith.constant 16 : i32
          %broadcast_in_dim3A_221 = vector.broadcast %broadcast_in_dim3A_220 : i32 to vector<16xi32>
          %shift_left3A_222 = arith.shli %get3A_219, %broadcast_in_dim3A_221 : vector<16xi32>
          %bitcast_convert_type3A_223 = tpu.bitcast %shift_left3A_222 : vector<16xi32> -> vector<16xf32>
          %broadcast_in_dim3A_224 = arith.constant -65536 : i32
          %broadcast_in_dim3A_225 = vector.broadcast %broadcast_in_dim3A_224 : i32 to vector<16xi32>
          %and3A_226 = arith.andi %get3A_219, %broadcast_in_dim3A_225 : vector<16xi32>
          %bitcast_convert_type3A_227 = tpu.bitcast %and3A_226 : vector<16xi32> -> vector<16xf32>
          %get3A_228 = arith.index_cast %scan3A_125 : i32 to index
          %get3A_229 = arith.constant 48 : index
          %get3A_230 = tpu.vector_load %arg18[%get3A_228, %get3A_229] {strides = array<i32>} : memref<40x128xf32, #tpu.memory_space<vmem>>, vector<1x16xf32>,
          %get3A_231 = vector.shape_cast %get3A_230 : vector<1x16xf32> to vector<16xf32>
          %mul3A_232 = arith.mulf %get3A_231, %bitcast_convert_type3A_223 : vector<16xf32>
          %swap3A_233 = arith.index_cast %scan3A_125 : i32 to index
          %swap3A_234 = arith.constant 48 : index
          %swap3A_235 = tpu.vector_load %arg18[%swap3A_233, %swap3A_234] {strides = array<i32>} : memref<40x128xf32, #tpu.memory_space<vmem>>, vector<1x16xf32>,
          %swap3A_236 = vector.shape_cast %swap3A_235 : vector<1x16xf32> to vector<16xf32>
          %swap3A_237 = vector.shape_cast %mul3A_232 : vector<16xf32> to vector<1x16xf32>
          tpu.vector_store %arg18[%swap3A_233, %swap3A_234], %swap3A_237 {strides = array<i32>} : memref<40x128xf32, #tpu.memory_space<vmem>>, vector<1x16xf32>,
          %get3A_238 = arith.index_cast %scan3A_125 : i32 to index
          %get3A_239 = arith.constant 112 : index
          %get3A_240 = tpu.vector_load %arg18[%get3A_238, %get3A_239] {strides = array<i32>} : memref<40x128xf32, #tpu.memory_space<vmem>>, vector<1x16xf32>,
          %get3A_241 = vector.shape_cast %get3A_240 : vector<1x16xf32> to vector<16xf32>
          %mul3A_242 = arith.mulf %get3A_241, %bitcast_convert_type3A_227 : vector<16xf32>
          %swap3A_243 = arith.index_cast %scan3A_125 : i32 to index
          %swap3A_244 = arith.constant 112 : index
          %swap3A_245 = tpu.vector_load %arg18[%swap3A_243, %swap3A_244] {strides = array<i32>} : memref<40x128xf32, #tpu.memory_space<vmem>>, vector<1x16xf32>,
          %swap3A_246 = vector.shape_cast %swap3A_245 : vector<1x16xf32> to vector<16xf32>
          %swap3A_247 = vector.shape_cast %mul3A_242 : vector<16xf32> to vector<1x16xf32>
          tpu.vector_store %arg18[%swap3A_243, %swap3A_244], %swap3A_247 {strides = array<i32>} : memref<40x128xf32, #tpu.memory_space<vmem>>, vector<1x16xf32>,
        }
        %scan3A_124 = arith.constant 40 : i32
        "tpu.region"() ({
          %run_scoped3A = tpu.sem_alloc : memref<!tpu.dma_semaphore, #tpu.memory_space<semaphore_mem>>
          %dma_start3A_125 = arith.constant 0 : i32
          %dma_start3A_126 = arith.constant 0 : i32
          %dma_start3A_127 = tpu.memref_slice %arg24[%dma_start3A_125, %dma_start3A_126] : memref<10240x128xf32, #tpu.memory_space<vmem_shared>> -> memref<10240x128xf32, #tpu.memory_space<vmem_shared>>
          tpu.enqueue_indirect_dma source(%arg18 : memref<40x128xf32, #tpu.memory_space<vmem>>) target(%dma_start3A_127 : memref<10240x128xf32, #tpu.memory_space<vmem_shared>>) offsets(%arg14 : memref<40xi32, #tpu.memory_space<vmem>>) semaphore(%run_scoped3A : memref<!tpu.dma_semaphore, #tpu.memory_space<semaphore_mem>>) {add = true}
          %dma_wait3A_128 = arith.constant 0 : i32
          %dma_wait3A_129 = arith.constant 0 : i32
          %dma_wait3A_130 = tpu.memref_slice %arg24[%dma_wait3A_128, %dma_wait3A_129] : memref<10240x128xf32, #tpu.memory_space<vmem_shared>> -> memref<10240x128xf32, #tpu.memory_space<vmem_shared>>
          tpu.wait_indirect_dma semaphore(%run_scoped3A : memref<!tpu.dma_semaphore, #tpu.memory_space<semaphore_mem>>) src(%arg18 : memref<40x128xf32, #tpu.memory_space<vmem>>) dst(%dma_wait3A_130 : memref<10240x128xf32, #tpu.memory_space<vmem_shared>>)
          tpu.yield
        }) : () -> ()
      } else {
      }
      %eq3A_97 = arith.constant 3 : i32
      %eq3A_98 = arith.cmpi eq, %rem3A_82, %eq3A_97 : i32
      %convert_element_type3A_99 = arith.extui %eq3A_98 : i1 to i32
      %cond3A_100 = arith.constant 0 : i32
      %cond3A_101 = arith.cmpi ne, %convert_element_type3A_99, %cond3A_100 : i32
      scf.if %cond3A_101 {
        %dma_wait3A_109 = arith.constant 0 : i32
        %dma_wait3A_110 = arith.constant 0 : i32
        %dma_wait3A_111 = tpu.memref_slice %arg2[%dma_wait3A_109, %dma_wait3A_110] : memref<10000x128xf32, #tpu.memory_space<hbm>> -> memref<10000x128xf32, #tpu.memory_space<hbm>>
        tpu.wait_indirect_dma semaphore(%arg32 : memref<!tpu.dma_semaphore, #tpu.memory_space<semaphore_mem>>) src(%dma_wait3A_111 : memref<10000x128xf32, #tpu.memory_space<hbm>>) dst(%arg19 : memref<40x128xf32, #tpu.memory_space<vmem>>)
        %mul3A_112 = arith.constant 40 : i32
        %mul3A_113 = arith.muli %scan3A_77, %mul3A_112 : i32
        %add3A_114 = arith.addi %mul3A_4, %mul3A_113 : i32
        %dma_wait3A_115 = arith.constant 0 : i32
        %dma_wait3A_116 = tpu.memref_slice %arg3[%add3A_114, %dma_wait3A_115] : memref<122880x64xi32, #tpu.memory_space<hbm>> -> memref<40x64xi32, #tpu.memory_space<hbm>>
        %dma_wait3A_117 = arith.constant 0 : i32
        %dma_wait3A_118 = tpu.memref_slice %arg3[%add3A_114, %dma_wait3A_117] : memref<122880x64xi32, #tpu.memory_space<hbm>> -> memref<40x64xi32, #tpu.memory_space<hbm>>
        tpu.wait_dma2 semaphore(%arg32 : memref<!tpu.dma_semaphore, #tpu.memory_space<semaphore_mem>>) src(%dma_wait3A_118 : memref<40x64xi32, #tpu.memory_space<hbm>>) dst(%arg23 : memref<40x64xi32, #tpu.memory_space<vmem>>)
        %scan3A_119 = arith.constant 0 : i32
        %scan3A_120 = arith.constant 0 : i32
        %scan3A_121 = arith.constant 40 : i32
        %scan3A_122 = arith.addi %scan3A_120, %scan3A_121 : i32
        %scan3A_123 = arith.constant 1 : i32
        scf.for %scan3A_125 = %scan3A_120 to %scan3A_122 step %scan3A_123  : i32 {
          %get3A = arith.index_cast %scan3A_125 : i32 to index
          %get3A_126 = arith.constant 0 : index
          %get3A_127 = tpu.vector_load %arg23[%get3A, %get3A_126] {strides = array<i32>} : memref<40x64xi32, #tpu.memory_space<vmem>>, vector<1x16xi32>,
          %get3A_128 = vector.shape_cast %get3A_127 : vector<1x16xi32> to vector<16xi32>
          %broadcast_in_dim3A = arith.constant 16 : i32
          %broadcast_in_dim3A_129 = vector.broadcast %broadcast_in_dim3A : i32 to vector<16xi32>
          %shift_left3A = arith.shli %get3A_128, %broadcast_in_dim3A_129 : vector<16xi32>
          %bitcast_convert_type3A = tpu.bitcast %shift_left3A : vector<16xi32> -> vector<16xf32>
          %broadcast_in_dim3A_130 = arith.constant -65536 : i32
          %broadcast_in_dim3A_131 = vector.broadcast %broadcast_in_dim3A_130 : i32 to vector<16xi32>
          %and3A = arith.andi %get3A_128, %broadcast_in_dim3A_131 : vector<16xi32>
          %bitcast_convert_type3A_132 = tpu.bitcast %and3A : vector<16xi32> -> vector<16xf32>
          %get3A_133 = arith.index_cast %scan3A_125 : i32 to index
          %get3A_134 = arith.constant 0 : index
          %get3A_135 = tpu.vector_load %arg19[%get3A_133, %get3A_134] {strides = array<i32>} : memref<40x128xf32, #tpu.memory_space<vmem>>, vector<1x16xf32>,
          %get3A_136 = vector.shape_cast %get3A_135 : vector<1x16xf32> to vector<16xf32>
          %mul3A_137 = arith.mulf %get3A_136, %bitcast_convert_type3A : vector<16xf32>
          %swap3A = arith.index_cast %scan3A_125 : i32 to index
          %swap3A_138 = arith.constant 0 : index
          %swap3A_139 = tpu.vector_load %arg19[%swap3A, %swap3A_138] {strides = array<i32>} : memref<40x128xf32, #tpu.memory_space<vmem>>, vector<1x16xf32>,
          %swap3A_140 = vector.shape_cast %swap3A_139 : vector<1x16xf32> to vector<16xf32>
          %swap3A_141 = vector.shape_cast %mul3A_137 : vector<16xf32> to vector<1x16xf32>
          tpu.vector_store %arg19[%swap3A, %swap3A_138], %swap3A_141 {strides = array<i32>} : memref<40x128xf32, #tpu.memory_space<vmem>>, vector<1x16xf32>,
          %get3A_142 = arith.index_cast %scan3A_125 : i32 to index
          %get3A_143 = arith.constant 64 : index
          %get3A_144 = tpu.vector_load %arg19[%get3A_142, %get3A_143] {strides = array<i32>} : memref<40x128xf32, #tpu.memory_space<vmem>>, vector<1x16xf32>,
          %get3A_145 = vector.shape_cast %get3A_144 : vector<1x16xf32> to vector<16xf32>
          %mul3A_146 = arith.mulf %get3A_145, %bitcast_convert_type3A_132 : vector<16xf32>
          %swap3A_147 = arith.index_cast %scan3A_125 : i32 to index
          %swap3A_148 = arith.constant 64 : index
          %swap3A_149 = tpu.vector_load %arg19[%swap3A_147, %swap3A_148] {strides = array<i32>} : memref<40x128xf32, #tpu.memory_space<vmem>>, vector<1x16xf32>,
          %swap3A_150 = vector.shape_cast %swap3A_149 : vector<1x16xf32> to vector<16xf32>
          %swap3A_151 = vector.shape_cast %mul3A_146 : vector<16xf32> to vector<1x16xf32>
          tpu.vector_store %arg19[%swap3A_147, %swap3A_148], %swap3A_151 {strides = array<i32>} : memref<40x128xf32, #tpu.memory_space<vmem>>, vector<1x16xf32>,
          %get3A_152 = arith.index_cast %scan3A_125 : i32 to index
          %get3A_153 = arith.constant 16 : index
          %get3A_154 = tpu.vector_load %arg23[%get3A_152, %get3A_153] {strides = array<i32>} : memref<40x64xi32, #tpu.memory_space<vmem>>, vector<1x16xi32>,
          %get3A_155 = vector.shape_cast %get3A_154 : vector<1x16xi32> to vector<16xi32>
          %broadcast_in_dim3A_156 = arith.constant 16 : i32
          %broadcast_in_dim3A_157 = vector.broadcast %broadcast_in_dim3A_156 : i32 to vector<16xi32>
          %shift_left3A_158 = arith.shli %get3A_155, %broadcast_in_dim3A_157 : vector<16xi32>
          %bitcast_convert_type3A_159 = tpu.bitcast %shift_left3A_158 : vector<16xi32> -> vector<16xf32>
          %broadcast_in_dim3A_160 = arith.constant -65536 : i32
          %broadcast_in_dim3A_161 = vector.broadcast %broadcast_in_dim3A_160 : i32 to vector<16xi32>
          %and3A_162 = arith.andi %get3A_155, %broadcast_in_dim3A_161 : vector<16xi32>
          %bitcast_convert_type3A_163 = tpu.bitcast %and3A_162 : vector<16xi32> -> vector<16xf32>
          %get3A_164 = arith.index_cast %scan3A_125 : i32 to index
          %get3A_165 = arith.constant 16 : index
          %get3A_166 = tpu.vector_load %arg19[%get3A_164, %get3A_165] {strides = array<i32>} : memref<40x128xf32, #tpu.memory_space<vmem>>, vector<1x16xf32>,
          %get3A_167 = vector.shape_cast %get3A_166 : vector<1x16xf32> to vector<16xf32>
          %mul3A_168 = arith.mulf %get3A_167, %bitcast_convert_type3A_159 : vector<16xf32>
          %swap3A_169 = arith.index_cast %scan3A_125 : i32 to index
          %swap3A_170 = arith.constant 16 : index
          %swap3A_171 = tpu.vector_load %arg19[%swap3A_169, %swap3A_170] {strides = array<i32>} : memref<40x128xf32, #tpu.memory_space<vmem>>, vector<1x16xf32>,
          %swap3A_172 = vector.shape_cast %swap3A_171 : vector<1x16xf32> to vector<16xf32>
          %swap3A_173 = vector.shape_cast %mul3A_168 : vector<16xf32> to vector<1x16xf32>
          tpu.vector_store %arg19[%swap3A_169, %swap3A_170], %swap3A_173 {strides = array<i32>} : memref<40x128xf32, #tpu.memory_space<vmem>>, vector<1x16xf32>,
          %get3A_174 = arith.index_cast %scan3A_125 : i32 to index
          %get3A_175 = arith.constant 80 : index
          %get3A_176 = tpu.vector_load %arg19[%get3A_174, %get3A_175] {strides = array<i32>} : memref<40x128xf32, #tpu.memory_space<vmem>>, vector<1x16xf32>,
          %get3A_177 = vector.shape_cast %get3A_176 : vector<1x16xf32> to vector<16xf32>
          %mul3A_178 = arith.mulf %get3A_177, %bitcast_convert_type3A_163 : vector<16xf32>
          %swap3A_179 = arith.index_cast %scan3A_125 : i32 to index
          %swap3A_180 = arith.constant 80 : index
          %swap3A_181 = tpu.vector_load %arg19[%swap3A_179, %swap3A_180] {strides = array<i32>} : memref<40x128xf32, #tpu.memory_space<vmem>>, vector<1x16xf32>,
          %swap3A_182 = vector.shape_cast %swap3A_181 : vector<1x16xf32> to vector<16xf32>
          %swap3A_183 = vector.shape_cast %mul3A_178 : vector<16xf32> to vector<1x16xf32>
          tpu.vector_store %arg19[%swap3A_179, %swap3A_180], %swap3A_183 {strides = array<i32>} : memref<40x128xf32, #tpu.memory_space<vmem>>, vector<1x16xf32>,
          %get3A_184 = arith.index_cast %scan3A_125 : i32 to index
          %get3A_185 = arith.constant 32 : index
          %get3A_186 = tpu.vector_load %arg23[%get3A_184, %get3A_185] {strides = array<i32>} : memref<40x64xi32, #tpu.memory_space<vmem>>, vector<1x16xi32>,
          %get3A_187 = vector.shape_cast %get3A_186 : vector<1x16xi32> to vector<16xi32>
          %broadcast_in_dim3A_188 = arith.constant 16 : i32
          %broadcast_in_dim3A_189 = vector.broadcast %broadcast_in_dim3A_188 : i32 to vector<16xi32>
          %shift_left3A_190 = arith.shli %get3A_187, %broadcast_in_dim3A_189 : vector<16xi32>
          %bitcast_convert_type3A_191 = tpu.bitcast %shift_left3A_190 : vector<16xi32> -> vector<16xf32>
          %broadcast_in_dim3A_192 = arith.constant -65536 : i32
          %broadcast_in_dim3A_193 = vector.broadcast %broadcast_in_dim3A_192 : i32 to vector<16xi32>
          %and3A_194 = arith.andi %get3A_187, %broadcast_in_dim3A_193 : vector<16xi32>
          %bitcast_convert_type3A_195 = tpu.bitcast %and3A_194 : vector<16xi32> -> vector<16xf32>
          %get3A_196 = arith.index_cast %scan3A_125 : i32 to index
          %get3A_197 = arith.constant 32 : index
          %get3A_198 = tpu.vector_load %arg19[%get3A_196, %get3A_197] {strides = array<i32>} : memref<40x128xf32, #tpu.memory_space<vmem>>, vector<1x16xf32>,
          %get3A_199 = vector.shape_cast %get3A_198 : vector<1x16xf32> to vector<16xf32>
          %mul3A_200 = arith.mulf %get3A_199, %bitcast_convert_type3A_191 : vector<16xf32>
          %swap3A_201 = arith.index_cast %scan3A_125 : i32 to index
          %swap3A_202 = arith.constant 32 : index
          %swap3A_203 = tpu.vector_load %arg19[%swap3A_201, %swap3A_202] {strides = array<i32>} : memref<40x128xf32, #tpu.memory_space<vmem>>, vector<1x16xf32>,
          %swap3A_204 = vector.shape_cast %swap3A_203 : vector<1x16xf32> to vector<16xf32>
          %swap3A_205 = vector.shape_cast %mul3A_200 : vector<16xf32> to vector<1x16xf32>
          tpu.vector_store %arg19[%swap3A_201, %swap3A_202], %swap3A_205 {strides = array<i32>} : memref<40x128xf32, #tpu.memory_space<vmem>>, vector<1x16xf32>,
          %get3A_206 = arith.index_cast %scan3A_125 : i32 to index
          %get3A_207 = arith.constant 96 : index
          %get3A_208 = tpu.vector_load %arg19[%get3A_206, %get3A_207] {strides = array<i32>} : memref<40x128xf32, #tpu.memory_space<vmem>>, vector<1x16xf32>,
          %get3A_209 = vector.shape_cast %get3A_208 : vector<1x16xf32> to vector<16xf32>
          %mul3A_210 = arith.mulf %get3A_209, %bitcast_convert_type3A_195 : vector<16xf32>
          %swap3A_211 = arith.index_cast %scan3A_125 : i32 to index
          %swap3A_212 = arith.constant 96 : index
          %swap3A_213 = tpu.vector_load %arg19[%swap3A_211, %swap3A_212] {strides = array<i32>} : memref<40x128xf32, #tpu.memory_space<vmem>>, vector<1x16xf32>,
          %swap3A_214 = vector.shape_cast %swap3A_213 : vector<1x16xf32> to vector<16xf32>
          %swap3A_215 = vector.shape_cast %mul3A_210 : vector<16xf32> to vector<1x16xf32>
          tpu.vector_store %arg19[%swap3A_211, %swap3A_212], %swap3A_215 {strides = array<i32>} : memref<40x128xf32, #tpu.memory_space<vmem>>, vector<1x16xf32>,
          %get3A_216 = arith.index_cast %scan3A_125 : i32 to index
          %get3A_217 = arith.constant 48 : index
          %get3A_218 = tpu.vector_load %arg23[%get3A_216, %get3A_217] {strides = array<i32>} : memref<40x64xi32, #tpu.memory_space<vmem>>, vector<1x16xi32>,
          %get3A_219 = vector.shape_cast %get3A_218 : vector<1x16xi32> to vector<16xi32>
          %broadcast_in_dim3A_220 = arith.constant 16 : i32
          %broadcast_in_dim3A_221 = vector.broadcast %broadcast_in_dim3A_220 : i32 to vector<16xi32>
          %shift_left3A_222 = arith.shli %get3A_219, %broadcast_in_dim3A_221 : vector<16xi32>
          %bitcast_convert_type3A_223 = tpu.bitcast %shift_left3A_222 : vector<16xi32> -> vector<16xf32>
          %broadcast_in_dim3A_224 = arith.constant -65536 : i32
          %broadcast_in_dim3A_225 = vector.broadcast %broadcast_in_dim3A_224 : i32 to vector<16xi32>
          %and3A_226 = arith.andi %get3A_219, %broadcast_in_dim3A_225 : vector<16xi32>
          %bitcast_convert_type3A_227 = tpu.bitcast %and3A_226 : vector<16xi32> -> vector<16xf32>
          %get3A_228 = arith.index_cast %scan3A_125 : i32 to index
          %get3A_229 = arith.constant 48 : index
          %get3A_230 = tpu.vector_load %arg19[%get3A_228, %get3A_229] {strides = array<i32>} : memref<40x128xf32, #tpu.memory_space<vmem>>, vector<1x16xf32>,
          %get3A_231 = vector.shape_cast %get3A_230 : vector<1x16xf32> to vector<16xf32>
          %mul3A_232 = arith.mulf %get3A_231, %bitcast_convert_type3A_223 : vector<16xf32>
          %swap3A_233 = arith.index_cast %scan3A_125 : i32 to index
          %swap3A_234 = arith.constant 48 : index
          %swap3A_235 = tpu.vector_load %arg19[%swap3A_233, %swap3A_234] {strides = array<i32>} : memref<40x128xf32, #tpu.memory_space<vmem>>, vector<1x16xf32>,
          %swap3A_236 = vector.shape_cast %swap3A_235 : vector<1x16xf32> to vector<16xf32>
          %swap3A_237 = vector.shape_cast %mul3A_232 : vector<16xf32> to vector<1x16xf32>
          tpu.vector_store %arg19[%swap3A_233, %swap3A_234], %swap3A_237 {strides = array<i32>} : memref<40x128xf32, #tpu.memory_space<vmem>>, vector<1x16xf32>,
          %get3A_238 = arith.index_cast %scan3A_125 : i32 to index
          %get3A_239 = arith.constant 112 : index
          %get3A_240 = tpu.vector_load %arg19[%get3A_238, %get3A_239] {strides = array<i32>} : memref<40x128xf32, #tpu.memory_space<vmem>>, vector<1x16xf32>,
          %get3A_241 = vector.shape_cast %get3A_240 : vector<1x16xf32> to vector<16xf32>
          %mul3A_242 = arith.mulf %get3A_241, %bitcast_convert_type3A_227 : vector<16xf32>
          %swap3A_243 = arith.index_cast %scan3A_125 : i32 to index
          %swap3A_244 = arith.constant 112 : index
          %swap3A_245 = tpu.vector_load %arg19[%swap3A_243, %swap3A_244] {strides = array<i32>} : memref<40x128xf32, #tpu.memory_space<vmem>>, vector<1x16xf32>,
          %swap3A_246 = vector.shape_cast %swap3A_245 : vector<1x16xf32> to vector<16xf32>
          %swap3A_247 = vector.shape_cast %mul3A_242 : vector<16xf32> to vector<1x16xf32>
          tpu.vector_store %arg19[%swap3A_243, %swap3A_244], %swap3A_247 {strides = array<i32>} : memref<40x128xf32, #tpu.memory_space<vmem>>, vector<1x16xf32>,
        }
        %scan3A_124 = arith.constant 40 : i32
        "tpu.region"() ({
          %run_scoped3A = tpu.sem_alloc : memref<!tpu.dma_semaphore, #tpu.memory_space<semaphore_mem>>
          %dma_start3A_125 = arith.constant 0 : i32
          %dma_start3A_126 = arith.constant 0 : i32
          %dma_start3A_127 = tpu.memref_slice %arg24[%dma_start3A_125, %dma_start3A_126] : memref<10240x128xf32, #tpu.memory_space<vmem_shared>> -> memref<10240x128xf32, #tpu.memory_space<vmem_shared>>
          tpu.enqueue_indirect_dma source(%arg19 : memref<40x128xf32, #tpu.memory_space<vmem>>) target(%dma_start3A_127 : memref<10240x128xf32, #tpu.memory_space<vmem_shared>>) offsets(%arg15 : memref<40xi32, #tpu.memory_space<vmem>>) semaphore(%run_scoped3A : memref<!tpu.dma_semaphore, #tpu.memory_space<semaphore_mem>>) {add = true}
          %dma_wait3A_128 = arith.constant 0 : i32
          %dma_wait3A_129 = arith.constant 0 : i32
          %dma_wait3A_130 = tpu.memref_slice %arg24[%dma_wait3A_128, %dma_wait3A_129] : memref<10240x128xf32, #tpu.memory_space<vmem_shared>> -> memref<10240x128xf32, #tpu.memory_space<vmem_shared>>
          tpu.wait_indirect_dma semaphore(%run_scoped3A : memref<!tpu.dma_semaphore, #tpu.memory_space<semaphore_mem>>) src(%arg19 : memref<40x128xf32, #tpu.memory_space<vmem>>) dst(%dma_wait3A_130 : memref<10240x128xf32, #tpu.memory_space<vmem_shared>>)
          tpu.yield
        }) : () -> ()
      } else {
      }
      %add3A_102 = arith.constant 4 : i32
      %add3A_103 = arith.addi %scan3A_77, %add3A_102 : i32
      %lt3A_104 = arith.constant 96 : i32
      %lt3A_105 = arith.cmpi slt, %add3A_103, %lt3A_104 : i32
      %convert_element_type3A_106 = arith.extui %lt3A_105 : i1 to i32
      %cond3A_107 = arith.constant 0 : i32
      %cond3A_108 = arith.cmpi ne, %convert_element_type3A_106, %cond3A_107 : i32
      scf.if %cond3A_108 {
        %add3A_109 = arith.constant 4 : i32
        %add3A_110 = arith.addi %scan3A_77, %add3A_109 : i32
        %rem3A_111 = arith.constant 4 : i32
        %rem3A_112 = arith.remsi %add3A_110, %rem3A_111 : i32
        %eq3A_113 = arith.constant 0 : i32
        %eq3A_114 = arith.cmpi eq, %rem3A_112, %eq3A_113 : i32
        %convert_element_type3A_115 = arith.extui %eq3A_114 : i1 to i32
        %cond3A_116 = arith.constant 0 : i32
        %cond3A_117 = arith.cmpi ne, %convert_element_type3A_115, %cond3A_116 : i32
        scf.if %cond3A_117 {
          %add3A_133 = arith.constant 4 : i32
          %add3A_134 = arith.addi %scan3A_77, %add3A_133 : i32
          %mul3A_135 = arith.constant 40 : i32
          %mul3A_136 = arith.muli %add3A_134, %mul3A_135 : i32
          %add3A_137 = arith.addi %add3A_6, %mul3A_136 : i32
          %dma_start3A_138 = tpu.memref_slice %arg4[%add3A_137] : memref<320000xi32, #tpu.memory_space<hbm>> -> memref<40xi32, #tpu.memory_space<hbm>>
          %dma_start3A_139 = tpu.memref_slice %arg4[%add3A_137] : memref<320000xi32, #tpu.memory_space<hbm>> -> memref<40xi32, #tpu.memory_space<hbm>>
          tpu.enqueue_dma source(%dma_start3A_139 : memref<40xi32, #tpu.memory_space<hbm>>) target(%arg8 : memref<40xi32, #tpu.memory_space<vmem>>) target_semaphore(%arg25 : memref<!tpu.dma_semaphore, #tpu.memory_space<semaphore_mem>>)
          %mul3A_140 = arith.constant 40 : i32
          %mul3A_141 = arith.muli %add3A_134, %mul3A_140 : i32
          %add3A_142 = arith.addi %add3A_6, %mul3A_141 : i32
          %dma_start3A_143 = tpu.memref_slice %arg5[%add3A_142] : memref<320000xi32, #tpu.memory_space<hbm>> -> memref<40xi32, #tpu.memory_space<hbm>>
          %dma_start3A_144 = tpu.memref_slice %arg5[%add3A_142] : memref<320000xi32, #tpu.memory_space<hbm>> -> memref<40xi32, #tpu.memory_space<hbm>>
          tpu.enqueue_dma source(%dma_start3A_144 : memref<40xi32, #tpu.memory_space<hbm>>) target(%arg12 : memref<40xi32, #tpu.memory_space<vmem>>) target_semaphore(%arg25 : memref<!tpu.dma_semaphore, #tpu.memory_space<semaphore_mem>>)
        } else {
        }
        %eq3A_118 = arith.constant 1 : i32
        %eq3A_119 = arith.cmpi eq, %rem3A_112, %eq3A_118 : i32
        %convert_element_type3A_120 = arith.extui %eq3A_119 : i1 to i32
        %cond3A_121 = arith.constant 0 : i32
        %cond3A_122 = arith.cmpi ne, %convert_element_type3A_120, %cond3A_121 : i32
        scf.if %cond3A_122 {
          %add3A_133 = arith.constant 4 : i32
          %add3A_134 = arith.addi %scan3A_77, %add3A_133 : i32
          %mul3A_135 = arith.constant 40 : i32
          %mul3A_136 = arith.muli %add3A_134, %mul3A_135 : i32
          %add3A_137 = arith.addi %add3A_6, %mul3A_136 : i32
          %dma_start3A_138 = tpu.memref_slice %arg4[%add3A_137] : memref<320000xi32, #tpu.memory_space<hbm>> -> memref<40xi32, #tpu.memory_space<hbm>>
          %dma_start3A_139 = tpu.memref_slice %arg4[%add3A_137] : memref<320000xi32, #tpu.memory_space<hbm>> -> memref<40xi32, #tpu.memory_space<hbm>>
          tpu.enqueue_dma source(%dma_start3A_139 : memref<40xi32, #tpu.memory_space<hbm>>) target(%arg9 : memref<40xi32, #tpu.memory_space<vmem>>) target_semaphore(%arg26 : memref<!tpu.dma_semaphore, #tpu.memory_space<semaphore_mem>>)
          %mul3A_140 = arith.constant 40 : i32
          %mul3A_141 = arith.muli %add3A_134, %mul3A_140 : i32
          %add3A_142 = arith.addi %add3A_6, %mul3A_141 : i32
          %dma_start3A_143 = tpu.memref_slice %arg5[%add3A_142] : memref<320000xi32, #tpu.memory_space<hbm>> -> memref<40xi32, #tpu.memory_space<hbm>>
          %dma_start3A_144 = tpu.memref_slice %arg5[%add3A_142] : memref<320000xi32, #tpu.memory_space<hbm>> -> memref<40xi32, #tpu.memory_space<hbm>>
          tpu.enqueue_dma source(%dma_start3A_144 : memref<40xi32, #tpu.memory_space<hbm>>) target(%arg13 : memref<40xi32, #tpu.memory_space<vmem>>) target_semaphore(%arg26 : memref<!tpu.dma_semaphore, #tpu.memory_space<semaphore_mem>>)
        } else {
        }
        %eq3A_123 = arith.constant 2 : i32
        %eq3A_124 = arith.cmpi eq, %rem3A_112, %eq3A_123 : i32
        %convert_element_type3A_125 = arith.extui %eq3A_124 : i1 to i32
        %cond3A_126 = arith.constant 0 : i32
        %cond3A_127 = arith.cmpi ne, %convert_element_type3A_125, %cond3A_126 : i32
        scf.if %cond3A_127 {
          %add3A_133 = arith.constant 4 : i32
          %add3A_134 = arith.addi %scan3A_77, %add3A_133 : i32
          %mul3A_135 = arith.constant 40 : i32
          %mul3A_136 = arith.muli %add3A_134, %mul3A_135 : i32
          %add3A_137 = arith.addi %add3A_6, %mul3A_136 : i32
          %dma_start3A_138 = tpu.memref_slice %arg4[%add3A_137] : memref<320000xi32, #tpu.memory_space<hbm>> -> memref<40xi32, #tpu.memory_space<hbm>>
          %dma_start3A_139 = tpu.memref_slice %arg4[%add3A_137] : memref<320000xi32, #tpu.memory_space<hbm>> -> memref<40xi32, #tpu.memory_space<hbm>>
          tpu.enqueue_dma source(%dma_start3A_139 : memref<40xi32, #tpu.memory_space<hbm>>) target(%arg10 : memref<40xi32, #tpu.memory_space<vmem>>) target_semaphore(%arg27 : memref<!tpu.dma_semaphore, #tpu.memory_space<semaphore_mem>>)
          %mul3A_140 = arith.constant 40 : i32
          %mul3A_141 = arith.muli %add3A_134, %mul3A_140 : i32
          %add3A_142 = arith.addi %add3A_6, %mul3A_141 : i32
          %dma_start3A_143 = tpu.memref_slice %arg5[%add3A_142] : memref<320000xi32, #tpu.memory_space<hbm>> -> memref<40xi32, #tpu.memory_space<hbm>>
          %dma_start3A_144 = tpu.memref_slice %arg5[%add3A_142] : memref<320000xi32, #tpu.memory_space<hbm>> -> memref<40xi32, #tpu.memory_space<hbm>>
          tpu.enqueue_dma source(%dma_start3A_144 : memref<40xi32, #tpu.memory_space<hbm>>) target(%arg14 : memref<40xi32, #tpu.memory_space<vmem>>) target_semaphore(%arg27 : memref<!tpu.dma_semaphore, #tpu.memory_space<semaphore_mem>>)
        } else {
        }
        %eq3A_128 = arith.constant 3 : i32
        %eq3A_129 = arith.cmpi eq, %rem3A_112, %eq3A_128 : i32
        %convert_element_type3A_130 = arith.extui %eq3A_129 : i1 to i32
        %cond3A_131 = arith.constant 0 : i32
        %cond3A_132 = arith.cmpi ne, %convert_element_type3A_130, %cond3A_131 : i32
        scf.if %cond3A_132 {
          %add3A_133 = arith.constant 4 : i32
          %add3A_134 = arith.addi %scan3A_77, %add3A_133 : i32
          %mul3A_135 = arith.constant 40 : i32
          %mul3A_136 = arith.muli %add3A_134, %mul3A_135 : i32
          %add3A_137 = arith.addi %add3A_6, %mul3A_136 : i32
          %dma_start3A_138 = tpu.memref_slice %arg4[%add3A_137] : memref<320000xi32, #tpu.memory_space<hbm>> -> memref<40xi32, #tpu.memory_space<hbm>>
          %dma_start3A_139 = tpu.memref_slice %arg4[%add3A_137] : memref<320000xi32, #tpu.memory_space<hbm>> -> memref<40xi32, #tpu.memory_space<hbm>>
          tpu.enqueue_dma source(%dma_start3A_139 : memref<40xi32, #tpu.memory_space<hbm>>) target(%arg11 : memref<40xi32, #tpu.memory_space<vmem>>) target_semaphore(%arg28 : memref<!tpu.dma_semaphore, #tpu.memory_space<semaphore_mem>>)
          %mul3A_140 = arith.constant 40 : i32
          %mul3A_141 = arith.muli %add3A_134, %mul3A_140 : i32
          %add3A_142 = arith.addi %add3A_6, %mul3A_141 : i32
          %dma_start3A_143 = tpu.memref_slice %arg5[%add3A_142] : memref<320000xi32, #tpu.memory_space<hbm>> -> memref<40xi32, #tpu.memory_space<hbm>>
          %dma_start3A_144 = tpu.memref_slice %arg5[%add3A_142] : memref<320000xi32, #tpu.memory_space<hbm>> -> memref<40xi32, #tpu.memory_space<hbm>>
          tpu.enqueue_dma source(%dma_start3A_144 : memref<40xi32, #tpu.memory_space<hbm>>) target(%arg15 : memref<40xi32, #tpu.memory_space<vmem>>) target_semaphore(%arg28 : memref<!tpu.dma_semaphore, #tpu.memory_space<semaphore_mem>>)
        } else {
        }
      } else {
      }
    }
    %scan3A_75 = arith.constant 96 : i32
    %barrier3A_76 = arith.constant 0 : index
    tpu.barrier barrier_id(%barrier3A_76)
    "tpu.region"() ({
      %run_scoped3A = tpu.sem_alloc : memref<!tpu.dma_semaphore, #tpu.memory_space<semaphore_mem>>
      %dma_start3A_77 = arith.constant 0 : i32
      %dma_start3A_78 = tpu.memref_slice %arg7[%arg0, %mul3A_2, %dma_start3A_77] : memref<2x10240x128xf32, #tpu.memory_space<hbm>> -> memref<1x640x128xf32, #tpu.memory_space<hbm>>
      %dma_start3A_79 = tpu.memref_squeeze %dma_start3A_78 : memref<1x640x128xf32, #tpu.memory_space<hbm>> -> memref<640x128xf32, #tpu.memory_space<hbm>>
      %dma_start3A_80 = arith.constant 0 : i32
      %dma_start3A_81 = tpu.memref_slice %arg24[%mul3A_2, %dma_start3A_80] : memref<10240x128xf32, #tpu.memory_space<vmem_shared>> -> memref<640x128xf32, #tpu.memory_space<vmem_shared>>
      tpu.enqueue_dma source(%dma_start3A_81 : memref<640x128xf32, #tpu.memory_space<vmem_shared>>) target(%dma_start3A_79 : memref<640x128xf32, #tpu.memory_space<hbm>>) target_semaphore(%run_scoped3A : memref<!tpu.dma_semaphore, #tpu.memory_space<semaphore_mem>>)
      %dma_wait3A_82 = arith.constant 0 : i32
      %dma_wait3A_83 = tpu.memref_slice %arg7[%arg0, %mul3A_2, %dma_wait3A_82] : memref<2x10240x128xf32, #tpu.memory_space<hbm>> -> memref<1x640x128xf32, #tpu.memory_space<hbm>>
      %dma_wait3A_84 = tpu.memref_squeeze %dma_wait3A_83 : memref<1x640x128xf32, #tpu.memory_space<hbm>> -> memref<640x128xf32, #tpu.memory_space<hbm>>
      %dma_wait3A_85 = arith.constant 0 : i32
      %dma_wait3A_86 = tpu.memref_slice %arg24[%mul3A_2, %dma_wait3A_85] : memref<10240x128xf32, #tpu.memory_space<vmem_shared>> -> memref<640x128xf32, #tpu.memory_space<vmem_shared>>
      tpu.wait_dma2 semaphore(%run_scoped3A : memref<!tpu.dma_semaphore, #tpu.memory_space<semaphore_mem>>) src(%dma_wait3A_86 : memref<640x128xf32, #tpu.memory_space<vmem_shared>>) dst(%dma_wait3A_84 : memref<640x128xf32, #tpu.memory_space<hbm>>)
      tpu.yield
    }) : () -> ()
    return
  }
}

#map = affine_map<(d0, d1) -> (0, 0)>
#map1 = affine_map<(d0, d1) -> (0)>
#map2 = affine_map<(d0, d1) -> (0, 0, 0)>
module attributes {stable_mosaic.version = 14 : i64} {
  func.func @wrapped(%arg0: i32, %arg1: i32, %arg2: memref<10000x128xf32, #tpu.memory_space<hbm>>, %arg3: memref<200704x64xi32, #tpu.memory_space<hbm>>, %arg4: memref<320000xi32, #tpu.memory_space<hbm>>, %arg5: memref<320000xi32, #tpu.memory_space<hbm>>, %arg6: memref<2x10240x128xf32, #tpu.memory_space<hbm>>, %arg7: memref<2x10240x128xf32, #tpu.memory_space<hbm>>, %arg8: memref<40xi32, #tpu.memory_space<vmem>>, %arg9: memref<40xi32, #tpu.memory_space<vmem>>, %arg10: memref<40xi32, #tpu.memory_space<vmem>>, %arg11: memref<40xi32, #tpu.memory_space<vmem>>, %arg12: memref<40xi32, #tpu.memory_space<vmem>>, %arg13: memref<40xi32, #tpu.memory_space<vmem>>, %arg14: memref<40xi32, #tpu.memory_space<vmem>>, %arg15: memref<40xi32, #tpu.memory_space<vmem>>, %arg16: memref<40x128xf32, #tpu.memory_space<vmem>>, %arg17: memref<40x128xf32, #tpu.memory_space<vmem>>, %arg18: memref<40x128xf32, #tpu.memory_space<vmem>>, %arg19: memref<40x128xf32, #tpu.memory_space<vmem>>, %arg20: memref<40x64xi32, #tpu.memory_space<vmem>>, %arg21: memref<40x64xi32, #tpu.memory_space<vmem>>, %arg22: memref<40x64xi32, #tpu.memory_space<vmem>>, %arg23: memref<40x64xi32, #tpu.memory_space<vmem>>, %arg24: memref<10240x128xf32, #tpu.memory_space<vmem_shared>>, %arg25: memref<!tpu.dma_semaphore, #tpu.memory_space<semaphore_mem>>, %arg26: memref<!tpu.dma_semaphore, #tpu.memory_space<semaphore_mem>>, %arg27: memref<!tpu.dma_semaphore, #tpu.memory_space<semaphore_mem>>, %arg28: memref<!tpu.dma_semaphore, #tpu.memory_space<semaphore_mem>>, %arg29: memref<!tpu.dma_semaphore, #tpu.memory_space<semaphore_mem>>, %arg30: memref<!tpu.dma_semaphore, #tpu.memory_space<semaphore_mem>>, %arg31: memref<!tpu.dma_semaphore, #tpu.memory_space<semaphore_mem>>, %arg32: memref<!tpu.dma_semaphore, #tpu.memory_space<semaphore_mem>>) attributes {dimension_semantics = [#tpu.dimension_semantics<core_parallel>, #tpu.dimension_semantics<subcore_parallel>], iteration_bounds = array<i64: 2, 16>, scalar_prefetch = 0 : i64, scratch_operands = 25 : i64, tpu.core_type = #tpu.core_type<sc_vector_subcore>, window_params = [{transform_indices = #map}, {transform_indices = #map}, {transform_indices = #map1}, {transform_indices = #map1}, {transform_indices = #map2}, {transform_indices = #map2}]} {
    %mul3A = arith.constant 2 : i32
    %mul3A_0 = arith.muli %arg1, %mul3A : i32
    %add3A = arith.addi %mul3A_0, %arg0 : i32
    %mul3A_1 = arith.constant 640 : i32
    %mul3A_2 = arith.muli %arg1, %mul3A_1 : i32
    "tpu.region"() ({
      %run_scoped3A = tpu.sem_alloc : memref<!tpu.dma_semaphore, #tpu.memory_space<semaphore_mem>>
      %dma_start3A_77 = arith.constant 0 : i32
      %dma_start3A_78 = tpu.memref_slice %arg24[%mul3A_2, %dma_start3A_77] : memref<10240x128xf32, #tpu.memory_space<vmem_shared>> -> memref<640x128xf32, #tpu.memory_space<vmem_shared>>
      %dma_start3A_79 = arith.constant 0 : i32
      %dma_start3A_80 = tpu.memref_slice %arg6[%arg0, %mul3A_2, %dma_start3A_79] : memref<2x10240x128xf32, #tpu.memory_space<hbm>> -> memref<1x640x128xf32, #tpu.memory_space<hbm>>
      %dma_start3A_81 = tpu.memref_squeeze %dma_start3A_80 : memref<1x640x128xf32, #tpu.memory_space<hbm>> -> memref<640x128xf32, #tpu.memory_space<hbm>>
      tpu.enqueue_dma source(%dma_start3A_81 : memref<640x128xf32, #tpu.memory_space<hbm>>) target(%dma_start3A_78 : memref<640x128xf32, #tpu.memory_space<vmem_shared>>) target_semaphore(%run_scoped3A : memref<!tpu.dma_semaphore, #tpu.memory_space<semaphore_mem>>)
      %dma_wait3A_82 = arith.constant 0 : i32
      %dma_wait3A_83 = tpu.memref_slice %arg24[%mul3A_2, %dma_wait3A_82] : memref<10240x128xf32, #tpu.memory_space<vmem_shared>> -> memref<640x128xf32, #tpu.memory_space<vmem_shared>>
      %dma_wait3A_84 = arith.constant 0 : i32
      %dma_wait3A_85 = tpu.memref_slice %arg6[%arg0, %mul3A_2, %dma_wait3A_84] : memref<2x10240x128xf32, #tpu.memory_space<hbm>> -> memref<1x640x128xf32, #tpu.memory_space<hbm>>
      %dma_wait3A_86 = tpu.memref_squeeze %dma_wait3A_85 : memref<1x640x128xf32, #tpu.memory_space<hbm>> -> memref<640x128xf32, #tpu.memory_space<hbm>>
      tpu.wait_dma2 semaphore(%run_scoped3A : memref<!tpu.dma_semaphore, #tpu.memory_space<semaphore_mem>>) src(%dma_wait3A_86 : memref<640x128xf32, #tpu.memory_space<hbm>>) dst(%dma_wait3A_83 : memref<640x128xf32, #tpu.memory_space<vmem_shared>>)
      tpu.yield
    }) : () -> ()
    %barrier3A = arith.constant 0 : index
    tpu.barrier barrier_id(%barrier3A)
    %mul3A_3 = arith.constant 6160 : i32
    %mul3A_4 = arith.muli %add3A, %mul3A_3 : i32
    %add3A_5 = arith.constant 122880 : i32
    %add3A_6 = arith.addi %add3A_5, %mul3A_4 : i32
    %add3A_7 = arith.constant 0 : i32
    %add3A_8 = arith.addi %add3A_6, %add3A_7 : i32
    %dma_start3A = tpu.memref_slice %arg4[%add3A_8] : memref<320000xi32, #tpu.memory_space<hbm>> -> memref<40xi32, #tpu.memory_space<hbm>>
    %dma_start3A_9 = tpu.memref_slice %arg4[%add3A_8] : memref<320000xi32, #tpu.memory_space<hbm>> -> memref<40xi32, #tpu.memory_space<hbm>>
    tpu.enqueue_dma source(%dma_start3A_9 : memref<40xi32, #tpu.memory_space<hbm>>) target(%arg8 : memref<40xi32, #tpu.memory_space<vmem>>) target_semaphore(%arg25 : memref<!tpu.dma_semaphore, #tpu.memory_space<semaphore_mem>>)
    %add3A_10 = arith.constant 0 : i32
    %add3A_11 = arith.addi %add3A_6, %add3A_10 : i32
    %dma_start3A_12 = tpu.memref_slice %arg5[%add3A_11] : memref<320000xi32, #tpu.memory_space<hbm>> -> memref<40xi32, #tpu.memory_space<hbm>>
    %dma_start3A_13 = tpu.memref_slice %arg5[%add3A_11] : memref<320000xi32, #tpu.memory_space<hbm>> -> memref<40xi32, #tpu.memory_space<hbm>>
    tpu.enqueue_dma source(%dma_start3A_13 : memref<40xi32, #tpu.memory_space<hbm>>) target(%arg12 : memref<40xi32, #tpu.memory_space<vmem>>) target_semaphore(%arg25 : memref<!tpu.dma_semaphore, #tpu.memory_space<semaphore_mem>>)
    %add3A_14 = arith.constant 40 : i32
    %add3A_15 = arith.addi %add3A_6, %add3A_14 : i32
    %dma_start3A_16 = tpu.memref_slice %arg4[%add3A_15] : memref<320000xi32, #tpu.memory_space<hbm>> -> memref<40xi32, #tpu.memory_space<hbm>>
    %dma_start3A_17 = tpu.memref_slice %arg4[%add3A_15] : memref<320000xi32, #tpu.memory_space<hbm>> -> memref<40xi32, #tpu.memory_space<hbm>>
    tpu.enqueue_dma source(%dma_start3A_17 : memref<40xi32, #tpu.memory_space<hbm>>) target(%arg9 : memref<40xi32, #tpu.memory_space<vmem>>) target_semaphore(%arg26 : memref<!tpu.dma_semaphore, #tpu.memory_space<semaphore_mem>>)
    %add3A_18 = arith.constant 40 : i32
    %add3A_19 = arith.addi %add3A_6, %add3A_18 : i32
    %dma_start3A_20 = tpu.memref_slice %arg5[%add3A_19] : memref<320000xi32, #tpu.memory_space<hbm>> -> memref<40xi32, #tpu.memory_space<hbm>>
    %dma_start3A_21 = tpu.memref_slice %arg5[%add3A_19] : memref<320000xi32, #tpu.memory_space<hbm>> -> memref<40xi32, #tpu.memory_space<hbm>>
    tpu.enqueue_dma source(%dma_start3A_21 : memref<40xi32, #tpu.memory_space<hbm>>) target(%arg13 : memref<40xi32, #tpu.memory_space<vmem>>) target_semaphore(%arg26 : memref<!tpu.dma_semaphore, #tpu.memory_space<semaphore_mem>>)
    %add3A_22 = arith.constant 80 : i32
    %add3A_23 = arith.addi %add3A_6, %add3A_22 : i32
    %dma_start3A_24 = tpu.memref_slice %arg4[%add3A_23] : memref<320000xi32, #tpu.memory_space<hbm>> -> memref<40xi32, #tpu.memory_space<hbm>>
    %dma_start3A_25 = tpu.memref_slice %arg4[%add3A_23] : memref<320000xi32, #tpu.memory_space<hbm>> -> memref<40xi32, #tpu.memory_space<hbm>>
    tpu.enqueue_dma source(%dma_start3A_25 : memref<40xi32, #tpu.memory_space<hbm>>) target(%arg10 : memref<40xi32, #tpu.memory_space<vmem>>) target_semaphore(%arg27 : memref<!tpu.dma_semaphore, #tpu.memory_space<semaphore_mem>>)
    %add3A_26 = arith.constant 80 : i32
    %add3A_27 = arith.addi %add3A_6, %add3A_26 : i32
    %dma_start3A_28 = tpu.memref_slice %arg5[%add3A_27] : memref<320000xi32, #tpu.memory_space<hbm>> -> memref<40xi32, #tpu.memory_space<hbm>>
    %dma_start3A_29 = tpu.memref_slice %arg5[%add3A_27] : memref<320000xi32, #tpu.memory_space<hbm>> -> memref<40xi32, #tpu.memory_space<hbm>>
    tpu.enqueue_dma source(%dma_start3A_29 : memref<40xi32, #tpu.memory_space<hbm>>) target(%arg14 : memref<40xi32, #tpu.memory_space<vmem>>) target_semaphore(%arg27 : memref<!tpu.dma_semaphore, #tpu.memory_space<semaphore_mem>>)
    %add3A_30 = arith.constant 120 : i32
    %add3A_31 = arith.addi %add3A_6, %add3A_30 : i32
    %dma_start3A_32 = tpu.memref_slice %arg4[%add3A_31] : memref<320000xi32, #tpu.memory_space<hbm>> -> memref<40xi32, #tpu.memory_space<hbm>>
    %dma_start3A_33 = tpu.memref_slice %arg4[%add3A_31] : memref<320000xi32, #tpu.memory_space<hbm>> -> memref<40xi32, #tpu.memory_space<hbm>>
    tpu.enqueue_dma source(%dma_start3A_33 : memref<40xi32, #tpu.memory_space<hbm>>) target(%arg11 : memref<40xi32, #tpu.memory_space<vmem>>) target_semaphore(%arg28 : memref<!tpu.dma_semaphore, #tpu.memory_space<semaphore_mem>>)
    %add3A_34 = arith.constant 120 : i32
    %add3A_35 = arith.addi %add3A_6, %add3A_34 : i32
    %dma_start3A_36 = tpu.memref_slice %arg5[%add3A_35] : memref<320000xi32, #tpu.memory_space<hbm>> -> memref<40xi32, #tpu.memory_space<hbm>>
    %dma_start3A_37 = tpu.memref_slice %arg5[%add3A_35] : memref<320000xi32, #tpu.memory_space<hbm>> -> memref<40xi32, #tpu.memory_space<hbm>>
    tpu.enqueue_dma source(%dma_start3A_37 : memref<40xi32, #tpu.memory_space<hbm>>) target(%arg15 : memref<40xi32, #tpu.memory_space<vmem>>) target_semaphore(%arg28 : memref<!tpu.dma_semaphore, #tpu.memory_space<semaphore_mem>>)
    %add3A_38 = arith.constant 0 : i32
    %add3A_39 = arith.addi %add3A_6, %add3A_38 : i32
    %dma_wait3A = tpu.memref_slice %arg4[%add3A_39] : memref<320000xi32, #tpu.memory_space<hbm>> -> memref<40xi32, #tpu.memory_space<hbm>>
    %dma_wait3A_40 = tpu.memref_slice %arg4[%add3A_39] : memref<320000xi32, #tpu.memory_space<hbm>> -> memref<40xi32, #tpu.memory_space<hbm>>
    tpu.wait_dma2 semaphore(%arg25 : memref<!tpu.dma_semaphore, #tpu.memory_space<semaphore_mem>>) src(%dma_wait3A_40 : memref<40xi32, #tpu.memory_space<hbm>>) dst(%arg8 : memref<40xi32, #tpu.memory_space<vmem>>)
    %add3A_41 = arith.constant 0 : i32
    %add3A_42 = arith.addi %add3A_6, %add3A_41 : i32
    %dma_wait3A_43 = tpu.memref_slice %arg5[%add3A_42] : memref<320000xi32, #tpu.memory_space<hbm>> -> memref<40xi32, #tpu.memory_space<hbm>>
    %dma_wait3A_44 = tpu.memref_slice %arg5[%add3A_42] : memref<320000xi32, #tpu.memory_space<hbm>> -> memref<40xi32, #tpu.memory_space<hbm>>
    tpu.wait_dma2 semaphore(%arg25 : memref<!tpu.dma_semaphore, #tpu.memory_space<semaphore_mem>>) src(%dma_wait3A_44 : memref<40xi32, #tpu.memory_space<hbm>>) dst(%arg12 : memref<40xi32, #tpu.memory_space<vmem>>)
    %dma_start3A_45 = arith.constant 0 : i32
    %dma_start3A_46 = arith.constant 0 : i32
    %dma_start3A_47 = tpu.memref_slice %arg2[%dma_start3A_45, %dma_start3A_46] : memref<10000x128xf32, #tpu.memory_space<hbm>> -> memref<10000x128xf32, #tpu.memory_space<hbm>>
    tpu.enqueue_indirect_dma source(%dma_start3A_47 : memref<10000x128xf32, #tpu.memory_space<hbm>>) target(%arg16 : memref<40x128xf32, #tpu.memory_space<vmem>>) offsets(%arg8 : memref<40xi32, #tpu.memory_space<vmem>>) semaphore(%arg29 : memref<!tpu.dma_semaphore, #tpu.memory_space<semaphore_mem>>)
    %add3A_48 = arith.constant 0 : i32
    %add3A_49 = arith.addi %mul3A_4, %add3A_48 : i32
    %dma_start3A_50 = arith.constant 0 : i32
    %dma_start3A_51 = tpu.memref_slice %arg3[%add3A_49, %dma_start3A_50] : memref<200704x64xi32, #tpu.memory_space<hbm>> -> memref<40x64xi32, #tpu.memory_space<hbm>>
    %dma_start3A_52 = arith.constant 0 : i32
    %dma_start3A_53 = tpu.memref_slice %arg3[%add3A_49, %dma_start3A_52] : memref<200704x64xi32, #tpu.memory_space<hbm>> -> memref<40x64xi32, #tpu.memory_space<hbm>>
    tpu.enqueue_dma source(%dma_start3A_53 : memref<40x64xi32, #tpu.memory_space<hbm>>) target(%arg20 : memref<40x64xi32, #tpu.memory_space<vmem>>) target_semaphore(%arg29 : memref<!tpu.dma_semaphore, #tpu.memory_space<semaphore_mem>>)
    %add3A_54 = arith.constant 40 : i32
    %add3A_55 = arith.addi %add3A_6, %add3A_54 : i32
    %dma_wait3A_56 = tpu.memref_slice %arg4[%add3A_55] : memref<320000xi32, #tpu.memory_space<hbm>> -> memref<40xi32, #tpu.memory_space<hbm>>
    %dma_wait3A_57 = tpu.memref_slice %arg4[%add3A_55] : memref<320000xi32, #tpu.memory_space<hbm>> -> memref<40xi32, #tpu.memory_space<hbm>>
    tpu.wait_dma2 semaphore(%arg26 : memref<!tpu.dma_semaphore, #tpu.memory_space<semaphore_mem>>) src(%dma_wait3A_57 : memref<40xi32, #tpu.memory_space<hbm>>) dst(%arg9 : memref<40xi32, #tpu.memory_space<vmem>>)
    %add3A_58 = arith.constant 40 : i32
    %add3A_59 = arith.addi %add3A_6, %add3A_58 : i32
    %dma_wait3A_60 = tpu.memref_slice %arg5[%add3A_59] : memref<320000xi32, #tpu.memory_space<hbm>> -> memref<40xi32, #tpu.memory_space<hbm>>
    %dma_wait3A_61 = tpu.memref_slice %arg5[%add3A_59] : memref<320000xi32, #tpu.memory_space<hbm>> -> memref<40xi32, #tpu.memory_space<hbm>>
    tpu.wait_dma2 semaphore(%arg26 : memref<!tpu.dma_semaphore, #tpu.memory_space<semaphore_mem>>) src(%dma_wait3A_61 : memref<40xi32, #tpu.memory_space<hbm>>) dst(%arg13 : memref<40xi32, #tpu.memory_space<vmem>>)
    %dma_start3A_62 = arith.constant 0 : i32
    %dma_start3A_63 = arith.constant 0 : i32
    %dma_start3A_64 = tpu.memref_slice %arg2[%dma_start3A_62, %dma_start3A_63] : memref<10000x128xf32, #tpu.memory_space<hbm>> -> memref<10000x128xf32, #tpu.memory_space<hbm>>
    tpu.enqueue_indirect_dma source(%dma_start3A_64 : memref<10000x128xf32, #tpu.memory_space<hbm>>) target(%arg17 : memref<40x128xf32, #tpu.memory_space<vmem>>) offsets(%arg9 : memref<40xi32, #tpu.memory_space<vmem>>) semaphore(%arg30 : memref<!tpu.dma_semaphore, #tpu.memory_space<semaphore_mem>>)
    %add3A_65 = arith.constant 40 : i32
    %add3A_66 = arith.addi %mul3A_4, %add3A_65 : i32
    %dma_start3A_67 = arith.constant 0 : i32
    %dma_start3A_68 = tpu.memref_slice %arg3[%add3A_66, %dma_start3A_67] : memref<200704x64xi32, #tpu.memory_space<hbm>> -> memref<40x64xi32, #tpu.memory_space<hbm>>
    %dma_start3A_69 = arith.constant 0 : i32
    %dma_start3A_70 = tpu.memref_slice %arg3[%add3A_66, %dma_start3A_69] : memref<200704x64xi32, #tpu.memory_space<hbm>> -> memref<40x64xi32, #tpu.memory_space<hbm>>
    tpu.enqueue_dma source(%dma_start3A_70 : memref<40x64xi32, #tpu.memory_space<hbm>>) target(%arg21 : memref<40x64xi32, #tpu.memory_space<vmem>>) target_semaphore(%arg30 : memref<!tpu.dma_semaphore, #tpu.memory_space<semaphore_mem>>)
    %scan3A = arith.constant 0 : i32
    %scan3A_71 = arith.constant 0 : i32
    %scan3A_72 = arith.constant 154 : i32
    %scan3A_73 = arith.addi %scan3A_71, %scan3A_72 : i32
    %scan3A_74 = arith.constant 1 : i32
    scf.for %scan3A_77 = %scan3A_71 to %scan3A_73 step %scan3A_74  : i32 {
      %add3A_78 = arith.constant 2 : i32
      %add3A_79 = arith.addi %scan3A_77, %add3A_78 : i32
      %lt3A = arith.constant 154 : i32
      %lt3A_80 = arith.cmpi slt, %add3A_79, %lt3A : i32
      %convert_element_type3A = arith.extui %lt3A_80 : i1 to i32
      %cond3A = arith.constant 0 : i32
      %cond3A_81 = arith.cmpi ne, %convert_element_type3A, %cond3A : i32
      scf.if %cond3A_81 {
        %add3A_109 = arith.constant 2 : i32
        %add3A_110 = arith.addi %scan3A_77, %add3A_109 : i32
        %rem3A_111 = arith.constant 4 : i32
        %rem3A_112 = arith.remsi %add3A_110, %rem3A_111 : i32
        %eq3A_113 = arith.constant 0 : i32
        %eq3A_114 = arith.cmpi eq, %rem3A_112, %eq3A_113 : i32
        %convert_element_type3A_115 = arith.extui %eq3A_114 : i1 to i32
        %cond3A_116 = arith.constant 0 : i32
        %cond3A_117 = arith.cmpi ne, %convert_element_type3A_115, %cond3A_116 : i32
        scf.if %cond3A_117 {
          %add3A_133 = arith.constant 2 : i32
          %add3A_134 = arith.addi %scan3A_77, %add3A_133 : i32
          %mul3A_135 = arith.constant 40 : i32
          %mul3A_136 = arith.muli %add3A_134, %mul3A_135 : i32
          %add3A_137 = arith.addi %add3A_6, %mul3A_136 : i32
          %dma_wait3A_138 = tpu.memref_slice %arg4[%add3A_137] : memref<320000xi32, #tpu.memory_space<hbm>> -> memref<40xi32, #tpu.memory_space<hbm>>
          %dma_wait3A_139 = tpu.memref_slice %arg4[%add3A_137] : memref<320000xi32, #tpu.memory_space<hbm>> -> memref<40xi32, #tpu.memory_space<hbm>>
          tpu.wait_dma2 semaphore(%arg25 : memref<!tpu.dma_semaphore, #tpu.memory_space<semaphore_mem>>) src(%dma_wait3A_139 : memref<40xi32, #tpu.memory_space<hbm>>) dst(%arg8 : memref<40xi32, #tpu.memory_space<vmem>>)
          %mul3A_140 = arith.constant 40 : i32
          %mul3A_141 = arith.muli %add3A_134, %mul3A_140 : i32
          %add3A_142 = arith.addi %add3A_6, %mul3A_141 : i32
          %dma_wait3A_143 = tpu.memref_slice %arg5[%add3A_142] : memref<320000xi32, #tpu.memory_space<hbm>> -> memref<40xi32, #tpu.memory_space<hbm>>
          %dma_wait3A_144 = tpu.memref_slice %arg5[%add3A_142] : memref<320000xi32, #tpu.memory_space<hbm>> -> memref<40xi32, #tpu.memory_space<hbm>>
          tpu.wait_dma2 semaphore(%arg25 : memref<!tpu.dma_semaphore, #tpu.memory_space<semaphore_mem>>) src(%dma_wait3A_144 : memref<40xi32, #tpu.memory_space<hbm>>) dst(%arg12 : memref<40xi32, #tpu.memory_space<vmem>>)
          %dma_start3A_145 = arith.constant 0 : i32
          %dma_start3A_146 = arith.constant 0 : i32
          %dma_start3A_147 = tpu.memref_slice %arg2[%dma_start3A_145, %dma_start3A_146] : memref<10000x128xf32, #tpu.memory_space<hbm>> -> memref<10000x128xf32, #tpu.memory_space<hbm>>
          tpu.enqueue_indirect_dma source(%dma_start3A_147 : memref<10000x128xf32, #tpu.memory_space<hbm>>) target(%arg16 : memref<40x128xf32, #tpu.memory_space<vmem>>) offsets(%arg8 : memref<40xi32, #tpu.memory_space<vmem>>) semaphore(%arg29 : memref<!tpu.dma_semaphore, #tpu.memory_space<semaphore_mem>>)
          %mul3A_148 = arith.constant 40 : i32
          %mul3A_149 = arith.muli %add3A_134, %mul3A_148 : i32
          %add3A_150 = arith.addi %mul3A_4, %mul3A_149 : i32
          %dma_start3A_151 = arith.constant 0 : i32
          %dma_start3A_152 = tpu.memref_slice %arg3[%add3A_150, %dma_start3A_151] : memref<200704x64xi32, #tpu.memory_space<hbm>> -> memref<40x64xi32, #tpu.memory_space<hbm>>
          %dma_start3A_153 = arith.constant 0 : i32
          %dma_start3A_154 = tpu.memref_slice %arg3[%add3A_150, %dma_start3A_153] : memref<200704x64xi32, #tpu.memory_space<hbm>> -> memref<40x64xi32, #tpu.memory_space<hbm>>
          tpu.enqueue_dma source(%dma_start3A_154 : memref<40x64xi32, #tpu.memory_space<hbm>>) target(%arg20 : memref<40x64xi32, #tpu.memory_space<vmem>>) target_semaphore(%arg29 : memref<!tpu.dma_semaphore, #tpu.memory_space<semaphore_mem>>)
        } else {
        }
        %eq3A_118 = arith.constant 1 : i32
        %eq3A_119 = arith.cmpi eq, %rem3A_112, %eq3A_118 : i32
        %convert_element_type3A_120 = arith.extui %eq3A_119 : i1 to i32
        %cond3A_121 = arith.constant 0 : i32
        %cond3A_122 = arith.cmpi ne, %convert_element_type3A_120, %cond3A_121 : i32
        scf.if %cond3A_122 {
          %add3A_133 = arith.constant 2 : i32
          %add3A_134 = arith.addi %scan3A_77, %add3A_133 : i32
          %mul3A_135 = arith.constant 40 : i32
          %mul3A_136 = arith.muli %add3A_134, %mul3A_135 : i32
          %add3A_137 = arith.addi %add3A_6, %mul3A_136 : i32
          %dma_wait3A_138 = tpu.memref_slice %arg4[%add3A_137] : memref<320000xi32, #tpu.memory_space<hbm>> -> memref<40xi32, #tpu.memory_space<hbm>>
          %dma_wait3A_139 = tpu.memref_slice %arg4[%add3A_137] : memref<320000xi32, #tpu.memory_space<hbm>> -> memref<40xi32, #tpu.memory_space<hbm>>
          tpu.wait_dma2 semaphore(%arg26 : memref<!tpu.dma_semaphore, #tpu.memory_space<semaphore_mem>>) src(%dma_wait3A_139 : memref<40xi32, #tpu.memory_space<hbm>>) dst(%arg9 : memref<40xi32, #tpu.memory_space<vmem>>)
          %mul3A_140 = arith.constant 40 : i32
          %mul3A_141 = arith.muli %add3A_134, %mul3A_140 : i32
          %add3A_142 = arith.addi %add3A_6, %mul3A_141 : i32
          %dma_wait3A_143 = tpu.memref_slice %arg5[%add3A_142] : memref<320000xi32, #tpu.memory_space<hbm>> -> memref<40xi32, #tpu.memory_space<hbm>>
          %dma_wait3A_144 = tpu.memref_slice %arg5[%add3A_142] : memref<320000xi32, #tpu.memory_space<hbm>> -> memref<40xi32, #tpu.memory_space<hbm>>
          tpu.wait_dma2 semaphore(%arg26 : memref<!tpu.dma_semaphore, #tpu.memory_space<semaphore_mem>>) src(%dma_wait3A_144 : memref<40xi32, #tpu.memory_space<hbm>>) dst(%arg13 : memref<40xi32, #tpu.memory_space<vmem>>)
          %dma_start3A_145 = arith.constant 0 : i32
          %dma_start3A_146 = arith.constant 0 : i32
          %dma_start3A_147 = tpu.memref_slice %arg2[%dma_start3A_145, %dma_start3A_146] : memref<10000x128xf32, #tpu.memory_space<hbm>> -> memref<10000x128xf32, #tpu.memory_space<hbm>>
          tpu.enqueue_indirect_dma source(%dma_start3A_147 : memref<10000x128xf32, #tpu.memory_space<hbm>>) target(%arg17 : memref<40x128xf32, #tpu.memory_space<vmem>>) offsets(%arg9 : memref<40xi32, #tpu.memory_space<vmem>>) semaphore(%arg30 : memref<!tpu.dma_semaphore, #tpu.memory_space<semaphore_mem>>)
          %mul3A_148 = arith.constant 40 : i32
          %mul3A_149 = arith.muli %add3A_134, %mul3A_148 : i32
          %add3A_150 = arith.addi %mul3A_4, %mul3A_149 : i32
          %dma_start3A_151 = arith.constant 0 : i32
          %dma_start3A_152 = tpu.memref_slice %arg3[%add3A_150, %dma_start3A_151] : memref<200704x64xi32, #tpu.memory_space<hbm>> -> memref<40x64xi32, #tpu.memory_space<hbm>>
          %dma_start3A_153 = arith.constant 0 : i32
          %dma_start3A_154 = tpu.memref_slice %arg3[%add3A_150, %dma_start3A_153] : memref<200704x64xi32, #tpu.memory_space<hbm>> -> memref<40x64xi32, #tpu.memory_space<hbm>>
          tpu.enqueue_dma source(%dma_start3A_154 : memref<40x64xi32, #tpu.memory_space<hbm>>) target(%arg21 : memref<40x64xi32, #tpu.memory_space<vmem>>) target_semaphore(%arg30 : memref<!tpu.dma_semaphore, #tpu.memory_space<semaphore_mem>>)
        } else {
        }
        %eq3A_123 = arith.constant 2 : i32
        %eq3A_124 = arith.cmpi eq, %rem3A_112, %eq3A_123 : i32
        %convert_element_type3A_125 = arith.extui %eq3A_124 : i1 to i32
        %cond3A_126 = arith.constant 0 : i32
        %cond3A_127 = arith.cmpi ne, %convert_element_type3A_125, %cond3A_126 : i32
        scf.if %cond3A_127 {
          %add3A_133 = arith.constant 2 : i32
          %add3A_134 = arith.addi %scan3A_77, %add3A_133 : i32
          %mul3A_135 = arith.constant 40 : i32
          %mul3A_136 = arith.muli %add3A_134, %mul3A_135 : i32
          %add3A_137 = arith.addi %add3A_6, %mul3A_136 : i32
          %dma_wait3A_138 = tpu.memref_slice %arg4[%add3A_137] : memref<320000xi32, #tpu.memory_space<hbm>> -> memref<40xi32, #tpu.memory_space<hbm>>
          %dma_wait3A_139 = tpu.memref_slice %arg4[%add3A_137] : memref<320000xi32, #tpu.memory_space<hbm>> -> memref<40xi32, #tpu.memory_space<hbm>>
          tpu.wait_dma2 semaphore(%arg27 : memref<!tpu.dma_semaphore, #tpu.memory_space<semaphore_mem>>) src(%dma_wait3A_139 : memref<40xi32, #tpu.memory_space<hbm>>) dst(%arg10 : memref<40xi32, #tpu.memory_space<vmem>>)
          %mul3A_140 = arith.constant 40 : i32
          %mul3A_141 = arith.muli %add3A_134, %mul3A_140 : i32
          %add3A_142 = arith.addi %add3A_6, %mul3A_141 : i32
          %dma_wait3A_143 = tpu.memref_slice %arg5[%add3A_142] : memref<320000xi32, #tpu.memory_space<hbm>> -> memref<40xi32, #tpu.memory_space<hbm>>
          %dma_wait3A_144 = tpu.memref_slice %arg5[%add3A_142] : memref<320000xi32, #tpu.memory_space<hbm>> -> memref<40xi32, #tpu.memory_space<hbm>>
          tpu.wait_dma2 semaphore(%arg27 : memref<!tpu.dma_semaphore, #tpu.memory_space<semaphore_mem>>) src(%dma_wait3A_144 : memref<40xi32, #tpu.memory_space<hbm>>) dst(%arg14 : memref<40xi32, #tpu.memory_space<vmem>>)
          %dma_start3A_145 = arith.constant 0 : i32
          %dma_start3A_146 = arith.constant 0 : i32
          %dma_start3A_147 = tpu.memref_slice %arg2[%dma_start3A_145, %dma_start3A_146] : memref<10000x128xf32, #tpu.memory_space<hbm>> -> memref<10000x128xf32, #tpu.memory_space<hbm>>
          tpu.enqueue_indirect_dma source(%dma_start3A_147 : memref<10000x128xf32, #tpu.memory_space<hbm>>) target(%arg18 : memref<40x128xf32, #tpu.memory_space<vmem>>) offsets(%arg10 : memref<40xi32, #tpu.memory_space<vmem>>) semaphore(%arg31 : memref<!tpu.dma_semaphore, #tpu.memory_space<semaphore_mem>>)
          %mul3A_148 = arith.constant 40 : i32
          %mul3A_149 = arith.muli %add3A_134, %mul3A_148 : i32
          %add3A_150 = arith.addi %mul3A_4, %mul3A_149 : i32
          %dma_start3A_151 = arith.constant 0 : i32
          %dma_start3A_152 = tpu.memref_slice %arg3[%add3A_150, %dma_start3A_151] : memref<200704x64xi32, #tpu.memory_space<hbm>> -> memref<40x64xi32, #tpu.memory_space<hbm>>
          %dma_start3A_153 = arith.constant 0 : i32
          %dma_start3A_154 = tpu.memref_slice %arg3[%add3A_150, %dma_start3A_153] : memref<200704x64xi32, #tpu.memory_space<hbm>> -> memref<40x64xi32, #tpu.memory_space<hbm>>
          tpu.enqueue_dma source(%dma_start3A_154 : memref<40x64xi32, #tpu.memory_space<hbm>>) target(%arg22 : memref<40x64xi32, #tpu.memory_space<vmem>>) target_semaphore(%arg31 : memref<!tpu.dma_semaphore, #tpu.memory_space<semaphore_mem>>)
        } else {
        }
        %eq3A_128 = arith.constant 3 : i32
        %eq3A_129 = arith.cmpi eq, %rem3A_112, %eq3A_128 : i32
        %convert_element_type3A_130 = arith.extui %eq3A_129 : i1 to i32
        %cond3A_131 = arith.constant 0 : i32
        %cond3A_132 = arith.cmpi ne, %convert_element_type3A_130, %cond3A_131 : i32
        scf.if %cond3A_132 {
          %add3A_133 = arith.constant 2 : i32
          %add3A_134 = arith.addi %scan3A_77, %add3A_133 : i32
          %mul3A_135 = arith.constant 40 : i32
          %mul3A_136 = arith.muli %add3A_134, %mul3A_135 : i32
          %add3A_137 = arith.addi %add3A_6, %mul3A_136 : i32
          %dma_wait3A_138 = tpu.memref_slice %arg4[%add3A_137] : memref<320000xi32, #tpu.memory_space<hbm>> -> memref<40xi32, #tpu.memory_space<hbm>>
          %dma_wait3A_139 = tpu.memref_slice %arg4[%add3A_137] : memref<320000xi32, #tpu.memory_space<hbm>> -> memref<40xi32, #tpu.memory_space<hbm>>
          tpu.wait_dma2 semaphore(%arg28 : memref<!tpu.dma_semaphore, #tpu.memory_space<semaphore_mem>>) src(%dma_wait3A_139 : memref<40xi32, #tpu.memory_space<hbm>>) dst(%arg11 : memref<40xi32, #tpu.memory_space<vmem>>)
          %mul3A_140 = arith.constant 40 : i32
          %mul3A_141 = arith.muli %add3A_134, %mul3A_140 : i32
          %add3A_142 = arith.addi %add3A_6, %mul3A_141 : i32
          %dma_wait3A_143 = tpu.memref_slice %arg5[%add3A_142] : memref<320000xi32, #tpu.memory_space<hbm>> -> memref<40xi32, #tpu.memory_space<hbm>>
          %dma_wait3A_144 = tpu.memref_slice %arg5[%add3A_142] : memref<320000xi32, #tpu.memory_space<hbm>> -> memref<40xi32, #tpu.memory_space<hbm>>
          tpu.wait_dma2 semaphore(%arg28 : memref<!tpu.dma_semaphore, #tpu.memory_space<semaphore_mem>>) src(%dma_wait3A_144 : memref<40xi32, #tpu.memory_space<hbm>>) dst(%arg15 : memref<40xi32, #tpu.memory_space<vmem>>)
          %dma_start3A_145 = arith.constant 0 : i32
          %dma_start3A_146 = arith.constant 0 : i32
          %dma_start3A_147 = tpu.memref_slice %arg2[%dma_start3A_145, %dma_start3A_146] : memref<10000x128xf32, #tpu.memory_space<hbm>> -> memref<10000x128xf32, #tpu.memory_space<hbm>>
          tpu.enqueue_indirect_dma source(%dma_start3A_147 : memref<10000x128xf32, #tpu.memory_space<hbm>>) target(%arg19 : memref<40x128xf32, #tpu.memory_space<vmem>>) offsets(%arg11 : memref<40xi32, #tpu.memory_space<vmem>>) semaphore(%arg32 : memref<!tpu.dma_semaphore, #tpu.memory_space<semaphore_mem>>)
          %mul3A_148 = arith.constant 40 : i32
          %mul3A_149 = arith.muli %add3A_134, %mul3A_148 : i32
          %add3A_150 = arith.addi %mul3A_4, %mul3A_149 : i32
          %dma_start3A_151 = arith.constant 0 : i32
          %dma_start3A_152 = tpu.memref_slice %arg3[%add3A_150, %dma_start3A_151] : memref<200704x64xi32, #tpu.memory_space<hbm>> -> memref<40x64xi32, #tpu.memory_space<hbm>>
          %dma_start3A_153 = arith.constant 0 : i32
          %dma_start3A_154 = tpu.memref_slice %arg3[%add3A_150, %dma_start3A_153] : memref<200704x64xi32, #tpu.memory_space<hbm>> -> memref<40x64xi32, #tpu.memory_space<hbm>>
          tpu.enqueue_dma source(%dma_start3A_154 : memref<40x64xi32, #tpu.memory_space<hbm>>) target(%arg23 : memref<40x64xi32, #tpu.memory_space<vmem>>) target_semaphore(%arg32 : memref<!tpu.dma_semaphore, #tpu.memory_space<semaphore_mem>>)
        } else {
        }
      } else {
      }
      %rem3A = arith.constant 4 : i32
      %rem3A_82 = arith.remsi %scan3A_77, %rem3A : i32
      %eq3A = arith.constant 0 : i32
      %eq3A_83 = arith.cmpi eq, %rem3A_82, %eq3A : i32
      %convert_element_type3A_84 = arith.extui %eq3A_83 : i1 to i32
      %cond3A_85 = arith.constant 0 : i32
      %cond3A_86 = arith.cmpi ne, %convert_element_type3A_84, %cond3A_85 : i32
      scf.if %cond3A_86 {
        %dma_wait3A_109 = arith.constant 0 : i32
        %dma_wait3A_110 = arith.constant 0 : i32
        %dma_wait3A_111 = tpu.memref_slice %arg2[%dma_wait3A_109, %dma_wait3A_110] : memref<10000x128xf32, #tpu.memory_space<hbm>> -> memref<10000x128xf32, #tpu.memory_space<hbm>>
        tpu.wait_indirect_dma semaphore(%arg29 : memref<!tpu.dma_semaphore, #tpu.memory_space<semaphore_mem>>) src(%dma_wait3A_111 : memref<10000x128xf32, #tpu.memory_space<hbm>>) dst(%arg16 : memref<40x128xf32, #tpu.memory_space<vmem>>)
        %mul3A_112 = arith.constant 40 : i32
        %mul3A_113 = arith.muli %scan3A_77, %mul3A_112 : i32
        %add3A_114 = arith.addi %mul3A_4, %mul3A_113 : i32
        %dma_wait3A_115 = arith.constant 0 : i32
        %dma_wait3A_116 = tpu.memref_slice %arg3[%add3A_114, %dma_wait3A_115] : memref<200704x64xi32, #tpu.memory_space<hbm>> -> memref<40x64xi32, #tpu.memory_space<hbm>>
        %dma_wait3A_117 = arith.constant 0 : i32
        %dma_wait3A_118 = tpu.memref_slice %arg3[%add3A_114, %dma_wait3A_117] : memref<200704x64xi32, #tpu.memory_space<hbm>> -> memref<40x64xi32, #tpu.memory_space<hbm>>
        tpu.wait_dma2 semaphore(%arg29 : memref<!tpu.dma_semaphore, #tpu.memory_space<semaphore_mem>>) src(%dma_wait3A_118 : memref<40x64xi32, #tpu.memory_space<hbm>>) dst(%arg20 : memref<40x64xi32, #tpu.memory_space<vmem>>)
        %scan3A_119 = arith.constant 0 : i32
        %scan3A_120 = arith.constant 0 : i32
        %scan3A_121 = arith.constant 40 : i32
        %scan3A_122 = arith.addi %scan3A_120, %scan3A_121 : i32
        %scan3A_123 = arith.constant 1 : i32
        scf.for %scan3A_125 = %scan3A_120 to %scan3A_122 step %scan3A_123  : i32 {
          %get3A = arith.index_cast %scan3A_125 : i32 to index
          %get3A_126 = arith.constant 0 : index
          %get3A_127 = tpu.vector_load %arg20[%get3A, %get3A_126] {strides = array<i32>} : memref<40x64xi32, #tpu.memory_space<vmem>>, vector<1x16xi32>,
          %get3A_128 = vector.shape_cast %get3A_127 : vector<1x16xi32> to vector<16xi32>
          %broadcast_in_dim3A = arith.constant 16 : i32
          %broadcast_in_dim3A_129 = vector.broadcast %broadcast_in_dim3A : i32 to vector<16xi32>
          %shift_left3A = arith.shli %get3A_128, %broadcast_in_dim3A_129 : vector<16xi32>
          %bitcast_convert_type3A = tpu.bitcast %shift_left3A : vector<16xi32> -> vector<16xf32>
          %broadcast_in_dim3A_130 = arith.constant -65536 : i32
          %broadcast_in_dim3A_131 = vector.broadcast %broadcast_in_dim3A_130 : i32 to vector<16xi32>
          %and3A = arith.andi %get3A_128, %broadcast_in_dim3A_131 : vector<16xi32>
          %bitcast_convert_type3A_132 = tpu.bitcast %and3A : vector<16xi32> -> vector<16xf32>
          %get3A_133 = arith.index_cast %scan3A_125 : i32 to index
          %get3A_134 = arith.constant 0 : index
          %get3A_135 = tpu.vector_load %arg16[%get3A_133, %get3A_134] {strides = array<i32>} : memref<40x128xf32, #tpu.memory_space<vmem>>, vector<1x16xf32>,
          %get3A_136 = vector.shape_cast %get3A_135 : vector<1x16xf32> to vector<16xf32>
          %mul3A_137 = arith.mulf %get3A_136, %bitcast_convert_type3A : vector<16xf32>
          %swap3A = arith.index_cast %scan3A_125 : i32 to index
          %swap3A_138 = arith.constant 0 : index
          %swap3A_139 = tpu.vector_load %arg16[%swap3A, %swap3A_138] {strides = array<i32>} : memref<40x128xf32, #tpu.memory_space<vmem>>, vector<1x16xf32>,
          %swap3A_140 = vector.shape_cast %swap3A_139 : vector<1x16xf32> to vector<16xf32>
          %swap3A_141 = vector.shape_cast %mul3A_137 : vector<16xf32> to vector<1x16xf32>
          tpu.vector_store %arg16[%swap3A, %swap3A_138], %swap3A_141 {strides = array<i32>} : memref<40x128xf32, #tpu.memory_space<vmem>>, vector<1x16xf32>,
          %get3A_142 = arith.index_cast %scan3A_125 : i32 to index
          %get3A_143 = arith.constant 64 : index
          %get3A_144 = tpu.vector_load %arg16[%get3A_142, %get3A_143] {strides = array<i32>} : memref<40x128xf32, #tpu.memory_space<vmem>>, vector<1x16xf32>,
          %get3A_145 = vector.shape_cast %get3A_144 : vector<1x16xf32> to vector<16xf32>
          %mul3A_146 = arith.mulf %get3A_145, %bitcast_convert_type3A_132 : vector<16xf32>
          %swap3A_147 = arith.index_cast %scan3A_125 : i32 to index
          %swap3A_148 = arith.constant 64 : index
          %swap3A_149 = tpu.vector_load %arg16[%swap3A_147, %swap3A_148] {strides = array<i32>} : memref<40x128xf32, #tpu.memory_space<vmem>>, vector<1x16xf32>,
          %swap3A_150 = vector.shape_cast %swap3A_149 : vector<1x16xf32> to vector<16xf32>
          %swap3A_151 = vector.shape_cast %mul3A_146 : vector<16xf32> to vector<1x16xf32>
          tpu.vector_store %arg16[%swap3A_147, %swap3A_148], %swap3A_151 {strides = array<i32>} : memref<40x128xf32, #tpu.memory_space<vmem>>, vector<1x16xf32>,
          %get3A_152 = arith.index_cast %scan3A_125 : i32 to index
          %get3A_153 = arith.constant 16 : index
          %get3A_154 = tpu.vector_load %arg20[%get3A_152, %get3A_153] {strides = array<i32>} : memref<40x64xi32, #tpu.memory_space<vmem>>, vector<1x16xi32>,
          %get3A_155 = vector.shape_cast %get3A_154 : vector<1x16xi32> to vector<16xi32>
          %broadcast_in_dim3A_156 = arith.constant 16 : i32
          %broadcast_in_dim3A_157 = vector.broadcast %broadcast_in_dim3A_156 : i32 to vector<16xi32>
          %shift_left3A_158 = arith.shli %get3A_155, %broadcast_in_dim3A_157 : vector<16xi32>
          %bitcast_convert_type3A_159 = tpu.bitcast %shift_left3A_158 : vector<16xi32> -> vector<16xf32>
          %broadcast_in_dim3A_160 = arith.constant -65536 : i32
          %broadcast_in_dim3A_161 = vector.broadcast %broadcast_in_dim3A_160 : i32 to vector<16xi32>
          %and3A_162 = arith.andi %get3A_155, %broadcast_in_dim3A_161 : vector<16xi32>
          %bitcast_convert_type3A_163 = tpu.bitcast %and3A_162 : vector<16xi32> -> vector<16xf32>
          %get3A_164 = arith.index_cast %scan3A_125 : i32 to index
          %get3A_165 = arith.constant 16 : index
          %get3A_166 = tpu.vector_load %arg16[%get3A_164, %get3A_165] {strides = array<i32>} : memref<40x128xf32, #tpu.memory_space<vmem>>, vector<1x16xf32>,
          %get3A_167 = vector.shape_cast %get3A_166 : vector<1x16xf32> to vector<16xf32>
          %mul3A_168 = arith.mulf %get3A_167, %bitcast_convert_type3A_159 : vector<16xf32>
          %swap3A_169 = arith.index_cast %scan3A_125 : i32 to index
          %swap3A_170 = arith.constant 16 : index
          %swap3A_171 = tpu.vector_load %arg16[%swap3A_169, %swap3A_170] {strides = array<i32>} : memref<40x128xf32, #tpu.memory_space<vmem>>, vector<1x16xf32>,
          %swap3A_172 = vector.shape_cast %swap3A_171 : vector<1x16xf32> to vector<16xf32>
          %swap3A_173 = vector.shape_cast %mul3A_168 : vector<16xf32> to vector<1x16xf32>
          tpu.vector_store %arg16[%swap3A_169, %swap3A_170], %swap3A_173 {strides = array<i32>} : memref<40x128xf32, #tpu.memory_space<vmem>>, vector<1x16xf32>,
          %get3A_174 = arith.index_cast %scan3A_125 : i32 to index
          %get3A_175 = arith.constant 80 : index
          %get3A_176 = tpu.vector_load %arg16[%get3A_174, %get3A_175] {strides = array<i32>} : memref<40x128xf32, #tpu.memory_space<vmem>>, vector<1x16xf32>,
          %get3A_177 = vector.shape_cast %get3A_176 : vector<1x16xf32> to vector<16xf32>
          %mul3A_178 = arith.mulf %get3A_177, %bitcast_convert_type3A_163 : vector<16xf32>
          %swap3A_179 = arith.index_cast %scan3A_125 : i32 to index
          %swap3A_180 = arith.constant 80 : index
          %swap3A_181 = tpu.vector_load %arg16[%swap3A_179, %swap3A_180] {strides = array<i32>} : memref<40x128xf32, #tpu.memory_space<vmem>>, vector<1x16xf32>,
          %swap3A_182 = vector.shape_cast %swap3A_181 : vector<1x16xf32> to vector<16xf32>
          %swap3A_183 = vector.shape_cast %mul3A_178 : vector<16xf32> to vector<1x16xf32>
          tpu.vector_store %arg16[%swap3A_179, %swap3A_180], %swap3A_183 {strides = array<i32>} : memref<40x128xf32, #tpu.memory_space<vmem>>, vector<1x16xf32>,
          %get3A_184 = arith.index_cast %scan3A_125 : i32 to index
          %get3A_185 = arith.constant 32 : index
          %get3A_186 = tpu.vector_load %arg20[%get3A_184, %get3A_185] {strides = array<i32>} : memref<40x64xi32, #tpu.memory_space<vmem>>, vector<1x16xi32>,
          %get3A_187 = vector.shape_cast %get3A_186 : vector<1x16xi32> to vector<16xi32>
          %broadcast_in_dim3A_188 = arith.constant 16 : i32
          %broadcast_in_dim3A_189 = vector.broadcast %broadcast_in_dim3A_188 : i32 to vector<16xi32>
          %shift_left3A_190 = arith.shli %get3A_187, %broadcast_in_dim3A_189 : vector<16xi32>
          %bitcast_convert_type3A_191 = tpu.bitcast %shift_left3A_190 : vector<16xi32> -> vector<16xf32>
          %broadcast_in_dim3A_192 = arith.constant -65536 : i32
          %broadcast_in_dim3A_193 = vector.broadcast %broadcast_in_dim3A_192 : i32 to vector<16xi32>
          %and3A_194 = arith.andi %get3A_187, %broadcast_in_dim3A_193 : vector<16xi32>
          %bitcast_convert_type3A_195 = tpu.bitcast %and3A_194 : vector<16xi32> -> vector<16xf32>
          %get3A_196 = arith.index_cast %scan3A_125 : i32 to index
          %get3A_197 = arith.constant 32 : index
          %get3A_198 = tpu.vector_load %arg16[%get3A_196, %get3A_197] {strides = array<i32>} : memref<40x128xf32, #tpu.memory_space<vmem>>, vector<1x16xf32>,
          %get3A_199 = vector.shape_cast %get3A_198 : vector<1x16xf32> to vector<16xf32>
          %mul3A_200 = arith.mulf %get3A_199, %bitcast_convert_type3A_191 : vector<16xf32>
          %swap3A_201 = arith.index_cast %scan3A_125 : i32 to index
          %swap3A_202 = arith.constant 32 : index
          %swap3A_203 = tpu.vector_load %arg16[%swap3A_201, %swap3A_202] {strides = array<i32>} : memref<40x128xf32, #tpu.memory_space<vmem>>, vector<1x16xf32>,
          %swap3A_204 = vector.shape_cast %swap3A_203 : vector<1x16xf32> to vector<16xf32>
          %swap3A_205 = vector.shape_cast %mul3A_200 : vector<16xf32> to vector<1x16xf32>
          tpu.vector_store %arg16[%swap3A_201, %swap3A_202], %swap3A_205 {strides = array<i32>} : memref<40x128xf32, #tpu.memory_space<vmem>>, vector<1x16xf32>,
          %get3A_206 = arith.index_cast %scan3A_125 : i32 to index
          %get3A_207 = arith.constant 96 : index
          %get3A_208 = tpu.vector_load %arg16[%get3A_206, %get3A_207] {strides = array<i32>} : memref<40x128xf32, #tpu.memory_space<vmem>>, vector<1x16xf32>,
          %get3A_209 = vector.shape_cast %get3A_208 : vector<1x16xf32> to vector<16xf32>
          %mul3A_210 = arith.mulf %get3A_209, %bitcast_convert_type3A_195 : vector<16xf32>
          %swap3A_211 = arith.index_cast %scan3A_125 : i32 to index
          %swap3A_212 = arith.constant 96 : index
          %swap3A_213 = tpu.vector_load %arg16[%swap3A_211, %swap3A_212] {strides = array<i32>} : memref<40x128xf32, #tpu.memory_space<vmem>>, vector<1x16xf32>,
          %swap3A_214 = vector.shape_cast %swap3A_213 : vector<1x16xf32> to vector<16xf32>
          %swap3A_215 = vector.shape_cast %mul3A_210 : vector<16xf32> to vector<1x16xf32>
          tpu.vector_store %arg16[%swap3A_211, %swap3A_212], %swap3A_215 {strides = array<i32>} : memref<40x128xf32, #tpu.memory_space<vmem>>, vector<1x16xf32>,
          %get3A_216 = arith.index_cast %scan3A_125 : i32 to index
          %get3A_217 = arith.constant 48 : index
          %get3A_218 = tpu.vector_load %arg20[%get3A_216, %get3A_217] {strides = array<i32>} : memref<40x64xi32, #tpu.memory_space<vmem>>, vector<1x16xi32>,
          %get3A_219 = vector.shape_cast %get3A_218 : vector<1x16xi32> to vector<16xi32>
          %broadcast_in_dim3A_220 = arith.constant 16 : i32
          %broadcast_in_dim3A_221 = vector.broadcast %broadcast_in_dim3A_220 : i32 to vector<16xi32>
          %shift_left3A_222 = arith.shli %get3A_219, %broadcast_in_dim3A_221 : vector<16xi32>
          %bitcast_convert_type3A_223 = tpu.bitcast %shift_left3A_222 : vector<16xi32> -> vector<16xf32>
          %broadcast_in_dim3A_224 = arith.constant -65536 : i32
          %broadcast_in_dim3A_225 = vector.broadcast %broadcast_in_dim3A_224 : i32 to vector<16xi32>
          %and3A_226 = arith.andi %get3A_219, %broadcast_in_dim3A_225 : vector<16xi32>
          %bitcast_convert_type3A_227 = tpu.bitcast %and3A_226 : vector<16xi32> -> vector<16xf32>
          %get3A_228 = arith.index_cast %scan3A_125 : i32 to index
          %get3A_229 = arith.constant 48 : index
          %get3A_230 = tpu.vector_load %arg16[%get3A_228, %get3A_229] {strides = array<i32>} : memref<40x128xf32, #tpu.memory_space<vmem>>, vector<1x16xf32>,
          %get3A_231 = vector.shape_cast %get3A_230 : vector<1x16xf32> to vector<16xf32>
          %mul3A_232 = arith.mulf %get3A_231, %bitcast_convert_type3A_223 : vector<16xf32>
          %swap3A_233 = arith.index_cast %scan3A_125 : i32 to index
          %swap3A_234 = arith.constant 48 : index
          %swap3A_235 = tpu.vector_load %arg16[%swap3A_233, %swap3A_234] {strides = array<i32>} : memref<40x128xf32, #tpu.memory_space<vmem>>, vector<1x16xf32>,
          %swap3A_236 = vector.shape_cast %swap3A_235 : vector<1x16xf32> to vector<16xf32>
          %swap3A_237 = vector.shape_cast %mul3A_232 : vector<16xf32> to vector<1x16xf32>
          tpu.vector_store %arg16[%swap3A_233, %swap3A_234], %swap3A_237 {strides = array<i32>} : memref<40x128xf32, #tpu.memory_space<vmem>>, vector<1x16xf32>,
          %get3A_238 = arith.index_cast %scan3A_125 : i32 to index
          %get3A_239 = arith.constant 112 : index
          %get3A_240 = tpu.vector_load %arg16[%get3A_238, %get3A_239] {strides = array<i32>} : memref<40x128xf32, #tpu.memory_space<vmem>>, vector<1x16xf32>,
          %get3A_241 = vector.shape_cast %get3A_240 : vector<1x16xf32> to vector<16xf32>
          %mul3A_242 = arith.mulf %get3A_241, %bitcast_convert_type3A_227 : vector<16xf32>
          %swap3A_243 = arith.index_cast %scan3A_125 : i32 to index
          %swap3A_244 = arith.constant 112 : index
          %swap3A_245 = tpu.vector_load %arg16[%swap3A_243, %swap3A_244] {strides = array<i32>} : memref<40x128xf32, #tpu.memory_space<vmem>>, vector<1x16xf32>,
          %swap3A_246 = vector.shape_cast %swap3A_245 : vector<1x16xf32> to vector<16xf32>
          %swap3A_247 = vector.shape_cast %mul3A_242 : vector<16xf32> to vector<1x16xf32>
          tpu.vector_store %arg16[%swap3A_243, %swap3A_244], %swap3A_247 {strides = array<i32>} : memref<40x128xf32, #tpu.memory_space<vmem>>, vector<1x16xf32>,
        }
        %scan3A_124 = arith.constant 40 : i32
        "tpu.region"() ({
          %run_scoped3A = tpu.sem_alloc : memref<!tpu.dma_semaphore, #tpu.memory_space<semaphore_mem>>
          %dma_start3A_125 = arith.constant 0 : i32
          %dma_start3A_126 = arith.constant 0 : i32
          %dma_start3A_127 = tpu.memref_slice %arg24[%dma_start3A_125, %dma_start3A_126] : memref<10240x128xf32, #tpu.memory_space<vmem_shared>> -> memref<10240x128xf32, #tpu.memory_space<vmem_shared>>
          tpu.enqueue_indirect_dma source(%arg16 : memref<40x128xf32, #tpu.memory_space<vmem>>) target(%dma_start3A_127 : memref<10240x128xf32, #tpu.memory_space<vmem_shared>>) offsets(%arg12 : memref<40xi32, #tpu.memory_space<vmem>>) semaphore(%run_scoped3A : memref<!tpu.dma_semaphore, #tpu.memory_space<semaphore_mem>>) {add = true}
          %dma_wait3A_128 = arith.constant 0 : i32
          %dma_wait3A_129 = arith.constant 0 : i32
          %dma_wait3A_130 = tpu.memref_slice %arg24[%dma_wait3A_128, %dma_wait3A_129] : memref<10240x128xf32, #tpu.memory_space<vmem_shared>> -> memref<10240x128xf32, #tpu.memory_space<vmem_shared>>
          tpu.wait_indirect_dma semaphore(%run_scoped3A : memref<!tpu.dma_semaphore, #tpu.memory_space<semaphore_mem>>) src(%arg16 : memref<40x128xf32, #tpu.memory_space<vmem>>) dst(%dma_wait3A_130 : memref<10240x128xf32, #tpu.memory_space<vmem_shared>>)
          tpu.yield
        }) : () -> ()
      } else {
      }
      %eq3A_87 = arith.constant 1 : i32
      %eq3A_88 = arith.cmpi eq, %rem3A_82, %eq3A_87 : i32
      %convert_element_type3A_89 = arith.extui %eq3A_88 : i1 to i32
      %cond3A_90 = arith.constant 0 : i32
      %cond3A_91 = arith.cmpi ne, %convert_element_type3A_89, %cond3A_90 : i32
      scf.if %cond3A_91 {
        %dma_wait3A_109 = arith.constant 0 : i32
        %dma_wait3A_110 = arith.constant 0 : i32
        %dma_wait3A_111 = tpu.memref_slice %arg2[%dma_wait3A_109, %dma_wait3A_110] : memref<10000x128xf32, #tpu.memory_space<hbm>> -> memref<10000x128xf32, #tpu.memory_space<hbm>>
        tpu.wait_indirect_dma semaphore(%arg30 : memref<!tpu.dma_semaphore, #tpu.memory_space<semaphore_mem>>) src(%dma_wait3A_111 : memref<10000x128xf32, #tpu.memory_space<hbm>>) dst(%arg17 : memref<40x128xf32, #tpu.memory_space<vmem>>)
        %mul3A_112 = arith.constant 40 : i32
        %mul3A_113 = arith.muli %scan3A_77, %mul3A_112 : i32
        %add3A_114 = arith.addi %mul3A_4, %mul3A_113 : i32
        %dma_wait3A_115 = arith.constant 0 : i32
        %dma_wait3A_116 = tpu.memref_slice %arg3[%add3A_114, %dma_wait3A_115] : memref<200704x64xi32, #tpu.memory_space<hbm>> -> memref<40x64xi32, #tpu.memory_space<hbm>>
        %dma_wait3A_117 = arith.constant 0 : i32
        %dma_wait3A_118 = tpu.memref_slice %arg3[%add3A_114, %dma_wait3A_117] : memref<200704x64xi32, #tpu.memory_space<hbm>> -> memref<40x64xi32, #tpu.memory_space<hbm>>
        tpu.wait_dma2 semaphore(%arg30 : memref<!tpu.dma_semaphore, #tpu.memory_space<semaphore_mem>>) src(%dma_wait3A_118 : memref<40x64xi32, #tpu.memory_space<hbm>>) dst(%arg21 : memref<40x64xi32, #tpu.memory_space<vmem>>)
        %scan3A_119 = arith.constant 0 : i32
        %scan3A_120 = arith.constant 0 : i32
        %scan3A_121 = arith.constant 40 : i32
        %scan3A_122 = arith.addi %scan3A_120, %scan3A_121 : i32
        %scan3A_123 = arith.constant 1 : i32
        scf.for %scan3A_125 = %scan3A_120 to %scan3A_122 step %scan3A_123  : i32 {
          %get3A = arith.index_cast %scan3A_125 : i32 to index
          %get3A_126 = arith.constant 0 : index
          %get3A_127 = tpu.vector_load %arg21[%get3A, %get3A_126] {strides = array<i32>} : memref<40x64xi32, #tpu.memory_space<vmem>>, vector<1x16xi32>,
          %get3A_128 = vector.shape_cast %get3A_127 : vector<1x16xi32> to vector<16xi32>
          %broadcast_in_dim3A = arith.constant 16 : i32
          %broadcast_in_dim3A_129 = vector.broadcast %broadcast_in_dim3A : i32 to vector<16xi32>
          %shift_left3A = arith.shli %get3A_128, %broadcast_in_dim3A_129 : vector<16xi32>
          %bitcast_convert_type3A = tpu.bitcast %shift_left3A : vector<16xi32> -> vector<16xf32>
          %broadcast_in_dim3A_130 = arith.constant -65536 : i32
          %broadcast_in_dim3A_131 = vector.broadcast %broadcast_in_dim3A_130 : i32 to vector<16xi32>
          %and3A = arith.andi %get3A_128, %broadcast_in_dim3A_131 : vector<16xi32>
          %bitcast_convert_type3A_132 = tpu.bitcast %and3A : vector<16xi32> -> vector<16xf32>
          %get3A_133 = arith.index_cast %scan3A_125 : i32 to index
          %get3A_134 = arith.constant 0 : index
          %get3A_135 = tpu.vector_load %arg17[%get3A_133, %get3A_134] {strides = array<i32>} : memref<40x128xf32, #tpu.memory_space<vmem>>, vector<1x16xf32>,
          %get3A_136 = vector.shape_cast %get3A_135 : vector<1x16xf32> to vector<16xf32>
          %mul3A_137 = arith.mulf %get3A_136, %bitcast_convert_type3A : vector<16xf32>
          %swap3A = arith.index_cast %scan3A_125 : i32 to index
          %swap3A_138 = arith.constant 0 : index
          %swap3A_139 = tpu.vector_load %arg17[%swap3A, %swap3A_138] {strides = array<i32>} : memref<40x128xf32, #tpu.memory_space<vmem>>, vector<1x16xf32>,
          %swap3A_140 = vector.shape_cast %swap3A_139 : vector<1x16xf32> to vector<16xf32>
          %swap3A_141 = vector.shape_cast %mul3A_137 : vector<16xf32> to vector<1x16xf32>
          tpu.vector_store %arg17[%swap3A, %swap3A_138], %swap3A_141 {strides = array<i32>} : memref<40x128xf32, #tpu.memory_space<vmem>>, vector<1x16xf32>,
          %get3A_142 = arith.index_cast %scan3A_125 : i32 to index
          %get3A_143 = arith.constant 64 : index
          %get3A_144 = tpu.vector_load %arg17[%get3A_142, %get3A_143] {strides = array<i32>} : memref<40x128xf32, #tpu.memory_space<vmem>>, vector<1x16xf32>,
          %get3A_145 = vector.shape_cast %get3A_144 : vector<1x16xf32> to vector<16xf32>
          %mul3A_146 = arith.mulf %get3A_145, %bitcast_convert_type3A_132 : vector<16xf32>
          %swap3A_147 = arith.index_cast %scan3A_125 : i32 to index
          %swap3A_148 = arith.constant 64 : index
          %swap3A_149 = tpu.vector_load %arg17[%swap3A_147, %swap3A_148] {strides = array<i32>} : memref<40x128xf32, #tpu.memory_space<vmem>>, vector<1x16xf32>,
          %swap3A_150 = vector.shape_cast %swap3A_149 : vector<1x16xf32> to vector<16xf32>
          %swap3A_151 = vector.shape_cast %mul3A_146 : vector<16xf32> to vector<1x16xf32>
          tpu.vector_store %arg17[%swap3A_147, %swap3A_148], %swap3A_151 {strides = array<i32>} : memref<40x128xf32, #tpu.memory_space<vmem>>, vector<1x16xf32>,
          %get3A_152 = arith.index_cast %scan3A_125 : i32 to index
          %get3A_153 = arith.constant 16 : index
          %get3A_154 = tpu.vector_load %arg21[%get3A_152, %get3A_153] {strides = array<i32>} : memref<40x64xi32, #tpu.memory_space<vmem>>, vector<1x16xi32>,
          %get3A_155 = vector.shape_cast %get3A_154 : vector<1x16xi32> to vector<16xi32>
          %broadcast_in_dim3A_156 = arith.constant 16 : i32
          %broadcast_in_dim3A_157 = vector.broadcast %broadcast_in_dim3A_156 : i32 to vector<16xi32>
          %shift_left3A_158 = arith.shli %get3A_155, %broadcast_in_dim3A_157 : vector<16xi32>
          %bitcast_convert_type3A_159 = tpu.bitcast %shift_left3A_158 : vector<16xi32> -> vector<16xf32>
          %broadcast_in_dim3A_160 = arith.constant -65536 : i32
          %broadcast_in_dim3A_161 = vector.broadcast %broadcast_in_dim3A_160 : i32 to vector<16xi32>
          %and3A_162 = arith.andi %get3A_155, %broadcast_in_dim3A_161 : vector<16xi32>
          %bitcast_convert_type3A_163 = tpu.bitcast %and3A_162 : vector<16xi32> -> vector<16xf32>
          %get3A_164 = arith.index_cast %scan3A_125 : i32 to index
          %get3A_165 = arith.constant 16 : index
          %get3A_166 = tpu.vector_load %arg17[%get3A_164, %get3A_165] {strides = array<i32>} : memref<40x128xf32, #tpu.memory_space<vmem>>, vector<1x16xf32>,
          %get3A_167 = vector.shape_cast %get3A_166 : vector<1x16xf32> to vector<16xf32>
          %mul3A_168 = arith.mulf %get3A_167, %bitcast_convert_type3A_159 : vector<16xf32>
          %swap3A_169 = arith.index_cast %scan3A_125 : i32 to index
          %swap3A_170 = arith.constant 16 : index
          %swap3A_171 = tpu.vector_load %arg17[%swap3A_169, %swap3A_170] {strides = array<i32>} : memref<40x128xf32, #tpu.memory_space<vmem>>, vector<1x16xf32>,
          %swap3A_172 = vector.shape_cast %swap3A_171 : vector<1x16xf32> to vector<16xf32>
          %swap3A_173 = vector.shape_cast %mul3A_168 : vector<16xf32> to vector<1x16xf32>
          tpu.vector_store %arg17[%swap3A_169, %swap3A_170], %swap3A_173 {strides = array<i32>} : memref<40x128xf32, #tpu.memory_space<vmem>>, vector<1x16xf32>,
          %get3A_174 = arith.index_cast %scan3A_125 : i32 to index
          %get3A_175 = arith.constant 80 : index
          %get3A_176 = tpu.vector_load %arg17[%get3A_174, %get3A_175] {strides = array<i32>} : memref<40x128xf32, #tpu.memory_space<vmem>>, vector<1x16xf32>,
          %get3A_177 = vector.shape_cast %get3A_176 : vector<1x16xf32> to vector<16xf32>
          %mul3A_178 = arith.mulf %get3A_177, %bitcast_convert_type3A_163 : vector<16xf32>
          %swap3A_179 = arith.index_cast %scan3A_125 : i32 to index
          %swap3A_180 = arith.constant 80 : index
          %swap3A_181 = tpu.vector_load %arg17[%swap3A_179, %swap3A_180] {strides = array<i32>} : memref<40x128xf32, #tpu.memory_space<vmem>>, vector<1x16xf32>,
          %swap3A_182 = vector.shape_cast %swap3A_181 : vector<1x16xf32> to vector<16xf32>
          %swap3A_183 = vector.shape_cast %mul3A_178 : vector<16xf32> to vector<1x16xf32>
          tpu.vector_store %arg17[%swap3A_179, %swap3A_180], %swap3A_183 {strides = array<i32>} : memref<40x128xf32, #tpu.memory_space<vmem>>, vector<1x16xf32>,
          %get3A_184 = arith.index_cast %scan3A_125 : i32 to index
          %get3A_185 = arith.constant 32 : index
          %get3A_186 = tpu.vector_load %arg21[%get3A_184, %get3A_185] {strides = array<i32>} : memref<40x64xi32, #tpu.memory_space<vmem>>, vector<1x16xi32>,
          %get3A_187 = vector.shape_cast %get3A_186 : vector<1x16xi32> to vector<16xi32>
          %broadcast_in_dim3A_188 = arith.constant 16 : i32
          %broadcast_in_dim3A_189 = vector.broadcast %broadcast_in_dim3A_188 : i32 to vector<16xi32>
          %shift_left3A_190 = arith.shli %get3A_187, %broadcast_in_dim3A_189 : vector<16xi32>
          %bitcast_convert_type3A_191 = tpu.bitcast %shift_left3A_190 : vector<16xi32> -> vector<16xf32>
          %broadcast_in_dim3A_192 = arith.constant -65536 : i32
          %broadcast_in_dim3A_193 = vector.broadcast %broadcast_in_dim3A_192 : i32 to vector<16xi32>
          %and3A_194 = arith.andi %get3A_187, %broadcast_in_dim3A_193 : vector<16xi32>
          %bitcast_convert_type3A_195 = tpu.bitcast %and3A_194 : vector<16xi32> -> vector<16xf32>
          %get3A_196 = arith.index_cast %scan3A_125 : i32 to index
          %get3A_197 = arith.constant 32 : index
          %get3A_198 = tpu.vector_load %arg17[%get3A_196, %get3A_197] {strides = array<i32>} : memref<40x128xf32, #tpu.memory_space<vmem>>, vector<1x16xf32>,
          %get3A_199 = vector.shape_cast %get3A_198 : vector<1x16xf32> to vector<16xf32>
          %mul3A_200 = arith.mulf %get3A_199, %bitcast_convert_type3A_191 : vector<16xf32>
          %swap3A_201 = arith.index_cast %scan3A_125 : i32 to index
          %swap3A_202 = arith.constant 32 : index
          %swap3A_203 = tpu.vector_load %arg17[%swap3A_201, %swap3A_202] {strides = array<i32>} : memref<40x128xf32, #tpu.memory_space<vmem>>, vector<1x16xf32>,
          %swap3A_204 = vector.shape_cast %swap3A_203 : vector<1x16xf32> to vector<16xf32>
          %swap3A_205 = vector.shape_cast %mul3A_200 : vector<16xf32> to vector<1x16xf32>
          tpu.vector_store %arg17[%swap3A_201, %swap3A_202], %swap3A_205 {strides = array<i32>} : memref<40x128xf32, #tpu.memory_space<vmem>>, vector<1x16xf32>,
          %get3A_206 = arith.index_cast %scan3A_125 : i32 to index
          %get3A_207 = arith.constant 96 : index
          %get3A_208 = tpu.vector_load %arg17[%get3A_206, %get3A_207] {strides = array<i32>} : memref<40x128xf32, #tpu.memory_space<vmem>>, vector<1x16xf32>,
          %get3A_209 = vector.shape_cast %get3A_208 : vector<1x16xf32> to vector<16xf32>
          %mul3A_210 = arith.mulf %get3A_209, %bitcast_convert_type3A_195 : vector<16xf32>
          %swap3A_211 = arith.index_cast %scan3A_125 : i32 to index
          %swap3A_212 = arith.constant 96 : index
          %swap3A_213 = tpu.vector_load %arg17[%swap3A_211, %swap3A_212] {strides = array<i32>} : memref<40x128xf32, #tpu.memory_space<vmem>>, vector<1x16xf32>,
          %swap3A_214 = vector.shape_cast %swap3A_213 : vector<1x16xf32> to vector<16xf32>
          %swap3A_215 = vector.shape_cast %mul3A_210 : vector<16xf32> to vector<1x16xf32>
          tpu.vector_store %arg17[%swap3A_211, %swap3A_212], %swap3A_215 {strides = array<i32>} : memref<40x128xf32, #tpu.memory_space<vmem>>, vector<1x16xf32>,
          %get3A_216 = arith.index_cast %scan3A_125 : i32 to index
          %get3A_217 = arith.constant 48 : index
          %get3A_218 = tpu.vector_load %arg21[%get3A_216, %get3A_217] {strides = array<i32>} : memref<40x64xi32, #tpu.memory_space<vmem>>, vector<1x16xi32>,
          %get3A_219 = vector.shape_cast %get3A_218 : vector<1x16xi32> to vector<16xi32>
          %broadcast_in_dim3A_220 = arith.constant 16 : i32
          %broadcast_in_dim3A_221 = vector.broadcast %broadcast_in_dim3A_220 : i32 to vector<16xi32>
          %shift_left3A_222 = arith.shli %get3A_219, %broadcast_in_dim3A_221 : vector<16xi32>
          %bitcast_convert_type3A_223 = tpu.bitcast %shift_left3A_222 : vector<16xi32> -> vector<16xf32>
          %broadcast_in_dim3A_224 = arith.constant -65536 : i32
          %broadcast_in_dim3A_225 = vector.broadcast %broadcast_in_dim3A_224 : i32 to vector<16xi32>
          %and3A_226 = arith.andi %get3A_219, %broadcast_in_dim3A_225 : vector<16xi32>
          %bitcast_convert_type3A_227 = tpu.bitcast %and3A_226 : vector<16xi32> -> vector<16xf32>
          %get3A_228 = arith.index_cast %scan3A_125 : i32 to index
          %get3A_229 = arith.constant 48 : index
          %get3A_230 = tpu.vector_load %arg17[%get3A_228, %get3A_229] {strides = array<i32>} : memref<40x128xf32, #tpu.memory_space<vmem>>, vector<1x16xf32>,
          %get3A_231 = vector.shape_cast %get3A_230 : vector<1x16xf32> to vector<16xf32>
          %mul3A_232 = arith.mulf %get3A_231, %bitcast_convert_type3A_223 : vector<16xf32>
          %swap3A_233 = arith.index_cast %scan3A_125 : i32 to index
          %swap3A_234 = arith.constant 48 : index
          %swap3A_235 = tpu.vector_load %arg17[%swap3A_233, %swap3A_234] {strides = array<i32>} : memref<40x128xf32, #tpu.memory_space<vmem>>, vector<1x16xf32>,
          %swap3A_236 = vector.shape_cast %swap3A_235 : vector<1x16xf32> to vector<16xf32>
          %swap3A_237 = vector.shape_cast %mul3A_232 : vector<16xf32> to vector<1x16xf32>
          tpu.vector_store %arg17[%swap3A_233, %swap3A_234], %swap3A_237 {strides = array<i32>} : memref<40x128xf32, #tpu.memory_space<vmem>>, vector<1x16xf32>,
          %get3A_238 = arith.index_cast %scan3A_125 : i32 to index
          %get3A_239 = arith.constant 112 : index
          %get3A_240 = tpu.vector_load %arg17[%get3A_238, %get3A_239] {strides = array<i32>} : memref<40x128xf32, #tpu.memory_space<vmem>>, vector<1x16xf32>,
          %get3A_241 = vector.shape_cast %get3A_240 : vector<1x16xf32> to vector<16xf32>
          %mul3A_242 = arith.mulf %get3A_241, %bitcast_convert_type3A_227 : vector<16xf32>
          %swap3A_243 = arith.index_cast %scan3A_125 : i32 to index
          %swap3A_244 = arith.constant 112 : index
          %swap3A_245 = tpu.vector_load %arg17[%swap3A_243, %swap3A_244] {strides = array<i32>} : memref<40x128xf32, #tpu.memory_space<vmem>>, vector<1x16xf32>,
          %swap3A_246 = vector.shape_cast %swap3A_245 : vector<1x16xf32> to vector<16xf32>
          %swap3A_247 = vector.shape_cast %mul3A_242 : vector<16xf32> to vector<1x16xf32>
          tpu.vector_store %arg17[%swap3A_243, %swap3A_244], %swap3A_247 {strides = array<i32>} : memref<40x128xf32, #tpu.memory_space<vmem>>, vector<1x16xf32>,
        }
        %scan3A_124 = arith.constant 40 : i32
        "tpu.region"() ({
          %run_scoped3A = tpu.sem_alloc : memref<!tpu.dma_semaphore, #tpu.memory_space<semaphore_mem>>
          %dma_start3A_125 = arith.constant 0 : i32
          %dma_start3A_126 = arith.constant 0 : i32
          %dma_start3A_127 = tpu.memref_slice %arg24[%dma_start3A_125, %dma_start3A_126] : memref<10240x128xf32, #tpu.memory_space<vmem_shared>> -> memref<10240x128xf32, #tpu.memory_space<vmem_shared>>
          tpu.enqueue_indirect_dma source(%arg17 : memref<40x128xf32, #tpu.memory_space<vmem>>) target(%dma_start3A_127 : memref<10240x128xf32, #tpu.memory_space<vmem_shared>>) offsets(%arg13 : memref<40xi32, #tpu.memory_space<vmem>>) semaphore(%run_scoped3A : memref<!tpu.dma_semaphore, #tpu.memory_space<semaphore_mem>>) {add = true}
          %dma_wait3A_128 = arith.constant 0 : i32
          %dma_wait3A_129 = arith.constant 0 : i32
          %dma_wait3A_130 = tpu.memref_slice %arg24[%dma_wait3A_128, %dma_wait3A_129] : memref<10240x128xf32, #tpu.memory_space<vmem_shared>> -> memref<10240x128xf32, #tpu.memory_space<vmem_shared>>
          tpu.wait_indirect_dma semaphore(%run_scoped3A : memref<!tpu.dma_semaphore, #tpu.memory_space<semaphore_mem>>) src(%arg17 : memref<40x128xf32, #tpu.memory_space<vmem>>) dst(%dma_wait3A_130 : memref<10240x128xf32, #tpu.memory_space<vmem_shared>>)
          tpu.yield
        }) : () -> ()
      } else {
      }
      %eq3A_92 = arith.constant 2 : i32
      %eq3A_93 = arith.cmpi eq, %rem3A_82, %eq3A_92 : i32
      %convert_element_type3A_94 = arith.extui %eq3A_93 : i1 to i32
      %cond3A_95 = arith.constant 0 : i32
      %cond3A_96 = arith.cmpi ne, %convert_element_type3A_94, %cond3A_95 : i32
      scf.if %cond3A_96 {
        %dma_wait3A_109 = arith.constant 0 : i32
        %dma_wait3A_110 = arith.constant 0 : i32
        %dma_wait3A_111 = tpu.memref_slice %arg2[%dma_wait3A_109, %dma_wait3A_110] : memref<10000x128xf32, #tpu.memory_space<hbm>> -> memref<10000x128xf32, #tpu.memory_space<hbm>>
        tpu.wait_indirect_dma semaphore(%arg31 : memref<!tpu.dma_semaphore, #tpu.memory_space<semaphore_mem>>) src(%dma_wait3A_111 : memref<10000x128xf32, #tpu.memory_space<hbm>>) dst(%arg18 : memref<40x128xf32, #tpu.memory_space<vmem>>)
        %mul3A_112 = arith.constant 40 : i32
        %mul3A_113 = arith.muli %scan3A_77, %mul3A_112 : i32
        %add3A_114 = arith.addi %mul3A_4, %mul3A_113 : i32
        %dma_wait3A_115 = arith.constant 0 : i32
        %dma_wait3A_116 = tpu.memref_slice %arg3[%add3A_114, %dma_wait3A_115] : memref<200704x64xi32, #tpu.memory_space<hbm>> -> memref<40x64xi32, #tpu.memory_space<hbm>>
        %dma_wait3A_117 = arith.constant 0 : i32
        %dma_wait3A_118 = tpu.memref_slice %arg3[%add3A_114, %dma_wait3A_117] : memref<200704x64xi32, #tpu.memory_space<hbm>> -> memref<40x64xi32, #tpu.memory_space<hbm>>
        tpu.wait_dma2 semaphore(%arg31 : memref<!tpu.dma_semaphore, #tpu.memory_space<semaphore_mem>>) src(%dma_wait3A_118 : memref<40x64xi32, #tpu.memory_space<hbm>>) dst(%arg22 : memref<40x64xi32, #tpu.memory_space<vmem>>)
        %scan3A_119 = arith.constant 0 : i32
        %scan3A_120 = arith.constant 0 : i32
        %scan3A_121 = arith.constant 40 : i32
        %scan3A_122 = arith.addi %scan3A_120, %scan3A_121 : i32
        %scan3A_123 = arith.constant 1 : i32
        scf.for %scan3A_125 = %scan3A_120 to %scan3A_122 step %scan3A_123  : i32 {
          %get3A = arith.index_cast %scan3A_125 : i32 to index
          %get3A_126 = arith.constant 0 : index
          %get3A_127 = tpu.vector_load %arg22[%get3A, %get3A_126] {strides = array<i32>} : memref<40x64xi32, #tpu.memory_space<vmem>>, vector<1x16xi32>,
          %get3A_128 = vector.shape_cast %get3A_127 : vector<1x16xi32> to vector<16xi32>
          %broadcast_in_dim3A = arith.constant 16 : i32
          %broadcast_in_dim3A_129 = vector.broadcast %broadcast_in_dim3A : i32 to vector<16xi32>
          %shift_left3A = arith.shli %get3A_128, %broadcast_in_dim3A_129 : vector<16xi32>
          %bitcast_convert_type3A = tpu.bitcast %shift_left3A : vector<16xi32> -> vector<16xf32>
          %broadcast_in_dim3A_130 = arith.constant -65536 : i32
          %broadcast_in_dim3A_131 = vector.broadcast %broadcast_in_dim3A_130 : i32 to vector<16xi32>
          %and3A = arith.andi %get3A_128, %broadcast_in_dim3A_131 : vector<16xi32>
          %bitcast_convert_type3A_132 = tpu.bitcast %and3A : vector<16xi32> -> vector<16xf32>
          %get3A_133 = arith.index_cast %scan3A_125 : i32 to index
          %get3A_134 = arith.constant 0 : index
          %get3A_135 = tpu.vector_load %arg18[%get3A_133, %get3A_134] {strides = array<i32>} : memref<40x128xf32, #tpu.memory_space<vmem>>, vector<1x16xf32>,
          %get3A_136 = vector.shape_cast %get3A_135 : vector<1x16xf32> to vector<16xf32>
          %mul3A_137 = arith.mulf %get3A_136, %bitcast_convert_type3A : vector<16xf32>
          %swap3A = arith.index_cast %scan3A_125 : i32 to index
          %swap3A_138 = arith.constant 0 : index
          %swap3A_139 = tpu.vector_load %arg18[%swap3A, %swap3A_138] {strides = array<i32>} : memref<40x128xf32, #tpu.memory_space<vmem>>, vector<1x16xf32>,
          %swap3A_140 = vector.shape_cast %swap3A_139 : vector<1x16xf32> to vector<16xf32>
          %swap3A_141 = vector.shape_cast %mul3A_137 : vector<16xf32> to vector<1x16xf32>
          tpu.vector_store %arg18[%swap3A, %swap3A_138], %swap3A_141 {strides = array<i32>} : memref<40x128xf32, #tpu.memory_space<vmem>>, vector<1x16xf32>,
          %get3A_142 = arith.index_cast %scan3A_125 : i32 to index
          %get3A_143 = arith.constant 64 : index
          %get3A_144 = tpu.vector_load %arg18[%get3A_142, %get3A_143] {strides = array<i32>} : memref<40x128xf32, #tpu.memory_space<vmem>>, vector<1x16xf32>,
          %get3A_145 = vector.shape_cast %get3A_144 : vector<1x16xf32> to vector<16xf32>
          %mul3A_146 = arith.mulf %get3A_145, %bitcast_convert_type3A_132 : vector<16xf32>
          %swap3A_147 = arith.index_cast %scan3A_125 : i32 to index
          %swap3A_148 = arith.constant 64 : index
          %swap3A_149 = tpu.vector_load %arg18[%swap3A_147, %swap3A_148] {strides = array<i32>} : memref<40x128xf32, #tpu.memory_space<vmem>>, vector<1x16xf32>,
          %swap3A_150 = vector.shape_cast %swap3A_149 : vector<1x16xf32> to vector<16xf32>
          %swap3A_151 = vector.shape_cast %mul3A_146 : vector<16xf32> to vector<1x16xf32>
          tpu.vector_store %arg18[%swap3A_147, %swap3A_148], %swap3A_151 {strides = array<i32>} : memref<40x128xf32, #tpu.memory_space<vmem>>, vector<1x16xf32>,
          %get3A_152 = arith.index_cast %scan3A_125 : i32 to index
          %get3A_153 = arith.constant 16 : index
          %get3A_154 = tpu.vector_load %arg22[%get3A_152, %get3A_153] {strides = array<i32>} : memref<40x64xi32, #tpu.memory_space<vmem>>, vector<1x16xi32>,
          %get3A_155 = vector.shape_cast %get3A_154 : vector<1x16xi32> to vector<16xi32>
          %broadcast_in_dim3A_156 = arith.constant 16 : i32
          %broadcast_in_dim3A_157 = vector.broadcast %broadcast_in_dim3A_156 : i32 to vector<16xi32>
          %shift_left3A_158 = arith.shli %get3A_155, %broadcast_in_dim3A_157 : vector<16xi32>
          %bitcast_convert_type3A_159 = tpu.bitcast %shift_left3A_158 : vector<16xi32> -> vector<16xf32>
          %broadcast_in_dim3A_160 = arith.constant -65536 : i32
          %broadcast_in_dim3A_161 = vector.broadcast %broadcast_in_dim3A_160 : i32 to vector<16xi32>
          %and3A_162 = arith.andi %get3A_155, %broadcast_in_dim3A_161 : vector<16xi32>
          %bitcast_convert_type3A_163 = tpu.bitcast %and3A_162 : vector<16xi32> -> vector<16xf32>
          %get3A_164 = arith.index_cast %scan3A_125 : i32 to index
          %get3A_165 = arith.constant 16 : index
          %get3A_166 = tpu.vector_load %arg18[%get3A_164, %get3A_165] {strides = array<i32>} : memref<40x128xf32, #tpu.memory_space<vmem>>, vector<1x16xf32>,
          %get3A_167 = vector.shape_cast %get3A_166 : vector<1x16xf32> to vector<16xf32>
          %mul3A_168 = arith.mulf %get3A_167, %bitcast_convert_type3A_159 : vector<16xf32>
          %swap3A_169 = arith.index_cast %scan3A_125 : i32 to index
          %swap3A_170 = arith.constant 16 : index
          %swap3A_171 = tpu.vector_load %arg18[%swap3A_169, %swap3A_170] {strides = array<i32>} : memref<40x128xf32, #tpu.memory_space<vmem>>, vector<1x16xf32>,
          %swap3A_172 = vector.shape_cast %swap3A_171 : vector<1x16xf32> to vector<16xf32>
          %swap3A_173 = vector.shape_cast %mul3A_168 : vector<16xf32> to vector<1x16xf32>
          tpu.vector_store %arg18[%swap3A_169, %swap3A_170], %swap3A_173 {strides = array<i32>} : memref<40x128xf32, #tpu.memory_space<vmem>>, vector<1x16xf32>,
          %get3A_174 = arith.index_cast %scan3A_125 : i32 to index
          %get3A_175 = arith.constant 80 : index
          %get3A_176 = tpu.vector_load %arg18[%get3A_174, %get3A_175] {strides = array<i32>} : memref<40x128xf32, #tpu.memory_space<vmem>>, vector<1x16xf32>,
          %get3A_177 = vector.shape_cast %get3A_176 : vector<1x16xf32> to vector<16xf32>
          %mul3A_178 = arith.mulf %get3A_177, %bitcast_convert_type3A_163 : vector<16xf32>
          %swap3A_179 = arith.index_cast %scan3A_125 : i32 to index
          %swap3A_180 = arith.constant 80 : index
          %swap3A_181 = tpu.vector_load %arg18[%swap3A_179, %swap3A_180] {strides = array<i32>} : memref<40x128xf32, #tpu.memory_space<vmem>>, vector<1x16xf32>,
          %swap3A_182 = vector.shape_cast %swap3A_181 : vector<1x16xf32> to vector<16xf32>
          %swap3A_183 = vector.shape_cast %mul3A_178 : vector<16xf32> to vector<1x16xf32>
          tpu.vector_store %arg18[%swap3A_179, %swap3A_180], %swap3A_183 {strides = array<i32>} : memref<40x128xf32, #tpu.memory_space<vmem>>, vector<1x16xf32>,
          %get3A_184 = arith.index_cast %scan3A_125 : i32 to index
          %get3A_185 = arith.constant 32 : index
          %get3A_186 = tpu.vector_load %arg22[%get3A_184, %get3A_185] {strides = array<i32>} : memref<40x64xi32, #tpu.memory_space<vmem>>, vector<1x16xi32>,
          %get3A_187 = vector.shape_cast %get3A_186 : vector<1x16xi32> to vector<16xi32>
          %broadcast_in_dim3A_188 = arith.constant 16 : i32
          %broadcast_in_dim3A_189 = vector.broadcast %broadcast_in_dim3A_188 : i32 to vector<16xi32>
          %shift_left3A_190 = arith.shli %get3A_187, %broadcast_in_dim3A_189 : vector<16xi32>
          %bitcast_convert_type3A_191 = tpu.bitcast %shift_left3A_190 : vector<16xi32> -> vector<16xf32>
          %broadcast_in_dim3A_192 = arith.constant -65536 : i32
          %broadcast_in_dim3A_193 = vector.broadcast %broadcast_in_dim3A_192 : i32 to vector<16xi32>
          %and3A_194 = arith.andi %get3A_187, %broadcast_in_dim3A_193 : vector<16xi32>
          %bitcast_convert_type3A_195 = tpu.bitcast %and3A_194 : vector<16xi32> -> vector<16xf32>
          %get3A_196 = arith.index_cast %scan3A_125 : i32 to index
          %get3A_197 = arith.constant 32 : index
          %get3A_198 = tpu.vector_load %arg18[%get3A_196, %get3A_197] {strides = array<i32>} : memref<40x128xf32, #tpu.memory_space<vmem>>, vector<1x16xf32>,
          %get3A_199 = vector.shape_cast %get3A_198 : vector<1x16xf32> to vector<16xf32>
          %mul3A_200 = arith.mulf %get3A_199, %bitcast_convert_type3A_191 : vector<16xf32>
          %swap3A_201 = arith.index_cast %scan3A_125 : i32 to index
          %swap3A_202 = arith.constant 32 : index
          %swap3A_203 = tpu.vector_load %arg18[%swap3A_201, %swap3A_202] {strides = array<i32>} : memref<40x128xf32, #tpu.memory_space<vmem>>, vector<1x16xf32>,
          %swap3A_204 = vector.shape_cast %swap3A_203 : vector<1x16xf32> to vector<16xf32>
          %swap3A_205 = vector.shape_cast %mul3A_200 : vector<16xf32> to vector<1x16xf32>
          tpu.vector_store %arg18[%swap3A_201, %swap3A_202], %swap3A_205 {strides = array<i32>} : memref<40x128xf32, #tpu.memory_space<vmem>>, vector<1x16xf32>,
          %get3A_206 = arith.index_cast %scan3A_125 : i32 to index
          %get3A_207 = arith.constant 96 : index
          %get3A_208 = tpu.vector_load %arg18[%get3A_206, %get3A_207] {strides = array<i32>} : memref<40x128xf32, #tpu.memory_space<vmem>>, vector<1x16xf32>,
          %get3A_209 = vector.shape_cast %get3A_208 : vector<1x16xf32> to vector<16xf32>
          %mul3A_210 = arith.mulf %get3A_209, %bitcast_convert_type3A_195 : vector<16xf32>
          %swap3A_211 = arith.index_cast %scan3A_125 : i32 to index
          %swap3A_212 = arith.constant 96 : index
          %swap3A_213 = tpu.vector_load %arg18[%swap3A_211, %swap3A_212] {strides = array<i32>} : memref<40x128xf32, #tpu.memory_space<vmem>>, vector<1x16xf32>,
          %swap3A_214 = vector.shape_cast %swap3A_213 : vector<1x16xf32> to vector<16xf32>
          %swap3A_215 = vector.shape_cast %mul3A_210 : vector<16xf32> to vector<1x16xf32>
          tpu.vector_store %arg18[%swap3A_211, %swap3A_212], %swap3A_215 {strides = array<i32>} : memref<40x128xf32, #tpu.memory_space<vmem>>, vector<1x16xf32>,
          %get3A_216 = arith.index_cast %scan3A_125 : i32 to index
          %get3A_217 = arith.constant 48 : index
          %get3A_218 = tpu.vector_load %arg22[%get3A_216, %get3A_217] {strides = array<i32>} : memref<40x64xi32, #tpu.memory_space<vmem>>, vector<1x16xi32>,
          %get3A_219 = vector.shape_cast %get3A_218 : vector<1x16xi32> to vector<16xi32>
          %broadcast_in_dim3A_220 = arith.constant 16 : i32
          %broadcast_in_dim3A_221 = vector.broadcast %broadcast_in_dim3A_220 : i32 to vector<16xi32>
          %shift_left3A_222 = arith.shli %get3A_219, %broadcast_in_dim3A_221 : vector<16xi32>
          %bitcast_convert_type3A_223 = tpu.bitcast %shift_left3A_222 : vector<16xi32> -> vector<16xf32>
          %broadcast_in_dim3A_224 = arith.constant -65536 : i32
          %broadcast_in_dim3A_225 = vector.broadcast %broadcast_in_dim3A_224 : i32 to vector<16xi32>
          %and3A_226 = arith.andi %get3A_219, %broadcast_in_dim3A_225 : vector<16xi32>
          %bitcast_convert_type3A_227 = tpu.bitcast %and3A_226 : vector<16xi32> -> vector<16xf32>
          %get3A_228 = arith.index_cast %scan3A_125 : i32 to index
          %get3A_229 = arith.constant 48 : index
          %get3A_230 = tpu.vector_load %arg18[%get3A_228, %get3A_229] {strides = array<i32>} : memref<40x128xf32, #tpu.memory_space<vmem>>, vector<1x16xf32>,
          %get3A_231 = vector.shape_cast %get3A_230 : vector<1x16xf32> to vector<16xf32>
          %mul3A_232 = arith.mulf %get3A_231, %bitcast_convert_type3A_223 : vector<16xf32>
          %swap3A_233 = arith.index_cast %scan3A_125 : i32 to index
          %swap3A_234 = arith.constant 48 : index
          %swap3A_235 = tpu.vector_load %arg18[%swap3A_233, %swap3A_234] {strides = array<i32>} : memref<40x128xf32, #tpu.memory_space<vmem>>, vector<1x16xf32>,
          %swap3A_236 = vector.shape_cast %swap3A_235 : vector<1x16xf32> to vector<16xf32>
          %swap3A_237 = vector.shape_cast %mul3A_232 : vector<16xf32> to vector<1x16xf32>
          tpu.vector_store %arg18[%swap3A_233, %swap3A_234], %swap3A_237 {strides = array<i32>} : memref<40x128xf32, #tpu.memory_space<vmem>>, vector<1x16xf32>,
          %get3A_238 = arith.index_cast %scan3A_125 : i32 to index
          %get3A_239 = arith.constant 112 : index
          %get3A_240 = tpu.vector_load %arg18[%get3A_238, %get3A_239] {strides = array<i32>} : memref<40x128xf32, #tpu.memory_space<vmem>>, vector<1x16xf32>,
          %get3A_241 = vector.shape_cast %get3A_240 : vector<1x16xf32> to vector<16xf32>
          %mul3A_242 = arith.mulf %get3A_241, %bitcast_convert_type3A_227 : vector<16xf32>
          %swap3A_243 = arith.index_cast %scan3A_125 : i32 to index
          %swap3A_244 = arith.constant 112 : index
          %swap3A_245 = tpu.vector_load %arg18[%swap3A_243, %swap3A_244] {strides = array<i32>} : memref<40x128xf32, #tpu.memory_space<vmem>>, vector<1x16xf32>,
          %swap3A_246 = vector.shape_cast %swap3A_245 : vector<1x16xf32> to vector<16xf32>
          %swap3A_247 = vector.shape_cast %mul3A_242 : vector<16xf32> to vector<1x16xf32>
          tpu.vector_store %arg18[%swap3A_243, %swap3A_244], %swap3A_247 {strides = array<i32>} : memref<40x128xf32, #tpu.memory_space<vmem>>, vector<1x16xf32>,
        }
        %scan3A_124 = arith.constant 40 : i32
        "tpu.region"() ({
          %run_scoped3A = tpu.sem_alloc : memref<!tpu.dma_semaphore, #tpu.memory_space<semaphore_mem>>
          %dma_start3A_125 = arith.constant 0 : i32
          %dma_start3A_126 = arith.constant 0 : i32
          %dma_start3A_127 = tpu.memref_slice %arg24[%dma_start3A_125, %dma_start3A_126] : memref<10240x128xf32, #tpu.memory_space<vmem_shared>> -> memref<10240x128xf32, #tpu.memory_space<vmem_shared>>
          tpu.enqueue_indirect_dma source(%arg18 : memref<40x128xf32, #tpu.memory_space<vmem>>) target(%dma_start3A_127 : memref<10240x128xf32, #tpu.memory_space<vmem_shared>>) offsets(%arg14 : memref<40xi32, #tpu.memory_space<vmem>>) semaphore(%run_scoped3A : memref<!tpu.dma_semaphore, #tpu.memory_space<semaphore_mem>>) {add = true}
          %dma_wait3A_128 = arith.constant 0 : i32
          %dma_wait3A_129 = arith.constant 0 : i32
          %dma_wait3A_130 = tpu.memref_slice %arg24[%dma_wait3A_128, %dma_wait3A_129] : memref<10240x128xf32, #tpu.memory_space<vmem_shared>> -> memref<10240x128xf32, #tpu.memory_space<vmem_shared>>
          tpu.wait_indirect_dma semaphore(%run_scoped3A : memref<!tpu.dma_semaphore, #tpu.memory_space<semaphore_mem>>) src(%arg18 : memref<40x128xf32, #tpu.memory_space<vmem>>) dst(%dma_wait3A_130 : memref<10240x128xf32, #tpu.memory_space<vmem_shared>>)
          tpu.yield
        }) : () -> ()
      } else {
      }
      %eq3A_97 = arith.constant 3 : i32
      %eq3A_98 = arith.cmpi eq, %rem3A_82, %eq3A_97 : i32
      %convert_element_type3A_99 = arith.extui %eq3A_98 : i1 to i32
      %cond3A_100 = arith.constant 0 : i32
      %cond3A_101 = arith.cmpi ne, %convert_element_type3A_99, %cond3A_100 : i32
      scf.if %cond3A_101 {
        %dma_wait3A_109 = arith.constant 0 : i32
        %dma_wait3A_110 = arith.constant 0 : i32
        %dma_wait3A_111 = tpu.memref_slice %arg2[%dma_wait3A_109, %dma_wait3A_110] : memref<10000x128xf32, #tpu.memory_space<hbm>> -> memref<10000x128xf32, #tpu.memory_space<hbm>>
        tpu.wait_indirect_dma semaphore(%arg32 : memref<!tpu.dma_semaphore, #tpu.memory_space<semaphore_mem>>) src(%dma_wait3A_111 : memref<10000x128xf32, #tpu.memory_space<hbm>>) dst(%arg19 : memref<40x128xf32, #tpu.memory_space<vmem>>)
        %mul3A_112 = arith.constant 40 : i32
        %mul3A_113 = arith.muli %scan3A_77, %mul3A_112 : i32
        %add3A_114 = arith.addi %mul3A_4, %mul3A_113 : i32
        %dma_wait3A_115 = arith.constant 0 : i32
        %dma_wait3A_116 = tpu.memref_slice %arg3[%add3A_114, %dma_wait3A_115] : memref<200704x64xi32, #tpu.memory_space<hbm>> -> memref<40x64xi32, #tpu.memory_space<hbm>>
        %dma_wait3A_117 = arith.constant 0 : i32
        %dma_wait3A_118 = tpu.memref_slice %arg3[%add3A_114, %dma_wait3A_117] : memref<200704x64xi32, #tpu.memory_space<hbm>> -> memref<40x64xi32, #tpu.memory_space<hbm>>
        tpu.wait_dma2 semaphore(%arg32 : memref<!tpu.dma_semaphore, #tpu.memory_space<semaphore_mem>>) src(%dma_wait3A_118 : memref<40x64xi32, #tpu.memory_space<hbm>>) dst(%arg23 : memref<40x64xi32, #tpu.memory_space<vmem>>)
        %scan3A_119 = arith.constant 0 : i32
        %scan3A_120 = arith.constant 0 : i32
        %scan3A_121 = arith.constant 40 : i32
        %scan3A_122 = arith.addi %scan3A_120, %scan3A_121 : i32
        %scan3A_123 = arith.constant 1 : i32
        scf.for %scan3A_125 = %scan3A_120 to %scan3A_122 step %scan3A_123  : i32 {
          %get3A = arith.index_cast %scan3A_125 : i32 to index
          %get3A_126 = arith.constant 0 : index
          %get3A_127 = tpu.vector_load %arg23[%get3A, %get3A_126] {strides = array<i32>} : memref<40x64xi32, #tpu.memory_space<vmem>>, vector<1x16xi32>,
          %get3A_128 = vector.shape_cast %get3A_127 : vector<1x16xi32> to vector<16xi32>
          %broadcast_in_dim3A = arith.constant 16 : i32
          %broadcast_in_dim3A_129 = vector.broadcast %broadcast_in_dim3A : i32 to vector<16xi32>
          %shift_left3A = arith.shli %get3A_128, %broadcast_in_dim3A_129 : vector<16xi32>
          %bitcast_convert_type3A = tpu.bitcast %shift_left3A : vector<16xi32> -> vector<16xf32>
          %broadcast_in_dim3A_130 = arith.constant -65536 : i32
          %broadcast_in_dim3A_131 = vector.broadcast %broadcast_in_dim3A_130 : i32 to vector<16xi32>
          %and3A = arith.andi %get3A_128, %broadcast_in_dim3A_131 : vector<16xi32>
          %bitcast_convert_type3A_132 = tpu.bitcast %and3A : vector<16xi32> -> vector<16xf32>
          %get3A_133 = arith.index_cast %scan3A_125 : i32 to index
          %get3A_134 = arith.constant 0 : index
          %get3A_135 = tpu.vector_load %arg19[%get3A_133, %get3A_134] {strides = array<i32>} : memref<40x128xf32, #tpu.memory_space<vmem>>, vector<1x16xf32>,
          %get3A_136 = vector.shape_cast %get3A_135 : vector<1x16xf32> to vector<16xf32>
          %mul3A_137 = arith.mulf %get3A_136, %bitcast_convert_type3A : vector<16xf32>
          %swap3A = arith.index_cast %scan3A_125 : i32 to index
          %swap3A_138 = arith.constant 0 : index
          %swap3A_139 = tpu.vector_load %arg19[%swap3A, %swap3A_138] {strides = array<i32>} : memref<40x128xf32, #tpu.memory_space<vmem>>, vector<1x16xf32>,
          %swap3A_140 = vector.shape_cast %swap3A_139 : vector<1x16xf32> to vector<16xf32>
          %swap3A_141 = vector.shape_cast %mul3A_137 : vector<16xf32> to vector<1x16xf32>
          tpu.vector_store %arg19[%swap3A, %swap3A_138], %swap3A_141 {strides = array<i32>} : memref<40x128xf32, #tpu.memory_space<vmem>>, vector<1x16xf32>,
          %get3A_142 = arith.index_cast %scan3A_125 : i32 to index
          %get3A_143 = arith.constant 64 : index
          %get3A_144 = tpu.vector_load %arg19[%get3A_142, %get3A_143] {strides = array<i32>} : memref<40x128xf32, #tpu.memory_space<vmem>>, vector<1x16xf32>,
          %get3A_145 = vector.shape_cast %get3A_144 : vector<1x16xf32> to vector<16xf32>
          %mul3A_146 = arith.mulf %get3A_145, %bitcast_convert_type3A_132 : vector<16xf32>
          %swap3A_147 = arith.index_cast %scan3A_125 : i32 to index
          %swap3A_148 = arith.constant 64 : index
          %swap3A_149 = tpu.vector_load %arg19[%swap3A_147, %swap3A_148] {strides = array<i32>} : memref<40x128xf32, #tpu.memory_space<vmem>>, vector<1x16xf32>,
          %swap3A_150 = vector.shape_cast %swap3A_149 : vector<1x16xf32> to vector<16xf32>
          %swap3A_151 = vector.shape_cast %mul3A_146 : vector<16xf32> to vector<1x16xf32>
          tpu.vector_store %arg19[%swap3A_147, %swap3A_148], %swap3A_151 {strides = array<i32>} : memref<40x128xf32, #tpu.memory_space<vmem>>, vector<1x16xf32>,
          %get3A_152 = arith.index_cast %scan3A_125 : i32 to index
          %get3A_153 = arith.constant 16 : index
          %get3A_154 = tpu.vector_load %arg23[%get3A_152, %get3A_153] {strides = array<i32>} : memref<40x64xi32, #tpu.memory_space<vmem>>, vector<1x16xi32>,
          %get3A_155 = vector.shape_cast %get3A_154 : vector<1x16xi32> to vector<16xi32>
          %broadcast_in_dim3A_156 = arith.constant 16 : i32
          %broadcast_in_dim3A_157 = vector.broadcast %broadcast_in_dim3A_156 : i32 to vector<16xi32>
          %shift_left3A_158 = arith.shli %get3A_155, %broadcast_in_dim3A_157 : vector<16xi32>
          %bitcast_convert_type3A_159 = tpu.bitcast %shift_left3A_158 : vector<16xi32> -> vector<16xf32>
          %broadcast_in_dim3A_160 = arith.constant -65536 : i32
          %broadcast_in_dim3A_161 = vector.broadcast %broadcast_in_dim3A_160 : i32 to vector<16xi32>
          %and3A_162 = arith.andi %get3A_155, %broadcast_in_dim3A_161 : vector<16xi32>
          %bitcast_convert_type3A_163 = tpu.bitcast %and3A_162 : vector<16xi32> -> vector<16xf32>
          %get3A_164 = arith.index_cast %scan3A_125 : i32 to index
          %get3A_165 = arith.constant 16 : index
          %get3A_166 = tpu.vector_load %arg19[%get3A_164, %get3A_165] {strides = array<i32>} : memref<40x128xf32, #tpu.memory_space<vmem>>, vector<1x16xf32>,
          %get3A_167 = vector.shape_cast %get3A_166 : vector<1x16xf32> to vector<16xf32>
          %mul3A_168 = arith.mulf %get3A_167, %bitcast_convert_type3A_159 : vector<16xf32>
          %swap3A_169 = arith.index_cast %scan3A_125 : i32 to index
          %swap3A_170 = arith.constant 16 : index
          %swap3A_171 = tpu.vector_load %arg19[%swap3A_169, %swap3A_170] {strides = array<i32>} : memref<40x128xf32, #tpu.memory_space<vmem>>, vector<1x16xf32>,
          %swap3A_172 = vector.shape_cast %swap3A_171 : vector<1x16xf32> to vector<16xf32>
          %swap3A_173 = vector.shape_cast %mul3A_168 : vector<16xf32> to vector<1x16xf32>
          tpu.vector_store %arg19[%swap3A_169, %swap3A_170], %swap3A_173 {strides = array<i32>} : memref<40x128xf32, #tpu.memory_space<vmem>>, vector<1x16xf32>,
          %get3A_174 = arith.index_cast %scan3A_125 : i32 to index
          %get3A_175 = arith.constant 80 : index
          %get3A_176 = tpu.vector_load %arg19[%get3A_174, %get3A_175] {strides = array<i32>} : memref<40x128xf32, #tpu.memory_space<vmem>>, vector<1x16xf32>,
          %get3A_177 = vector.shape_cast %get3A_176 : vector<1x16xf32> to vector<16xf32>
          %mul3A_178 = arith.mulf %get3A_177, %bitcast_convert_type3A_163 : vector<16xf32>
          %swap3A_179 = arith.index_cast %scan3A_125 : i32 to index
          %swap3A_180 = arith.constant 80 : index
          %swap3A_181 = tpu.vector_load %arg19[%swap3A_179, %swap3A_180] {strides = array<i32>} : memref<40x128xf32, #tpu.memory_space<vmem>>, vector<1x16xf32>,
          %swap3A_182 = vector.shape_cast %swap3A_181 : vector<1x16xf32> to vector<16xf32>
          %swap3A_183 = vector.shape_cast %mul3A_178 : vector<16xf32> to vector<1x16xf32>
          tpu.vector_store %arg19[%swap3A_179, %swap3A_180], %swap3A_183 {strides = array<i32>} : memref<40x128xf32, #tpu.memory_space<vmem>>, vector<1x16xf32>,
          %get3A_184 = arith.index_cast %scan3A_125 : i32 to index
          %get3A_185 = arith.constant 32 : index
          %get3A_186 = tpu.vector_load %arg23[%get3A_184, %get3A_185] {strides = array<i32>} : memref<40x64xi32, #tpu.memory_space<vmem>>, vector<1x16xi32>,
          %get3A_187 = vector.shape_cast %get3A_186 : vector<1x16xi32> to vector<16xi32>
          %broadcast_in_dim3A_188 = arith.constant 16 : i32
          %broadcast_in_dim3A_189 = vector.broadcast %broadcast_in_dim3A_188 : i32 to vector<16xi32>
          %shift_left3A_190 = arith.shli %get3A_187, %broadcast_in_dim3A_189 : vector<16xi32>
          %bitcast_convert_type3A_191 = tpu.bitcast %shift_left3A_190 : vector<16xi32> -> vector<16xf32>
          %broadcast_in_dim3A_192 = arith.constant -65536 : i32
          %broadcast_in_dim3A_193 = vector.broadcast %broadcast_in_dim3A_192 : i32 to vector<16xi32>
          %and3A_194 = arith.andi %get3A_187, %broadcast_in_dim3A_193 : vector<16xi32>
          %bitcast_convert_type3A_195 = tpu.bitcast %and3A_194 : vector<16xi32> -> vector<16xf32>
          %get3A_196 = arith.index_cast %scan3A_125 : i32 to index
          %get3A_197 = arith.constant 32 : index
          %get3A_198 = tpu.vector_load %arg19[%get3A_196, %get3A_197] {strides = array<i32>} : memref<40x128xf32, #tpu.memory_space<vmem>>, vector<1x16xf32>,
          %get3A_199 = vector.shape_cast %get3A_198 : vector<1x16xf32> to vector<16xf32>
          %mul3A_200 = arith.mulf %get3A_199, %bitcast_convert_type3A_191 : vector<16xf32>
          %swap3A_201 = arith.index_cast %scan3A_125 : i32 to index
          %swap3A_202 = arith.constant 32 : index
          %swap3A_203 = tpu.vector_load %arg19[%swap3A_201, %swap3A_202] {strides = array<i32>} : memref<40x128xf32, #tpu.memory_space<vmem>>, vector<1x16xf32>,
          %swap3A_204 = vector.shape_cast %swap3A_203 : vector<1x16xf32> to vector<16xf32>
          %swap3A_205 = vector.shape_cast %mul3A_200 : vector<16xf32> to vector<1x16xf32>
          tpu.vector_store %arg19[%swap3A_201, %swap3A_202], %swap3A_205 {strides = array<i32>} : memref<40x128xf32, #tpu.memory_space<vmem>>, vector<1x16xf32>,
          %get3A_206 = arith.index_cast %scan3A_125 : i32 to index
          %get3A_207 = arith.constant 96 : index
          %get3A_208 = tpu.vector_load %arg19[%get3A_206, %get3A_207] {strides = array<i32>} : memref<40x128xf32, #tpu.memory_space<vmem>>, vector<1x16xf32>,
          %get3A_209 = vector.shape_cast %get3A_208 : vector<1x16xf32> to vector<16xf32>
          %mul3A_210 = arith.mulf %get3A_209, %bitcast_convert_type3A_195 : vector<16xf32>
          %swap3A_211 = arith.index_cast %scan3A_125 : i32 to index
          %swap3A_212 = arith.constant 96 : index
          %swap3A_213 = tpu.vector_load %arg19[%swap3A_211, %swap3A_212] {strides = array<i32>} : memref<40x128xf32, #tpu.memory_space<vmem>>, vector<1x16xf32>,
          %swap3A_214 = vector.shape_cast %swap3A_213 : vector<1x16xf32> to vector<16xf32>
          %swap3A_215 = vector.shape_cast %mul3A_210 : vector<16xf32> to vector<1x16xf32>
          tpu.vector_store %arg19[%swap3A_211, %swap3A_212], %swap3A_215 {strides = array<i32>} : memref<40x128xf32, #tpu.memory_space<vmem>>, vector<1x16xf32>,
          %get3A_216 = arith.index_cast %scan3A_125 : i32 to index
          %get3A_217 = arith.constant 48 : index
          %get3A_218 = tpu.vector_load %arg23[%get3A_216, %get3A_217] {strides = array<i32>} : memref<40x64xi32, #tpu.memory_space<vmem>>, vector<1x16xi32>,
          %get3A_219 = vector.shape_cast %get3A_218 : vector<1x16xi32> to vector<16xi32>
          %broadcast_in_dim3A_220 = arith.constant 16 : i32
          %broadcast_in_dim3A_221 = vector.broadcast %broadcast_in_dim3A_220 : i32 to vector<16xi32>
          %shift_left3A_222 = arith.shli %get3A_219, %broadcast_in_dim3A_221 : vector<16xi32>
          %bitcast_convert_type3A_223 = tpu.bitcast %shift_left3A_222 : vector<16xi32> -> vector<16xf32>
          %broadcast_in_dim3A_224 = arith.constant -65536 : i32
          %broadcast_in_dim3A_225 = vector.broadcast %broadcast_in_dim3A_224 : i32 to vector<16xi32>
          %and3A_226 = arith.andi %get3A_219, %broadcast_in_dim3A_225 : vector<16xi32>
          %bitcast_convert_type3A_227 = tpu.bitcast %and3A_226 : vector<16xi32> -> vector<16xf32>
          %get3A_228 = arith.index_cast %scan3A_125 : i32 to index
          %get3A_229 = arith.constant 48 : index
          %get3A_230 = tpu.vector_load %arg19[%get3A_228, %get3A_229] {strides = array<i32>} : memref<40x128xf32, #tpu.memory_space<vmem>>, vector<1x16xf32>,
          %get3A_231 = vector.shape_cast %get3A_230 : vector<1x16xf32> to vector<16xf32>
          %mul3A_232 = arith.mulf %get3A_231, %bitcast_convert_type3A_223 : vector<16xf32>
          %swap3A_233 = arith.index_cast %scan3A_125 : i32 to index
          %swap3A_234 = arith.constant 48 : index
          %swap3A_235 = tpu.vector_load %arg19[%swap3A_233, %swap3A_234] {strides = array<i32>} : memref<40x128xf32, #tpu.memory_space<vmem>>, vector<1x16xf32>,
          %swap3A_236 = vector.shape_cast %swap3A_235 : vector<1x16xf32> to vector<16xf32>
          %swap3A_237 = vector.shape_cast %mul3A_232 : vector<16xf32> to vector<1x16xf32>
          tpu.vector_store %arg19[%swap3A_233, %swap3A_234], %swap3A_237 {strides = array<i32>} : memref<40x128xf32, #tpu.memory_space<vmem>>, vector<1x16xf32>,
          %get3A_238 = arith.index_cast %scan3A_125 : i32 to index
          %get3A_239 = arith.constant 112 : index
          %get3A_240 = tpu.vector_load %arg19[%get3A_238, %get3A_239] {strides = array<i32>} : memref<40x128xf32, #tpu.memory_space<vmem>>, vector<1x16xf32>,
          %get3A_241 = vector.shape_cast %get3A_240 : vector<1x16xf32> to vector<16xf32>
          %mul3A_242 = arith.mulf %get3A_241, %bitcast_convert_type3A_227 : vector<16xf32>
          %swap3A_243 = arith.index_cast %scan3A_125 : i32 to index
          %swap3A_244 = arith.constant 112 : index
          %swap3A_245 = tpu.vector_load %arg19[%swap3A_243, %swap3A_244] {strides = array<i32>} : memref<40x128xf32, #tpu.memory_space<vmem>>, vector<1x16xf32>,
          %swap3A_246 = vector.shape_cast %swap3A_245 : vector<1x16xf32> to vector<16xf32>
          %swap3A_247 = vector.shape_cast %mul3A_242 : vector<16xf32> to vector<1x16xf32>
          tpu.vector_store %arg19[%swap3A_243, %swap3A_244], %swap3A_247 {strides = array<i32>} : memref<40x128xf32, #tpu.memory_space<vmem>>, vector<1x16xf32>,
        }
        %scan3A_124 = arith.constant 40 : i32
        "tpu.region"() ({
          %run_scoped3A = tpu.sem_alloc : memref<!tpu.dma_semaphore, #tpu.memory_space<semaphore_mem>>
          %dma_start3A_125 = arith.constant 0 : i32
          %dma_start3A_126 = arith.constant 0 : i32
          %dma_start3A_127 = tpu.memref_slice %arg24[%dma_start3A_125, %dma_start3A_126] : memref<10240x128xf32, #tpu.memory_space<vmem_shared>> -> memref<10240x128xf32, #tpu.memory_space<vmem_shared>>
          tpu.enqueue_indirect_dma source(%arg19 : memref<40x128xf32, #tpu.memory_space<vmem>>) target(%dma_start3A_127 : memref<10240x128xf32, #tpu.memory_space<vmem_shared>>) offsets(%arg15 : memref<40xi32, #tpu.memory_space<vmem>>) semaphore(%run_scoped3A : memref<!tpu.dma_semaphore, #tpu.memory_space<semaphore_mem>>) {add = true}
          %dma_wait3A_128 = arith.constant 0 : i32
          %dma_wait3A_129 = arith.constant 0 : i32
          %dma_wait3A_130 = tpu.memref_slice %arg24[%dma_wait3A_128, %dma_wait3A_129] : memref<10240x128xf32, #tpu.memory_space<vmem_shared>> -> memref<10240x128xf32, #tpu.memory_space<vmem_shared>>
          tpu.wait_indirect_dma semaphore(%run_scoped3A : memref<!tpu.dma_semaphore, #tpu.memory_space<semaphore_mem>>) src(%arg19 : memref<40x128xf32, #tpu.memory_space<vmem>>) dst(%dma_wait3A_130 : memref<10240x128xf32, #tpu.memory_space<vmem_shared>>)
          tpu.yield
        }) : () -> ()
      } else {
      }
      %add3A_102 = arith.constant 4 : i32
      %add3A_103 = arith.addi %scan3A_77, %add3A_102 : i32
      %lt3A_104 = arith.constant 154 : i32
      %lt3A_105 = arith.cmpi slt, %add3A_103, %lt3A_104 : i32
      %convert_element_type3A_106 = arith.extui %lt3A_105 : i1 to i32
      %cond3A_107 = arith.constant 0 : i32
      %cond3A_108 = arith.cmpi ne, %convert_element_type3A_106, %cond3A_107 : i32
      scf.if %cond3A_108 {
        %add3A_109 = arith.constant 4 : i32
        %add3A_110 = arith.addi %scan3A_77, %add3A_109 : i32
        %rem3A_111 = arith.constant 4 : i32
        %rem3A_112 = arith.remsi %add3A_110, %rem3A_111 : i32
        %eq3A_113 = arith.constant 0 : i32
        %eq3A_114 = arith.cmpi eq, %rem3A_112, %eq3A_113 : i32
        %convert_element_type3A_115 = arith.extui %eq3A_114 : i1 to i32
        %cond3A_116 = arith.constant 0 : i32
        %cond3A_117 = arith.cmpi ne, %convert_element_type3A_115, %cond3A_116 : i32
        scf.if %cond3A_117 {
          %add3A_133 = arith.constant 4 : i32
          %add3A_134 = arith.addi %scan3A_77, %add3A_133 : i32
          %mul3A_135 = arith.constant 40 : i32
          %mul3A_136 = arith.muli %add3A_134, %mul3A_135 : i32
          %add3A_137 = arith.addi %add3A_6, %mul3A_136 : i32
          %dma_start3A_138 = tpu.memref_slice %arg4[%add3A_137] : memref<320000xi32, #tpu.memory_space<hbm>> -> memref<40xi32, #tpu.memory_space<hbm>>
          %dma_start3A_139 = tpu.memref_slice %arg4[%add3A_137] : memref<320000xi32, #tpu.memory_space<hbm>> -> memref<40xi32, #tpu.memory_space<hbm>>
          tpu.enqueue_dma source(%dma_start3A_139 : memref<40xi32, #tpu.memory_space<hbm>>) target(%arg8 : memref<40xi32, #tpu.memory_space<vmem>>) target_semaphore(%arg25 : memref<!tpu.dma_semaphore, #tpu.memory_space<semaphore_mem>>)
          %mul3A_140 = arith.constant 40 : i32
          %mul3A_141 = arith.muli %add3A_134, %mul3A_140 : i32
          %add3A_142 = arith.addi %add3A_6, %mul3A_141 : i32
          %dma_start3A_143 = tpu.memref_slice %arg5[%add3A_142] : memref<320000xi32, #tpu.memory_space<hbm>> -> memref<40xi32, #tpu.memory_space<hbm>>
          %dma_start3A_144 = tpu.memref_slice %arg5[%add3A_142] : memref<320000xi32, #tpu.memory_space<hbm>> -> memref<40xi32, #tpu.memory_space<hbm>>
          tpu.enqueue_dma source(%dma_start3A_144 : memref<40xi32, #tpu.memory_space<hbm>>) target(%arg12 : memref<40xi32, #tpu.memory_space<vmem>>) target_semaphore(%arg25 : memref<!tpu.dma_semaphore, #tpu.memory_space<semaphore_mem>>)
        } else {
        }
        %eq3A_118 = arith.constant 1 : i32
        %eq3A_119 = arith.cmpi eq, %rem3A_112, %eq3A_118 : i32
        %convert_element_type3A_120 = arith.extui %eq3A_119 : i1 to i32
        %cond3A_121 = arith.constant 0 : i32
        %cond3A_122 = arith.cmpi ne, %convert_element_type3A_120, %cond3A_121 : i32
        scf.if %cond3A_122 {
          %add3A_133 = arith.constant 4 : i32
          %add3A_134 = arith.addi %scan3A_77, %add3A_133 : i32
          %mul3A_135 = arith.constant 40 : i32
          %mul3A_136 = arith.muli %add3A_134, %mul3A_135 : i32
          %add3A_137 = arith.addi %add3A_6, %mul3A_136 : i32
          %dma_start3A_138 = tpu.memref_slice %arg4[%add3A_137] : memref<320000xi32, #tpu.memory_space<hbm>> -> memref<40xi32, #tpu.memory_space<hbm>>
          %dma_start3A_139 = tpu.memref_slice %arg4[%add3A_137] : memref<320000xi32, #tpu.memory_space<hbm>> -> memref<40xi32, #tpu.memory_space<hbm>>
          tpu.enqueue_dma source(%dma_start3A_139 : memref<40xi32, #tpu.memory_space<hbm>>) target(%arg9 : memref<40xi32, #tpu.memory_space<vmem>>) target_semaphore(%arg26 : memref<!tpu.dma_semaphore, #tpu.memory_space<semaphore_mem>>)
          %mul3A_140 = arith.constant 40 : i32
          %mul3A_141 = arith.muli %add3A_134, %mul3A_140 : i32
          %add3A_142 = arith.addi %add3A_6, %mul3A_141 : i32
          %dma_start3A_143 = tpu.memref_slice %arg5[%add3A_142] : memref<320000xi32, #tpu.memory_space<hbm>> -> memref<40xi32, #tpu.memory_space<hbm>>
          %dma_start3A_144 = tpu.memref_slice %arg5[%add3A_142] : memref<320000xi32, #tpu.memory_space<hbm>> -> memref<40xi32, #tpu.memory_space<hbm>>
          tpu.enqueue_dma source(%dma_start3A_144 : memref<40xi32, #tpu.memory_space<hbm>>) target(%arg13 : memref<40xi32, #tpu.memory_space<vmem>>) target_semaphore(%arg26 : memref<!tpu.dma_semaphore, #tpu.memory_space<semaphore_mem>>)
        } else {
        }
        %eq3A_123 = arith.constant 2 : i32
        %eq3A_124 = arith.cmpi eq, %rem3A_112, %eq3A_123 : i32
        %convert_element_type3A_125 = arith.extui %eq3A_124 : i1 to i32
        %cond3A_126 = arith.constant 0 : i32
        %cond3A_127 = arith.cmpi ne, %convert_element_type3A_125, %cond3A_126 : i32
        scf.if %cond3A_127 {
          %add3A_133 = arith.constant 4 : i32
          %add3A_134 = arith.addi %scan3A_77, %add3A_133 : i32
          %mul3A_135 = arith.constant 40 : i32
          %mul3A_136 = arith.muli %add3A_134, %mul3A_135 : i32
          %add3A_137 = arith.addi %add3A_6, %mul3A_136 : i32
          %dma_start3A_138 = tpu.memref_slice %arg4[%add3A_137] : memref<320000xi32, #tpu.memory_space<hbm>> -> memref<40xi32, #tpu.memory_space<hbm>>
          %dma_start3A_139 = tpu.memref_slice %arg4[%add3A_137] : memref<320000xi32, #tpu.memory_space<hbm>> -> memref<40xi32, #tpu.memory_space<hbm>>
          tpu.enqueue_dma source(%dma_start3A_139 : memref<40xi32, #tpu.memory_space<hbm>>) target(%arg10 : memref<40xi32, #tpu.memory_space<vmem>>) target_semaphore(%arg27 : memref<!tpu.dma_semaphore, #tpu.memory_space<semaphore_mem>>)
          %mul3A_140 = arith.constant 40 : i32
          %mul3A_141 = arith.muli %add3A_134, %mul3A_140 : i32
          %add3A_142 = arith.addi %add3A_6, %mul3A_141 : i32
          %dma_start3A_143 = tpu.memref_slice %arg5[%add3A_142] : memref<320000xi32, #tpu.memory_space<hbm>> -> memref<40xi32, #tpu.memory_space<hbm>>
          %dma_start3A_144 = tpu.memref_slice %arg5[%add3A_142] : memref<320000xi32, #tpu.memory_space<hbm>> -> memref<40xi32, #tpu.memory_space<hbm>>
          tpu.enqueue_dma source(%dma_start3A_144 : memref<40xi32, #tpu.memory_space<hbm>>) target(%arg14 : memref<40xi32, #tpu.memory_space<vmem>>) target_semaphore(%arg27 : memref<!tpu.dma_semaphore, #tpu.memory_space<semaphore_mem>>)
        } else {
        }
        %eq3A_128 = arith.constant 3 : i32
        %eq3A_129 = arith.cmpi eq, %rem3A_112, %eq3A_128 : i32
        %convert_element_type3A_130 = arith.extui %eq3A_129 : i1 to i32
        %cond3A_131 = arith.constant 0 : i32
        %cond3A_132 = arith.cmpi ne, %convert_element_type3A_130, %cond3A_131 : i32
        scf.if %cond3A_132 {
          %add3A_133 = arith.constant 4 : i32
          %add3A_134 = arith.addi %scan3A_77, %add3A_133 : i32
          %mul3A_135 = arith.constant 40 : i32
          %mul3A_136 = arith.muli %add3A_134, %mul3A_135 : i32
          %add3A_137 = arith.addi %add3A_6, %mul3A_136 : i32
          %dma_start3A_138 = tpu.memref_slice %arg4[%add3A_137] : memref<320000xi32, #tpu.memory_space<hbm>> -> memref<40xi32, #tpu.memory_space<hbm>>
          %dma_start3A_139 = tpu.memref_slice %arg4[%add3A_137] : memref<320000xi32, #tpu.memory_space<hbm>> -> memref<40xi32, #tpu.memory_space<hbm>>
          tpu.enqueue_dma source(%dma_start3A_139 : memref<40xi32, #tpu.memory_space<hbm>>) target(%arg11 : memref<40xi32, #tpu.memory_space<vmem>>) target_semaphore(%arg28 : memref<!tpu.dma_semaphore, #tpu.memory_space<semaphore_mem>>)
          %mul3A_140 = arith.constant 40 : i32
          %mul3A_141 = arith.muli %add3A_134, %mul3A_140 : i32
          %add3A_142 = arith.addi %add3A_6, %mul3A_141 : i32
          %dma_start3A_143 = tpu.memref_slice %arg5[%add3A_142] : memref<320000xi32, #tpu.memory_space<hbm>> -> memref<40xi32, #tpu.memory_space<hbm>>
          %dma_start3A_144 = tpu.memref_slice %arg5[%add3A_142] : memref<320000xi32, #tpu.memory_space<hbm>> -> memref<40xi32, #tpu.memory_space<hbm>>
          tpu.enqueue_dma source(%dma_start3A_144 : memref<40xi32, #tpu.memory_space<hbm>>) target(%arg15 : memref<40xi32, #tpu.memory_space<vmem>>) target_semaphore(%arg28 : memref<!tpu.dma_semaphore, #tpu.memory_space<semaphore_mem>>)
        } else {
        }
      } else {
      }
    }
    %scan3A_75 = arith.constant 154 : i32
    %barrier3A_76 = arith.constant 0 : index
    tpu.barrier barrier_id(%barrier3A_76)
    "tpu.region"() ({
      %run_scoped3A = tpu.sem_alloc : memref<!tpu.dma_semaphore, #tpu.memory_space<semaphore_mem>>
      %dma_start3A_77 = arith.constant 0 : i32
      %dma_start3A_78 = tpu.memref_slice %arg7[%arg0, %mul3A_2, %dma_start3A_77] : memref<2x10240x128xf32, #tpu.memory_space<hbm>> -> memref<1x640x128xf32, #tpu.memory_space<hbm>>
      %dma_start3A_79 = tpu.memref_squeeze %dma_start3A_78 : memref<1x640x128xf32, #tpu.memory_space<hbm>> -> memref<640x128xf32, #tpu.memory_space<hbm>>
      %dma_start3A_80 = arith.constant 0 : i32
      %dma_start3A_81 = tpu.memref_slice %arg24[%mul3A_2, %dma_start3A_80] : memref<10240x128xf32, #tpu.memory_space<vmem_shared>> -> memref<640x128xf32, #tpu.memory_space<vmem_shared>>
      tpu.enqueue_dma source(%dma_start3A_81 : memref<640x128xf32, #tpu.memory_space<vmem_shared>>) target(%dma_start3A_79 : memref<640x128xf32, #tpu.memory_space<hbm>>) target_semaphore(%run_scoped3A : memref<!tpu.dma_semaphore, #tpu.memory_space<semaphore_mem>>)
      %dma_wait3A_82 = arith.constant 0 : i32
      %dma_wait3A_83 = tpu.memref_slice %arg7[%arg0, %mul3A_2, %dma_wait3A_82] : memref<2x10240x128xf32, #tpu.memory_space<hbm>> -> memref<1x640x128xf32, #tpu.memory_space<hbm>>
      %dma_wait3A_84 = tpu.memref_squeeze %dma_wait3A_83 : memref<1x640x128xf32, #tpu.memory_space<hbm>> -> memref<640x128xf32, #tpu.memory_space<hbm>>
      %dma_wait3A_85 = arith.constant 0 : i32
      %dma_wait3A_86 = tpu.memref_slice %arg24[%mul3A_2, %dma_wait3A_85] : memref<10240x128xf32, #tpu.memory_space<vmem_shared>> -> memref<640x128xf32, #tpu.memory_space<vmem_shared>>
      tpu.wait_dma2 semaphore(%run_scoped3A : memref<!tpu.dma_semaphore, #tpu.memory_space<semaphore_mem>>) src(%dma_wait3A_86 : memref<640x128xf32, #tpu.memory_space<vmem_shared>>) dst(%dma_wait3A_84 : memref<640x128xf32, #tpu.memory_space<hbm>>)
      tpu.yield
    }) : () -> ()
    return
  }
}

module attributes {stable_mosaic.version = 14 : i64} {
  func.func @body_h(%arg0: i32, %arg1: memref<10000x128xf32, #tpu.memory_space<vmem>>, %arg2: memref<128x128xf32, #tpu.memory_space<vmem>>, %arg3: memref<1x128xf32, #tpu.memory_space<vmem>>, %arg4: memref<20x4096xf32, #tpu.memory_space<vmem>>, %arg5: memref<4096xf32, #tpu.memory_space<vmem>>, %arg6: memref<128x20xf32, #tpu.memory_space<vmem>>, %arg7: memref<1x128xf32, #tpu.memory_space<vmem>>, %arg8: memref<128x128xf32, #tpu.memory_space<vmem>>, %arg9: memref<1x128xf32, #tpu.memory_space<vmem>>, %arg10: memref<10000x128xf32, #tpu.memory_space<vmem>>, %arg11: memref<4096x64xi32, #tpu.memory_space<vmem>>) attributes {dimension_semantics = [#tpu.dimension_semantics<arbitrary>], iteration_bounds = array<i64: 30>, scalar_prefetch = 0 : i64, scratch_operands = 0 : i64, tpu.core_type = #tpu.core_type<tc>, window_params = [{pipeline_mode = #tpu.pipeline_mode<synchronous>, transform_indices = @transform_0, window_bounds = array<i64: 10000, 128>}, {pipeline_mode = #tpu.pipeline_mode<synchronous>, transform_indices = @transform_1, window_bounds = array<i64: 128, 128>}, {pipeline_mode = #tpu.pipeline_mode<synchronous>, transform_indices = @transform_2, window_bounds = array<i64: 1, 128>}, {transform_indices = @transform_3, window_bounds = array<i64: 20, 4096>}, {transform_indices = @transform_4, window_bounds = array<i64: 4096>}, {pipeline_mode = #tpu.pipeline_mode<synchronous>, transform_indices = @transform_5, window_bounds = array<i64: 128, 20>}, {pipeline_mode = #tpu.pipeline_mode<synchronous>, transform_indices = @transform_6, window_bounds = array<i64: 1, 128>}, {pipeline_mode = #tpu.pipeline_mode<synchronous>, transform_indices = @transform_7, window_bounds = array<i64: 128, 128>}, {pipeline_mode = #tpu.pipeline_mode<synchronous>, transform_indices = @transform_8, window_bounds = array<i64: 1, 128>}, {pipeline_mode = #tpu.pipeline_mode<synchronous>, transform_indices = @transform_9, window_bounds = array<i64: 10000, 128>}, {transform_indices = @transform_10, window_bounds = array<i64: 4096, 64>}]} {
    %eq3A = arith.constant 0 : i32
    %eq3A_0 = arith.cmpi eq, %arg0, %eq3A : i32
    %convert_element_type3A = arith.extui %eq3A_0 : i1 to i32
    %cond3A = arith.constant 0 : i32
    %cond3A_1 = arith.cmpi ne, %convert_element_type3A, %cond3A : i32
    scf.if %cond3A_1 {
      %get3A_45 = arith.constant 0 : index
      %get3A_46 = arith.constant 0 : index
      %get3A_47 = vector.load %arg1[%get3A_45, %get3A_46] : memref<10000x128xf32, #tpu.memory_space<vmem>>, vector<10000x128xf32>
      %get3A_48 = arith.constant 0 : index
      %get3A_49 = arith.constant 0 : index
      %get3A_50 = vector.load %arg2[%get3A_48, %get3A_49] : memref<128x128xf32, #tpu.memory_space<vmem>>, vector<128x128xf32>
      %dot_general3A_51 = arith.constant dense<0.000000e+00> : vector<10000x128xf32>
      %dot_general3A_52 = tpu.matmul %get3A_47, %get3A_50, %dot_general3A_51 {dimension_numbers = #tpu.dot_dimension_numbers<[1], [1], [0], [0], [0, 0, 1, 0], [], []>, transpose_lhs_hint = false} : vector<10000x128xf32>, vector<128x128xf32>, vector<10000x128xf32> -> vector<10000x128xf32>
      %get3A_53 = arith.constant 0 : index
      %get3A_54 = arith.constant 0 : index
      %get3A_55 = vector.load %arg3[%get3A_53, %get3A_54] : memref<1x128xf32, #tpu.memory_space<vmem>>, vector<1x128xf32>
      %add3A_56 = vector.broadcast %get3A_55 : vector<1x128xf32> to vector<10000x128xf32>
      %add3A_57 = arith.addf %dot_general3A_52, %add3A_56 : vector<10000x128xf32>
      %swap3A_58 = arith.constant 0 : index
      %swap3A_59 = arith.constant 0 : index
      %swap3A_60 = vector.load %arg10[%swap3A_58, %swap3A_59] : memref<10000x128xf32, #tpu.memory_space<vmem>>, vector<10000x128xf32>
      tpu.vector_store %arg10[%swap3A_58, %swap3A_59], %add3A_57 {strides = array<i32>} : memref<10000x128xf32, #tpu.memory_space<vmem>>, vector<10000x128xf32>,
    } else {
    }
    %get3A = arith.constant 0 : index
    %get3A_2 = arith.constant 0 : index
    %get3A_3 = vector.load %arg4[%get3A, %get3A_2] : memref<20x4096xf32, #tpu.memory_space<vmem>>, vector<20x4096xf32>
    %get3A_4 = arith.constant 0 : index
    %get3A_5 = arith.constant 0 : index
    %get3A_6 = vector.load %arg6[%get3A_4, %get3A_5] : memref<128x20xf32, #tpu.memory_space<vmem>>, vector<128x20xf32>
    %dot_general3A = arith.constant dense<0.000000e+00> : vector<4096x128xf32>
    %dot_general3A_7 = tpu.matmul %get3A_3, %get3A_6, %dot_general3A {dimension_numbers = #tpu.dot_dimension_numbers<[0], [1], [1], [0], [0, 1, 1, 0], [], []>, transpose_lhs_hint = false} : vector<20x4096xf32>, vector<128x20xf32>, vector<4096x128xf32> -> vector<4096x128xf32>
    %get3A_8 = arith.constant 0 : index
    %get3A_9 = arith.constant 0 : index
    %get3A_10 = vector.load %arg7[%get3A_8, %get3A_9] : memref<1x128xf32, #tpu.memory_space<vmem>>, vector<1x128xf32>
    %add3A = vector.broadcast %get3A_10 : vector<1x128xf32> to vector<4096x128xf32>
    %add3A_11 = arith.addf %dot_general3A_7, %add3A : vector<4096x128xf32>
    %custom_jvp_call3A = arith.constant 0.000000e+00 : f32
    %max3A = vector.broadcast %custom_jvp_call3A : f32 to vector<4096x128xf32>
    %max3A_12 = arith.maximumf %add3A_11, %max3A : vector<4096x128xf32>
    %sub3A = vector.broadcast %custom_jvp_call3A : f32 to vector<4096x128xf32>
    %sub3A_13 = arith.subf %add3A_11, %sub3A : vector<4096x128xf32>
    %ne3A = arith.cmpf one, %sub3A_13, %sub3A_13 : vector<4096x128xf32>
    %add3A_14 = vector.broadcast %custom_jvp_call3A : f32 to vector<4096x128xf32>
    %add3A_15 = arith.addf %add3A_11, %add3A_14 : vector<4096x128xf32>
    %abs3A = math.absf %sub3A_13 : vector<4096x128xf32>
    %neg3A = arith.constant 0.000000e+00 : f32
    %neg3A_16 = vector.broadcast %neg3A : f32 to vector<4096x128xf32>
    %neg3A_17 = arith.subf %neg3A_16, %abs3A : vector<4096x128xf32>
    %exp3A = math.exp %neg3A_17 : vector<4096x128xf32>
    %log1p3A = math.log1p %exp3A : vector<4096x128xf32>
    %add3A_18 = arith.addf %max3A_12, %log1p3A : vector<4096x128xf32>
    %select_n3A = arith.select %ne3A, %add3A_15, %add3A_18 : vector<4096x128xi1>, vector<4096x128xf32>
    %log3A = arith.constant 2.000000e+00 : f32
    %log3A_19 = math.log %log3A : f32
    %sub3A_20 = vector.broadcast %log3A_19 : f32 to vector<4096x128xf32>
    %sub3A_21 = arith.subf %select_n3A, %sub3A_20 : vector<4096x128xf32>
    %get3A_22 = arith.constant 0 : index
    %get3A_23 = arith.constant 0 : index
    %get3A_24 = vector.load %arg8[%get3A_22, %get3A_23] : memref<128x128xf32, #tpu.memory_space<vmem>>, vector<128x128xf32>
    %dot_general3A_25 = arith.constant dense<0.000000e+00> : vector<4096x128xf32>
    %dot_general3A_26 = tpu.matmul %sub3A_21, %get3A_24, %dot_general3A_25 {dimension_numbers = #tpu.dot_dimension_numbers<[1], [1], [0], [0], [0, 0, 1, 0], [], []>, transpose_lhs_hint = false} : vector<4096x128xf32>, vector<128x128xf32>, vector<4096x128xf32> -> vector<4096x128xf32>
    %get3A_27 = arith.constant 0 : index
    %get3A_28 = arith.constant 0 : index
    %get3A_29 = vector.load %arg9[%get3A_27, %get3A_28] : memref<1x128xf32, #tpu.memory_space<vmem>>, vector<1x128xf32>
    %add3A_30 = vector.broadcast %get3A_29 : vector<1x128xf32> to vector<4096x128xf32>
    %add3A_31 = arith.addf %dot_general3A_26, %add3A_30 : vector<4096x128xf32>
    %get3A_32 = arith.constant 0 : index
    %get3A_33 = vector.load %arg5[%get3A_32] : memref<4096xf32, #tpu.memory_space<vmem>>, vector<4096xf32>
    %broadcast_in_dim3A = vector.shape_cast %get3A_33 : vector<4096xf32> to vector<4096x1xf32>
    %mul3A = vector.broadcast %broadcast_in_dim3A : vector<4096x1xf32> to vector<4096x128xf32>
    %mul3A_34 = arith.mulf %add3A_31, %mul3A : vector<4096x128xf32>
    %slice3A = vector.extract_strided_slice %mul3A_34 {offsets = [0, 0], sizes = [4096, 64], strides = [1, 1]} : vector<4096x128xf32> to vector<4096x64xf32>
    %convert_element_type3A_35 = arith.truncf %slice3A : vector<4096x64xf32> to vector<4096x64xbf16>
    %bitcast_convert_type3A = tpu.bitcast %convert_element_type3A_35 : vector<4096x64xbf16> -> vector<4096x64xi16>
    %slice3A_36 = vector.extract_strided_slice %mul3A_34 {offsets = [0, 64], sizes = [4096, 64], strides = [1, 1]} : vector<4096x128xf32> to vector<4096x64xf32>
    %convert_element_type3A_37 = arith.truncf %slice3A_36 : vector<4096x64xf32> to vector<4096x64xbf16>
    %bitcast_convert_type3A_38 = tpu.bitcast %convert_element_type3A_37 : vector<4096x64xbf16> -> vector<4096x64xi16>
    %convert_element_type3A_39 = arith.extui %bitcast_convert_type3A : vector<4096x64xi16> to vector<4096x64xi32>
    %convert_element_type3A_40 = arith.extui %bitcast_convert_type3A_38 : vector<4096x64xi16> to vector<4096x64xi32>
    %shift_left3A = arith.constant 16 : i32
    %shift_left3A_41 = vector.broadcast %shift_left3A : i32 to vector<4096x64xi32>
    %shift_left3A_42 = arith.shli %convert_element_type3A_40, %shift_left3A_41 : vector<4096x64xi32>
    %or3A = arith.ori %convert_element_type3A_39, %shift_left3A_42 : vector<4096x64xi32>
    %swap3A = arith.constant 0 : index
    %swap3A_43 = arith.constant 0 : index
    %swap3A_44 = vector.load %arg11[%swap3A, %swap3A_43] : memref<4096x64xi32, #tpu.memory_space<vmem>>, vector<4096x64xi32>
    tpu.vector_store %arg11[%swap3A, %swap3A_43], %or3A {strides = array<i32>} : memref<4096x64xi32, #tpu.memory_space<vmem>>, vector<4096x64xi32>,
    return
  }
  func.func @transform_0(%arg0: i32) -> (i32, i32) {
    %c0_i32 = arith.constant 0 : i32
    %c0_i32_0 = arith.constant 0 : i32
    %c0_i32_1 = arith.constant 0 : i32
    return %c0_i32, %c0_i32_0 : i32, i32
  }
  func.func @transform_1(%arg0: i32) -> (i32, i32) {
    %c0_i32 = arith.constant 0 : i32
    %c0_i32_0 = arith.constant 0 : i32
    %c0_i32_1 = arith.constant 0 : i32
    return %c0_i32, %c0_i32_0 : i32, i32
  }
  func.func @transform_2(%arg0: i32) -> (i32, i32) {
    %c0_i32 = arith.constant 0 : i32
    %c0_i32_0 = arith.constant 0 : i32
    %c0_i32_1 = arith.constant 0 : i32
    return %c0_i32, %c0_i32_0 : i32, i32
  }
  func.func @transform_3(%arg0: i32) -> (i32, i32) {
    %add3A = arith.constant 0 : i32
    %add3A_0 = arith.addi %arg0, %add3A : i32
    %c0_i32 = arith.constant 0 : i32
    %c0_i32_1 = arith.constant 0 : i32
    return %c0_i32, %add3A_0 : i32, i32
  }
  func.func @transform_4(%arg0: i32) -> i32 {
    %add3A = arith.constant 0 : i32
    %add3A_0 = arith.addi %arg0, %add3A : i32
    %c0_i32 = arith.constant 0 : i32
    return %add3A_0 : i32
  }
  func.func @transform_5(%arg0: i32) -> (i32, i32) {
    %c0_i32 = arith.constant 0 : i32
    %c0_i32_0 = arith.constant 0 : i32
    %c0_i32_1 = arith.constant 0 : i32
    return %c0_i32, %c0_i32_0 : i32, i32
  }
  func.func @transform_6(%arg0: i32) -> (i32, i32) {
    %c0_i32 = arith.constant 0 : i32
    %c0_i32_0 = arith.constant 0 : i32
    %c0_i32_1 = arith.constant 0 : i32
    return %c0_i32, %c0_i32_0 : i32, i32
  }
  func.func @transform_7(%arg0: i32) -> (i32, i32) {
    %c0_i32 = arith.constant 0 : i32
    %c0_i32_0 = arith.constant 0 : i32
    %c0_i32_1 = arith.constant 0 : i32
    return %c0_i32, %c0_i32_0 : i32, i32
  }
  func.func @transform_8(%arg0: i32) -> (i32, i32) {
    %c0_i32 = arith.constant 0 : i32
    %c0_i32_0 = arith.constant 0 : i32
    %c0_i32_1 = arith.constant 0 : i32
    return %c0_i32, %c0_i32_0 : i32, i32
  }
  func.func @transform_9(%arg0: i32) -> (i32, i32) {
    %c0_i32 = arith.constant 0 : i32
    %c0_i32_0 = arith.constant 0 : i32
    %c0_i32_1 = arith.constant 0 : i32
    return %c0_i32, %c0_i32_0 : i32, i32
  }
  func.func @transform_10(%arg0: i32) -> (i32, i32) {
    %c0_i32 = arith.constant 0 : i32
    %c0_i32_0 = arith.constant 0 : i32
    return %arg0, %c0_i32 : i32, i32
  }
}

module attributes {stable_mosaic.version = 14 : i64} {
  func.func @body(%arg0: i32, %arg1: memref<20x4096xf32, #tpu.memory_space<vmem>>, %arg2: memref<4096xf32, #tpu.memory_space<vmem>>, %arg3: memref<128x20xf32, #tpu.memory_space<vmem>>, %arg4: memref<1x128xf32, #tpu.memory_space<vmem>>, %arg5: memref<128x128xf32, #tpu.memory_space<vmem>>, %arg6: memref<1x128xf32, #tpu.memory_space<vmem>>, %arg7: memref<4096x64xi32, #tpu.memory_space<vmem>>) attributes {dimension_semantics = [#tpu.dimension_semantics<arbitrary>], iteration_bounds = array<i64: 49>, scalar_prefetch = 0 : i64, scratch_operands = 0 : i64, tpu.core_type = #tpu.core_type<tc>, window_params = [{transform_indices = @transform_0, window_bounds = array<i64: 20, 4096>}, {transform_indices = @transform_1, window_bounds = array<i64: 4096>}, {pipeline_mode = #tpu.pipeline_mode<synchronous>, transform_indices = @transform_2, window_bounds = array<i64: 128, 20>}, {pipeline_mode = #tpu.pipeline_mode<synchronous>, transform_indices = @transform_3, window_bounds = array<i64: 1, 128>}, {pipeline_mode = #tpu.pipeline_mode<synchronous>, transform_indices = @transform_4, window_bounds = array<i64: 128, 128>}, {pipeline_mode = #tpu.pipeline_mode<synchronous>, transform_indices = @transform_5, window_bounds = array<i64: 1, 128>}, {transform_indices = @transform_6, window_bounds = array<i64: 4096, 64>}]} {
    %get3A = arith.constant 0 : index
    %get3A_0 = arith.constant 0 : index
    %get3A_1 = vector.load %arg1[%get3A, %get3A_0] : memref<20x4096xf32, #tpu.memory_space<vmem>>, vector<20x4096xf32>
    %get3A_2 = arith.constant 0 : index
    %get3A_3 = arith.constant 0 : index
    %get3A_4 = vector.load %arg3[%get3A_2, %get3A_3] : memref<128x20xf32, #tpu.memory_space<vmem>>, vector<128x20xf32>
    %dot_general3A = arith.constant dense<0.000000e+00> : vector<4096x128xf32>
    %dot_general3A_5 = tpu.matmul %get3A_1, %get3A_4, %dot_general3A {dimension_numbers = #tpu.dot_dimension_numbers<[0], [1], [1], [0], [0, 1, 1, 0], [], []>, transpose_lhs_hint = false} : vector<20x4096xf32>, vector<128x20xf32>, vector<4096x128xf32> -> vector<4096x128xf32>
    %get3A_6 = arith.constant 0 : index
    %get3A_7 = arith.constant 0 : index
    %get3A_8 = vector.load %arg4[%get3A_6, %get3A_7] : memref<1x128xf32, #tpu.memory_space<vmem>>, vector<1x128xf32>
    %add3A = vector.broadcast %get3A_8 : vector<1x128xf32> to vector<4096x128xf32>
    %add3A_9 = arith.addf %dot_general3A_5, %add3A : vector<4096x128xf32>
    %custom_jvp_call3A = arith.constant 0.000000e+00 : f32
    %max3A = vector.broadcast %custom_jvp_call3A : f32 to vector<4096x128xf32>
    %max3A_10 = arith.maximumf %add3A_9, %max3A : vector<4096x128xf32>
    %sub3A = vector.broadcast %custom_jvp_call3A : f32 to vector<4096x128xf32>
    %sub3A_11 = arith.subf %add3A_9, %sub3A : vector<4096x128xf32>
    %ne3A = arith.cmpf one, %sub3A_11, %sub3A_11 : vector<4096x128xf32>
    %add3A_12 = vector.broadcast %custom_jvp_call3A : f32 to vector<4096x128xf32>
    %add3A_13 = arith.addf %add3A_9, %add3A_12 : vector<4096x128xf32>
    %abs3A = math.absf %sub3A_11 : vector<4096x128xf32>
    %neg3A = arith.constant 0.000000e+00 : f32
    %neg3A_14 = vector.broadcast %neg3A : f32 to vector<4096x128xf32>
    %neg3A_15 = arith.subf %neg3A_14, %abs3A : vector<4096x128xf32>
    %exp3A = math.exp %neg3A_15 : vector<4096x128xf32>
    %log1p3A = math.log1p %exp3A : vector<4096x128xf32>
    %add3A_16 = arith.addf %max3A_10, %log1p3A : vector<4096x128xf32>
    %select_n3A = arith.select %ne3A, %add3A_13, %add3A_16 : vector<4096x128xi1>, vector<4096x128xf32>
    %log3A = arith.constant 2.000000e+00 : f32
    %log3A_17 = math.log %log3A : f32
    %sub3A_18 = vector.broadcast %log3A_17 : f32 to vector<4096x128xf32>
    %sub3A_19 = arith.subf %select_n3A, %sub3A_18 : vector<4096x128xf32>
    %get3A_20 = arith.constant 0 : index
    %get3A_21 = arith.constant 0 : index
    %get3A_22 = vector.load %arg5[%get3A_20, %get3A_21] : memref<128x128xf32, #tpu.memory_space<vmem>>, vector<128x128xf32>
    %dot_general3A_23 = arith.constant dense<0.000000e+00> : vector<4096x128xf32>
    %dot_general3A_24 = tpu.matmul %sub3A_19, %get3A_22, %dot_general3A_23 {dimension_numbers = #tpu.dot_dimension_numbers<[1], [1], [0], [0], [0, 0, 1, 0], [], []>, transpose_lhs_hint = false} : vector<4096x128xf32>, vector<128x128xf32>, vector<4096x128xf32> -> vector<4096x128xf32>
    %get3A_25 = arith.constant 0 : index
    %get3A_26 = arith.constant 0 : index
    %get3A_27 = vector.load %arg6[%get3A_25, %get3A_26] : memref<1x128xf32, #tpu.memory_space<vmem>>, vector<1x128xf32>
    %add3A_28 = vector.broadcast %get3A_27 : vector<1x128xf32> to vector<4096x128xf32>
    %add3A_29 = arith.addf %dot_general3A_24, %add3A_28 : vector<4096x128xf32>
    %get3A_30 = arith.constant 0 : index
    %get3A_31 = vector.load %arg2[%get3A_30] : memref<4096xf32, #tpu.memory_space<vmem>>, vector<4096xf32>
    %broadcast_in_dim3A = vector.shape_cast %get3A_31 : vector<4096xf32> to vector<4096x1xf32>
    %mul3A = vector.broadcast %broadcast_in_dim3A : vector<4096x1xf32> to vector<4096x128xf32>
    %mul3A_32 = arith.mulf %add3A_29, %mul3A : vector<4096x128xf32>
    %slice3A = vector.extract_strided_slice %mul3A_32 {offsets = [0, 0], sizes = [4096, 64], strides = [1, 1]} : vector<4096x128xf32> to vector<4096x64xf32>
    %convert_element_type3A = arith.truncf %slice3A : vector<4096x64xf32> to vector<4096x64xbf16>
    %bitcast_convert_type3A = tpu.bitcast %convert_element_type3A : vector<4096x64xbf16> -> vector<4096x64xi16>
    %slice3A_33 = vector.extract_strided_slice %mul3A_32 {offsets = [0, 64], sizes = [4096, 64], strides = [1, 1]} : vector<4096x128xf32> to vector<4096x64xf32>
    %convert_element_type3A_34 = arith.truncf %slice3A_33 : vector<4096x64xf32> to vector<4096x64xbf16>
    %bitcast_convert_type3A_35 = tpu.bitcast %convert_element_type3A_34 : vector<4096x64xbf16> -> vector<4096x64xi16>
    %convert_element_type3A_36 = arith.extui %bitcast_convert_type3A : vector<4096x64xi16> to vector<4096x64xi32>
    %convert_element_type3A_37 = arith.extui %bitcast_convert_type3A_35 : vector<4096x64xi16> to vector<4096x64xi32>
    %shift_left3A = arith.constant 16 : i32
    %shift_left3A_38 = vector.broadcast %shift_left3A : i32 to vector<4096x64xi32>
    %shift_left3A_39 = arith.shli %convert_element_type3A_37, %shift_left3A_38 : vector<4096x64xi32>
    %or3A = arith.ori %convert_element_type3A_36, %shift_left3A_39 : vector<4096x64xi32>
    %swap3A = arith.constant 0 : index
    %swap3A_40 = arith.constant 0 : index
    %swap3A_41 = vector.load %arg7[%swap3A, %swap3A_40] : memref<4096x64xi32, #tpu.memory_space<vmem>>, vector<4096x64xi32>
    tpu.vector_store %arg7[%swap3A, %swap3A_40], %or3A {strides = array<i32>} : memref<4096x64xi32, #tpu.memory_space<vmem>>, vector<4096x64xi32>,
    return
  }
  func.func @transform_0(%arg0: i32) -> (i32, i32) {
    %add3A = arith.constant 30 : i32
    %add3A_0 = arith.addi %arg0, %add3A : i32
    %c0_i32 = arith.constant 0 : i32
    %c0_i32_1 = arith.constant 0 : i32
    return %c0_i32, %add3A_0 : i32, i32
  }
  func.func @transform_1(%arg0: i32) -> i32 {
    %add3A = arith.constant 30 : i32
    %add3A_0 = arith.addi %arg0, %add3A : i32
    %c0_i32 = arith.constant 0 : i32
    return %add3A_0 : i32
  }
  func.func @transform_2(%arg0: i32) -> (i32, i32) {
    %c0_i32 = arith.constant 0 : i32
    %c0_i32_0 = arith.constant 0 : i32
    %c0_i32_1 = arith.constant 0 : i32
    return %c0_i32, %c0_i32_0 : i32, i32
  }
  func.func @transform_3(%arg0: i32) -> (i32, i32) {
    %c0_i32 = arith.constant 0 : i32
    %c0_i32_0 = arith.constant 0 : i32
    %c0_i32_1 = arith.constant 0 : i32
    return %c0_i32, %c0_i32_0 : i32, i32
  }
  func.func @transform_4(%arg0: i32) -> (i32, i32) {
    %c0_i32 = arith.constant 0 : i32
    %c0_i32_0 = arith.constant 0 : i32
    %c0_i32_1 = arith.constant 0 : i32
    return %c0_i32, %c0_i32_0 : i32, i32
  }
  func.func @transform_5(%arg0: i32) -> (i32, i32) {
    %c0_i32 = arith.constant 0 : i32
    %c0_i32_0 = arith.constant 0 : i32
    %c0_i32_1 = arith.constant 0 : i32
    return %c0_i32, %c0_i32_0 : i32, i32
  }
  func.func @transform_6(%arg0: i32) -> (i32, i32) {
    %c0_i32 = arith.constant 0 : i32
    %c0_i32_0 = arith.constant 0 : i32
    return %arg0, %c0_i32 : i32, i32
  }
}

module attributes {stable_mosaic.version = 14 : i64} {
  func.func @_tc_b_body(%arg0: i32, %arg1: memref<2x10000x128xf32, #tpu.memory_space<vmem>>, %arg2: memref<128x128xf32, #tpu.memory_space<vmem>>, %arg3: memref<1x128xf32, #tpu.memory_space<vmem>>, %arg4: memref<128x128xf32, #tpu.memory_space<vmem>>, %arg5: memref<1x128xf32, #tpu.memory_space<vmem>>, %arg6: memref<10000x128xf32, #tpu.memory_space<vmem>>) attributes {dimension_semantics = [#tpu.dimension_semantics<arbitrary>], iteration_bounds = array<i64: 1>, scalar_prefetch = 0 : i64, scratch_operands = 0 : i64, tpu.core_type = #tpu.core_type<tc>, window_params = [{transform_indices = @transform_0, window_bounds = array<i64: 2, 10000, 128>}, {pipeline_mode = #tpu.pipeline_mode<synchronous>, transform_indices = @transform_1, window_bounds = array<i64: 128, 128>}, {pipeline_mode = #tpu.pipeline_mode<synchronous>, transform_indices = @transform_2, window_bounds = array<i64: 1, 128>}, {pipeline_mode = #tpu.pipeline_mode<synchronous>, transform_indices = @transform_3, window_bounds = array<i64: 128, 128>}, {pipeline_mode = #tpu.pipeline_mode<synchronous>, transform_indices = @transform_4, window_bounds = array<i64: 1, 128>}, {pipeline_mode = #tpu.pipeline_mode<synchronous>, transform_indices = @transform_5, window_bounds = array<i64: 10000, 128>}]} {
    %get3A = arith.constant 0 : index
    %get3A_0 = arith.constant 0 : index
    %get3A_1 = arith.constant 0 : index
    %get3A_2 = vector.load %arg1[%get3A, %get3A_0, %get3A_1] : memref<2x10000x128xf32, #tpu.memory_space<vmem>>, vector<1x10000x128xf32>
    %get3A_3 = vector.shape_cast %get3A_2 : vector<1x10000x128xf32> to vector<10000x128xf32>
    %get3A_4 = arith.constant 1 : index
    %get3A_5 = arith.constant 0 : index
    %get3A_6 = arith.constant 0 : index
    %get3A_7 = vector.load %arg1[%get3A_4, %get3A_5, %get3A_6] : memref<2x10000x128xf32, #tpu.memory_space<vmem>>, vector<1x10000x128xf32>
    %get3A_8 = vector.shape_cast %get3A_7 : vector<1x10000x128xf32> to vector<10000x128xf32>
    %add3A = arith.addf %get3A_3, %get3A_8 : vector<10000x128xf32>
    %get3A_9 = arith.constant 0 : index
    %get3A_10 = arith.constant 0 : index
    %get3A_11 = vector.load %arg2[%get3A_9, %get3A_10] : memref<128x128xf32, #tpu.memory_space<vmem>>, vector<128x128xf32>
    %dot_general3A = arith.constant dense<0.000000e+00> : vector<10000x128xf32>
    %dot_general3A_12 = tpu.matmul %add3A, %get3A_11, %dot_general3A {dimension_numbers = #tpu.dot_dimension_numbers<[1], [1], [0], [0], [0, 0, 1, 0], [], []>, transpose_lhs_hint = false} : vector<10000x128xf32>, vector<128x128xf32>, vector<10000x128xf32> -> vector<10000x128xf32>
    %get3A_13 = arith.constant 0 : index
    %get3A_14 = arith.constant 0 : index
    %get3A_15 = vector.load %arg3[%get3A_13, %get3A_14] : memref<1x128xf32, #tpu.memory_space<vmem>>, vector<1x128xf32>
    %add3A_16 = vector.broadcast %get3A_15 : vector<1x128xf32> to vector<10000x128xf32>
    %add3A_17 = arith.addf %dot_general3A_12, %add3A_16 : vector<10000x128xf32>
    %custom_jvp_call3A = arith.constant 0.000000e+00 : f32
    %max3A = vector.broadcast %custom_jvp_call3A : f32 to vector<10000x128xf32>
    %max3A_18 = arith.maximumf %add3A_17, %max3A : vector<10000x128xf32>
    %sub3A = vector.broadcast %custom_jvp_call3A : f32 to vector<10000x128xf32>
    %sub3A_19 = arith.subf %add3A_17, %sub3A : vector<10000x128xf32>
    %ne3A = arith.cmpf one, %sub3A_19, %sub3A_19 : vector<10000x128xf32>
    %add3A_20 = vector.broadcast %custom_jvp_call3A : f32 to vector<10000x128xf32>
    %add3A_21 = arith.addf %add3A_17, %add3A_20 : vector<10000x128xf32>
    %abs3A = math.absf %sub3A_19 : vector<10000x128xf32>
    %neg3A = arith.constant 0.000000e+00 : f32
    %neg3A_22 = vector.broadcast %neg3A : f32 to vector<10000x128xf32>
    %neg3A_23 = arith.subf %neg3A_22, %abs3A : vector<10000x128xf32>
    %exp3A = math.exp %neg3A_23 : vector<10000x128xf32>
    %log1p3A = math.log1p %exp3A : vector<10000x128xf32>
    %add3A_24 = arith.addf %max3A_18, %log1p3A : vector<10000x128xf32>
    %select_n3A = arith.select %ne3A, %add3A_21, %add3A_24 : vector<10000x128xi1>, vector<10000x128xf32>
    %log3A = arith.constant 2.000000e+00 : f32
    %log3A_25 = math.log %log3A : f32
    %sub3A_26 = vector.broadcast %log3A_25 : f32 to vector<10000x128xf32>
    %sub3A_27 = arith.subf %select_n3A, %sub3A_26 : vector<10000x128xf32>
    %get3A_28 = arith.constant 0 : index
    %get3A_29 = arith.constant 0 : index
    %get3A_30 = vector.load %arg4[%get3A_28, %get3A_29] : memref<128x128xf32, #tpu.memory_space<vmem>>, vector<128x128xf32>
    %dot_general3A_31 = arith.constant dense<0.000000e+00> : vector<10000x128xf32>
    %dot_general3A_32 = tpu.matmul %sub3A_27, %get3A_30, %dot_general3A_31 {dimension_numbers = #tpu.dot_dimension_numbers<[1], [1], [0], [0], [0, 0, 1, 0], [], []>, transpose_lhs_hint = false} : vector<10000x128xf32>, vector<128x128xf32>, vector<10000x128xf32> -> vector<10000x128xf32>
    %get3A_33 = arith.constant 0 : index
    %get3A_34 = arith.constant 0 : index
    %get3A_35 = vector.load %arg5[%get3A_33, %get3A_34] : memref<1x128xf32, #tpu.memory_space<vmem>>, vector<1x128xf32>
    %add3A_36 = vector.broadcast %get3A_35 : vector<1x128xf32> to vector<10000x128xf32>
    %add3A_37 = arith.addf %dot_general3A_32, %add3A_36 : vector<10000x128xf32>
    %swap3A = arith.constant 0 : index
    %swap3A_38 = arith.constant 0 : index
    %swap3A_39 = vector.load %arg6[%swap3A, %swap3A_38] : memref<10000x128xf32, #tpu.memory_space<vmem>>, vector<10000x128xf32>
    tpu.vector_store %arg6[%swap3A, %swap3A_38], %add3A_37 {strides = array<i32>} : memref<10000x128xf32, #tpu.memory_space<vmem>>, vector<10000x128xf32>,
    return
  }
  func.func @transform_0(%arg0: i32) -> (i32, i32, i32) {
    %c0_i32 = arith.constant 0 : i32
    %c0_i32_0 = arith.constant 0 : i32
    %c0_i32_1 = arith.constant 0 : i32
    %c0_i32_2 = arith.constant 0 : i32
    return %c0_i32, %c0_i32_0, %c0_i32_1 : i32, i32, i32
  }
  func.func @transform_1(%arg0: i32) -> (i32, i32) {
    %c0_i32 = arith.constant 0 : i32
    %c0_i32_0 = arith.constant 0 : i32
    %c0_i32_1 = arith.constant 0 : i32
    return %c0_i32, %c0_i32_0 : i32, i32
  }
  func.func @transform_2(%arg0: i32) -> (i32, i32) {
    %c0_i32 = arith.constant 0 : i32
    %c0_i32_0 = arith.constant 0 : i32
    %c0_i32_1 = arith.constant 0 : i32
    return %c0_i32, %c0_i32_0 : i32, i32
  }
  func.func @transform_3(%arg0: i32) -> (i32, i32) {
    %c0_i32 = arith.constant 0 : i32
    %c0_i32_0 = arith.constant 0 : i32
    %c0_i32_1 = arith.constant 0 : i32
    return %c0_i32, %c0_i32_0 : i32, i32
  }
  func.func @transform_4(%arg0: i32) -> (i32, i32) {
    %c0_i32 = arith.constant 0 : i32
    %c0_i32_0 = arith.constant 0 : i32
    %c0_i32_1 = arith.constant 0 : i32
    return %c0_i32, %c0_i32_0 : i32, i32
  }
  func.func @transform_5(%arg0: i32) -> (i32, i32) {
    %c0_i32 = arith.constant 0 : i32
    %c0_i32_0 = arith.constant 0 : i32
    %c0_i32_1 = arith.constant 0 : i32
    return %c0_i32, %c0_i32_0 : i32, i32
  }
}

</mosaic_0001>

<sc_bundles>
// kernel: kernel.10.cloned.1.call-start
scs
__scs_entry_jumppad:
0x0: {  	(pc) =	sbr.rel $0x88, $3  }
0x1: {  	(tag) =	ssettag $0x0;
	lr =	simm.s32 $0x1  }
0x2: {  	[smem:$0x3F92] =	sst lr;
	_ =	strace $0xD0000000  }
0x3: {  	_ = 	snop  }
0x4: {  	_ = 	snop  }
0x5: {  	_ = 	snop  }
0x6: {  	_ = 	snop  }
0x7: {  	_ = 	snop  }
__scs_overlays_trampoline_lowered:
0x8: {  	[smem:$0x3FA1] =	sst s0  }
0x9: {  	[smem:$0x3FA2] =	sst s1  }
0xa: {  	[smem:$0x3FA3] =	sst s2  }
0xb: {  	[smem:$0x3FA4] =	sst s3  }
0xc: {  	[smem:$0x3FA5] =	sst s4  }
0xd: {  	[smem:$0x3FA6] =	sst s5  }
0xe: {  	[smem:$0x3FA7] =	sst s6  }
0xf: {  	[smem:$0x3FA8] =	sst s7  }
0x10: {  	[smem:$0x3FA9] =	sst s8  }
0x11: {  	[smem:$0x3FAA] =	sst s9;
	s0 =	simm.s32 @!p0 $0x0  }
0x12: {  	s1 =	sld [smem:$0x3F90];
	s0 =	simm.s32 @p0 $0x1  }
0x13: {  	[smem:$0x3FAB] =	sst s0;
	s0 =	simm.s32 @!p1 $0x0  }
0x14: {  	s2 =	sld [smem:$0x3F8F];
	s0 =	simm.s32 @p1 $0x1  }
0x15: {  	[smem:$0x3FAC] =	sst s0;
	s0 =	simm.s32 @!p2 $0x0  }
0x16: {  	s3 =	sld [smem:$0x3FDB];
	s0 =	simm.s32 @p2 $0x1  }
0x17: {  	s4 =	simm.s32 $0x1BF5;
	[smem:$0x3FAE] =	sst s0  }
0x18: {  	s0 =	sld [smem:$0x3F91];
	_ =	swait.ge [sflag:s4], $0x0  }
0x19: {  	s7 =	sld [smem:$0x3F92]  }
0x1a: {  	s8 =	sadd.s32 $0xFFFFE003, lr  }
0x1b: {  	s9 =	sadd.s32 $0xFFFFFEF7, lr;
	s5 =	simm.s32 $0xFFFFFFFF;
	p2 =	slt.u32 s8, $0xFFFFF086  }
0x1c: {  	p1 =	slt.u32 s9, $0xF7A;
	s5 =	simm.s32 @!p2 $0x0  }
0x1d: {  	s5 =	simm.s32 @p1 $0x1;
	p0 =	seq.s32 s7, s2  }
0x1e: {  	s7 =	smul.u32 @!p0 $0xF7A, s2;
	p2 =	seq.s32 @!p0 s5, $0x0  }
0x1f: {  	s9 =	smul.u32 $0xF7A, s1;
	s8 =	simm.s32 @!p0 $0x1BF5;
	p2 =	por !p2, p0  }
0x20: {  	[sflag:s8] =	ssyncset.s32 @!p0 $0xFFFFF086;
	s6 =	sadd.s32 @!p0 s3, s7;
	s7 =	simm.s32 @!p0 $0x108  }
0x21: {  	s3 =	sadd.s32 s3, s9;
	s6 =	sadd.s32 @!p0 $0x88, s6;
	s7 =	simm.s32 @p2 $0x1082  }
0x22: {  	[simem:s7], [sflag:s8] =	dma.local @!p0 [hbm:s6], $0xF7A  }
0x23: {  	s9 =	sor.u32 $0xD0000000, s2;
	s6 =	simm.s32 $0x108;
	_ =	swait.ge @!p0 [sflag:s8], $0x0  }
0x24: {  	s3 =	sadd.s32 $0x88, s3;
	s6 =	simm.s32 @!p1 $0x1082;
	[sflag:s4] =	ssyncset.s32 $0xFFFFF086  }
0x25: {  	[simem:s6], [sflag:s4] =	dma.local [hbm:s3], $0xF7A  }
0x26: {  	[smem:$0x3F92] =	sst s1;
	(tag) =	ssettag s2;
	_ =	strace s9  }
0x27: {  	s1 =	sld [smem:$0x3FA2]  }
0x28: {  	s2 =	sld [smem:$0x3FA3]  }
0x29: {  	s4 =	sld [smem:$0x3FA5]  }
0x2a: {  	p0 =	seq.s32 s5, $0x0;
	s5 =	sld [smem:$0x3FA6]  }
0x2b: {  	s6 =	sld [smem:$0x3FA7]  }
0x2c: {  	s7 =	sld [smem:$0x3FA8]  }
0x2d: {  	s3 =	simm.s32 $0x108;
	s8 =	sld [smem:$0x3FA9]  }
0x2e: {  	s3 =	simm.s32 @!p0 $0x1082;
	s9 =	sld [smem:$0x3FAA]  }
0x2f: {  	lr =	sadd.s32 s0, s3;
	s0 =	sld [smem:$0x3FA1]  }
0x30: {  	s3 =	sld [smem:$0x3FA4]  }
0x31: {  	[smem:$0x3FAD] =	sst s10  }
0x32: {  	s10 =	sld [smem:$0x3FAB];
	_ =	sdelay $0x3  }
0x33: {  	p0 =	seq.s32 s10, $0x1;
	s10 =	sld [smem:$0x3FAD];
	_ =	sdelay $0x3  }
0x34: {  	[smem:$0x3FAD] =	sst s10  }
0x35: {  	s10 =	sld [smem:$0x3FAC];
	_ =	sdelay $0x3  }
0x36: {  	p1 =	seq.s32 s10, $0x1;
	s10 =	sld [smem:$0x3FAD];
	_ =	sdelay $0x3  }
0x37: {  	[smem:$0x3FAD] =	sst s10  }
0x38: {  	s10 =	sld [smem:$0x3FAE]  }
0x39: {  	_ = 	snop;
	(pc) =	sbr.ind lr, $3  }
0x3a: {  	_ = 	snop  }
0x3b: {  	_ = 	snop  }
0x3c: {  	p2 =	seq.s32 s10, $0x1;
	s10 =	sld [smem:$0x3FAD]  }
0x3d: {  	_ =	shalt  }
0x3e: {  	_ =	shalt  }
0x3f: {  	_ =	shalt  }
0x40: {  	_ =	shalt  }
0x41: {  	_ =	shalt  }
0x42: {  	_ =	shalt  }
0x43: {  	_ =	shalt  }
0x44: {  	_ =	shalt  }
0x45: {  	_ =	shalt  }
0x46: {  	_ =	shalt  }
0x47: {  	_ =	shalt  }
0x48: {  	_ =	shalt  }
0x49: {  	_ =	shalt  }
0x4a: {  	_ =	shalt  }
0x4b: {  	_ =	shalt  }
0x4c: {  	_ =	shalt  }
0x4d: {  	_ =	shalt  }
0x4e: {  	_ =	shalt  }
0x4f: {  	_ =	shalt  }
0x50: {  	_ =	shalt  }
0x51: {  	_ =	shalt  }
0x52: {  	_ =	shalt  }
0x53: {  	_ =	shalt  }
0x54: {  	_ =	shalt  }
0x55: {  	_ =	shalt  }
0x56: {  	_ =	shalt  }
0x57: {  	_ =	shalt  }
0x58: {  	_ =	shalt  }
0x59: {  	_ =	shalt  }
0x5a: {  	_ =	shalt  }
0x5b: {  	_ =	shalt  }
0x5c: {  	_ =	shalt  }
0x5d: {  	_ =	shalt  }
0x5e: {  	_ =	shalt  }
0x5f: {  	_ =	shalt  }
0x60: {  	_ =	shalt  }
0x61: {  	_ =	shalt  }
0x62: {  	_ =	shalt  }
0x63: {  	_ =	shalt  }
0x64: {  	_ =	shalt  }
0x65: {  	_ =	shalt  }
0x66: {  	_ =	shalt  }
0x67: {  	_ =	shalt  }
0x68: {  	_ =	shalt  }
0x69: {  	_ =	shalt  }
0x6a: {  	_ =	shalt  }
0x6b: {  	_ =	shalt  }
0x6c: {  	_ =	shalt  }
0x6d: {  	_ =	shalt  }
0x6e: {  	_ =	shalt  }
0x6f: {  	_ =	shalt  }
0x70: {  	_ =	shalt  }
0x71: {  	_ =	shalt  }
0x72: {  	_ =	shalt  }
0x73: {  	_ =	shalt  }
0x74: {  	_ =	shalt  }
0x75: {  	_ =	shalt  }
0x76: {  	_ =	shalt  }
0x77: {  	_ =	shalt  }
0x78: {  	_ =	shalt  }
0x79: {  	_ =	shalt  }
0x7a: {  	_ =	shalt  }
0x7b: {  	_ =	shalt  }
0x7c: {  	_ =	shalt  }
0x7d: {  	_ =	shalt  }
0x7e: {  	_ =	shalt  }
0x7f: {  	_ =	shalt  }
0x80: {  	_ =	shalt  }
0x81: {  	_ =	shalt  }
0x82: {  	_ =	shalt  }
0x83: {  	_ =	shalt  }
0x84: {  	_ =	shalt  }
0x85: {  	_ =	shalt  }
0x86: {  	_ =	shalt  }
0x87: {  	_ =	shalt  }
.Lfunc_end0:
.L_simem_size_0:
called_computation.1_lowered:
.L_overlay_start_0:
0x88: {  	s2 =	sld [smem:$0x3FD9]  }
0x89: {  	s3 =	sld [smem:$0x3FFE];
	_ =	sdelay $0x1  }
0x8a: {  	s1 =	srdreg.scid  }
0x8b: {  	s0 =	sand.u32 $0x1, s1  }
0x8c: {  	s17 =	sshll.u32 s0, $0xA;
	s2 =	sadd.s32 s3, s2  }
0x8d: {  	s2 =	sadd.s32 s2, s17  }
0x8e: {  	[smem:$0x3FB9] =	sst s2  }
0x8f: {  	_ = 	snop  }
0x90: {  	s2 =	sld [smem:$0x3FC7]  }
0x91: {  	s18 =	sld [smem:$0x3FC6]  }
0x92: {  	s4 =	sld [smem:$0x3FD0];
	(tm) =	ssettm $0x1  }
0x93: {  	s5 =	sld [smem:$0x3FFB];
	_ =	sdelay $0x3  }
0x94: {  	_ =	strace s5  }
0x95: {  	s5 =	sld [smem:$0x3FFC];
	_ =	sdelay $0x3  }
0x96: {  	_ =	strace s5  }
0x97: {  	s5 =	sld [smem:$0x3FFD];
	_ =	sdelay $0x3  }
0x98: {  	_ =	strace s5  }
0x99: {  	_ =	strace $0x8FFFFFFF  }
0x9a: {  	s19 =	sld [smem:$0x3FDB];
	_ =	sdelay $0x1  }
0x9b: {  	s6 =	simm.s32 $_scs_section_size  }
0x9c: {  	s7 =	simm.s32 $_size__tile_overlayer_lowered;
	s8 =	simm.s32 $_tile_overlayer_lowered  }
0x9d: {  	s22 =	simm.s32 $0x1BFF;
	s21 =	sshll.u32 s8, $0x1;
	s5 =	sadd.s32 s6, s19  }
0x9e: {  	s9 =	simm.s32 $0x0;
	s20 =	sshll.u32 s7, $0x1;
	s7 =	sadd.s32 s21, s5  }
0x9f: {  	[timem:s9], [sflag:s22] =	dma.local [hbm:s7], s20  }
0xa0: {  	_ =	swait.ge [sflag:s22], s20  }
0xa1: {  	s6 =	ssub.s32 $0x0, s20;
	[sflag:s22] =	ssyncset.done $0x0  }
0xa2: {  	[sflag:s22] =	ssyncadd.s32 s6;
	_ =	sdelay $0x1  }
0xa3: {  	s23 =	simm.s32 $0x1B8B  }
0xa4: {  	_ =	swait.ge [sflag:s23], $0x1  }
0xa5: {  	[sflag:s23] =	ssyncset.done $0x0  }
0xa6: {  	s25 =	simm.s32 $0x1B8E;
	s24 =	sld [smem:$0x3FFE];
	[sflag:s23] =	ssyncadd.s32 $0xFFFFFFFF  }
0xa7: {  	s26 =	simm.s32 $execute0_lowered;
	[smem:$0x3FD2] =	sst s25  }
0xa8: {  	s7 =	sshll.u32 s26, $0x1;
	_ =	strace $0x80000049;
	[dreg:$0x1] =	wrdreg $0xFFFFFFFF  }
0xa9: {  	s28 =	simm.s32 $_size_execute0_lowered;
	s5 =	sadd.s32 s5, s7;
	[dreg:$0x0] =	wrdreg $0x0  }
0xaa: {  	s7 =	sshll.u32 s28, $0x1;
	[dreg:$0x2] =	wrdreg s5  }
0xab: {  	[dreg:$0x3] =	wrdreg s7  }
0xac: {  	[dreg:$0x4] =	wrdreg $0xC0  }
0xad: {  	_ =	task [dreg:s9], $0x5FFFF  }
0xae: {  	[dreg:$0x1] =	wrdreg $0xFFFFFFFF  }
0xaf: {  	[dreg:$0x0] =	wrdreg $0x60  }
0xb0: {  	[dreg:$0x2] =	wrdreg s4  }
0xb1: {  	[dreg:$0x3] =	wrdreg s24  }
0xb2: {  	[dreg:$0x4] =	wrdreg s18  }
0xb3: {  	[dreg:$0x5] =	wrdreg s2  }
0xb4: {  	[dreg:$0x6] =	wrdreg $0xA4000  }
0xb5: {  	[dreg:$0x7] =	wrdreg $0x9  }
0xb6: {  	_ =	task.clear_ibuf [dreg:s9], $0x8FFFF;
	_ =	strace $0x90000049  }
0xb7: {  	s29 =	simm.s32 $0x9;
	_ =	strace $0x8000004B  }
0xb8: {  	_ =	swait.ge [sflag:s29], $0x1  }
0xb9: {  	[sflag:s29] =	ssyncadd.s32 $0xFFFFFFFF  }
0xba: {  	_ =	strace $0x9000004B  }
0xbb: {  	_ =	sfence  }
0xbc: {  	s30 =	sld [smem:$0x0];
	_ =	sdelay $0x2  }
0xbd: {  	s31 =	sshll.u32 s1, $0xD;
	s1 =	sshrl.u32 s1, $0x2  }
0xbe: {  	s3 =	sand.u32 $0x4000, s31;
	s1 =	sadd.s32 s1, s30  }
0xbf: {  	s0 =	sor.u32 s3, s0;
	s1 =	sshll.u32 s1, $0x11  }
0xc0: {  	s0 =	sor.u32 s1, s0  }
0xc1: {  	s0 =	sadd.s32 $0x8F2B, s0  }
0xc2: {  	[sflag:s0] =	ssyncadd.remote.s32 $0x1  }
0xc3: {  	_ =	sfence.sel $0xFFFF  }
0xc4: {  	[dreg:$0x0] =	wrdreg $0xFFFFFFFF;
	(pc) =	sbr.abs _section_cstart, $3  }
0xc5: {  	[dreg:$0x1] =	wrdreg $0xFFFFFFFF  }
0xc6: {  	_ =	task.clear_ibuf [dreg:s9], $0x2FFFF;
	_ =	strace $0x9FFFFFFF  }
0xc7: {  	(tm) =	ssettm $0x7FFFFFFF  }
tec
execute0_lowered:
.L_overlay_start_1:
0x0: {  	(tag) =	ssettag $0x1  }
0x1: {  	s0 =	rddreg [dreg:$0x0]  }
0x2: {  	s2 =	rddreg [dreg:$0x1]  }
0x3: {  	s1 =	rddreg [dreg:$0x2]  }
0x4: {  	s4 =	rddreg [dreg:$0x3];
	s3 =	srdreg.scid  }
0x5: {  	s5 =	rddreg [dreg:$0x4];
	s12 =	stileid.u32  }
0x6: {  	s6 =	simm.s32 $0x0;
	s29 =	simm.s32 $0x280;
	s31 =	simm.s32 $0x300  }
0x7: {  	s28 =	simm.s32 $0x0;
	s3 =	sand.u32 $0x1, s3;
	s9 =	smul.u32 $0x14000, s12  }
0x8: {  	[smem:$0x7FF] =	sst s6;
	s7 =	sadd.s32 $0x282400, s2;
	s10 =	smul.u32 $0x50000, s12  }
0x9: {  	s26 =	sshll.u32 s12, $0x1;
	s12 =	sshll.u32 s12, $0x6;
	s8 =	smul.u32 $0x140000, s3  }
0xa: {  	_ =	strace $0x8000004A;
	s11 =	ssub.s32 $0x2, s3;
	s3 =	sor.u32 s3, s26  }
0xb: {  	s20 =	sor.u32 $0x1C09, s12;
	s30 =	sshrl.u32 s11, $0x1;
	s10 =	sshrl.u32 s10, $0x2  }
0xc: {  	s21 =	smul.u32 $0xC0800, s3;
	[dreg:$0x8] =	wrdreg s20;
	s8 =	sadd.s32 s9, s8  }
0xd: {  	s9 =	ssub.s32 s11, s30;
	s10 =	sadd.s32 s10, s5;
	s8 =	sshrl.u32 s8, $0x3  }
0xe: {  	[dreg:$0x6] =	wrdreg s10;
	s12 =	sshrl.u32 s21, $0x3;
	s30 =	smax.u32 s9, $0x1  }
0xf: {  	s9 =	simm.s32 $0x400;
	s2 =	sadd.s32 s8, s2;
	s8 =	smul.u32 $0x1810, s3  }
0x10: {  	s3 =	smul.u32 $0x18100, s3;
	s25 =	sadd.s32 s7, s12;
	[dreg:$0x14] =	wrdreg s30  }
0x11: {  	s12 =	simm.s32 $0x1800;
	s11 =	sadd.s32 $0x232400, s2;
	s26 =	sadd.s32 $0x280, s25  }
0x12: {  	s2 =	sadd.s32 $0x2400, s2;
	s25 =	simm.s32 $0x9;
	[dreg:$0x7] =	wrdreg s11  }
0x13: {  	s14 =	sshrl.u32 s8, $0x3;
	s13 =	sadd.s32 $0x1E028, s8;
	[dreg:$0x12] =	wrdreg s26  }
0x14: {  	s23 =	sadd.s32 $0x1E078, s8;
	s3 =	sadd.s32 s7, s3;
	[dreg:$0x13] =	wrdreg s2  }
0x15: {  	s26 =	simm.s32 $0x200;
	s2 =	simm.s32 $0x28;
	s15 =	sadd.s32 $0x3C00, s14  }
0x16: {  	s13 =	sshrl.u32 s13, $0x3;
	[dreg:$0x11] =	wrdreg s3;
	s16 =	sadd.s32 s1, s15  }
0x17: {  	s19 =	sadd.s32 $0x3C0A, s14;
	s10 =	sadd.s32 s4, s15;
	[dreg:$0x9] =	wrdreg s16  }
0x18: {  	s3 =	simm.s32 $0x380;
	s17 =	sadd.s32 s1, s13;
	[dreg:$0xa] =	wrdreg s10  }
0x19: {  	s14 =	simm.s32 $0x6;
	s18 =	sadd.s32 s4, s13;
	[dreg:$0xb] =	wrdreg s17  }
0x1a: {  	s22 =	sadd.s32 s1, s19;
	s13 =	simm.s32 $0x5;
	[dreg:$0xc] =	wrdreg s18  }
.Ltmp0:
0x1b: {  	[dreg:$0xd] =	wrdreg s22;
	s10 =	sadd.s32 s4, s19;
	(pc) =	sbr.rel .LBB2_1-.Ltmp0, $4  }
0x1c: {  	s15 =	simm.s32 $0x7;
	[dreg:$0xe] =	wrdreg s10;
	s10 =	sshrl.u32 s23, $0x3  }
0x1d: {  	s16 =	simm.s32 $0x2C00;
	s17 =	simm.s32 $0x8;
	s24 =	sadd.s32 s1, s10  }
0x1e: {  	s18 =	simm.s32 $0x4000;
	s10 =	sadd.s32 s4, s10;
	[dreg:$0xf] =	wrdreg s24  }
0x1f: {  	[dreg:$0x10] =	wrdreg s10;
	s24 =	sadd.s32 $0x1E0A0, s8;
	s10 =	simm.s32 $0x2  }
.LBB2_20:
0x20: {  	[bflag:$0x0] =	sbarrier.arrive $0xFFFF  }
0x21: {  	s20 =	rddreg [dreg:$0x8]  }
0x22: {  	s11 =	rddreg [dreg:$0x13]  }
0x23: {  	[hbm:s11], [sflag:s20] =	dma.local [spmem:s19], $0x2800  }
0x24: {  	_ =	swait.ge [sflag:s25], $0x2800  }
0x25: {  	s28 =	sadd.s32 $0x1, s28;
	s30 =	rddreg [dreg:$0x14]  }
0x26: {  	p0 =	sne.s32 s28, s30  }
.Ltmp1:
0x27: {  	_ = 	snop;
	(pc) =	sbr.rel @!p0 .LBB2_21-.Ltmp1, $3  }
0x28: {  	_ =	sdelay $0x1  }
0x29: {  	[sflag:s25] =	ssyncset.done $0x0  }
0x2a: {  	[sflag:s25] =	ssyncadd.s32 $0xFFFFD800  }
.LBB2_1:
0x2b: {  	s11 =	rddreg [dreg:$0x6]  }
0x2c: {  	s23 =	rddreg [dreg:$0x7];
	s19 =	sshrl.u32 s11, $0x3  }
0x2d: {  	[spmem:s19], [sflag:s20] =	dma.local [hbm:s23], $0x2800  }
0x2e: {  	_ =	swait.ge [sflag:s25], $0x2800  }
0x2f: {  	[sflag:s25] =	ssyncset.done $0x0  }
0x30: {  	[sflag:s25] =	ssyncadd.s32 $0xFFFFD800  }
0x31: {  	[bflag:$0x0] =	sbarrier.arrive $0xFFFF  }
0x32: {  	s30 =	rddreg [dreg:$0x9]  }
0x33: {  	[tilespmem:s6], [sflag:$0x1] =	stream.linear.gather [hbm4b:s30+s6], $0x28, $0x38;
	[tilespmem:$0x1E400] =	vst v63  }
0x34: {  	s20 =	rddreg [dreg:$0xa]  }
0x35: {  	[tilespmem:s26], [sflag:$0x1] =	stream.linear.gather [hbm4b:s20+s6], $0x28, $0x38;
	[tilespmem:$0x1E400] =	vst v63  }
0x36: {  	s21 =	rddreg [dreg:$0xb];
	s20 =	simm.s32 $0x80  }
0x37: {  	[tilespmem:s20], [sflag:$0x2] =	stream.linear.gather [hbm4b:s21+s6], $0x28, $0x38;
	[tilespmem:$0x1E400] =	vst v63  }
0x38: {  	s22 =	rddreg [dreg:$0xc]  }
0x39: {  	[tilespmem:s29], [sflag:$0x2] =	stream.linear.gather [hbm4b:s22+s6], $0x28, $0x38;
	[tilespmem:$0x1E400] =	vst v63  }
0x3a: {  	s23 =	rddreg [dreg:$0xd];
	s21 =	simm.s32 $0x100  }
0x3b: {  	[tilespmem:s21], [sflag:$0x3] =	stream.linear.gather [hbm4b:s23+s6], $0x28, $0x38;
	[tilespmem:$0x1E400] =	vst v63  }
0x3c: {  	s30 =	rddreg [dreg:$0xe]  }
0x3d: {  	[tilespmem:s31], [sflag:$0x3] =	stream.linear.gather [hbm4b:s30+s6], $0x28, $0x38;
	[tilespmem:$0x1E400] =	vst v63  }
0x3e: {  	s22 =	simm.s32 $0x180;
	s21 =	rddreg [dreg:$0xf]  }
0x3f: {  	[tilespmem:s22], [sflag:$0x4] =	stream.linear.gather [hbm4b:s21+s6], $0x28, $0x38;
	[tilespmem:$0x1E400] =	vst v63  }
0x40: {  	s23 =	rddreg [dreg:$0x10];
	s30 =	simm.s32 $0x1  }
0x41: {  	[tilespmem:s3], [sflag:$0x4] =	stream.linear.gather [hbm4b:s23+s6], $0x28, $0x38;
	[tilespmem:$0x1E400] =	vst v63  }
0x42: {  	_ =	swait.ge [sflag:s30], $0x28  }
0x43: {  	[sflag:s30] =	ssyncset.done $0x0  }
0x44: {  	[sflag:s30] =	ssyncadd.s32 $0xFFFFFFD8  }
0x45: {  	_ =	swait.ge [sflag:s30], $0x28  }
0x46: {  	[sflag:s30] =	ssyncset.done $0x0  }
0x47: {  	[sflag:s30] =	ssyncadd.s32 $0xFFFFFFD8  }
0x48: {  	[tilespmem:s9], [sflag:$0x5] =	stream.indirect.gather [hbm4b:s0+s2], $0x80, s6, s2, $0xb8;
	[tilespmem:$0x1E400] =	vst v63  }
0x49: {  	s22 =	simm.s32 $0x5400;
	s21 =	rddreg [dreg:$0x11]  }
0x4a: {  	[tilespmem:s22], [sflag:$0x5] =	stream.linear.gather [hbm4b:s21+s6], $0x1400, $0x38;
	[tilespmem:$0x1E400] =	vst v63  }
0x4b: {  	_ =	swait.ge [sflag:s10], $0x28  }
0x4c: {  	[sflag:s10] =	ssyncset.done $0x0  }
0x4d: {  	[sflag:s10] =	ssyncadd.s32 $0xFFFFFFD8  }
0x4e: {  	_ =	swait.ge [sflag:s10], $0x28  }
.Ltmp2:
0x4f: {  	[sflag:s10] =	ssyncset.done $0x0;
	(pc) =	sbr.rel .LBB2_2-.Ltmp2, $4  }
0x50: {  	[sflag:s10] =	ssyncadd.s32 $0xFFFFFFD8  }
0x51: {  	[tilespmem:s12], [sflag:$0x6] =	stream.indirect.gather [hbm4b:s0+s2], $0x80, s20, s2, $0xb8;
	[tilespmem:$0x1E400] =	vst v63  }
0x52: {  	s30 =	simm.s32 $0x6800;
	s23 =	rddreg [dreg:$0x12];
	s20 =	simm.s32 $0x0  }
0x53: {  	[tilespmem:s30], [sflag:$0x6] =	stream.linear.gather [hbm4b:s23+s6], $0x1400, $0x38;
	[tilespmem:$0x1E400] =	vst v63  }
.LBB2_18:
0x54: {  	v10 =	vld [tilespmem:s22+$0x4030];
	v7 =	vmul.f32 v9, v7;
	v57 =	vshll.u32 v2, $0x10  }
0x55: {  	[tilespmem:s22+$0x4000] =	vst v8;
	v58 =	vand.u32 $0xFFFF0000, v2;
	v59 =	vld [tilespmem:s22+$0x4070];
	v6 =	vmul.f32 v57, v6  }
0x56: {  	v60 =	vshll.u32 v1, $0x10;
	v2 =	vmul.f32 v58, v5;
	[tilespmem:s22+$0x4040] =	vst v7  }
0x57: {  	v61 =	vand.u32 $0xFFFF0000, v1;
	v3 =	vmul.f32 v60, v3;
	[tilespmem:s22+$0x4010] =	vst v6  }
0x58: {  	v62 =	vshll.u32 v0, $0x10;
	v1 =	vmul.f32 v61, v4;
	[tilespmem:s22+$0x4050] =	vst v2  }
0x59: {  	v63 =	vand.u32 $0xFFFF0000, v0;
	[tilespmem:s22+$0x4020] =	vst v3;
	v2 =	vmul.f32 v62, v10  }
0x5a: {  	[tilespmem:s22+$0x4060] =	vst v1;
	v0 =	vmul.f32 v63, v59  }
0x5b: {  	[tilespmem:s22+$0x4030] =	vst v2  }
0x5c: {  	[tilespmem:s22+$0x4070] =	vst v0  }
0x5d: {  	[spmem:s5] =	stream.indirect.scatter.add.f32 [tilespmem:s18], [sflag:$0x9], $0x80, s3, s2, $0xb8;
	[tilespmem:$0x1E400] =	vst v63  }
.LBB2_19:
0x5e: {  	p0 =	sgt.u32 s20, $0x95  }
0x5f: {  	p1 =	sgt.s32 @!p0 s21, $0x1  }
0x60: {  	_ =	swait.ge [sflag:s25], $0x1400;
	s11 =	smul.u32 @!p0 $0x28, s20;
	p2 =	por !p1, p0  }
0x61: {  	[sflag:s25] =	ssyncset.done $0x0;
	p2 =	seq.s32 @!p2 s21, $0x2  }
0x62: {  	[sflag:s25] =	ssyncadd.s32 $0xFFFFEC00;
	s11 =	sadd.s32 @!p0 s24, s11;
	p3 =	por @!p0 !p2, !p1  }
0x63: {  	s11 =	sshrl.u32 @!p0 s11, $0x3;
	p2 =	por @!p0 p2, !p1;
	p3 =	por p3, p0  }
0x64: {  	s22 =	sadd.s32 @!p0 s1, s11;
	s23 =	simm.s32 @!p3 $0x0;
	s30 =	simm.s32 @!p3 $0x100  }
0x65: {  	[tilespmem:s30], [sflag:$0x3] =	stream.linear.gather @!p3 [hbm4b:s22+s23], $0x28, $0x38;
	[tilespmem:$0x1E400] =	vst v63  }
0x66: {  	s11 =	sadd.s32 @!p0 s4, s11;
	p2 =	por p2, p0;
	s30 =	simm.s32 @!p3 $0x300  }
0x67: {  	[tilespmem:s30], [sflag:$0x3] =	stream.linear.gather @!p3 [hbm4b:s11+s23], $0x28, $0x38;
	[tilespmem:$0x1E400] =	vst v63  }
0x68: {  	s23 =	simm.s32 @!p2 $0x0;
	s30 =	simm.s32 @!p2 $0x180  }
0x69: {  	[tilespmem:s30], [sflag:$0x4] =	stream.linear.gather @!p2 [hbm4b:s22+s23], $0x28, $0x38;
	[tilespmem:$0x1E400] =	vst v63  }
0x6a: {  	s30 =	simm.s32 @!p2 $0x380  }
0x6b: {  	[tilespmem:s30], [sflag:$0x4] =	stream.linear.gather @!p2 [hbm4b:s11+s23], $0x28, $0x38;
	[tilespmem:$0x1E400] =	vst v63  }
0x6c: {  	p2 =	por p1, p0  }
0x6d: {  	p2 =	seq.s32 @!p2 s21, $0x0  }
0x6e: {  	p3 =	por @!p0 !p2, p1  }
0x6f: {  	p3 =	por p3, p0  }
0x70: {  	p1 =	por @!p0 p2, p1;
	s21 =	simm.s32 @!p3 $0x0  }
0x71: {  	[tilespmem:s21], [sflag:$0x1] =	stream.linear.gather @!p3 [hbm4b:s22+s21], $0x28, $0x38;
	[tilespmem:$0x1E400] =	vst v63  }
0x72: {  	p0 =	por p1, p0;
	s23 =	simm.s32 @!p3 $0x200  }
0x73: {  	[tilespmem:s23], [sflag:$0x1] =	stream.linear.gather @!p3 [hbm4b:s11+s21], $0x28, $0x38;
	[tilespmem:$0x1E400] =	vst v63  }
0x74: {  	s21 =	simm.s32 @!p0 $0x0;
	s23 =	simm.s32 @!p0 $0x80  }
0x75: {  	[tilespmem:s23], [sflag:$0x2] =	stream.linear.gather @!p0 [hbm4b:s22+s21], $0x28, $0x38;
	[tilespmem:$0x1E400] =	vst v63  }
0x76: {  	s20 =	sadd.s32 $0x1, s20;
	s22 =	simm.s32 @!p0 $0x280  }
0x77: {  	[tilespmem:s22], [sflag:$0x2] =	stream.linear.gather @!p0 [hbm4b:s11+s21], $0x28, $0x38;
	[tilespmem:$0x1E400] =	vst v63  }
0x78: {  	p0 =	sne.s32 s20, $0x9A  }
.Ltmp3:
0x79: {  	_ = 	snop;
	(pc) =	sbr.rel @!p0 .LBB2_20-.Ltmp3, $1  }
0x7a: {  	_ =	sdelay $0x3  }
.LBB2_2:
0x7b: {  	p0 =	sgt.u32 s20, $0x97  }
.Ltmp4:
0x7c: {  	_ = 	snop;
	(pc) =	sbr.rel @p0 .LBB2_4-.Ltmp4, $1  }
0x7d: {  	_ =	sdelay $0x3  }
0x7e: {  	s21 =	sadd.s32 $0x2, s20  }
0x7f: {  	s22 =	sand.u32 $0x3, s21  }
0x80: {  	p0 =	sgt.s32 s22, $0x1  }
0x81: {  	p1 =	seq.s32 @p0 s22, $0x2  }
0x82: {  	p2 =	por !p1, !p0  }
0x83: {  	s23 =	simm.s32 @!p2 $0x3  }
0x84: {  	s21 =	smul.u32 $0x28, s21;
	_ =	swait.ge @!p2 [sflag:s23], $0x28  }
0x85: {  	[sflag:s23] =	ssyncset.done @!p2 $0x0  }
0x86: {  	s21 =	sadd.s32 s8, s21;
	[sflag:s23] =	ssyncadd.s32 @!p2 $0xFFFFFFD8  }
0x87: {  	s21 =	sshll.u32 s21, $0x4;
	_ =	swait.ge @!p2 [sflag:s23], $0x28  }
0x88: {  	p1 =	por p1, !p0;
	s11 =	simm.s32 @!p2 $0x100;
	[sflag:s23] =	ssyncset.done @!p2 $0x0  }
0x89: {  	s30 =	simm.s32 @!p2 $0x2C00;
	[sflag:s23] =	ssyncadd.s32 @!p2 $0xFFFFFFD8;
	s23 =	simm.s32 @!p2 $0x28  }
0x8a: {  	[tilespmem:s30], [sflag:$0x7] =	stream.indirect.gather @!p2 [hbm4b:s0+s23], $0x80, s11, s23, $0xb8;
	[tilespmem:$0x1E400] =	vst v63  }
0x8b: {  	s11 =	sadd.s32 s7, s21;
	s21 =	simm.s32 @!p2 $0x0;
	s23 =	simm.s32 @!p2 $0x7C00  }
0x8c: {  	[tilespmem:s23], [sflag:$0x7] =	stream.linear.gather @!p2 [hbm4b:s11+s21], $0x1400, $0x38;
	[tilespmem:$0x1E400] =	vst v63  }
0x8d: {  	s21 =	simm.s32 @!p1 $0x4  }
0x8e: {  	_ =	swait.ge @!p1 [sflag:s21], $0x28  }
0x8f: {  	[sflag:s21] =	ssyncset.done @!p1 $0x0  }
0x90: {  	[sflag:s21] =	ssyncadd.s32 @!p1 $0xFFFFFFD8  }
0x91: {  	_ =	swait.ge @!p1 [sflag:s21], $0x28  }
0x92: {  	s30 =	simm.s32 @!p1 $0x4000;
	[sflag:s21] =	ssyncset.done @!p1 $0x0  }
0x93: {  	s23 =	simm.s32 @!p1 $0x180;
	[sflag:s21] =	ssyncadd.s32 @!p1 $0xFFFFFFD8;
	s21 =	simm.s32 @!p1 $0x28  }
0x94: {  	[tilespmem:s30], [sflag:$0x8] =	stream.indirect.gather @!p1 [hbm4b:s0+s21], $0x80, s23, s21, $0xb8;
	[tilespmem:$0x1E400] =	vst v63  }
0x95: {  	s21 =	simm.s32 @!p1 $0x0;
	s23 =	simm.s32 @!p1 $0x9000  }
0x96: {  	[tilespmem:s23], [sflag:$0x8] =	stream.linear.gather @!p1 [hbm4b:s11+s21], $0x1400, $0x38;
	[tilespmem:$0x1E400] =	vst v63  }
0x97: {  	p1 =	seq.s32 @!p0 s22, $0x0  }
0x98: {  	p2 =	por !p1, p0  }
0x99: {  	s21 =	simm.s32 @!p2 $0x1  }
0x9a: {  	_ =	swait.ge @!p2 [sflag:s21], $0x28  }
0x9b: {  	[sflag:s21] =	ssyncset.done @!p2 $0x0  }
0x9c: {  	[sflag:s21] =	ssyncadd.s32 @!p2 $0xFFFFFFD8  }
0x9d: {  	_ =	swait.ge @!p2 [sflag:s21], $0x28  }
0x9e: {  	s22 =	simm.s32 @!p2 $0x0;
	[sflag:s21] =	ssyncset.done @!p2 $0x0  }
0x9f: {  	s23 =	simm.s32 @!p2 $0x400;
	[sflag:s21] =	ssyncadd.s32 @!p2 $0xFFFFFFD8;
	s21 =	simm.s32 @!p2 $0x28  }
0xa0: {  	[tilespmem:s23], [sflag:$0x5] =	stream.indirect.gather @!p2 [hbm4b:s0+s21], $0x80, s22, s21, $0xb8;
	[tilespmem:$0x1E400] =	vst v63  }
0xa1: {  	p0 =	por p1, p0;
	s21 =	simm.s32 @!p2 $0x5400  }
0xa2: {  	[tilespmem:s21], [sflag:$0x5] =	stream.linear.gather @!p2 [hbm4b:s11+s22], $0x1400, $0x38;
	[tilespmem:$0x1E400] =	vst v63  }
0xa3: {  	s21 =	simm.s32 @!p0 $0x2  }
0xa4: {  	_ =	swait.ge @!p0 [sflag:s21], $0x28  }
0xa5: {  	[sflag:s21] =	ssyncset.done @!p0 $0x0  }
0xa6: {  	[sflag:s21] =	ssyncadd.s32 @!p0 $0xFFFFFFD8  }
0xa7: {  	_ =	swait.ge @!p0 [sflag:s21], $0x28  }
0xa8: {  	s23 =	simm.s32 @!p0 $0x1800;
	[sflag:s21] =	ssyncset.done @!p0 $0x0  }
0xa9: {  	s22 =	simm.s32 @!p0 $0x80;
	[sflag:s21] =	ssyncadd.s32 @!p0 $0xFFFFFFD8;
	s21 =	simm.s32 @!p0 $0x28  }
0xaa: {  	[tilespmem:s23], [sflag:$0x6] =	stream.indirect.gather @!p0 [hbm4b:s0+s21], $0x80, s22, s21, $0xb8;
	[tilespmem:$0x1E400] =	vst v63  }
0xab: {  	s21 =	simm.s32 @!p0 $0x0;
	s22 =	simm.s32 @!p0 $0x6800  }
0xac: {  	[tilespmem:s22], [sflag:$0x6] =	stream.linear.gather @!p0 [hbm4b:s11+s21], $0x1400, $0x38;
	[tilespmem:$0x1E400] =	vst v63  }
.LBB2_4:
0xad: {  	s21 =	sand.u32 $0x3, s20  }
0xae: {  	p0 =	sgt.s32 s21, $0x1  }
.Ltmp5:
0xaf: {  	_ = 	snop;
	(pc) =	sbr.rel @p0 .LBB2_15-.Ltmp5, $1  }
0xb0: {  	_ =	sdelay $0x3  }
0xb1: {  	p0 =	seq.s32 s21, $0x0  }
.Ltmp6:
0xb2: {  	_ = 	snop;
	(pc) =	sbr.rel @!p0 .LBB2_9-.Ltmp6, $1  }
0xb3: {  	_ =	sdelay $0x3  }
0xb4: {  	_ =	swait.ge [sflag:s13], $0x1400  }
0xb5: {  	[sflag:s13] =	ssyncset.done $0x0  }
0xb6: {  	[sflag:s13] =	ssyncadd.s32 $0xFFFFEC00  }
0xb7: {  	_ =	swait.ge [sflag:s13], $0x1400  }
0xb8: {  	[sflag:s13] =	ssyncset.done $0x0  }
0xb9: {  	s22 =	simm.s32 $0x0;
	[sflag:s13] =	ssyncadd.s32 $0xFFFFEC00  }
0xba: {  	v4 =	vld [tilespmem:s22+$0x5400]  }
0xbb: {  	v2 =	vld [tilespmem:s22+$0x5410]  }
0xbc: {  	v1 =	vld [tilespmem:s22+$0x5420]  }
0xbd: {  	v0 =	vld [tilespmem:s22+$0x5430]  }
0xbe: {  	v8 =	vld [tilespmem:s22+$0x400]  }
0xbf: {  	v7 =	vld [tilespmem:s22+$0x440]  }
0xc0: {  	v6 =	vld [tilespmem:s22+$0x410]  }
0xc1: {  	v5 =	vld [tilespmem:s22+$0x450]  }
0xc2: {  	v3 =	vld [tilespmem:s22+$0x420];
	v10 =	vshll.u32 v4, $0x10  }
0xc3: {  	s23 =	simm.s32 $0x200;
	v9 =	vand.u32 $0xFFFF0000, v4;
	v4 =	vld [tilespmem:s22+$0x460];
	v8 =	vmul.f32 v10, v8  }
.LBB2_7:
0xc4: {  	p0 =	sne.s32 s23, $0x4E00;
	v7 =	vmul.f32 v9, v7;
	v9 =	vshll.u32 v2, $0x10;
	v10 =	vld [tilespmem:s22+$0x430]  }
0xc5: {  	s11 =	sshra.s32 s23, $0x2;
	v2 =	vand.u32 $0xFFFF0000, v2;
	[tilespmem:s22+$0x400] =	vst v8;
	v6 =	vmul.f32 v9, v6;
	v8 =	vld [tilespmem:s22+$0x470]  }
0xc6: {  	v9 =	vld [tilespmem:s11+$0x5400];
	[tilespmem:s22+$0x440] =	vst v7;
	v5 =	vmul.f32 v2, v5;
	v7 =	vshll.u32 v1, $0x10  }
0xc7: {  	v2 =	vld [tilespmem:s11+$0x5410];
	[tilespmem:s22+$0x410] =	vst v6;
	v6 =	vand.u32 $0xFFFF0000, v1;
	v3 =	vmul.f32 v7, v3  }
0xc8: {  	v1 =	vld [tilespmem:s11+$0x5420];
	[tilespmem:s22+$0x450] =	vst v5;
	v4 =	vmul.f32 v6, v4;
	v5 =	vshll.u32 v0, $0x10  }
0xc9: {  	[tilespmem:s22+$0x420] =	vst v3;
	v3 =	vand.u32 $0xFFFF0000, v0;
	v0 =	vld [tilespmem:s11+$0x5430];
	v5 =	vmul.f32 v5, v10  }
0xca: {  	v10 =	vld [tilespmem:s11+$0x400];
	[tilespmem:s22+$0x460] =	vst v4;
	v3 =	vmul.f32 v3, v8  }
.Ltmp7:
0xcb: {  	v7 =	vld [tilespmem:s11+$0x440];
	[tilespmem:s22+$0x430] =	vst v5;
	(pc) =	sbr.rel @p0 .LBB2_7-.Ltmp7, $4  }
0xcc: {  	v6 =	vld [tilespmem:s11+$0x410];
	[tilespmem:s22+$0x470] =	vst v3;
	s22 =	smov.u32 s11  }
0xcd: {  	v5 =	vld [tilespmem:s22+$0x450]  }
0xce: {  	v4 =	vshll.u32 v9, $0x10;
	v3 =	vld [tilespmem:s22+$0x420]  }
0xcf: {  	s23 =	sadd.s32 $0x200, s23;
	v9 =	vand.u32 $0xFFFF0000, v9;
	v8 =	vmul.f32 v4, v10;
	v4 =	vld [tilespmem:s22+$0x460]  }
0xd0: {  	v10 =	vld [tilespmem:s22+$0x430];
	v7 =	vmul.f32 v9, v7;
	v57 =	vshll.u32 v2, $0x10  }
0xd1: {  	v58 =	vand.u32 $0xFFFF0000, v2;
	v59 =	vld [tilespmem:s22+$0x470];
	[tilespmem:s22+$0x400] =	vst v8;
	v6 =	vmul.f32 v57, v6  }
0xd2: {  	v60 =	vshll.u32 v1, $0x10;
	[tilespmem:s22+$0x440] =	vst v7;
	v2 =	vmul.f32 v58, v5  }
0xd3: {  	v61 =	vand.u32 $0xFFFF0000, v1;
	[tilespmem:s22+$0x410] =	vst v6;
	v3 =	vmul.f32 v60, v3  }
0xd4: {  	v62 =	vshll.u32 v0, $0x10;
	[tilespmem:s22+$0x450] =	vst v2;
	v1 =	vmul.f32 v61, v4  }
.Ltmp8:
0xd5: {  	v63 =	vand.u32 $0xFFFF0000, v0;
	[tilespmem:s22+$0x420] =	vst v3;
	v2 =	vmul.f32 v62, v10;
	(pc) =	sbr.rel .LBB2_19-.Ltmp8, $4  }
0xd6: {  	v0 =	vmul.f32 v63, v59;
	[tilespmem:s22+$0x460] =	vst v1  }
0xd7: {  	[tilespmem:s22+$0x430] =	vst v2  }
0xd8: {  	[tilespmem:s22+$0x470] =	vst v0  }
0xd9: {  	[spmem:s5] =	stream.indirect.scatter.add.f32 [tilespmem:s9], [sflag:$0x9], $0x80, s26, s2, $0xb8;
	[tilespmem:$0x1E400] =	vst v63  }
.LBB2_15:
0xda: {  	p0 =	seq.s32 s21, $0x2  }
.Ltmp9:
0xdb: {  	_ = 	snop;
	(pc) =	sbr.rel @!p0 .LBB2_16-.Ltmp9, $1  }
0xdc: {  	_ =	sdelay $0x3  }
0xdd: {  	_ =	swait.ge [sflag:s15], $0x1400  }
0xde: {  	[sflag:s15] =	ssyncset.done $0x0  }
0xdf: {  	[sflag:s15] =	ssyncadd.s32 $0xFFFFEC00  }
0xe0: {  	_ =	swait.ge [sflag:s15], $0x1400  }
0xe1: {  	[sflag:s15] =	ssyncset.done $0x0  }
0xe2: {  	s22 =	simm.s32 $0x0;
	[sflag:s15] =	ssyncadd.s32 $0xFFFFEC00  }
0xe3: {  	v4 =	vld [tilespmem:s22+$0x7C00]  }
0xe4: {  	v2 =	vld [tilespmem:s22+$0x7C10]  }
0xe5: {  	v1 =	vld [tilespmem:s22+$0x7C20]  }
0xe6: {  	v0 =	vld [tilespmem:s22+$0x7C30]  }
0xe7: {  	v8 =	vld [tilespmem:s22+$0x2C00]  }
0xe8: {  	v7 =	vld [tilespmem:s22+$0x2C40]  }
0xe9: {  	v6 =	vld [tilespmem:s22+$0x2C10]  }
0xea: {  	v5 =	vld [tilespmem:s22+$0x2C50]  }
0xeb: {  	v3 =	vld [tilespmem:s22+$0x2C20];
	v10 =	vshll.u32 v4, $0x10  }
0xec: {  	s23 =	simm.s32 $0x200;
	v9 =	vand.u32 $0xFFFF0000, v4;
	v4 =	vld [tilespmem:s22+$0x2C60];
	v8 =	vmul.f32 v10, v8  }
.LBB2_13:
0xed: {  	p0 =	sne.s32 s23, $0x4E00;
	v7 =	vmul.f32 v9, v7;
	v9 =	vshll.u32 v2, $0x10;
	v10 =	vld [tilespmem:s22+$0x2C30]  }
0xee: {  	s11 =	sshra.s32 s23, $0x2;
	v2 =	vand.u32 $0xFFFF0000, v2;
	[tilespmem:s22+$0x2C00] =	vst v8;
	v6 =	vmul.f32 v9, v6;
	v8 =	vld [tilespmem:s22+$0x2C70]  }
0xef: {  	v9 =	vld [tilespmem:s11+$0x7C00];
	[tilespmem:s22+$0x2C40] =	vst v7;
	v5 =	vmul.f32 v2, v5;
	v7 =	vshll.u32 v1, $0x10  }
0xf0: {  	v2 =	vld [tilespmem:s11+$0x7C10];
	[tilespmem:s22+$0x2C10] =	vst v6;
	v6 =	vand.u32 $0xFFFF0000, v1;
	v3 =	vmul.f32 v7, v3  }
0xf1: {  	v1 =	vld [tilespmem:s11+$0x7C20];
	[tilespmem:s22+$0x2C50] =	vst v5;
	v4 =	vmul.f32 v6, v4;
	v5 =	vshll.u32 v0, $0x10  }
0xf2: {  	[tilespmem:s22+$0x2C20] =	vst v3;
	v3 =	vand.u32 $0xFFFF0000, v0;
	v0 =	vld [tilespmem:s11+$0x7C30];
	v5 =	vmul.f32 v5, v10  }
0xf3: {  	v10 =	vld [tilespmem:s11+$0x2C00];
	[tilespmem:s22+$0x2C60] =	vst v4;
	v3 =	vmul.f32 v3, v8  }
.Ltmp10:
0xf4: {  	v7 =	vld [tilespmem:s11+$0x2C40];
	[tilespmem:s22+$0x2C30] =	vst v5;
	(pc) =	sbr.rel @p0 .LBB2_13-.Ltmp10, $4  }
0xf5: {  	v6 =	vld [tilespmem:s11+$0x2C10];
	[tilespmem:s22+$0x2C70] =	vst v3;
	s22 =	smov.u32 s11  }
0xf6: {  	v5 =	vld [tilespmem:s22+$0x2C50]  }
0xf7: {  	v4 =	vshll.u32 v9, $0x10;
	v3 =	vld [tilespmem:s22+$0x2C20]  }
0xf8: {  	s23 =	sadd.s32 $0x200, s23;
	v9 =	vand.u32 $0xFFFF0000, v9;
	v8 =	vmul.f32 v4, v10;
	v4 =	vld [tilespmem:s22+$0x2C60]  }
0xf9: {  	v10 =	vld [tilespmem:s22+$0x2C30];
	v7 =	vmul.f32 v9, v7;
	v57 =	vshll.u32 v2, $0x10  }
0xfa: {  	v58 =	vand.u32 $0xFFFF0000, v2;
	v59 =	vld [tilespmem:s22+$0x2C70];
	[tilespmem:s22+$0x2C00] =	vst v8;
	v6 =	vmul.f32 v57, v6  }
0xfb: {  	v60 =	vshll.u32 v1, $0x10;
	[tilespmem:s22+$0x2C40] =	vst v7;
	v2 =	vmul.f32 v58, v5  }
0xfc: {  	v61 =	vand.u32 $0xFFFF0000, v1;
	[tilespmem:s22+$0x2C10] =	vst v6;
	v3 =	vmul.f32 v60, v3  }
0xfd: {  	v62 =	vshll.u32 v0, $0x10;
	[tilespmem:s22+$0x2C50] =	vst v2;
	v1 =	vmul.f32 v61, v4  }
.Ltmp11:
0xfe: {  	v63 =	vand.u32 $0xFFFF0000, v0;
	[tilespmem:s22+$0x2C20] =	vst v3;
	v2 =	vmul.f32 v62, v10;
	(pc) =	sbr.rel .LBB2_19-.Ltmp11, $4  }
0xff: {  	v0 =	vmul.f32 v63, v59;
	[tilespmem:s22+$0x2C60] =	vst v1  }
0x100: {  	[tilespmem:s22+$0x2C30] =	vst v2  }
0x101: {  	[tilespmem:s22+$0x2C70] =	vst v0  }
0x102: {  	[spmem:s5] =	stream.indirect.scatter.add.f32 [tilespmem:s16], [sflag:$0x9], $0x80, s31, s2, $0xb8;
	[tilespmem:$0x1E400] =	vst v63  }
.LBB2_9:
0x103: {  	_ =	swait.ge [sflag:s14], $0x1400  }
0x104: {  	[sflag:s14] =	ssyncset.done $0x0  }
0x105: {  	[sflag:s14] =	ssyncadd.s32 $0xFFFFEC00  }
0x106: {  	_ =	swait.ge [sflag:s14], $0x1400  }
0x107: {  	[sflag:s14] =	ssyncset.done $0x0  }
0x108: {  	s22 =	simm.s32 $0x0;
	[sflag:s14] =	ssyncadd.s32 $0xFFFFEC00  }
0x109: {  	v4 =	vld [tilespmem:s22+$0x6800]  }
0x10a: {  	v2 =	vld [tilespmem:s22+$0x6810]  }
0x10b: {  	v1 =	vld [tilespmem:s22+$0x6820]  }
0x10c: {  	v0 =	vld [tilespmem:s22+$0x6830]  }
0x10d: {  	v8 =	vld [tilespmem:s22+$0x1800]  }
0x10e: {  	v7 =	vld [tilespmem:s22+$0x1840]  }
0x10f: {  	v6 =	vld [tilespmem:s22+$0x1810]  }
0x110: {  	v5 =	vld [tilespmem:s22+$0x1850]  }
0x111: {  	v3 =	vld [tilespmem:s22+$0x1820];
	v10 =	vshll.u32 v4, $0x10  }
0x112: {  	s23 =	simm.s32 $0x200;
	v9 =	vand.u32 $0xFFFF0000, v4;
	v4 =	vld [tilespmem:s22+$0x1860];
	v8 =	vmul.f32 v10, v8  }
.LBB2_10:
0x113: {  	p0 =	sne.s32 s23, $0x4E00;
	v7 =	vmul.f32 v9, v7;
	v9 =	vshll.u32 v2, $0x10;
	v10 =	vld [tilespmem:s22+$0x1830]  }
0x114: {  	s11 =	sshra.s32 s23, $0x2;
	v2 =	vand.u32 $0xFFFF0000, v2;
	[tilespmem:s22+$0x1800] =	vst v8;
	v6 =	vmul.f32 v9, v6;
	v8 =	vld [tilespmem:s22+$0x1870]  }
0x115: {  	v9 =	vld [tilespmem:s11+$0x6800];
	[tilespmem:s22+$0x1840] =	vst v7;
	v5 =	vmul.f32 v2, v5;
	v7 =	vshll.u32 v1, $0x10  }
0x116: {  	v2 =	vld [tilespmem:s11+$0x6810];
	[tilespmem:s22+$0x1810] =	vst v6;
	v6 =	vand.u32 $0xFFFF0000, v1;
	v3 =	vmul.f32 v7, v3  }
0x117: {  	v1 =	vld [tilespmem:s11+$0x6820];
	[tilespmem:s22+$0x1850] =	vst v5;
	v4 =	vmul.f32 v6, v4;
	v5 =	vshll.u32 v0, $0x10  }
0x118: {  	[tilespmem:s22+$0x1820] =	vst v3;
	v3 =	vand.u32 $0xFFFF0000, v0;
	v0 =	vld [tilespmem:s11+$0x6830];
	v5 =	vmul.f32 v5, v10  }
0x119: {  	v10 =	vld [tilespmem:s11+$0x1800];
	[tilespmem:s22+$0x1860] =	vst v4;
	v3 =	vmul.f32 v3, v8  }
.Ltmp12:
0x11a: {  	v7 =	vld [tilespmem:s11+$0x1840];
	[tilespmem:s22+$0x1830] =	vst v5;
	(pc) =	sbr.rel @p0 .LBB2_10-.Ltmp12, $4  }
0x11b: {  	v6 =	vld [tilespmem:s11+$0x1810];
	[tilespmem:s22+$0x1870] =	vst v3;
	s22 =	smov.u32 s11  }
0x11c: {  	v5 =	vld [tilespmem:s22+$0x1850]  }
0x11d: {  	v4 =	vshll.u32 v9, $0x10;
	v3 =	vld [tilespmem:s22+$0x1820]  }
0x11e: {  	s23 =	sadd.s32 $0x200, s23;
	v9 =	vand.u32 $0xFFFF0000, v9;
	v8 =	vmul.f32 v4, v10;
	v4 =	vld [tilespmem:s22+$0x1860]  }
0x11f: {  	v10 =	vld [tilespmem:s22+$0x1830];
	v7 =	vmul.f32 v9, v7;
	v57 =	vshll.u32 v2, $0x10  }
0x120: {  	v58 =	vand.u32 $0xFFFF0000, v2;
	v59 =	vld [tilespmem:s22+$0x1870];
	[tilespmem:s22+$0x1800] =	vst v8;
	v6 =	vmul.f32 v57, v6  }
0x121: {  	v60 =	vshll.u32 v1, $0x10;
	[tilespmem:s22+$0x1840] =	vst v7;
	v2 =	vmul.f32 v58, v5  }
0x122: {  	v61 =	vand.u32 $0xFFFF0000, v1;
	[tilespmem:s22+$0x1810] =	vst v6;
	v3 =	vmul.f32 v60, v3  }
0x123: {  	v62 =	vshll.u32 v0, $0x10;
	[tilespmem:s22+$0x1850] =	vst v2;
	v1 =	vmul.f32 v61, v4  }
.Ltmp13:
0x124: {  	v63 =	vand.u32 $0xFFFF0000, v0;
	[tilespmem:s22+$0x1820] =	vst v3;
	v2 =	vmul.f32 v62, v10;
	(pc) =	sbr.rel .LBB2_19-.Ltmp13, $4  }
0x125: {  	v0 =	vmul.f32 v63, v59;
	[tilespmem:s22+$0x1860] =	vst v1  }
0x126: {  	[tilespmem:s22+$0x1830] =	vst v2  }
0x127: {  	[tilespmem:s22+$0x1870] =	vst v0  }
0x128: {  	[spmem:s5] =	stream.indirect.scatter.add.f32 [tilespmem:s12], [sflag:$0x9], $0x80, s29, s2, $0xb8;
	[tilespmem:$0x1E400] =	vst v63  }
.LBB2_16:
0x129: {  	_ =	swait.ge [sflag:s17], $0x1400  }
0x12a: {  	[sflag:s17] =	ssyncset.done $0x0  }
0x12b: {  	[sflag:s17] =	ssyncadd.s32 $0xFFFFEC00  }
0x12c: {  	_ =	swait.ge [sflag:s17], $0x1400  }
0x12d: {  	[sflag:s17] =	ssyncset.done $0x0  }
0x12e: {  	s22 =	simm.s32 $0x0;
	[sflag:s17] =	ssyncadd.s32 $0xFFFFEC00  }
0x12f: {  	v4 =	vld [tilespmem:s22+$0x9000]  }
0x130: {  	v2 =	vld [tilespmem:s22+$0x9010]  }
0x131: {  	v1 =	vld [tilespmem:s22+$0x9020]  }
0x132: {  	v0 =	vld [tilespmem:s22+$0x9030]  }
0x133: {  	v8 =	vld [tilespmem:s22+$0x4000]  }
0x134: {  	v7 =	vld [tilespmem:s22+$0x4040]  }
0x135: {  	v6 =	vld [tilespmem:s22+$0x4010]  }
0x136: {  	v5 =	vld [tilespmem:s22+$0x4050]  }
0x137: {  	v3 =	vld [tilespmem:s22+$0x4020];
	v10 =	vshll.u32 v4, $0x10  }
0x138: {  	s23 =	simm.s32 $0x200;
	v9 =	vand.u32 $0xFFFF0000, v4;
	v4 =	vld [tilespmem:s22+$0x4060];
	v8 =	vmul.f32 v10, v8  }
.LBB2_17:
0x139: {  	p0 =	sne.s32 s23, $0x4E00;
	v7 =	vmul.f32 v9, v7;
	v9 =	vshll.u32 v2, $0x10;
	v10 =	vld [tilespmem:s22+$0x4030]  }
0x13a: {  	s11 =	sshra.s32 s23, $0x2;
	v2 =	vand.u32 $0xFFFF0000, v2;
	[tilespmem:s22+$0x4000] =	vst v8;
	v6 =	vmul.f32 v9, v6;
	v8 =	vld [tilespmem:s22+$0x4070]  }
0x13b: {  	v5 =	vmul.f32 v2, v5;
	v9 =	vld [tilespmem:s11+$0x9000];
	[tilespmem:s22+$0x4040] =	vst v7;
	v7 =	vshll.u32 v1, $0x10  }
0x13c: {  	v2 =	vld [tilespmem:s11+$0x9010];
	[tilespmem:s22+$0x4010] =	vst v6;
	v6 =	vand.u32 $0xFFFF0000, v1;
	v3 =	vmul.f32 v7, v3  }
0x13d: {  	v1 =	vld [tilespmem:s11+$0x9020];
	[tilespmem:s22+$0x4050] =	vst v5;
	v4 =	vmul.f32 v6, v4;
	v5 =	vshll.u32 v0, $0x10  }
0x13e: {  	[tilespmem:s22+$0x4020] =	vst v3;
	v3 =	vand.u32 $0xFFFF0000, v0;
	v0 =	vld [tilespmem:s11+$0x9030];
	v5 =	vmul.f32 v5, v10  }
0x13f: {  	v10 =	vld [tilespmem:s11+$0x4000];
	[tilespmem:s22+$0x4060] =	vst v4;
	v3 =	vmul.f32 v3, v8  }
.Ltmp14:
0x140: {  	v7 =	vld [tilespmem:s11+$0x4040];
	[tilespmem:s22+$0x4030] =	vst v5;
	(pc) =	sbr.rel @p0 .LBB2_17-.Ltmp14, $4  }
0x141: {  	v6 =	vld [tilespmem:s11+$0x4010];
	[tilespmem:s22+$0x4070] =	vst v3;
	s22 =	smov.u32 s11  }
0x142: {  	v5 =	vld [tilespmem:s22+$0x4050]  }
0x143: {  	v4 =	vshll.u32 v9, $0x10;
	v3 =	vld [tilespmem:s22+$0x4020]  }
0x144: {  	s23 =	sadd.s32 $0x200, s23;
	v9 =	vand.u32 $0xFFFF0000, v9;
	v8 =	vmul.f32 v4, v10;
	v4 =	vld [tilespmem:s22+$0x4060]  }
.Ltmp15:
0x145: {  	_ = 	snop;
	(pc) =	sbr.rel .LBB2_18-.Ltmp15, $1  }
0x146: {  	_ =	sdelay $0x3  }
.LBB2_21:
0x147: {  	_ =	sfence.sel $0x180000  }
0x148: {  	[bflag:$0x0] =	sbarrier.arrive $0xFFFF  }
0x149: {  	_ =	strace $0x9000004A  }
0x14a: {  	s0 =	stileid.u32;
	[bflag:$0x2] =	sbarrier.arrive $0xFFFF  }
0x14b: {  	p0 =	sne.s32 s0, $0x0;
	s0 =	rddreg [dreg:$0x5]  }
0x14c: {  	s0 =	sadd.s32 @!p0 $0x100000, s0  }
0x14d: {  	[sflag:s0] =	ssyncadd.tile.s32 @!p0 $0x1;
	_ =	shalt  }
.Lfunc_end2:
_tile_overlayer_lowered:
.L_overlay_start_2:
0x14e: {  	(tag) =	ssettag $0x2  }
0x14f: {  	s0 =	rddreg [dreg:$0x0];
	s2 =	stileid.u32  }
0x150: {  	s1 =	rddreg [dreg:$0x1];
	p0 =	sne.s32 s2, $0x0  }
0x151: {  	s3 =	rddreg [dreg:$0x2];
	[bflag:$0x3] =	sbarrier.arrive $0xFFFF;
	s2 =	simm.s32 @!p0 $0x1C09  }
0x152: {  	[timem:s3], [sflag:s2] =	dma.local @!p0 [hbm:s0], s1  }
0x153: {  	s0 =	simm.s32 @!p0 $0x9  }
0x154: {  	_ =	swait.ge @!p0 [sflag:s0], s1  }
0x155: {  	s1 =	ssub.s32 @!p0 $0x0, s1;
	[sflag:s0] =	ssyncset.done @!p0 $0x0  }
0x156: {  	[sflag:s0] =	ssyncadd.s32 @!p0 s1  }
0x157: {  	[bflag:$0x3] =	sbarrier.arrive $0xFFFF  }
0x158: {  	_ =	shalt  }

// kernel: kernel.7.cloned.1.call-start
scs
__scs_entry_jumppad:
0x0: {  	(pc) =	sbr.rel $0x88, $3  }
0x1: {  	(tag) =	ssettag $0x0;
	lr =	simm.s32 $0x1  }
0x2: {  	[smem:$0x3F92] =	sst lr;
	_ =	strace $0xD0000000  }
0x3: {  	_ = 	snop  }
0x4: {  	_ = 	snop  }
0x5: {  	_ = 	snop  }
0x6: {  	_ = 	snop  }
0x7: {  	_ = 	snop  }
__scs_overlays_trampoline_lowered:
0x8: {  	[smem:$0x3FA1] =	sst s0  }
0x9: {  	[smem:$0x3FA2] =	sst s1  }
0xa: {  	[smem:$0x3FA3] =	sst s2  }
0xb: {  	[smem:$0x3FA4] =	sst s3  }
0xc: {  	[smem:$0x3FA5] =	sst s4  }
0xd: {  	[smem:$0x3FA6] =	sst s5  }
0xe: {  	[smem:$0x3FA7] =	sst s6  }
0xf: {  	[smem:$0x3FA8] =	sst s7  }
0x10: {  	[smem:$0x3FA9] =	sst s8  }
0x11: {  	[smem:$0x3FAA] =	sst s9;
	s0 =	simm.s32 @!p0 $0x0  }
0x12: {  	s1 =	sld [smem:$0x3F90];
	s0 =	simm.s32 @p0 $0x1  }
0x13: {  	[smem:$0x3FAB] =	sst s0;
	s0 =	simm.s32 @!p1 $0x0  }
0x14: {  	s2 =	sld [smem:$0x3F8F];
	s0 =	simm.s32 @p1 $0x1  }
0x15: {  	[smem:$0x3FAC] =	sst s0;
	s0 =	simm.s32 @!p2 $0x0  }
0x16: {  	s3 =	sld [smem:$0x3FDB];
	s0 =	simm.s32 @p2 $0x1  }
0x17: {  	s4 =	simm.s32 $0x1BF5;
	[smem:$0x3FAE] =	sst s0  }
0x18: {  	s0 =	sld [smem:$0x3F91];
	_ =	swait.ge [sflag:s4], $0x0  }
0x19: {  	s7 =	sld [smem:$0x3F92]  }
0x1a: {  	s8 =	sadd.s32 $0xFFFFE003, lr  }
0x1b: {  	s9 =	sadd.s32 $0xFFFFFEF7, lr;
	s5 =	simm.s32 $0xFFFFFFFF;
	p2 =	slt.u32 s8, $0xFFFFF086  }
0x1c: {  	p1 =	slt.u32 s9, $0xF7A;
	s5 =	simm.s32 @!p2 $0x0  }
0x1d: {  	s5 =	simm.s32 @p1 $0x1;
	p0 =	seq.s32 s7, s2  }
0x1e: {  	s7 =	smul.u32 @!p0 $0xF7A, s2;
	p2 =	seq.s32 @!p0 s5, $0x0  }
0x1f: {  	s9 =	smul.u32 $0xF7A, s1;
	s8 =	simm.s32 @!p0 $0x1BF5;
	p2 =	por !p2, p0  }
0x20: {  	[sflag:s8] =	ssyncset.s32 @!p0 $0xFFFFF086;
	s6 =	sadd.s32 @!p0 s3, s7;
	s7 =	simm.s32 @!p0 $0x108  }
0x21: {  	s3 =	sadd.s32 s3, s9;
	s6 =	sadd.s32 @!p0 $0x88, s6;
	s7 =	simm.s32 @p2 $0x1082  }
0x22: {  	[simem:s7], [sflag:s8] =	dma.local @!p0 [hbm:s6], $0xF7A  }
0x23: {  	s9 =	sor.u32 $0xD0000000, s2;
	s6 =	simm.s32 $0x108;
	_ =	swait.ge @!p0 [sflag:s8], $0x0  }
0x24: {  	s3 =	sadd.s32 $0x88, s3;
	s6 =	simm.s32 @!p1 $0x1082;
	[sflag:s4] =	ssyncset.s32 $0xFFFFF086  }
0x25: {  	[simem:s6], [sflag:s4] =	dma.local [hbm:s3], $0xF7A  }
0x26: {  	[smem:$0x3F92] =	sst s1;
	(tag) =	ssettag s2;
	_ =	strace s9  }
0x27: {  	s1 =	sld [smem:$0x3FA2]  }
0x28: {  	s2 =	sld [smem:$0x3FA3]  }
0x29: {  	s4 =	sld [smem:$0x3FA5]  }
0x2a: {  	p0 =	seq.s32 s5, $0x0;
	s5 =	sld [smem:$0x3FA6]  }
0x2b: {  	s6 =	sld [smem:$0x3FA7]  }
0x2c: {  	s7 =	sld [smem:$0x3FA8]  }
0x2d: {  	s3 =	simm.s32 $0x108;
	s8 =	sld [smem:$0x3FA9]  }
0x2e: {  	s3 =	simm.s32 @!p0 $0x1082;
	s9 =	sld [smem:$0x3FAA]  }
0x2f: {  	lr =	sadd.s32 s0, s3;
	s0 =	sld [smem:$0x3FA1]  }
0x30: {  	s3 =	sld [smem:$0x3FA4]  }
0x31: {  	[smem:$0x3FAD] =	sst s10  }
0x32: {  	s10 =	sld [smem:$0x3FAB];
	_ =	sdelay $0x3  }
0x33: {  	p0 =	seq.s32 s10, $0x1;
	s10 =	sld [smem:$0x3FAD];
	_ =	sdelay $0x3  }
0x34: {  	[smem:$0x3FAD] =	sst s10  }
0x35: {  	s10 =	sld [smem:$0x3FAC];
	_ =	sdelay $0x3  }
0x36: {  	p1 =	seq.s32 s10, $0x1;
	s10 =	sld [smem:$0x3FAD];
	_ =	sdelay $0x3  }
0x37: {  	[smem:$0x3FAD] =	sst s10  }
0x38: {  	s10 =	sld [smem:$0x3FAE]  }
0x39: {  	_ = 	snop;
	(pc) =	sbr.ind lr, $3  }
0x3a: {  	_ = 	snop  }
0x3b: {  	_ = 	snop  }
0x3c: {  	p2 =	seq.s32 s10, $0x1;
	s10 =	sld [smem:$0x3FAD]  }
0x3d: {  	_ =	shalt  }
0x3e: {  	_ =	shalt  }
0x3f: {  	_ =	shalt  }
0x40: {  	_ =	shalt  }
0x41: {  	_ =	shalt  }
0x42: {  	_ =	shalt  }
0x43: {  	_ =	shalt  }
0x44: {  	_ =	shalt  }
0x45: {  	_ =	shalt  }
0x46: {  	_ =	shalt  }
0x47: {  	_ =	shalt  }
0x48: {  	_ =	shalt  }
0x49: {  	_ =	shalt  }
0x4a: {  	_ =	shalt  }
0x4b: {  	_ =	shalt  }
0x4c: {  	_ =	shalt  }
0x4d: {  	_ =	shalt  }
0x4e: {  	_ =	shalt  }
0x4f: {  	_ =	shalt  }
0x50: {  	_ =	shalt  }
0x51: {  	_ =	shalt  }
0x52: {  	_ =	shalt  }
0x53: {  	_ =	shalt  }
0x54: {  	_ =	shalt  }
0x55: {  	_ =	shalt  }
0x56: {  	_ =	shalt  }
0x57: {  	_ =	shalt  }
0x58: {  	_ =	shalt  }
0x59: {  	_ =	shalt  }
0x5a: {  	_ =	shalt  }
0x5b: {  	_ =	shalt  }
0x5c: {  	_ =	shalt  }
0x5d: {  	_ =	shalt  }
0x5e: {  	_ =	shalt  }
0x5f: {  	_ =	shalt  }
0x60: {  	_ =	shalt  }
0x61: {  	_ =	shalt  }
0x62: {  	_ =	shalt  }
0x63: {  	_ =	shalt  }
0x64: {  	_ =	shalt  }
0x65: {  	_ =	shalt  }
0x66: {  	_ =	shalt  }
0x67: {  	_ =	shalt  }
0x68: {  	_ =	shalt  }
0x69: {  	_ =	shalt  }
0x6a: {  	_ =	shalt  }
0x6b: {  	_ =	shalt  }
0x6c: {  	_ =	shalt  }
0x6d: {  	_ =	shalt  }
0x6e: {  	_ =	shalt  }
0x6f: {  	_ =	shalt  }
0x70: {  	_ =	shalt  }
0x71: {  	_ =	shalt  }
0x72: {  	_ =	shalt  }
0x73: {  	_ =	shalt  }
0x74: {  	_ =	shalt  }
0x75: {  	_ =	shalt  }
0x76: {  	_ =	shalt  }
0x77: {  	_ =	shalt  }
0x78: {  	_ =	shalt  }
0x79: {  	_ =	shalt  }
0x7a: {  	_ =	shalt  }
0x7b: {  	_ =	shalt  }
0x7c: {  	_ =	shalt  }
0x7d: {  	_ =	shalt  }
0x7e: {  	_ =	shalt  }
0x7f: {  	_ =	shalt  }
0x80: {  	_ =	shalt  }
0x81: {  	_ =	shalt  }
0x82: {  	_ =	shalt  }
0x83: {  	_ =	shalt  }
0x84: {  	_ =	shalt  }
0x85: {  	_ =	shalt  }
0x86: {  	_ =	shalt  }
0x87: {  	_ =	shalt  }
.Lfunc_end0:
.L_simem_size_0:
called_computation_lowered:
.L_overlay_start_0:
0x88: {  	s2 =	sld [smem:$0x3FD9]  }
0x89: {  	s3 =	sld [smem:$0x3FFE];
	_ =	sdelay $0x1  }
0x8a: {  	s1 =	srdreg.scid  }
0x8b: {  	s0 =	sand.u32 $0x1, s1  }
0x8c: {  	s17 =	sshll.u32 s0, $0xA;
	s2 =	sadd.s32 s3, s2  }
0x8d: {  	s2 =	sadd.s32 s2, s17  }
0x8e: {  	[smem:$0x3FB9] =	sst s2  }
0x8f: {  	_ = 	snop  }
0x90: {  	s2 =	sld [smem:$0x3FC7]  }
0x91: {  	s18 =	sld [smem:$0x3FC6]  }
0x92: {  	s4 =	sld [smem:$0x3FD0];
	(tm) =	ssettm $0x1  }
0x93: {  	s5 =	sld [smem:$0x3FFB];
	_ =	sdelay $0x3  }
0x94: {  	_ =	strace s5  }
0x95: {  	s5 =	sld [smem:$0x3FFC];
	_ =	sdelay $0x3  }
0x96: {  	_ =	strace s5  }
0x97: {  	s5 =	sld [smem:$0x3FFD];
	_ =	sdelay $0x3  }
0x98: {  	_ =	strace s5  }
0x99: {  	_ =	strace $0x8FFFFFFF  }
0x9a: {  	s19 =	sld [smem:$0x3FDB];
	_ =	sdelay $0x1  }
0x9b: {  	s6 =	simm.s32 $_scs_section_size  }
0x9c: {  	s7 =	simm.s32 $_size__tile_overlayer_lowered;
	s8 =	simm.s32 $_tile_overlayer_lowered  }
0x9d: {  	s22 =	simm.s32 $0x1BFF;
	s21 =	sshll.u32 s8, $0x1;
	s5 =	sadd.s32 s6, s19  }
0x9e: {  	s9 =	simm.s32 $0x0;
	s20 =	sshll.u32 s7, $0x1;
	s7 =	sadd.s32 s21, s5  }
0x9f: {  	[timem:s9], [sflag:s22] =	dma.local [hbm:s7], s20  }
0xa0: {  	_ =	swait.ge [sflag:s22], s20  }
0xa1: {  	s6 =	ssub.s32 $0x0, s20;
	[sflag:s22] =	ssyncset.done $0x0  }
0xa2: {  	[sflag:s22] =	ssyncadd.s32 s6;
	_ =	sdelay $0x1  }
0xa3: {  	s23 =	simm.s32 $0x1B8B  }
0xa4: {  	_ =	swait.ge [sflag:s23], $0x1  }
0xa5: {  	[sflag:s23] =	ssyncset.done $0x0  }
0xa6: {  	s25 =	simm.s32 $0x1B8E;
	s24 =	sld [smem:$0x3FFE];
	[sflag:s23] =	ssyncadd.s32 $0xFFFFFFFF  }
0xa7: {  	s26 =	simm.s32 $execute0_lowered;
	[smem:$0x3FD2] =	sst s25  }
0xa8: {  	s7 =	sshll.u32 s26, $0x1;
	_ =	strace $0x80000046;
	[dreg:$0x1] =	wrdreg $0xFFFFFFFF  }
0xa9: {  	s28 =	simm.s32 $_size_execute0_lowered;
	s5 =	sadd.s32 s5, s7;
	[dreg:$0x0] =	wrdreg $0x0  }
0xaa: {  	s7 =	sshll.u32 s28, $0x1;
	[dreg:$0x2] =	wrdreg s5  }
0xab: {  	[dreg:$0x3] =	wrdreg s7  }
0xac: {  	[dreg:$0x4] =	wrdreg $0xC0  }
0xad: {  	_ =	task [dreg:s9], $0x5FFFF  }
0xae: {  	[dreg:$0x1] =	wrdreg $0xFFFFFFFF  }
0xaf: {  	[dreg:$0x0] =	wrdreg $0x60  }
0xb0: {  	[dreg:$0x2] =	wrdreg s4  }
0xb1: {  	[dreg:$0x3] =	wrdreg s24  }
0xb2: {  	[dreg:$0x4] =	wrdreg s18  }
0xb3: {  	[dreg:$0x5] =	wrdreg s2  }
0xb4: {  	[dreg:$0x6] =	wrdreg $0xA4000  }
0xb5: {  	[dreg:$0x7] =	wrdreg $0x9  }
0xb6: {  	_ =	task.clear_ibuf [dreg:s9], $0x8FFFF;
	_ =	strace $0x90000046  }
0xb7: {  	s29 =	simm.s32 $0x9;
	_ =	strace $0x80000048  }
0xb8: {  	_ =	swait.ge [sflag:s29], $0x1  }
0xb9: {  	[sflag:s29] =	ssyncadd.s32 $0xFFFFFFFF  }
0xba: {  	_ =	strace $0x90000048  }
0xbb: {  	_ =	sfence  }
0xbc: {  	s30 =	sld [smem:$0x0];
	_ =	sdelay $0x2  }
0xbd: {  	s31 =	sshll.u32 s1, $0xD;
	s1 =	sshrl.u32 s1, $0x2  }
0xbe: {  	s3 =	sand.u32 $0x4000, s31;
	s1 =	sadd.s32 s1, s30  }
0xbf: {  	s0 =	sor.u32 s3, s0;
	s1 =	sshll.u32 s1, $0x11  }
0xc0: {  	s0 =	sor.u32 s1, s0  }
0xc1: {  	s0 =	sadd.s32 $0x8F2B, s0  }
0xc2: {  	[sflag:s0] =	ssyncadd.remote.s32 $0x1  }
0xc3: {  	_ =	sfence.sel $0xFFFF  }
0xc4: {  	[dreg:$0x0] =	wrdreg $0xFFFFFFFF;
	(pc) =	sbr.abs _section_cstart, $3  }
0xc5: {  	[dreg:$0x1] =	wrdreg $0xFFFFFFFF  }
0xc6: {  	_ =	task.clear_ibuf [dreg:s9], $0x2FFFF;
	_ =	strace $0x9FFFFFFF  }
0xc7: {  	(tm) =	ssettm $0x7FFFFFFF  }
tec
execute0_lowered:
.L_overlay_start_1:
0x0: {  	(tag) =	ssettag $0x1  }
0x1: {  	s1 =	rddreg [dreg:$0x0]  }
0x2: {  	s0 =	rddreg [dreg:$0x1]  }
0x3: {  	s2 =	rddreg [dreg:$0x2]  }
0x4: {  	s3 =	rddreg [dreg:$0x3]  }
0x5: {  	s4 =	rddreg [dreg:$0x4];
	s5 =	srdreg.scid  }
0x6: {  	s6 =	simm.s32 $0x0;
	s13 =	stileid.u32;
	s29 =	simm.s32 $0x280  }
0x7: {  	s31 =	simm.s32 $0x300;
	s28 =	simm.s32 $0x0;
	s5 =	sand.u32 $0x1, s5  }
0x8: {  	[smem:$0x7FF] =	sst s6;
	s9 =	smul.u32 $0x14000, s13;
	s7 =	sadd.s32 $0x2400, s0  }
0x9: {  	s23 =	sshll.u32 s13, $0x1;
	s10 =	smul.u32 $0x50000, s13;
	s26 =	sshll.u32 s13, $0x6  }
0xa: {  	s13 =	simm.s32 $0x5;
	s8 =	smul.u32 $0x140000, s5;
	_ =	strace $0x80000047  }
0xb: {  	s12 =	ssub.s32 $0x2, s5;
	s5 =	sor.u32 s5, s23;
	s20 =	sor.u32 $0x1C09, s26  }
0xc: {  	s24 =	sshrl.u32 s12, $0x1;
	s10 =	sshrl.u32 s10, $0x2;
	s8 =	sadd.s32 s9, s8  }
0xd: {  	[dreg:$0x8] =	wrdreg s20;
	s11 =	sshrl.u32 s8, $0x3;
	s8 =	smul.u32 $0xF00, s5  }
0xe: {  	s10 =	sadd.s32 s10, s4;
	s5 =	smul.u32 $0xF000, s5;
	s0 =	sadd.s32 s11, s0  }
0xf: {  	s9 =	ssub.s32 s12, s24;
	[dreg:$0x6] =	wrdreg s10;
	s25 =	sadd.s32 $0x1E2400, s0  }
0x10: {  	s30 =	sshrl.u32 s8, $0x3;
	s16 =	sor.u32 $0x28, s8;
	s5 =	sadd.s32 s7, s5  }
0x11: {  	s0 =	sadd.s32 $0x232400, s0;
	[dreg:$0x7] =	wrdreg s25;
	s15 =	sadd.s32 s2, s30  }
0x12: {  	s17 =	sadd.s32 s3, s30;
	s18 =	sshrl.u32 s16, $0x3;
	[dreg:$0x11] =	wrdreg s5  }
0x13: {  	s14 =	sor.u32 $0xA, s30;
	s12 =	sor.u32 $0xF, s30;
	[dreg:$0x13] =	wrdreg s0  }
0x14: {  	s10 =	sshll.u32 s16, $0x4;
	s30 =	smax.u32 s9, $0x1;
	[dreg:$0x9] =	wrdreg s15  }
0x15: {  	s5 =	simm.s32 $0x380;
	s0 =	simm.s32 $0x28;
	[dreg:$0xa] =	wrdreg s17  }
0x16: {  	s9 =	simm.s32 $0x400;
	s19 =	sadd.s32 s2, s18;
	[dreg:$0x14] =	wrdreg s30  }
0x17: {  	s16 =	simm.s32 $0x2C00;
	s21 =	sadd.s32 s3, s18;
	[dreg:$0xb] =	wrdreg s19  }
0x18: {  	s22 =	sadd.s32 s2, s14;
	s23 =	sadd.s32 s3, s14;
	[dreg:$0xc] =	wrdreg s21  }
0x19: {  	s24 =	sadd.s32 s2, s12;
	s25 =	sadd.s32 s3, s12;
	[dreg:$0xd] =	wrdreg s22  }
.Ltmp0:
0x1a: {  	s26 =	sadd.s32 s7, s10;
	[dreg:$0xe] =	wrdreg s23;
	(pc) =	sbr.rel .LBB2_1-.Ltmp0, $4  }
0x1b: {  	s10 =	simm.s32 $0x2;
	s12 =	simm.s32 $0x1800;
	[dreg:$0xf] =	wrdreg s24  }
0x1c: {  	s14 =	simm.s32 $0x6;
	s15 =	simm.s32 $0x7;
	[dreg:$0x10] =	wrdreg s25  }
0x1d: {  	s17 =	simm.s32 $0x8;
	s18 =	simm.s32 $0x4000;
	[dreg:$0x12] =	wrdreg s26  }
0x1e: {  	s24 =	sor.u32 $0xA0, s8;
	s25 =	simm.s32 $0x9;
	s26 =	simm.s32 $0x200  }
.LBB2_20:
0x1f: {  	[bflag:$0x0] =	sbarrier.arrive $0xFFFF  }
0x20: {  	s20 =	rddreg [dreg:$0x8]  }
0x21: {  	s11 =	rddreg [dreg:$0x13]  }
0x22: {  	[hbm:s11], [sflag:s20] =	dma.local [spmem:s19], $0x2800  }
0x23: {  	_ =	swait.ge [sflag:s25], $0x2800  }
0x24: {  	s28 =	sadd.s32 $0x1, s28;
	s30 =	rddreg [dreg:$0x14]  }
0x25: {  	p0 =	sne.s32 s28, s30  }
.Ltmp1:
0x26: {  	_ = 	snop;
	(pc) =	sbr.rel @!p0 .LBB2_21-.Ltmp1, $3  }
0x27: {  	_ =	sdelay $0x1  }
0x28: {  	[sflag:s25] =	ssyncset.done $0x0  }
0x29: {  	[sflag:s25] =	ssyncadd.s32 $0xFFFFD800  }
.LBB2_1:
0x2a: {  	s11 =	rddreg [dreg:$0x6]  }
0x2b: {  	s23 =	rddreg [dreg:$0x7];
	s19 =	sshrl.u32 s11, $0x3  }
0x2c: {  	[spmem:s19], [sflag:s20] =	dma.local [hbm:s23], $0x2800  }
0x2d: {  	_ =	swait.ge [sflag:s25], $0x2800  }
0x2e: {  	[sflag:s25] =	ssyncset.done $0x0  }
0x2f: {  	[sflag:s25] =	ssyncadd.s32 $0xFFFFD800  }
0x30: {  	[bflag:$0x0] =	sbarrier.arrive $0xFFFF  }
0x31: {  	s30 =	rddreg [dreg:$0x9]  }
0x32: {  	[tilespmem:s6], [sflag:$0x1] =	stream.linear.gather [hbm4b:s30+s6], $0x28, $0x38;
	[tilespmem:$0x1E400] =	vst v63  }
0x33: {  	s20 =	rddreg [dreg:$0xa]  }
0x34: {  	[tilespmem:s26], [sflag:$0x1] =	stream.linear.gather [hbm4b:s20+s6], $0x28, $0x38;
	[tilespmem:$0x1E400] =	vst v63  }
0x35: {  	s21 =	rddreg [dreg:$0xb];
	s20 =	simm.s32 $0x80  }
0x36: {  	[tilespmem:s20], [sflag:$0x2] =	stream.linear.gather [hbm4b:s21+s6], $0x28, $0x38;
	[tilespmem:$0x1E400] =	vst v63  }
0x37: {  	s22 =	rddreg [dreg:$0xc]  }
0x38: {  	[tilespmem:s29], [sflag:$0x2] =	stream.linear.gather [hbm4b:s22+s6], $0x28, $0x38;
	[tilespmem:$0x1E400] =	vst v63  }
0x39: {  	s23 =	rddreg [dreg:$0xd];
	s21 =	simm.s32 $0x100  }
0x3a: {  	[tilespmem:s21], [sflag:$0x3] =	stream.linear.gather [hbm4b:s23+s6], $0x28, $0x38;
	[tilespmem:$0x1E400] =	vst v63  }
0x3b: {  	s30 =	rddreg [dreg:$0xe]  }
0x3c: {  	[tilespmem:s31], [sflag:$0x3] =	stream.linear.gather [hbm4b:s30+s6], $0x28, $0x38;
	[tilespmem:$0x1E400] =	vst v63  }
0x3d: {  	s22 =	simm.s32 $0x180;
	s21 =	rddreg [dreg:$0xf]  }
0x3e: {  	[tilespmem:s22], [sflag:$0x4] =	stream.linear.gather [hbm4b:s21+s6], $0x28, $0x38;
	[tilespmem:$0x1E400] =	vst v63  }
0x3f: {  	s23 =	rddreg [dreg:$0x10];
	s30 =	simm.s32 $0x1  }
0x40: {  	[tilespmem:s5], [sflag:$0x4] =	stream.linear.gather [hbm4b:s23+s6], $0x28, $0x38;
	[tilespmem:$0x1E400] =	vst v63  }
0x41: {  	_ =	swait.ge [sflag:s30], $0x28  }
0x42: {  	[sflag:s30] =	ssyncset.done $0x0  }
0x43: {  	[sflag:s30] =	ssyncadd.s32 $0xFFFFFFD8  }
0x44: {  	_ =	swait.ge [sflag:s30], $0x28  }
0x45: {  	[sflag:s30] =	ssyncset.done $0x0  }
0x46: {  	[sflag:s30] =	ssyncadd.s32 $0xFFFFFFD8  }
0x47: {  	[tilespmem:s9], [sflag:$0x5] =	stream.indirect.gather [hbm4b:s1+s0], $0x80, s6, s0, $0xb8;
	[tilespmem:$0x1E400] =	vst v63  }
0x48: {  	s22 =	simm.s32 $0x5400;
	s21 =	rddreg [dreg:$0x11]  }
0x49: {  	[tilespmem:s22], [sflag:$0x5] =	stream.linear.gather [hbm4b:s21+s6], $0x1400, $0x38;
	[tilespmem:$0x1E400] =	vst v63  }
0x4a: {  	_ =	swait.ge [sflag:s10], $0x28  }
0x4b: {  	[sflag:s10] =	ssyncset.done $0x0  }
0x4c: {  	[sflag:s10] =	ssyncadd.s32 $0xFFFFFFD8  }
0x4d: {  	_ =	swait.ge [sflag:s10], $0x28  }
.Ltmp2:
0x4e: {  	[sflag:s10] =	ssyncset.done $0x0;
	(pc) =	sbr.rel .LBB2_2-.Ltmp2, $4  }
0x4f: {  	[sflag:s10] =	ssyncadd.s32 $0xFFFFFFD8  }
0x50: {  	[tilespmem:s12], [sflag:$0x6] =	stream.indirect.gather [hbm4b:s1+s0], $0x80, s20, s0, $0xb8;
	[tilespmem:$0x1E400] =	vst v63  }
0x51: {  	s30 =	simm.s32 $0x6800;
	s23 =	rddreg [dreg:$0x12];
	s20 =	simm.s32 $0x0  }
0x52: {  	[tilespmem:s30], [sflag:$0x6] =	stream.linear.gather [hbm4b:s23+s6], $0x1400, $0x38;
	[tilespmem:$0x1E400] =	vst v63  }
.LBB2_18:
0x53: {  	v10 =	vld [tilespmem:s22+$0x4030];
	v7 =	vmul.f32 v9, v7;
	v57 =	vshll.u32 v2, $0x10  }
0x54: {  	[tilespmem:s22+$0x4000] =	vst v8;
	v58 =	vand.u32 $0xFFFF0000, v2;
	v59 =	vld [tilespmem:s22+$0x4070];
	v6 =	vmul.f32 v57, v6  }
0x55: {  	v60 =	vshll.u32 v1, $0x10;
	v2 =	vmul.f32 v58, v5;
	[tilespmem:s22+$0x4040] =	vst v7  }
0x56: {  	v61 =	vand.u32 $0xFFFF0000, v1;
	v3 =	vmul.f32 v60, v3;
	[tilespmem:s22+$0x4010] =	vst v6  }
0x57: {  	v62 =	vshll.u32 v0, $0x10;
	v1 =	vmul.f32 v61, v4;
	[tilespmem:s22+$0x4050] =	vst v2  }
0x58: {  	v63 =	vand.u32 $0xFFFF0000, v0;
	[tilespmem:s22+$0x4020] =	vst v3;
	v2 =	vmul.f32 v62, v10  }
0x59: {  	[tilespmem:s22+$0x4060] =	vst v1;
	v0 =	vmul.f32 v63, v59  }
0x5a: {  	[tilespmem:s22+$0x4030] =	vst v2  }
0x5b: {  	[tilespmem:s22+$0x4070] =	vst v0  }
0x5c: {  	[spmem:s4] =	stream.indirect.scatter.add.f32 [tilespmem:s18], [sflag:$0x9], $0x80, s5, s0, $0xb8;
	[tilespmem:$0x1E400] =	vst v63  }
.LBB2_19:
0x5d: {  	p0 =	sgt.u32 s20, $0x5B  }
0x5e: {  	p1 =	sgt.s32 @!p0 s21, $0x1  }
0x5f: {  	_ =	swait.ge [sflag:s25], $0x1400;
	s11 =	smul.u32 @!p0 $0x28, s20;
	p2 =	por !p1, p0  }
0x60: {  	[sflag:s25] =	ssyncset.done $0x0;
	p2 =	seq.s32 @!p2 s21, $0x2  }
0x61: {  	[sflag:s25] =	ssyncadd.s32 $0xFFFFEC00;
	s11 =	sadd.s32 @!p0 s24, s11;
	p3 =	por @!p0 !p2, !p1  }
0x62: {  	s11 =	sshrl.u32 @!p0 s11, $0x3;
	p2 =	por @!p0 p2, !p1;
	p3 =	por p3, p0  }
0x63: {  	s22 =	sadd.s32 @!p0 s2, s11;
	s23 =	simm.s32 @!p3 $0x0;
	s30 =	simm.s32 @!p3 $0x100  }
0x64: {  	[tilespmem:s30], [sflag:$0x3] =	stream.linear.gather @!p3 [hbm4b:s22+s23], $0x28, $0x38;
	[tilespmem:$0x1E400] =	vst v63  }
0x65: {  	s11 =	sadd.s32 @!p0 s3, s11;
	p2 =	por p2, p0;
	s30 =	simm.s32 @!p3 $0x300  }
0x66: {  	[tilespmem:s30], [sflag:$0x3] =	stream.linear.gather @!p3 [hbm4b:s11+s23], $0x28, $0x38;
	[tilespmem:$0x1E400] =	vst v63  }
0x67: {  	s23 =	simm.s32 @!p2 $0x0;
	s30 =	simm.s32 @!p2 $0x180  }
0x68: {  	[tilespmem:s30], [sflag:$0x4] =	stream.linear.gather @!p2 [hbm4b:s22+s23], $0x28, $0x38;
	[tilespmem:$0x1E400] =	vst v63  }
0x69: {  	s30 =	simm.s32 @!p2 $0x380  }
0x6a: {  	[tilespmem:s30], [sflag:$0x4] =	stream.linear.gather @!p2 [hbm4b:s11+s23], $0x28, $0x38;
	[tilespmem:$0x1E400] =	vst v63  }
0x6b: {  	p2 =	por p1, p0  }
0x6c: {  	p2 =	seq.s32 @!p2 s21, $0x0  }
0x6d: {  	p3 =	por @!p0 !p2, p1  }
0x6e: {  	p3 =	por p3, p0  }
0x6f: {  	p1 =	por @!p0 p2, p1;
	s21 =	simm.s32 @!p3 $0x0  }
0x70: {  	[tilespmem:s21], [sflag:$0x1] =	stream.linear.gather @!p3 [hbm4b:s22+s21], $0x28, $0x38;
	[tilespmem:$0x1E400] =	vst v63  }
0x71: {  	p0 =	por p1, p0;
	s23 =	simm.s32 @!p3 $0x200  }
0x72: {  	[tilespmem:s23], [sflag:$0x1] =	stream.linear.gather @!p3 [hbm4b:s11+s21], $0x28, $0x38;
	[tilespmem:$0x1E400] =	vst v63  }
0x73: {  	s21 =	simm.s32 @!p0 $0x0;
	s23 =	simm.s32 @!p0 $0x80  }
0x74: {  	[tilespmem:s23], [sflag:$0x2] =	stream.linear.gather @!p0 [hbm4b:s22+s21], $0x28, $0x38;
	[tilespmem:$0x1E400] =	vst v63  }
0x75: {  	s20 =	sadd.s32 $0x1, s20;
	s22 =	simm.s32 @!p0 $0x280  }
0x76: {  	[tilespmem:s22], [sflag:$0x2] =	stream.linear.gather @!p0 [hbm4b:s11+s21], $0x28, $0x38;
	[tilespmem:$0x1E400] =	vst v63  }
0x77: {  	p0 =	sne.s32 s20, $0x60  }
.Ltmp3:
0x78: {  	_ = 	snop;
	(pc) =	sbr.rel @!p0 .LBB2_20-.Ltmp3, $1  }
0x79: {  	_ =	sdelay $0x3  }
.LBB2_2:
0x7a: {  	p0 =	sgt.u32 s20, $0x5D  }
.Ltmp4:
0x7b: {  	_ = 	snop;
	(pc) =	sbr.rel @p0 .LBB2_4-.Ltmp4, $1  }
0x7c: {  	_ =	sdelay $0x3  }
0x7d: {  	s21 =	sadd.s32 $0x2, s20  }
0x7e: {  	s22 =	sand.u32 $0x3, s21  }
0x7f: {  	p0 =	sgt.s32 s22, $0x1  }
0x80: {  	p1 =	seq.s32 @p0 s22, $0x2  }
0x81: {  	p2 =	por !p1, !p0  }
0x82: {  	s23 =	simm.s32 @!p2 $0x3  }
0x83: {  	s21 =	smul.u32 $0x28, s21;
	_ =	swait.ge @!p2 [sflag:s23], $0x28  }
0x84: {  	[sflag:s23] =	ssyncset.done @!p2 $0x0  }
0x85: {  	s21 =	sadd.s32 s8, s21;
	[sflag:s23] =	ssyncadd.s32 @!p2 $0xFFFFFFD8  }
0x86: {  	s21 =	sshll.u32 s21, $0x4;
	_ =	swait.ge @!p2 [sflag:s23], $0x28  }
0x87: {  	p1 =	por p1, !p0;
	s11 =	simm.s32 @!p2 $0x100;
	[sflag:s23] =	ssyncset.done @!p2 $0x0  }
0x88: {  	s30 =	simm.s32 @!p2 $0x2C00;
	[sflag:s23] =	ssyncadd.s32 @!p2 $0xFFFFFFD8;
	s23 =	simm.s32 @!p2 $0x28  }
0x89: {  	[tilespmem:s30], [sflag:$0x7] =	stream.indirect.gather @!p2 [hbm4b:s1+s23], $0x80, s11, s23, $0xb8;
	[tilespmem:$0x1E400] =	vst v63  }
0x8a: {  	s11 =	sadd.s32 s7, s21;
	s21 =	simm.s32 @!p2 $0x0;
	s23 =	simm.s32 @!p2 $0x7C00  }
0x8b: {  	[tilespmem:s23], [sflag:$0x7] =	stream.linear.gather @!p2 [hbm4b:s11+s21], $0x1400, $0x38;
	[tilespmem:$0x1E400] =	vst v63  }
0x8c: {  	s21 =	simm.s32 @!p1 $0x4  }
0x8d: {  	_ =	swait.ge @!p1 [sflag:s21], $0x28  }
0x8e: {  	[sflag:s21] =	ssyncset.done @!p1 $0x0  }
0x8f: {  	[sflag:s21] =	ssyncadd.s32 @!p1 $0xFFFFFFD8  }
0x90: {  	_ =	swait.ge @!p1 [sflag:s21], $0x28  }
0x91: {  	s30 =	simm.s32 @!p1 $0x4000;
	[sflag:s21] =	ssyncset.done @!p1 $0x0  }
0x92: {  	s23 =	simm.s32 @!p1 $0x180;
	[sflag:s21] =	ssyncadd.s32 @!p1 $0xFFFFFFD8;
	s21 =	simm.s32 @!p1 $0x28  }
0x93: {  	[tilespmem:s30], [sflag:$0x8] =	stream.indirect.gather @!p1 [hbm4b:s1+s21], $0x80, s23, s21, $0xb8;
	[tilespmem:$0x1E400] =	vst v63  }
0x94: {  	s21 =	simm.s32 @!p1 $0x0;
	s23 =	simm.s32 @!p1 $0x9000  }
0x95: {  	[tilespmem:s23], [sflag:$0x8] =	stream.linear.gather @!p1 [hbm4b:s11+s21], $0x1400, $0x38;
	[tilespmem:$0x1E400] =	vst v63  }
0x96: {  	p1 =	seq.s32 @!p0 s22, $0x0  }
0x97: {  	p2 =	por !p1, p0  }
0x98: {  	s21 =	simm.s32 @!p2 $0x1  }
0x99: {  	_ =	swait.ge @!p2 [sflag:s21], $0x28  }
0x9a: {  	[sflag:s21] =	ssyncset.done @!p2 $0x0  }
0x9b: {  	[sflag:s21] =	ssyncadd.s32 @!p2 $0xFFFFFFD8  }
0x9c: {  	_ =	swait.ge @!p2 [sflag:s21], $0x28  }
0x9d: {  	s22 =	simm.s32 @!p2 $0x0;
	[sflag:s21] =	ssyncset.done @!p2 $0x0  }
0x9e: {  	s23 =	simm.s32 @!p2 $0x400;
	[sflag:s21] =	ssyncadd.s32 @!p2 $0xFFFFFFD8;
	s21 =	simm.s32 @!p2 $0x28  }
0x9f: {  	[tilespmem:s23], [sflag:$0x5] =	stream.indirect.gather @!p2 [hbm4b:s1+s21], $0x80, s22, s21, $0xb8;
	[tilespmem:$0x1E400] =	vst v63  }
0xa0: {  	p0 =	por p1, p0;
	s21 =	simm.s32 @!p2 $0x5400  }
0xa1: {  	[tilespmem:s21], [sflag:$0x5] =	stream.linear.gather @!p2 [hbm4b:s11+s22], $0x1400, $0x38;
	[tilespmem:$0x1E400] =	vst v63  }
0xa2: {  	s21 =	simm.s32 @!p0 $0x2  }
0xa3: {  	_ =	swait.ge @!p0 [sflag:s21], $0x28  }
0xa4: {  	[sflag:s21] =	ssyncset.done @!p0 $0x0  }
0xa5: {  	[sflag:s21] =	ssyncadd.s32 @!p0 $0xFFFFFFD8  }
0xa6: {  	_ =	swait.ge @!p0 [sflag:s21], $0x28  }
0xa7: {  	s23 =	simm.s32 @!p0 $0x1800;
	[sflag:s21] =	ssyncset.done @!p0 $0x0  }
0xa8: {  	s22 =	simm.s32 @!p0 $0x80;
	[sflag:s21] =	ssyncadd.s32 @!p0 $0xFFFFFFD8;
	s21 =	simm.s32 @!p0 $0x28  }
0xa9: {  	[tilespmem:s23], [sflag:$0x6] =	stream.indirect.gather @!p0 [hbm4b:s1+s21], $0x80, s22, s21, $0xb8;
	[tilespmem:$0x1E400] =	vst v63  }
0xaa: {  	s21 =	simm.s32 @!p0 $0x0;
	s22 =	simm.s32 @!p0 $0x6800  }
0xab: {  	[tilespmem:s22], [sflag:$0x6] =	stream.linear.gather @!p0 [hbm4b:s11+s21], $0x1400, $0x38;
	[tilespmem:$0x1E400] =	vst v63  }
.LBB2_4:
0xac: {  	s21 =	sand.u32 $0x3, s20  }
0xad: {  	p0 =	sgt.s32 s21, $0x1  }
.Ltmp5:
0xae: {  	_ = 	snop;
	(pc) =	sbr.rel @p0 .LBB2_15-.Ltmp5, $1  }
0xaf: {  	_ =	sdelay $0x3  }
0xb0: {  	p0 =	seq.s32 s21, $0x0  }
.Ltmp6:
0xb1: {  	_ = 	snop;
	(pc) =	sbr.rel @!p0 .LBB2_9-.Ltmp6, $1  }
0xb2: {  	_ =	sdelay $0x3  }
0xb3: {  	_ =	swait.ge [sflag:s13], $0x1400  }
0xb4: {  	[sflag:s13] =	ssyncset.done $0x0  }
0xb5: {  	[sflag:s13] =	ssyncadd.s32 $0xFFFFEC00  }
0xb6: {  	_ =	swait.ge [sflag:s13], $0x1400  }
0xb7: {  	[sflag:s13] =	ssyncset.done $0x0  }
0xb8: {  	s22 =	simm.s32 $0x0;
	[sflag:s13] =	ssyncadd.s32 $0xFFFFEC00  }
0xb9: {  	v4 =	vld [tilespmem:s22+$0x5400]  }
0xba: {  	v2 =	vld [tilespmem:s22+$0x5410]  }
0xbb: {  	v1 =	vld [tilespmem:s22+$0x5420]  }
0xbc: {  	v0 =	vld [tilespmem:s22+$0x5430]  }
0xbd: {  	v8 =	vld [tilespmem:s22+$0x400]  }
0xbe: {  	v7 =	vld [tilespmem:s22+$0x440]  }
0xbf: {  	v6 =	vld [tilespmem:s22+$0x410]  }
0xc0: {  	v5 =	vld [tilespmem:s22+$0x450]  }
0xc1: {  	v3 =	vld [tilespmem:s22+$0x420];
	v10 =	vshll.u32 v4, $0x10  }
0xc2: {  	s23 =	simm.s32 $0x200;
	v9 =	vand.u32 $0xFFFF0000, v4;
	v4 =	vld [tilespmem:s22+$0x460];
	v8 =	vmul.f32 v10, v8  }
.LBB2_7:
0xc3: {  	p0 =	sne.s32 s23, $0x4E00;
	v7 =	vmul.f32 v9, v7;
	v9 =	vshll.u32 v2, $0x10;
	v10 =	vld [tilespmem:s22+$0x430]  }
0xc4: {  	s11 =	sshra.s32 s23, $0x2;
	v2 =	vand.u32 $0xFFFF0000, v2;
	[tilespmem:s22+$0x400] =	vst v8;
	v6 =	vmul.f32 v9, v6;
	v8 =	vld [tilespmem:s22+$0x470]  }
0xc5: {  	v9 =	vld [tilespmem:s11+$0x5400];
	[tilespmem:s22+$0x440] =	vst v7;
	v5 =	vmul.f32 v2, v5;
	v7 =	vshll.u32 v1, $0x10  }
0xc6: {  	v2 =	vld [tilespmem:s11+$0x5410];
	[tilespmem:s22+$0x410] =	vst v6;
	v6 =	vand.u32 $0xFFFF0000, v1;
	v3 =	vmul.f32 v7, v3  }
0xc7: {  	v1 =	vld [tilespmem:s11+$0x5420];
	[tilespmem:s22+$0x450] =	vst v5;
	v4 =	vmul.f32 v6, v4;
	v5 =	vshll.u32 v0, $0x10  }
0xc8: {  	[tilespmem:s22+$0x420] =	vst v3;
	v3 =	vand.u32 $0xFFFF0000, v0;
	v0 =	vld [tilespmem:s11+$0x5430];
	v5 =	vmul.f32 v5, v10  }
0xc9: {  	v10 =	vld [tilespmem:s11+$0x400];
	[tilespmem:s22+$0x460] =	vst v4;
	v3 =	vmul.f32 v3, v8  }
.Ltmp7:
0xca: {  	v7 =	vld [tilespmem:s11+$0x440];
	[tilespmem:s22+$0x430] =	vst v5;
	(pc) =	sbr.rel @p0 .LBB2_7-.Ltmp7, $4  }
0xcb: {  	v6 =	vld [tilespmem:s11+$0x410];
	[tilespmem:s22+$0x470] =	vst v3;
	s22 =	smov.u32 s11  }
0xcc: {  	v5 =	vld [tilespmem:s22+$0x450]  }
0xcd: {  	v4 =	vshll.u32 v9, $0x10;
	v3 =	vld [tilespmem:s22+$0x420]  }
0xce: {  	s23 =	sadd.s32 $0x200, s23;
	v9 =	vand.u32 $0xFFFF0000, v9;
	v8 =	vmul.f32 v4, v10;
	v4 =	vld [tilespmem:s22+$0x460]  }
0xcf: {  	v10 =	vld [tilespmem:s22+$0x430];
	v7 =	vmul.f32 v9, v7;
	v57 =	vshll.u32 v2, $0x10  }
0xd0: {  	v58 =	vand.u32 $0xFFFF0000, v2;
	v59 =	vld [tilespmem:s22+$0x470];
	[tilespmem:s22+$0x400] =	vst v8;
	v6 =	vmul.f32 v57, v6  }
0xd1: {  	v60 =	vshll.u32 v1, $0x10;
	[tilespmem:s22+$0x440] =	vst v7;
	v2 =	vmul.f32 v58, v5  }
0xd2: {  	v61 =	vand.u32 $0xFFFF0000, v1;
	[tilespmem:s22+$0x410] =	vst v6;
	v3 =	vmul.f32 v60, v3  }
0xd3: {  	v62 =	vshll.u32 v0, $0x10;
	[tilespmem:s22+$0x450] =	vst v2;
	v1 =	vmul.f32 v61, v4  }
.Ltmp8:
0xd4: {  	v63 =	vand.u32 $0xFFFF0000, v0;
	[tilespmem:s22+$0x420] =	vst v3;
	v2 =	vmul.f32 v62, v10;
	(pc) =	sbr.rel .LBB2_19-.Ltmp8, $4  }
0xd5: {  	v0 =	vmul.f32 v63, v59;
	[tilespmem:s22+$0x460] =	vst v1  }
0xd6: {  	[tilespmem:s22+$0x430] =	vst v2  }
0xd7: {  	[tilespmem:s22+$0x470] =	vst v0  }
0xd8: {  	[spmem:s4] =	stream.indirect.scatter.add.f32 [tilespmem:s9], [sflag:$0x9], $0x80, s26, s0, $0xb8;
	[tilespmem:$0x1E400] =	vst v63  }
.LBB2_15:
0xd9: {  	p0 =	seq.s32 s21, $0x2  }
.Ltmp9:
0xda: {  	_ = 	snop;
	(pc) =	sbr.rel @!p0 .LBB2_16-.Ltmp9, $1  }
0xdb: {  	_ =	sdelay $0x3  }
0xdc: {  	_ =	swait.ge [sflag:s15], $0x1400  }
0xdd: {  	[sflag:s15] =	ssyncset.done $0x0  }
0xde: {  	[sflag:s15] =	ssyncadd.s32 $0xFFFFEC00  }
0xdf: {  	_ =	swait.ge [sflag:s15], $0x1400  }
0xe0: {  	[sflag:s15] =	ssyncset.done $0x0  }
0xe1: {  	s22 =	simm.s32 $0x0;
	[sflag:s15] =	ssyncadd.s32 $0xFFFFEC00  }
0xe2: {  	v4 =	vld [tilespmem:s22+$0x7C00]  }
0xe3: {  	v2 =	vld [tilespmem:s22+$0x7C10]  }
0xe4: {  	v1 =	vld [tilespmem:s22+$0x7C20]  }
0xe5: {  	v0 =	vld [tilespmem:s22+$0x7C30]  }
0xe6: {  	v8 =	vld [tilespmem:s22+$0x2C00]  }
0xe7: {  	v7 =	vld [tilespmem:s22+$0x2C40]  }
0xe8: {  	v6 =	vld [tilespmem:s22+$0x2C10]  }
0xe9: {  	v5 =	vld [tilespmem:s22+$0x2C50]  }
0xea: {  	v3 =	vld [tilespmem:s22+$0x2C20];
	v10 =	vshll.u32 v4, $0x10  }
0xeb: {  	s23 =	simm.s32 $0x200;
	v9 =	vand.u32 $0xFFFF0000, v4;
	v4 =	vld [tilespmem:s22+$0x2C60];
	v8 =	vmul.f32 v10, v8  }
.LBB2_13:
0xec: {  	p0 =	sne.s32 s23, $0x4E00;
	v7 =	vmul.f32 v9, v7;
	v9 =	vshll.u32 v2, $0x10;
	v10 =	vld [tilespmem:s22+$0x2C30]  }
0xed: {  	s11 =	sshra.s32 s23, $0x2;
	v2 =	vand.u32 $0xFFFF0000, v2;
	[tilespmem:s22+$0x2C00] =	vst v8;
	v6 =	vmul.f32 v9, v6;
	v8 =	vld [tilespmem:s22+$0x2C70]  }
0xee: {  	v9 =	vld [tilespmem:s11+$0x7C00];
	[tilespmem:s22+$0x2C40] =	vst v7;
	v5 =	vmul.f32 v2, v5;
	v7 =	vshll.u32 v1, $0x10  }
0xef: {  	v2 =	vld [tilespmem:s11+$0x7C10];
	[tilespmem:s22+$0x2C10] =	vst v6;
	v6 =	vand.u32 $0xFFFF0000, v1;
	v3 =	vmul.f32 v7, v3  }
0xf0: {  	v1 =	vld [tilespmem:s11+$0x7C20];
	[tilespmem:s22+$0x2C50] =	vst v5;
	v4 =	vmul.f32 v6, v4;
	v5 =	vshll.u32 v0, $0x10  }
0xf1: {  	[tilespmem:s22+$0x2C20] =	vst v3;
	v3 =	vand.u32 $0xFFFF0000, v0;
	v0 =	vld [tilespmem:s11+$0x7C30];
	v5 =	vmul.f32 v5, v10  }
0xf2: {  	v10 =	vld [tilespmem:s11+$0x2C00];
	[tilespmem:s22+$0x2C60] =	vst v4;
	v3 =	vmul.f32 v3, v8  }
.Ltmp10:
0xf3: {  	v7 =	vld [tilespmem:s11+$0x2C40];
	[tilespmem:s22+$0x2C30] =	vst v5;
	(pc) =	sbr.rel @p0 .LBB2_13-.Ltmp10, $4  }
0xf4: {  	v6 =	vld [tilespmem:s11+$0x2C10];
	[tilespmem:s22+$0x2C70] =	vst v3;
	s22 =	smov.u32 s11  }
0xf5: {  	v5 =	vld [tilespmem:s22+$0x2C50]  }
0xf6: {  	v4 =	vshll.u32 v9, $0x10;
	v3 =	vld [tilespmem:s22+$0x2C20]  }
0xf7: {  	s23 =	sadd.s32 $0x200, s23;
	v9 =	vand.u32 $0xFFFF0000, v9;
	v8 =	vmul.f32 v4, v10;
	v4 =	vld [tilespmem:s22+$0x2C60]  }
0xf8: {  	v10 =	vld [tilespmem:s22+$0x2C30];
	v7 =	vmul.f32 v9, v7;
	v57 =	vshll.u32 v2, $0x10  }
0xf9: {  	v58 =	vand.u32 $0xFFFF0000, v2;
	v59 =	vld [tilespmem:s22+$0x2C70];
	[tilespmem:s22+$0x2C00] =	vst v8;
	v6 =	vmul.f32 v57, v6  }
0xfa: {  	v60 =	vshll.u32 v1, $0x10;
	[tilespmem:s22+$0x2C40] =	vst v7;
	v2 =	vmul.f32 v58, v5  }
0xfb: {  	v61 =	vand.u32 $0xFFFF0000, v1;
	[tilespmem:s22+$0x2C10] =	vst v6;
	v3 =	vmul.f32 v60, v3  }
0xfc: {  	v62 =	vshll.u32 v0, $0x10;
	[tilespmem:s22+$0x2C50] =	vst v2;
	v1 =	vmul.f32 v61, v4  }
.Ltmp11:
0xfd: {  	v63 =	vand.u32 $0xFFFF0000, v0;
	[tilespmem:s22+$0x2C20] =	vst v3;
	v2 =	vmul.f32 v62, v10;
	(pc) =	sbr.rel .LBB2_19-.Ltmp11, $4  }
0xfe: {  	v0 =	vmul.f32 v63, v59;
	[tilespmem:s22+$0x2C60] =	vst v1  }
0xff: {  	[tilespmem:s22+$0x2C30] =	vst v2  }
0x100: {  	[tilespmem:s22+$0x2C70] =	vst v0  }
0x101: {  	[spmem:s4] =	stream.indirect.scatter.add.f32 [tilespmem:s16], [sflag:$0x9], $0x80, s31, s0, $0xb8;
	[tilespmem:$0x1E400] =	vst v63  }
.LBB2_9:
0x102: {  	_ =	swait.ge [sflag:s14], $0x1400  }
0x103: {  	[sflag:s14] =	ssyncset.done $0x0  }
0x104: {  	[sflag:s14] =	ssyncadd.s32 $0xFFFFEC00  }
0x105: {  	_ =	swait.ge [sflag:s14], $0x1400  }
0x106: {  	[sflag:s14] =	ssyncset.done $0x0  }
0x107: {  	s22 =	simm.s32 $0x0;
	[sflag:s14] =	ssyncadd.s32 $0xFFFFEC00  }
0x108: {  	v4 =	vld [tilespmem:s22+$0x6800]  }
0x109: {  	v2 =	vld [tilespmem:s22+$0x6810]  }
0x10a: {  	v1 =	vld [tilespmem:s22+$0x6820]  }
0x10b: {  	v0 =	vld [tilespmem:s22+$0x6830]  }
0x10c: {  	v8 =	vld [tilespmem:s22+$0x1800]  }
0x10d: {  	v7 =	vld [tilespmem:s22+$0x1840]  }
0x10e: {  	v6 =	vld [tilespmem:s22+$0x1810]  }
0x10f: {  	v5 =	vld [tilespmem:s22+$0x1850]  }
0x110: {  	v3 =	vld [tilespmem:s22+$0x1820];
	v10 =	vshll.u32 v4, $0x10  }
0x111: {  	s23 =	simm.s32 $0x200;
	v9 =	vand.u32 $0xFFFF0000, v4;
	v4 =	vld [tilespmem:s22+$0x1860];
	v8 =	vmul.f32 v10, v8  }
.LBB2_10:
0x112: {  	p0 =	sne.s32 s23, $0x4E00;
	v7 =	vmul.f32 v9, v7;
	v9 =	vshll.u32 v2, $0x10;
	v10 =	vld [tilespmem:s22+$0x1830]  }
0x113: {  	s11 =	sshra.s32 s23, $0x2;
	v2 =	vand.u32 $0xFFFF0000, v2;
	[tilespmem:s22+$0x1800] =	vst v8;
	v6 =	vmul.f32 v9, v6;
	v8 =	vld [tilespmem:s22+$0x1870]  }
0x114: {  	v9 =	vld [tilespmem:s11+$0x6800];
	[tilespmem:s22+$0x1840] =	vst v7;
	v5 =	vmul.f32 v2, v5;
	v7 =	vshll.u32 v1, $0x10  }
0x115: {  	v2 =	vld [tilespmem:s11+$0x6810];
	[tilespmem:s22+$0x1810] =	vst v6;
	v6 =	vand.u32 $0xFFFF0000, v1;
	v3 =	vmul.f32 v7, v3  }
0x116: {  	v1 =	vld [tilespmem:s11+$0x6820];
	[tilespmem:s22+$0x1850] =	vst v5;
	v4 =	vmul.f32 v6, v4;
	v5 =	vshll.u32 v0, $0x10  }
0x117: {  	[tilespmem:s22+$0x1820] =	vst v3;
	v3 =	vand.u32 $0xFFFF0000, v0;
	v0 =	vld [tilespmem:s11+$0x6830];
	v5 =	vmul.f32 v5, v10  }
0x118: {  	v10 =	vld [tilespmem:s11+$0x1800];
	[tilespmem:s22+$0x1860] =	vst v4;
	v3 =	vmul.f32 v3, v8  }
.Ltmp12:
0x119: {  	v7 =	vld [tilespmem:s11+$0x1840];
	[tilespmem:s22+$0x1830] =	vst v5;
	(pc) =	sbr.rel @p0 .LBB2_10-.Ltmp12, $4  }
0x11a: {  	v6 =	vld [tilespmem:s11+$0x1810];
	[tilespmem:s22+$0x1870] =	vst v3;
	s22 =	smov.u32 s11  }
0x11b: {  	v5 =	vld [tilespmem:s22+$0x1850]  }
0x11c: {  	v4 =	vshll.u32 v9, $0x10;
	v3 =	vld [tilespmem:s22+$0x1820]  }
0x11d: {  	s23 =	sadd.s32 $0x200, s23;
	v9 =	vand.u32 $0xFFFF0000, v9;
	v8 =	vmul.f32 v4, v10;
	v4 =	vld [tilespmem:s22+$0x1860]  }
0x11e: {  	v10 =	vld [tilespmem:s22+$0x1830];
	v7 =	vmul.f32 v9, v7;
	v57 =	vshll.u32 v2, $0x10  }
0x11f: {  	v58 =	vand.u32 $0xFFFF0000, v2;
	v59 =	vld [tilespmem:s22+$0x1870];
	[tilespmem:s22+$0x1800] =	vst v8;
	v6 =	vmul.f32 v57, v6  }
0x120: {  	v60 =	vshll.u32 v1, $0x10;
	[tilespmem:s22+$0x1840] =	vst v7;
	v2 =	vmul.f32 v58, v5  }
0x121: {  	v61 =	vand.u32 $0xFFFF0000, v1;
	[tilespmem:s22+$0x1810] =	vst v6;
	v3 =	vmul.f32 v60, v3  }
0x122: {  	v62 =	vshll.u32 v0, $0x10;
	[tilespmem:s22+$0x1850] =	vst v2;
	v1 =	vmul.f32 v61, v4  }
.Ltmp13:
0x123: {  	v63 =	vand.u32 $0xFFFF0000, v0;
	[tilespmem:s22+$0x1820] =	vst v3;
	v2 =	vmul.f32 v62, v10;
	(pc) =	sbr.rel .LBB2_19-.Ltmp13, $4  }
0x124: {  	v0 =	vmul.f32 v63, v59;
	[tilespmem:s22+$0x1860] =	vst v1  }
0x125: {  	[tilespmem:s22+$0x1830] =	vst v2  }
0x126: {  	[tilespmem:s22+$0x1870] =	vst v0  }
0x127: {  	[spmem:s4] =	stream.indirect.scatter.add.f32 [tilespmem:s12], [sflag:$0x9], $0x80, s29, s0, $0xb8;
	[tilespmem:$0x1E400] =	vst v63  }
.LBB2_16:
0x128: {  	_ =	swait.ge [sflag:s17], $0x1400  }
0x129: {  	[sflag:s17] =	ssyncset.done $0x0  }
0x12a: {  	[sflag:s17] =	ssyncadd.s32 $0xFFFFEC00  }
0x12b: {  	_ =	swait.ge [sflag:s17], $0x1400  }
0x12c: {  	[sflag:s17] =	ssyncset.done $0x0  }
0x12d: {  	s22 =	simm.s32 $0x0;
	[sflag:s17] =	ssyncadd.s32 $0xFFFFEC00  }
0x12e: {  	v4 =	vld [tilespmem:s22+$0x9000]  }
0x12f: {  	v2 =	vld [tilespmem:s22+$0x9010]  }
0x130: {  	v1 =	vld [tilespmem:s22+$0x9020]  }
0x131: {  	v0 =	vld [tilespmem:s22+$0x9030]  }
0x132: {  	v8 =	vld [tilespmem:s22+$0x4000]  }
0x133: {  	v7 =	vld [tilespmem:s22+$0x4040]  }
0x134: {  	v6 =	vld [tilespmem:s22+$0x4010]  }
0x135: {  	v5 =	vld [tilespmem:s22+$0x4050]  }
0x136: {  	v3 =	vld [tilespmem:s22+$0x4020];
	v10 =	vshll.u32 v4, $0x10  }
0x137: {  	s23 =	simm.s32 $0x200;
	v9 =	vand.u32 $0xFFFF0000, v4;
	v4 =	vld [tilespmem:s22+$0x4060];
	v8 =	vmul.f32 v10, v8  }
.LBB2_17:
0x138: {  	p0 =	sne.s32 s23, $0x4E00;
	v7 =	vmul.f32 v9, v7;
	v9 =	vshll.u32 v2, $0x10;
	v10 =	vld [tilespmem:s22+$0x4030]  }
0x139: {  	s11 =	sshra.s32 s23, $0x2;
	v2 =	vand.u32 $0xFFFF0000, v2;
	[tilespmem:s22+$0x4000] =	vst v8;
	v6 =	vmul.f32 v9, v6;
	v8 =	vld [tilespmem:s22+$0x4070]  }
0x13a: {  	v5 =	vmul.f32 v2, v5;
	v9 =	vld [tilespmem:s11+$0x9000];
	[tilespmem:s22+$0x4040] =	vst v7;
	v7 =	vshll.u32 v1, $0x10  }
0x13b: {  	v2 =	vld [tilespmem:s11+$0x9010];
	[tilespmem:s22+$0x4010] =	vst v6;
	v6 =	vand.u32 $0xFFFF0000, v1;
	v3 =	vmul.f32 v7, v3  }
0x13c: {  	v1 =	vld [tilespmem:s11+$0x9020];
	[tilespmem:s22+$0x4050] =	vst v5;
	v4 =	vmul.f32 v6, v4;
	v5 =	vshll.u32 v0, $0x10  }
0x13d: {  	[tilespmem:s22+$0x4020] =	vst v3;
	v3 =	vand.u32 $0xFFFF0000, v0;
	v0 =	vld [tilespmem:s11+$0x9030];
	v5 =	vmul.f32 v5, v10  }
0x13e: {  	v10 =	vld [tilespmem:s11+$0x4000];
	[tilespmem:s22+$0x4060] =	vst v4;
	v3 =	vmul.f32 v3, v8  }
.Ltmp14:
0x13f: {  	v7 =	vld [tilespmem:s11+$0x4040];
	[tilespmem:s22+$0x4030] =	vst v5;
	(pc) =	sbr.rel @p0 .LBB2_17-.Ltmp14, $4  }
0x140: {  	v6 =	vld [tilespmem:s11+$0x4010];
	[tilespmem:s22+$0x4070] =	vst v3;
	s22 =	smov.u32 s11  }
0x141: {  	v5 =	vld [tilespmem:s22+$0x4050]  }
0x142: {  	v4 =	vshll.u32 v9, $0x10;
	v3 =	vld [tilespmem:s22+$0x4020]  }
0x143: {  	s23 =	sadd.s32 $0x200, s23;
	v9 =	vand.u32 $0xFFFF0000, v9;
	v8 =	vmul.f32 v4, v10;
	v4 =	vld [tilespmem:s22+$0x4060]  }
.Ltmp15:
0x144: {  	_ = 	snop;
	(pc) =	sbr.rel .LBB2_18-.Ltmp15, $1  }
0x145: {  	_ =	sdelay $0x3  }
.LBB2_21:
0x146: {  	_ =	sfence.sel $0x180000  }
0x147: {  	[bflag:$0x0] =	sbarrier.arrive $0xFFFF  }
0x148: {  	_ =	strace $0x90000047  }
0x149: {  	s0 =	stileid.u32;
	[bflag:$0x2] =	sbarrier.arrive $0xFFFF  }
0x14a: {  	p0 =	sne.s32 s0, $0x0;
	s0 =	rddreg [dreg:$0x5]  }
0x14b: {  	s0 =	sadd.s32 @!p0 $0x100000, s0  }
0x14c: {  	[sflag:s0] =	ssyncadd.tile.s32 @!p0 $0x1;
	_ =	shalt  }
.Lfunc_end2:
_tile_overlayer_lowered:
.L_overlay_start_2:
0x14d: {  	(tag) =	ssettag $0x2  }
0x14e: {  	s0 =	rddreg [dreg:$0x0];
	s2 =	stileid.u32  }
0x14f: {  	s1 =	rddreg [dreg:$0x1];
	p0 =	sne.s32 s2, $0x0  }
0x150: {  	s3 =	rddreg [dreg:$0x2];
	[bflag:$0x3] =	sbarrier.arrive $0xFFFF;
	s2 =	simm.s32 @!p0 $0x1C09  }
0x151: {  	[timem:s3], [sflag:s2] =	dma.local @!p0 [hbm:s0], s1  }
0x152: {  	s0 =	simm.s32 @!p0 $0x9  }
0x153: {  	_ =	swait.ge @!p0 [sflag:s0], s1  }
0x154: {  	s1 =	ssub.s32 @!p0 $0x0, s1;
	[sflag:s0] =	ssyncset.done @!p0 $0x0  }
0x155: {  	[sflag:s0] =	ssyncadd.s32 @!p0 s1  }
0x156: {  	[bflag:$0x3] =	sbarrier.arrive $0xFFFF  }
0x157: {  	_ =	shalt  }

</sc_bundles>
